<compile_context>
chip_gen: v7x
topology: tpu7x:2x2x1
jax: 0.10.2.dev20260603
libtpu: 0.0.44.dev20260713+nightly
codegen_flags: <defaults>
</compile_context>

<pallas_src>
import functools

import jax
import jax.numpy as jnp
from jax import lax
from jax.experimental import pallas as pl
from jax.experimental.pallas import tpu as pltpu
from jax.experimental.pallas import tpu_sc as plsc

N = 10000
E = 320000
F_IN = 128
HID = 16
NCLS = 16

NC = 2
NS = 16
L = 16
NW = NC * NS
EPW = E // NW
G = 128
NB = 4
DNB = 8
NG = 80
PHASES = NG // NB
FULL_ROWS = EPW // G
TAIL = EPW - FULL_ROWS * G
NPAD = 10240
RPT = NPAD // NS
TSL = N // NS
ZR = 64

NWIDE = N // 8
KWIDE = F_IN * 8
DPADW = NPAD // 8

_MESH = plsc.VectorSubcoreMesh(core_axis_name="c", subcore_axis_name="s")
_SC_PARAMS = pltpu.CompilerParams(use_tc_tiling_on_sc=False)


def _stage_dst(edge_hbm, di_v, ebase, isem):
    @pl.loop(0, FULL_ROWS)
    def _(g):
        pltpu.async_copy(edge_hbm.at[1, pl.ds(ebase + g * G, G)],
                         di_v.at[g], isem)

    pltpu.sync_copy(edge_hbm.at[1, pl.ds(ebase + FULL_ROWS * G, TAIL)],
                    di_v.at[FULL_ROWS, pl.ds(0, TAIL)])
    for k in range(TAIL // L, G // L):
        di_v[FULL_ROWS, pl.ds(k * L, L)] = jnp.full((L,), N, jnp.int32)
    for g in range(FULL_ROWS + 1, NG):
        for k in range(G // L):
            di_v[g, pl.ds(k * L, L)] = jnp.full((L,), N, jnp.int32)

    @pl.loop(0, FULL_ROWS)
    def _(g):
        pltpu.make_async_copy(edge_hbm.at[1, pl.ds(ebase + g * G, G)],
                              di_v.at[g], isem).wait()


@functools.partial(
    pl.kernel,
    mesh=_MESH,
    out_type=jax.ShapeDtypeStruct((NC, NPAD, HID), jnp.float32),
    scratch_types=[
        pltpu.VMEM((NG, G), jnp.int32),
        pltpu.VMEM((G, HID), jnp.float32),
        pltpu.VMEM((ZR, HID), jnp.float32),
        pltpu.VMEM_SHARED((NPAD, HID), jnp.float32),
        pltpu.SemaphoreType.DMA,
        pltpu.SemaphoreType.DMA,
    ],
    compiler_params=_SC_PARAMS,
)
def _sc_degree(edge_hbm, out_hbm, di_v, ones_v, zeros_v, acc_sh, isem, dsem):
    cid = lax.axis_index("c")
    sid = lax.axis_index("s")
    wid = sid * NC + cid

    _stage_dst(edge_hbm, di_v, wid * EPW, isem)

    @pl.loop(0, G)
    def _(i):
        ones_v[i] = jnp.ones((L,), jnp.float32)

    @pl.loop(0, ZR)
    def _(i):
        zeros_v[i] = jnp.zeros((L,), jnp.float32)

    @pl.loop(0, RPT, step=ZR)
    def _(r):
        pltpu.sync_copy(zeros_v, acc_sh.at[pl.ds(sid * RPT + r, ZR)])

    plsc.subcore_barrier()

    @pl.loop(0, NG, step=DNB)
    def _(base):
        for b in range(DNB):
            pltpu.async_copy(ones_v, acc_sh.at[di_v.at[base + b]], dsem,
                             add=True)
        for b in range(DNB):
            pltpu.make_async_copy(ones_v, acc_sh.at[di_v.at[base + b]],
                                  dsem).wait()

    plsc.subcore_barrier()
    pltpu.sync_copy(acc_sh.at[pl.ds(sid * RPT, RPT)],
                    out_hbm.at[cid, pl.ds(sid * RPT, RPT)])


@functools.partial(
    pl.kernel,
    mesh=_MESH,
    out_type=jax.ShapeDtypeStruct((NC, NPAD, HID), jnp.float32),
    scratch_types=[
        pltpu.VMEM((NG * G,), jnp.int32),
        pltpu.VMEM((NG, G), jnp.int32),
        pltpu.VMEM((2 * NB, G, HID), jnp.float32),
        pltpu.VMEM((ZR, HID), jnp.float32),
        pltpu.VMEM_SHARED((NPAD, HID), jnp.float32),
        pltpu.VMEM_SHARED((N, HID), jnp.float32),
        pltpu.SemaphoreType.DMA,
        pltpu.SemaphoreType.DMA,
        pltpu.SemaphoreType.DMA,
        pltpu.SemaphoreType.DMA((2 * NB,)),
        pltpu.SemaphoreType.DMA((2 * NB,)),
    ],
    compiler_params=_SC_PARAMS,
)
def _sc_aggregate(table_hbm, edge_hbm, out_hbm,
                  si_v, di_v, rows_v, zeros_v, acc_sh, tbl_sh,
                  isem_s, isem_d, tsem, gsem, ssem):
    cid = lax.axis_index("c")
    sid = lax.axis_index("s")
    wid = sid * NC + cid
    ebase = wid * EPW

    cp_s = pltpu.async_copy(edge_hbm.at[0, pl.ds(ebase, EPW)],
                            si_v.at[pl.ds(0, EPW)], isem_s)
    cp_t = pltpu.async_copy(table_hbm.at[pl.ds(sid * TSL, TSL)],
                            tbl_sh.at[pl.ds(sid * TSL, TSL)], tsem)

    _stage_dst(edge_hbm, di_v, ebase, isem_d)

    for k in range((NG * G - EPW) // L):
        si_v[pl.ds(EPW + k * L, L)] = jnp.zeros((L,), jnp.int32)

    @pl.loop(0, ZR)
    def _(i):
        zeros_v[i] = jnp.zeros((L,), jnp.float32)

    @pl.loop(0, RPT, step=ZR)
    def _(r):
        pltpu.sync_copy(zeros_v, acc_sh.at[pl.ds(sid * RPT + r, ZR)])

    cp_s.wait()
    cp_t.wait()
    plsc.subcore_barrier()

    def _gather(g, buf):
        pltpu.async_copy(tbl_sh.at[si_v.at[pl.ds(g * G, G)]],
                         rows_v.at[buf], gsem.at[buf])

    def _wait_gather(g, buf):
        pltpu.make_async_copy(tbl_sh.at[si_v.at[pl.ds(g * G, G)]],
                              rows_v.at[buf], gsem.at[buf]).wait()

    def _scatter(g, buf):
        pltpu.async_copy(rows_v.at[buf], acc_sh.at[di_v.at[g]],
                         ssem.at[buf], add=True)

    def _wait_scatter(g, buf):
        pltpu.make_async_copy(rows_v.at[buf], acc_sh.at[di_v.at[g]],
                              ssem.at[buf]).wait()

    for b in range(NB):
        _gather(b, b)

    for b in range(NB):
        _wait_gather(b, b)
        _scatter(b, b)
        _gather(NB + b, NB + b)

    @pl.loop(0, (PHASES - 2) // 2)
    def _(p):
        for half, cur0 in ((0, NB), (1, 0)):
            base = (2 * p + 1 + half) * NB
            nxt0 = NB - cur0
            for b in range(NB):
                _wait_scatter(base - NB + b, nxt0 + b)
                _wait_gather(base + b, cur0 + b)
                _scatter(base + b, cur0 + b)
                _gather(base + NB + b, nxt0 + b)

    base = (PHASES - 1) * NB
    cur0 = ((PHASES - 1) % 2) * NB
    nxt0 = NB - cur0
    for b in range(NB):
        _wait_scatter(base - NB + b, nxt0 + b)
        _wait_gather(base + b, cur0 + b)
        _scatter(base + b, cur0 + b)
    for b in range(NB):
        _wait_scatter(base + b, cur0 + b)

    plsc.subcore_barrier()
    pltpu.sync_copy(acc_sh.at[pl.ds(sid * RPT, RPT)],
                    out_hbm.at[cid, pl.ds(sid * RPT, RPT)])


def _tc_mm1_body(xw_ref, w1b_ref, hw_ref):
    hw_ref[...] = jnp.dot(xw_ref[...], w1b_ref[...],
                          preferred_element_type=jnp.float32)


def _tc_scale_body(hw_ref, degw_ref, hsw_ref, dinw_ref):
    deg = degw_ref[0, :NWIDE, :] + degw_ref[1, :NWIDE, :] + 1.0
    dinv = lax.rsqrt(deg)
    hsw_ref[...] = hw_ref[...] * dinv
    dinw_ref[...] = dinv


def _tc2_body(aggw_ref, hsw_ref, dinw_ref, w2b_ref, b1w_ref, hs2w_ref):
    a = aggw_ref[0, :NWIDE, :] + aggw_ref[1, :NWIDE, :] + hsw_ref[...]
    h1 = jnp.maximum(dinw_ref[...] * a + b1w_ref[...], 0.0)
    hs2w_ref[...] = jnp.dot(h1, w2b_ref[...],
                            preferred_element_type=jnp.float32) * dinw_ref[...]


def _tc3_body(aggw_ref, hsw_ref, dinw_ref, b2w_ref, m_ref, outw_ref):
    a = aggw_ref[0, :NWIDE, :] + aggw_ref[1, :NWIDE, :] + hsw_ref[...]
    pre = dinw_ref[...] * a + b2w_ref[...]
    m = jnp.max(pre, axis=1, keepdims=True)
    sh = pre - m
    sw = jnp.dot(jnp.exp(sh), m_ref[...], preferred_element_type=jnp.float32)
    outw_ref[...] = sh - jnp.log(sw)


def kernel(x, edge_index, W1, b1, W2, b2):
    eye8 = jnp.eye(8, dtype=jnp.float32)
    w1b = jnp.kron(eye8, W1)
    w2b = jnp.kron(eye8, W2)
    mseg = jnp.kron(eye8, jnp.ones((NCLS, NCLS), jnp.float32))
    b1w = jnp.tile(b1, 8).reshape(1, 8 * HID)
    b2w = jnp.tile(b2, 8).reshape(1, 8 * NCLS)
    xw = x.reshape(NWIDE, KWIDE)

    deg2 = _sc_degree(edge_index)

    hw = pl.pallas_call(
        _tc_mm1_body,
        out_shape=jax.ShapeDtypeStruct((NWIDE, 8 * HID), jnp.float32),
    )(xw, w1b)

    hs1w, dinw = pl.pallas_call(
        _tc_scale_body,
        out_shape=[jax.ShapeDtypeStruct((NWIDE, 8 * HID), jnp.float32),
                   jax.ShapeDtypeStruct((NWIDE, 8 * HID), jnp.float32)],
    )(hw, deg2.reshape(NC, DPADW, 8 * HID))

    agg1 = _sc_aggregate(hs1w.reshape(N, HID), edge_index)

    hs2w = pl.pallas_call(
        _tc2_body,
        out_shape=jax.ShapeDtypeStruct((NWIDE, 8 * HID), jnp.float32),
    )(agg1.reshape(NC, DPADW, 8 * HID), hs1w, dinw, w2b, b1w)

    agg2 = _sc_aggregate(hs2w.reshape(N, HID), edge_index)

    outw = pl.pallas_call(
        _tc3_body,
        out_shape=jax.ShapeDtypeStruct((NWIDE, 8 * NCLS), jnp.float32),
    )(agg2.reshape(NC, DPADW, 8 * NCLS), hs2w, dinw, b2w, mseg)

    return outw.reshape(N, NCLS)

# --- scband reference (transcript-rebuilt; emitter-appended) ---
"""Pipeline reference for scband-gcn-37391985279003 (READ-ONLY COPY).

The authoritative reference and input builder live on the scoring server;
editing this copy changes nothing except your own understanding.
"""

import jax, jax.numpy as jnp
import numpy as np

N = 10000
E = 320000
F_IN = 128
HID = 16
N_CLASSES = 16


def gcn_conv(x, edge_index, W, b, num_nodes):
    # GCNConv: add self-loops, symmetric normalization, linear transform, scatter-add, bias
    src = edge_index[0]
    dst = edge_index[1]
    loop = jnp.arange(num_nodes, dtype=src.dtype)
    src = jnp.concatenate([src, loop])
    dst = jnp.concatenate([dst, loop])
    deg = jnp.zeros((num_nodes,), dtype=x.dtype).at[dst].add(1.0)
    deg_inv_sqrt = jnp.where(deg > 0, deg ** -0.5, 0.0)
    norm = deg_inv_sqrt[src] * deg_inv_sqrt[dst]
    h = x @ W
    msg = h[src] * norm[:, None]
    out = jnp.zeros((num_nodes, W.shape[1]), dtype=x.dtype).at[dst].add(msg)
    return out + b


def setup_inputs(seed: int = 0) -> dict:
    key = jax.random.key(seed)
    kx, ke, kw1, kw2 = jax.random.split(key, 4)
    x = jax.random.normal(kx, (N, F_IN), dtype=jnp.float32)
    edge_index = jax.random.randint(ke, (2, E), 0, N, dtype=jnp.int32)
    W1 = jax.random.normal(kw1, (F_IN, HID), dtype=jnp.float32) * (2.0 / (F_IN + HID)) ** 0.5
    b1 = jnp.zeros((HID,), dtype=jnp.float32)
    W2 = jax.random.normal(kw2, (HID, N_CLASSES), dtype=jnp.float32) * (2.0 / (HID + N_CLASSES)) ** 0.5
    b2 = jnp.zeros((N_CLASSES,), dtype=jnp.float32)
    return {"x": x, "edge_index": edge_index, "W1": W1, "b1": b1, "W2": W2, "b2": b2}


def reference(x, edge_index, W1, b1, W2, b2):
    h = gcn_conv(x, edge_index, W1, b1, N)
    h = jax.nn.relu(h)
    # dropout is identity in eval mode (F.dropout with training=False)
    h = gcn_conv(h, edge_index, W2, b2, N)
    return jax.nn.log_softmax(h, axis=1)

if __name__ == "__main__":
    import jax
    _d = setup_inputs()
    print(jax.jit(kernel)(*tuple(_d.values())))

</pallas_src>

<mosaic_0001>
#map = affine_map<(d0, d1) -> (0, 0)>
#map1 = affine_map<(d0, d1) -> (0, 0, 0)>
module attributes {stable_mosaic.version = 14 : i64} {
  func.func @_sc_aggregate(%arg0: i32, %arg1: i32, %arg2: memref<10000x16xf32, #tpu.memory_space<hbm>>, %arg3: memref<2x320000xi32, #tpu.memory_space<hbm>>, %arg4: memref<2x10240x16xf32, #tpu.memory_space<hbm>>, %arg5: memref<10240xi32, #tpu.memory_space<vmem>>, %arg6: memref<80x128xi32, #tpu.memory_space<vmem>>, %arg7: memref<8x128x16xf32, #tpu.memory_space<vmem>>, %arg8: memref<64x16xf32, #tpu.memory_space<vmem>>, %arg9: memref<10240x16xf32, #tpu.memory_space<vmem_shared>>, %arg10: memref<10000x16xf32, #tpu.memory_space<vmem_shared>>, %arg11: memref<!tpu.dma_semaphore, #tpu.memory_space<semaphore_mem>>, %arg12: memref<!tpu.dma_semaphore, #tpu.memory_space<semaphore_mem>>, %arg13: memref<!tpu.dma_semaphore, #tpu.memory_space<semaphore_mem>>, %arg14: memref<8x!tpu.dma_semaphore, #tpu.memory_space<semaphore_mem>>, %arg15: memref<8x!tpu.dma_semaphore, #tpu.memory_space<semaphore_mem>>) attributes {dimension_semantics = [#tpu.dimension_semantics<core_parallel>, #tpu.dimension_semantics<subcore_parallel>], iteration_bounds = array<i64: 2, 16>, scalar_prefetch = 0 : i64, scratch_operands = 11 : i64, tpu.core_type = #tpu.core_type<sc_vector_subcore>, window_params = [{transform_indices = #map}, {transform_indices = #map}, {transform_indices = #map1}]} {
    %mul3A = arith.constant 2 : i32
    %mul3A_0 = arith.muli %arg1, %mul3A : i32
    %add3A = arith.addi %mul3A_0, %arg0 : i32
    %mul3A_1 = arith.constant 10000 : i32
    %mul3A_2 = arith.muli %add3A, %mul3A_1 : i32
    %dma_start3A = arith.constant 0 : i32
    %dma_start3A_3 = arith.constant 0 : i32
    %dma_start3A_4 = tpu.memref_slice %arg5[%dma_start3A_3] : memref<10240xi32, #tpu.memory_space<vmem>> -> memref<10000xi32, #tpu.memory_space<vmem>>
    %dma_start3A_5 = tpu.memref_slice %arg3[%dma_start3A, %mul3A_2] : memref<2x320000xi32, #tpu.memory_space<hbm>> -> memref<1x10000xi32, #tpu.memory_space<hbm>>
    %dma_start3A_6 = tpu.memref_squeeze %dma_start3A_5 : memref<1x10000xi32, #tpu.memory_space<hbm>> -> memref<10000xi32, #tpu.memory_space<hbm>>
    %dma_start3A_7 = arith.constant 0 : i32
    %dma_start3A_8 = tpu.memref_slice %arg5[%dma_start3A_7] : memref<10240xi32, #tpu.memory_space<vmem>> -> memref<10000xi32, #tpu.memory_space<vmem>>
    %dma_start3A_9 = tpu.memref_slice %arg3[%dma_start3A, %mul3A_2] : memref<2x320000xi32, #tpu.memory_space<hbm>> -> memref<1x10000xi32, #tpu.memory_space<hbm>>
    %dma_start3A_10 = tpu.memref_squeeze %dma_start3A_9 : memref<1x10000xi32, #tpu.memory_space<hbm>> -> memref<10000xi32, #tpu.memory_space<hbm>>
    tpu.enqueue_dma source(%dma_start3A_10 : memref<10000xi32, #tpu.memory_space<hbm>>) target(%dma_start3A_8 : memref<10000xi32, #tpu.memory_space<vmem>>) target_semaphore(%arg11 : memref<!tpu.dma_semaphore, #tpu.memory_space<semaphore_mem>>)
    %mul3A_11 = arith.constant 625 : i32
    %mul3A_12 = arith.muli %arg1, %mul3A_11 : i32
    %mul3A_13 = arith.constant 625 : i32
    %mul3A_14 = arith.muli %arg1, %mul3A_13 : i32
    %dma_start3A_15 = arith.constant 0 : i32
    %dma_start3A_16 = tpu.memref_slice %arg10[%mul3A_14, %dma_start3A_15] : memref<10000x16xf32, #tpu.memory_space<vmem_shared>> -> memref<625x16xf32, #tpu.memory_space<vmem_shared>>
    %dma_start3A_17 = arith.constant 0 : i32
    %dma_start3A_18 = tpu.memref_slice %arg2[%mul3A_12, %dma_start3A_17] : memref<10000x16xf32, #tpu.memory_space<hbm>> -> memref<625x16xf32, #tpu.memory_space<hbm>>
    tpu.enqueue_dma source(%dma_start3A_18 : memref<625x16xf32, #tpu.memory_space<hbm>>) target(%dma_start3A_16 : memref<625x16xf32, #tpu.memory_space<vmem_shared>>) target_semaphore(%arg13 : memref<!tpu.dma_semaphore, #tpu.memory_space<semaphore_mem>>)
    %scan3A = arith.constant 0 : i32
    %scan3A_19 = arith.constant 78 : i32
    %scan3A_20 = arith.addi %scan3A, %scan3A_19 : i32
    %scan3A_21 = arith.constant 1 : i32
    scf.for %scan3A_719 = %scan3A to %scan3A_20 step %scan3A_21  : i32 {
      %mul3A_720 = arith.constant 1 : i32
      %mul3A_721 = arith.muli %scan3A_719, %mul3A_720 : i32
      %add3A_722 = arith.constant 0 : i32
      %add3A_723 = arith.addi %add3A_722, %mul3A_721 : i32
      %mul3A_724 = arith.constant 128 : i32
      %mul3A_725 = arith.muli %add3A_723, %mul3A_724 : i32
      %add3A_726 = arith.addi %mul3A_2, %mul3A_725 : i32
      %dma_start3A_727 = arith.constant 1 : i32
      %dma_start3A_728 = arith.constant 0 : i32
      %dma_start3A_729 = tpu.memref_slice %arg6[%add3A_723, %dma_start3A_728] : memref<80x128xi32, #tpu.memory_space<vmem>> -> memref<1x128xi32, #tpu.memory_space<vmem>>
      %dma_start3A_730 = tpu.memref_squeeze %dma_start3A_729 : memref<1x128xi32, #tpu.memory_space<vmem>> -> memref<128xi32, #tpu.memory_space<vmem>>
      %dma_start3A_731 = tpu.memref_slice %arg3[%dma_start3A_727, %add3A_726] : memref<2x320000xi32, #tpu.memory_space<hbm>> -> memref<1x128xi32, #tpu.memory_space<hbm>>
      %dma_start3A_732 = tpu.memref_squeeze %dma_start3A_731 : memref<1x128xi32, #tpu.memory_space<hbm>> -> memref<128xi32, #tpu.memory_space<hbm>>
      %dma_start3A_733 = arith.constant 0 : i32
      %dma_start3A_734 = tpu.memref_slice %arg6[%add3A_723, %dma_start3A_733] : memref<80x128xi32, #tpu.memory_space<vmem>> -> memref<1x128xi32, #tpu.memory_space<vmem>>
      %dma_start3A_735 = tpu.memref_squeeze %dma_start3A_734 : memref<1x128xi32, #tpu.memory_space<vmem>> -> memref<128xi32, #tpu.memory_space<vmem>>
      %dma_start3A_736 = tpu.memref_slice %arg3[%dma_start3A_727, %add3A_726] : memref<2x320000xi32, #tpu.memory_space<hbm>> -> memref<1x128xi32, #tpu.memory_space<hbm>>
      %dma_start3A_737 = tpu.memref_squeeze %dma_start3A_736 : memref<1x128xi32, #tpu.memory_space<hbm>> -> memref<128xi32, #tpu.memory_space<hbm>>
      tpu.enqueue_dma source(%dma_start3A_737 : memref<128xi32, #tpu.memory_space<hbm>>) target(%dma_start3A_735 : memref<128xi32, #tpu.memory_space<vmem>>) target_semaphore(%arg12 : memref<!tpu.dma_semaphore, #tpu.memory_space<semaphore_mem>>)
    }
    %scan3A_22 = arith.constant 78 : i32
    %add3A_23 = arith.constant 9984 : i32
    %add3A_24 = arith.addi %mul3A_2, %add3A_23 : i32
    %run_scoped3A = arith.constant 1 : i32
    %run_scoped3A_25 = arith.constant 78 : i32
    "tpu.region"() ({
      %run_scoped3A_719 = tpu.sem_alloc : memref<!tpu.dma_semaphore, #tpu.memory_space<semaphore_mem>>
      %dma_start3A_720 = arith.constant 0 : i32
      %dma_start3A_721 = tpu.memref_slice %arg6[%run_scoped3A_25, %dma_start3A_720] : memref<80x128xi32, #tpu.memory_space<vmem>> -> memref<1x16xi32, #tpu.memory_space<vmem>>
      %dma_start3A_722 = tpu.memref_squeeze %dma_start3A_721 : memref<1x16xi32, #tpu.memory_space<vmem>> -> memref<16xi32, #tpu.memory_space<vmem>>
      %dma_start3A_723 = tpu.memref_slice %arg3[%run_scoped3A, %add3A_24] : memref<2x320000xi32, #tpu.memory_space<hbm>> -> memref<1x16xi32, #tpu.memory_space<hbm>>
      %dma_start3A_724 = tpu.memref_squeeze %dma_start3A_723 : memref<1x16xi32, #tpu.memory_space<hbm>> -> memref<16xi32, #tpu.memory_space<hbm>>
      %dma_start3A_725 = arith.constant 0 : i32
      %dma_start3A_726 = tpu.memref_slice %arg6[%run_scoped3A_25, %dma_start3A_725] : memref<80x128xi32, #tpu.memory_space<vmem>> -> memref<1x16xi32, #tpu.memory_space<vmem>>
      %dma_start3A_727 = tpu.memref_squeeze %dma_start3A_726 : memref<1x16xi32, #tpu.memory_space<vmem>> -> memref<16xi32, #tpu.memory_space<vmem>>
      %dma_start3A_728 = tpu.memref_slice %arg3[%run_scoped3A, %add3A_24] : memref<2x320000xi32, #tpu.memory_space<hbm>> -> memref<1x16xi32, #tpu.memory_space<hbm>>
      %dma_start3A_729 = tpu.memref_squeeze %dma_start3A_728 : memref<1x16xi32, #tpu.memory_space<hbm>> -> memref<16xi32, #tpu.memory_space<hbm>>
      tpu.enqueue_dma source(%dma_start3A_729 : memref<16xi32, #tpu.memory_space<hbm>>) target(%dma_start3A_727 : memref<16xi32, #tpu.memory_space<vmem>>) target_semaphore(%run_scoped3A_719 : memref<!tpu.dma_semaphore, #tpu.memory_space<semaphore_mem>>)
      %dma_wait3A_730 = arith.constant 0 : i32
      %dma_wait3A_731 = tpu.memref_slice %arg6[%run_scoped3A_25, %dma_wait3A_730] : memref<80x128xi32, #tpu.memory_space<vmem>> -> memref<1x16xi32, #tpu.memory_space<vmem>>
      %dma_wait3A_732 = tpu.memref_squeeze %dma_wait3A_731 : memref<1x16xi32, #tpu.memory_space<vmem>> -> memref<16xi32, #tpu.memory_space<vmem>>
      %dma_wait3A_733 = tpu.memref_slice %arg3[%run_scoped3A, %add3A_24] : memref<2x320000xi32, #tpu.memory_space<hbm>> -> memref<1x16xi32, #tpu.memory_space<hbm>>
      %dma_wait3A_734 = tpu.memref_squeeze %dma_wait3A_733 : memref<1x16xi32, #tpu.memory_space<hbm>> -> memref<16xi32, #tpu.memory_space<hbm>>
      %dma_wait3A_735 = arith.constant 0 : i32
      %dma_wait3A_736 = tpu.memref_slice %arg6[%run_scoped3A_25, %dma_wait3A_735] : memref<80x128xi32, #tpu.memory_space<vmem>> -> memref<1x16xi32, #tpu.memory_space<vmem>>
      %dma_wait3A_737 = tpu.memref_squeeze %dma_wait3A_736 : memref<1x16xi32, #tpu.memory_space<vmem>> -> memref<16xi32, #tpu.memory_space<vmem>>
      %dma_wait3A_738 = tpu.memref_slice %arg3[%run_scoped3A, %add3A_24] : memref<2x320000xi32, #tpu.memory_space<hbm>> -> memref<1x16xi32, #tpu.memory_space<hbm>>
      %dma_wait3A_739 = tpu.memref_squeeze %dma_wait3A_738 : memref<1x16xi32, #tpu.memory_space<hbm>> -> memref<16xi32, #tpu.memory_space<hbm>>
      tpu.wait_dma2 semaphore(%run_scoped3A_719 : memref<!tpu.dma_semaphore, #tpu.memory_space<semaphore_mem>>) src(%dma_wait3A_739 : memref<16xi32, #tpu.memory_space<hbm>>) dst(%dma_wait3A_737 : memref<16xi32, #tpu.memory_space<vmem>>)
      tpu.yield
    }) : () -> ()
    %broadcast_in_dim3A = arith.constant 10000 : i32
    %broadcast_in_dim3A_26 = vector.broadcast %broadcast_in_dim3A : i32 to vector<16xi32>
    %swap3A = arith.constant 78 : i32
    %swap3A_27 = arith.index_cast %swap3A : i32 to index
    %swap3A_28 = arith.constant 16 : index
    %swap3A_29 = tpu.vector_load %arg6[%swap3A_27, %swap3A_28] {strides = array<i32>} : memref<80x128xi32, #tpu.memory_space<vmem>>, vector<1x16xi32>,
    %swap3A_30 = vector.shape_cast %swap3A_29 : vector<1x16xi32> to vector<16xi32>
    %swap3A_31 = vector.shape_cast %broadcast_in_dim3A_26 : vector<16xi32> to vector<1x16xi32>
    tpu.vector_store %arg6[%swap3A_27, %swap3A_28], %swap3A_31 {strides = array<i32>} : memref<80x128xi32, #tpu.memory_space<vmem>>, vector<1x16xi32>,
    %broadcast_in_dim3A_32 = arith.constant 10000 : i32
    %broadcast_in_dim3A_33 = vector.broadcast %broadcast_in_dim3A_32 : i32 to vector<16xi32>
    %swap3A_34 = arith.constant 78 : i32
    %swap3A_35 = arith.index_cast %swap3A_34 : i32 to index
    %swap3A_36 = arith.constant 32 : index
    %swap3A_37 = tpu.vector_load %arg6[%swap3A_35, %swap3A_36] {strides = array<i32>} : memref<80x128xi32, #tpu.memory_space<vmem>>, vector<1x16xi32>,
    %swap3A_38 = vector.shape_cast %swap3A_37 : vector<1x16xi32> to vector<16xi32>
    %swap3A_39 = vector.shape_cast %broadcast_in_dim3A_33 : vector<16xi32> to vector<1x16xi32>
    tpu.vector_store %arg6[%swap3A_35, %swap3A_36], %swap3A_39 {strides = array<i32>} : memref<80x128xi32, #tpu.memory_space<vmem>>, vector<1x16xi32>,
    %broadcast_in_dim3A_40 = arith.constant 10000 : i32
    %broadcast_in_dim3A_41 = vector.broadcast %broadcast_in_dim3A_40 : i32 to vector<16xi32>
    %swap3A_42 = arith.constant 78 : i32
    %swap3A_43 = arith.index_cast %swap3A_42 : i32 to index
    %swap3A_44 = arith.constant 48 : index
    %swap3A_45 = tpu.vector_load %arg6[%swap3A_43, %swap3A_44] {strides = array<i32>} : memref<80x128xi32, #tpu.memory_space<vmem>>, vector<1x16xi32>,
    %swap3A_46 = vector.shape_cast %swap3A_45 : vector<1x16xi32> to vector<16xi32>
    %swap3A_47 = vector.shape_cast %broadcast_in_dim3A_41 : vector<16xi32> to vector<1x16xi32>
    tpu.vector_store %arg6[%swap3A_43, %swap3A_44], %swap3A_47 {strides = array<i32>} : memref<80x128xi32, #tpu.memory_space<vmem>>, vector<1x16xi32>,
    %broadcast_in_dim3A_48 = arith.constant 10000 : i32
    %broadcast_in_dim3A_49 = vector.broadcast %broadcast_in_dim3A_48 : i32 to vector<16xi32>
    %swap3A_50 = arith.constant 78 : i32
    %swap3A_51 = arith.index_cast %swap3A_50 : i32 to index
    %swap3A_52 = arith.constant 64 : index
    %swap3A_53 = tpu.vector_load %arg6[%swap3A_51, %swap3A_52] {strides = array<i32>} : memref<80x128xi32, #tpu.memory_space<vmem>>, vector<1x16xi32>,
    %swap3A_54 = vector.shape_cast %swap3A_53 : vector<1x16xi32> to vector<16xi32>
    %swap3A_55 = vector.shape_cast %broadcast_in_dim3A_49 : vector<16xi32> to vector<1x16xi32>
    tpu.vector_store %arg6[%swap3A_51, %swap3A_52], %swap3A_55 {strides = array<i32>} : memref<80x128xi32, #tpu.memory_space<vmem>>, vector<1x16xi32>,
    %broadcast_in_dim3A_56 = arith.constant 10000 : i32
    %broadcast_in_dim3A_57 = vector.broadcast %broadcast_in_dim3A_56 : i32 to vector<16xi32>
    %swap3A_58 = arith.constant 78 : i32
    %swap3A_59 = arith.index_cast %swap3A_58 : i32 to index
    %swap3A_60 = arith.constant 80 : index
    %swap3A_61 = tpu.vector_load %arg6[%swap3A_59, %swap3A_60] {strides = array<i32>} : memref<80x128xi32, #tpu.memory_space<vmem>>, vector<1x16xi32>,
    %swap3A_62 = vector.shape_cast %swap3A_61 : vector<1x16xi32> to vector<16xi32>
    %swap3A_63 = vector.shape_cast %broadcast_in_dim3A_57 : vector<16xi32> to vector<1x16xi32>
    tpu.vector_store %arg6[%swap3A_59, %swap3A_60], %swap3A_63 {strides = array<i32>} : memref<80x128xi32, #tpu.memory_space<vmem>>, vector<1x16xi32>,
    %broadcast_in_dim3A_64 = arith.constant 10000 : i32
    %broadcast_in_dim3A_65 = vector.broadcast %broadcast_in_dim3A_64 : i32 to vector<16xi32>
    %swap3A_66 = arith.constant 78 : i32
    %swap3A_67 = arith.index_cast %swap3A_66 : i32 to index
    %swap3A_68 = arith.constant 96 : index
    %swap3A_69 = tpu.vector_load %arg6[%swap3A_67, %swap3A_68] {strides = array<i32>} : memref<80x128xi32, #tpu.memory_space<vmem>>, vector<1x16xi32>,
    %swap3A_70 = vector.shape_cast %swap3A_69 : vector<1x16xi32> to vector<16xi32>
    %swap3A_71 = vector.shape_cast %broadcast_in_dim3A_65 : vector<16xi32> to vector<1x16xi32>
    tpu.vector_store %arg6[%swap3A_67, %swap3A_68], %swap3A_71 {strides = array<i32>} : memref<80x128xi32, #tpu.memory_space<vmem>>, vector<1x16xi32>,
    %broadcast_in_dim3A_72 = arith.constant 10000 : i32
    %broadcast_in_dim3A_73 = vector.broadcast %broadcast_in_dim3A_72 : i32 to vector<16xi32>
    %swap3A_74 = arith.constant 78 : i32
    %swap3A_75 = arith.index_cast %swap3A_74 : i32 to index
    %swap3A_76 = arith.constant 112 : index
    %swap3A_77 = tpu.vector_load %arg6[%swap3A_75, %swap3A_76] {strides = array<i32>} : memref<80x128xi32, #tpu.memory_space<vmem>>, vector<1x16xi32>,
    %swap3A_78 = vector.shape_cast %swap3A_77 : vector<1x16xi32> to vector<16xi32>
    %swap3A_79 = vector.shape_cast %broadcast_in_dim3A_73 : vector<16xi32> to vector<1x16xi32>
    tpu.vector_store %arg6[%swap3A_75, %swap3A_76], %swap3A_79 {strides = array<i32>} : memref<80x128xi32, #tpu.memory_space<vmem>>, vector<1x16xi32>,
    %broadcast_in_dim3A_80 = arith.constant 10000 : i32
    %broadcast_in_dim3A_81 = vector.broadcast %broadcast_in_dim3A_80 : i32 to vector<16xi32>
    %swap3A_82 = arith.constant 79 : i32
    %swap3A_83 = arith.index_cast %swap3A_82 : i32 to index
    %swap3A_84 = arith.constant 0 : index
    %swap3A_85 = tpu.vector_load %arg6[%swap3A_83, %swap3A_84] {strides = array<i32>} : memref<80x128xi32, #tpu.memory_space<vmem>>, vector<1x16xi32>,
    %swap3A_86 = vector.shape_cast %swap3A_85 : vector<1x16xi32> to vector<16xi32>
    %swap3A_87 = vector.shape_cast %broadcast_in_dim3A_81 : vector<16xi32> to vector<1x16xi32>
    tpu.vector_store %arg6[%swap3A_83, %swap3A_84], %swap3A_87 {strides = array<i32>} : memref<80x128xi32, #tpu.memory_space<vmem>>, vector<1x16xi32>,
    %broadcast_in_dim3A_88 = arith.constant 10000 : i32
    %broadcast_in_dim3A_89 = vector.broadcast %broadcast_in_dim3A_88 : i32 to vector<16xi32>
    %swap3A_90 = arith.constant 79 : i32
    %swap3A_91 = arith.index_cast %swap3A_90 : i32 to index
    %swap3A_92 = arith.constant 16 : index
    %swap3A_93 = tpu.vector_load %arg6[%swap3A_91, %swap3A_92] {strides = array<i32>} : memref<80x128xi32, #tpu.memory_space<vmem>>, vector<1x16xi32>,
    %swap3A_94 = vector.shape_cast %swap3A_93 : vector<1x16xi32> to vector<16xi32>
    %swap3A_95 = vector.shape_cast %broadcast_in_dim3A_89 : vector<16xi32> to vector<1x16xi32>
    tpu.vector_store %arg6[%swap3A_91, %swap3A_92], %swap3A_95 {strides = array<i32>} : memref<80x128xi32, #tpu.memory_space<vmem>>, vector<1x16xi32>,
    %broadcast_in_dim3A_96 = arith.constant 10000 : i32
    %broadcast_in_dim3A_97 = vector.broadcast %broadcast_in_dim3A_96 : i32 to vector<16xi32>
    %swap3A_98 = arith.constant 79 : i32
    %swap3A_99 = arith.index_cast %swap3A_98 : i32 to index
    %swap3A_100 = arith.constant 32 : index
    %swap3A_101 = tpu.vector_load %arg6[%swap3A_99, %swap3A_100] {strides = array<i32>} : memref<80x128xi32, #tpu.memory_space<vmem>>, vector<1x16xi32>,
    %swap3A_102 = vector.shape_cast %swap3A_101 : vector<1x16xi32> to vector<16xi32>
    %swap3A_103 = vector.shape_cast %broadcast_in_dim3A_97 : vector<16xi32> to vector<1x16xi32>
    tpu.vector_store %arg6[%swap3A_99, %swap3A_100], %swap3A_103 {strides = array<i32>} : memref<80x128xi32, #tpu.memory_space<vmem>>, vector<1x16xi32>,
    %broadcast_in_dim3A_104 = arith.constant 10000 : i32
    %broadcast_in_dim3A_105 = vector.broadcast %broadcast_in_dim3A_104 : i32 to vector<16xi32>
    %swap3A_106 = arith.constant 79 : i32
    %swap3A_107 = arith.index_cast %swap3A_106 : i32 to index
    %swap3A_108 = arith.constant 48 : index
    %swap3A_109 = tpu.vector_load %arg6[%swap3A_107, %swap3A_108] {strides = array<i32>} : memref<80x128xi32, #tpu.memory_space<vmem>>, vector<1x16xi32>,
    %swap3A_110 = vector.shape_cast %swap3A_109 : vector<1x16xi32> to vector<16xi32>
    %swap3A_111 = vector.shape_cast %broadcast_in_dim3A_105 : vector<16xi32> to vector<1x16xi32>
    tpu.vector_store %arg6[%swap3A_107, %swap3A_108], %swap3A_111 {strides = array<i32>} : memref<80x128xi32, #tpu.memory_space<vmem>>, vector<1x16xi32>,
    %broadcast_in_dim3A_112 = arith.constant 10000 : i32
    %broadcast_in_dim3A_113 = vector.broadcast %broadcast_in_dim3A_112 : i32 to vector<16xi32>
    %swap3A_114 = arith.constant 79 : i32
    %swap3A_115 = arith.index_cast %swap3A_114 : i32 to index
    %swap3A_116 = arith.constant 64 : index
    %swap3A_117 = tpu.vector_load %arg6[%swap3A_115, %swap3A_116] {strides = array<i32>} : memref<80x128xi32, #tpu.memory_space<vmem>>, vector<1x16xi32>,
    %swap3A_118 = vector.shape_cast %swap3A_117 : vector<1x16xi32> to vector<16xi32>
    %swap3A_119 = vector.shape_cast %broadcast_in_dim3A_113 : vector<16xi32> to vector<1x16xi32>
    tpu.vector_store %arg6[%swap3A_115, %swap3A_116], %swap3A_119 {strides = array<i32>} : memref<80x128xi32, #tpu.memory_space<vmem>>, vector<1x16xi32>,
    %broadcast_in_dim3A_120 = arith.constant 10000 : i32
    %broadcast_in_dim3A_121 = vector.broadcast %broadcast_in_dim3A_120 : i32 to vector<16xi32>
    %swap3A_122 = arith.constant 79 : i32
    %swap3A_123 = arith.index_cast %swap3A_122 : i32 to index
    %swap3A_124 = arith.constant 80 : index
    %swap3A_125 = tpu.vector_load %arg6[%swap3A_123, %swap3A_124] {strides = array<i32>} : memref<80x128xi32, #tpu.memory_space<vmem>>, vector<1x16xi32>,
    %swap3A_126 = vector.shape_cast %swap3A_125 : vector<1x16xi32> to vector<16xi32>
    %swap3A_127 = vector.shape_cast %broadcast_in_dim3A_121 : vector<16xi32> to vector<1x16xi32>
    tpu.vector_store %arg6[%swap3A_123, %swap3A_124], %swap3A_127 {strides = array<i32>} : memref<80x128xi32, #tpu.memory_space<vmem>>, vector<1x16xi32>,
    %broadcast_in_dim3A_128 = arith.constant 10000 : i32
    %broadcast_in_dim3A_129 = vector.broadcast %broadcast_in_dim3A_128 : i32 to vector<16xi32>
    %swap3A_130 = arith.constant 79 : i32
    %swap3A_131 = arith.index_cast %swap3A_130 : i32 to index
    %swap3A_132 = arith.constant 96 : index
    %swap3A_133 = tpu.vector_load %arg6[%swap3A_131, %swap3A_132] {strides = array<i32>} : memref<80x128xi32, #tpu.memory_space<vmem>>, vector<1x16xi32>,
    %swap3A_134 = vector.shape_cast %swap3A_133 : vector<1x16xi32> to vector<16xi32>
    %swap3A_135 = vector.shape_cast %broadcast_in_dim3A_129 : vector<16xi32> to vector<1x16xi32>
    tpu.vector_store %arg6[%swap3A_131, %swap3A_132], %swap3A_135 {strides = array<i32>} : memref<80x128xi32, #tpu.memory_space<vmem>>, vector<1x16xi32>,
    %broadcast_in_dim3A_136 = arith.constant 10000 : i32
    %broadcast_in_dim3A_137 = vector.broadcast %broadcast_in_dim3A_136 : i32 to vector<16xi32>
    %swap3A_138 = arith.constant 79 : i32
    %swap3A_139 = arith.index_cast %swap3A_138 : i32 to index
    %swap3A_140 = arith.constant 112 : index
    %swap3A_141 = tpu.vector_load %arg6[%swap3A_139, %swap3A_140] {strides = array<i32>} : memref<80x128xi32, #tpu.memory_space<vmem>>, vector<1x16xi32>,
    %swap3A_142 = vector.shape_cast %swap3A_141 : vector<1x16xi32> to vector<16xi32>
    %swap3A_143 = vector.shape_cast %broadcast_in_dim3A_137 : vector<16xi32> to vector<1x16xi32>
    tpu.vector_store %arg6[%swap3A_139, %swap3A_140], %swap3A_143 {strides = array<i32>} : memref<80x128xi32, #tpu.memory_space<vmem>>, vector<1x16xi32>,
    %scan3A_144 = arith.constant 0 : i32
    %scan3A_145 = arith.constant 78 : i32
    %scan3A_146 = arith.addi %scan3A_144, %scan3A_145 : i32
    %scan3A_147 = arith.constant 1 : i32
    scf.for %scan3A_719 = %scan3A_144 to %scan3A_146 step %scan3A_147  : i32 {
      %mul3A_720 = arith.constant 1 : i32
      %mul3A_721 = arith.muli %scan3A_719, %mul3A_720 : i32
      %add3A_722 = arith.constant 0 : i32
      %add3A_723 = arith.addi %add3A_722, %mul3A_721 : i32
      %mul3A_724 = arith.constant 128 : i32
      %mul3A_725 = arith.muli %add3A_723, %mul3A_724 : i32
      %add3A_726 = arith.addi %mul3A_2, %mul3A_725 : i32
      %dma_wait3A_727 = arith.constant 1 : i32
      %dma_wait3A_728 = arith.constant 0 : i32
      %dma_wait3A_729 = tpu.memref_slice %arg6[%add3A_723, %dma_wait3A_728] : memref<80x128xi32, #tpu.memory_space<vmem>> -> memref<1x128xi32, #tpu.memory_space<vmem>>
      %dma_wait3A_730 = tpu.memref_squeeze %dma_wait3A_729 : memref<1x128xi32, #tpu.memory_space<vmem>> -> memref<128xi32, #tpu.memory_space<vmem>>
      %dma_wait3A_731 = tpu.memref_slice %arg3[%dma_wait3A_727, %add3A_726] : memref<2x320000xi32, #tpu.memory_space<hbm>> -> memref<1x128xi32, #tpu.memory_space<hbm>>
      %dma_wait3A_732 = tpu.memref_squeeze %dma_wait3A_731 : memref<1x128xi32, #tpu.memory_space<hbm>> -> memref<128xi32, #tpu.memory_space<hbm>>
      %dma_wait3A_733 = arith.constant 0 : i32
      %dma_wait3A_734 = tpu.memref_slice %arg6[%add3A_723, %dma_wait3A_733] : memref<80x128xi32, #tpu.memory_space<vmem>> -> memref<1x128xi32, #tpu.memory_space<vmem>>
      %dma_wait3A_735 = tpu.memref_squeeze %dma_wait3A_734 : memref<1x128xi32, #tpu.memory_space<vmem>> -> memref<128xi32, #tpu.memory_space<vmem>>
      %dma_wait3A_736 = tpu.memref_slice %arg3[%dma_wait3A_727, %add3A_726] : memref<2x320000xi32, #tpu.memory_space<hbm>> -> memref<1x128xi32, #tpu.memory_space<hbm>>
      %dma_wait3A_737 = tpu.memref_squeeze %dma_wait3A_736 : memref<1x128xi32, #tpu.memory_space<hbm>> -> memref<128xi32, #tpu.memory_space<hbm>>
      tpu.wait_dma2 semaphore(%arg12 : memref<!tpu.dma_semaphore, #tpu.memory_space<semaphore_mem>>) src(%dma_wait3A_737 : memref<128xi32, #tpu.memory_space<hbm>>) dst(%dma_wait3A_735 : memref<128xi32, #tpu.memory_space<vmem>>)
    }
    %scan3A_148 = arith.constant 78 : i32
    %broadcast_in_dim3A_149 = arith.constant 0 : i32
    %broadcast_in_dim3A_150 = vector.broadcast %broadcast_in_dim3A_149 : i32 to vector<16xi32>
    %swap3A_151 = arith.constant 10000 : index
    %swap3A_152 = tpu.vector_load %arg5[%swap3A_151] {strides = array<i32>} : memref<10240xi32, #tpu.memory_space<vmem>>, vector<16xi32>,
    %swap3A_153 = vector.shape_cast %swap3A_152 : vector<16xi32> to vector<16xi32>
    %swap3A_154 = vector.shape_cast %broadcast_in_dim3A_150 : vector<16xi32> to vector<16xi32>
    tpu.vector_store %arg5[%swap3A_151], %swap3A_154 {strides = array<i32>} : memref<10240xi32, #tpu.memory_space<vmem>>, vector<16xi32>,
    %broadcast_in_dim3A_155 = arith.constant 0 : i32
    %broadcast_in_dim3A_156 = vector.broadcast %broadcast_in_dim3A_155 : i32 to vector<16xi32>
    %swap3A_157 = arith.constant 10016 : index
    %swap3A_158 = tpu.vector_load %arg5[%swap3A_157] {strides = array<i32>} : memref<10240xi32, #tpu.memory_space<vmem>>, vector<16xi32>,
    %swap3A_159 = vector.shape_cast %swap3A_158 : vector<16xi32> to vector<16xi32>
    %swap3A_160 = vector.shape_cast %broadcast_in_dim3A_156 : vector<16xi32> to vector<16xi32>
    tpu.vector_store %arg5[%swap3A_157], %swap3A_160 {strides = array<i32>} : memref<10240xi32, #tpu.memory_space<vmem>>, vector<16xi32>,
    %broadcast_in_dim3A_161 = arith.constant 0 : i32
    %broadcast_in_dim3A_162 = vector.broadcast %broadcast_in_dim3A_161 : i32 to vector<16xi32>
    %swap3A_163 = arith.constant 10032 : index
    %swap3A_164 = tpu.vector_load %arg5[%swap3A_163] {strides = array<i32>} : memref<10240xi32, #tpu.memory_space<vmem>>, vector<16xi32>,
    %swap3A_165 = vector.shape_cast %swap3A_164 : vector<16xi32> to vector<16xi32>
    %swap3A_166 = vector.shape_cast %broadcast_in_dim3A_162 : vector<16xi32> to vector<16xi32>
    tpu.vector_store %arg5[%swap3A_163], %swap3A_166 {strides = array<i32>} : memref<10240xi32, #tpu.memory_space<vmem>>, vector<16xi32>,
    %broadcast_in_dim3A_167 = arith.constant 0 : i32
    %broadcast_in_dim3A_168 = vector.broadcast %broadcast_in_dim3A_167 : i32 to vector<16xi32>
    %swap3A_169 = arith.constant 10048 : index
    %swap3A_170 = tpu.vector_load %arg5[%swap3A_169] {strides = array<i32>} : memref<10240xi32, #tpu.memory_space<vmem>>, vector<16xi32>,
    %swap3A_171 = vector.shape_cast %swap3A_170 : vector<16xi32> to vector<16xi32>
    %swap3A_172 = vector.shape_cast %broadcast_in_dim3A_168 : vector<16xi32> to vector<16xi32>
    tpu.vector_store %arg5[%swap3A_169], %swap3A_172 {strides = array<i32>} : memref<10240xi32, #tpu.memory_space<vmem>>, vector<16xi32>,
    %broadcast_in_dim3A_173 = arith.constant 0 : i32
    %broadcast_in_dim3A_174 = vector.broadcast %broadcast_in_dim3A_173 : i32 to vector<16xi32>
    %swap3A_175 = arith.constant 10064 : index
    %swap3A_176 = tpu.vector_load %arg5[%swap3A_175] {strides = array<i32>} : memref<10240xi32, #tpu.memory_space<vmem>>, vector<16xi32>,
    %swap3A_177 = vector.shape_cast %swap3A_176 : vector<16xi32> to vector<16xi32>
    %swap3A_178 = vector.shape_cast %broadcast_in_dim3A_174 : vector<16xi32> to vector<16xi32>
    tpu.vector_store %arg5[%swap3A_175], %swap3A_178 {strides = array<i32>} : memref<10240xi32, #tpu.memory_space<vmem>>, vector<16xi32>,
    %broadcast_in_dim3A_179 = arith.constant 0 : i32
    %broadcast_in_dim3A_180 = vector.broadcast %broadcast_in_dim3A_179 : i32 to vector<16xi32>
    %swap3A_181 = arith.constant 10080 : index
    %swap3A_182 = tpu.vector_load %arg5[%swap3A_181] {strides = array<i32>} : memref<10240xi32, #tpu.memory_space<vmem>>, vector<16xi32>,
    %swap3A_183 = vector.shape_cast %swap3A_182 : vector<16xi32> to vector<16xi32>
    %swap3A_184 = vector.shape_cast %broadcast_in_dim3A_180 : vector<16xi32> to vector<16xi32>
    tpu.vector_store %arg5[%swap3A_181], %swap3A_184 {strides = array<i32>} : memref<10240xi32, #tpu.memory_space<vmem>>, vector<16xi32>,
    %broadcast_in_dim3A_185 = arith.constant 0 : i32
    %broadcast_in_dim3A_186 = vector.broadcast %broadcast_in_dim3A_185 : i32 to vector<16xi32>
    %swap3A_187 = arith.constant 10096 : index
    %swap3A_188 = tpu.vector_load %arg5[%swap3A_187] {strides = array<i32>} : memref<10240xi32, #tpu.memory_space<vmem>>, vector<16xi32>,
    %swap3A_189 = vector.shape_cast %swap3A_188 : vector<16xi32> to vector<16xi32>
    %swap3A_190 = vector.shape_cast %broadcast_in_dim3A_186 : vector<16xi32> to vector<16xi32>
    tpu.vector_store %arg5[%swap3A_187], %swap3A_190 {strides = array<i32>} : memref<10240xi32, #tpu.memory_space<vmem>>, vector<16xi32>,
    %broadcast_in_dim3A_191 = arith.constant 0 : i32
    %broadcast_in_dim3A_192 = vector.broadcast %broadcast_in_dim3A_191 : i32 to vector<16xi32>
    %swap3A_193 = arith.constant 10112 : index
    %swap3A_194 = tpu.vector_load %arg5[%swap3A_193] {strides = array<i32>} : memref<10240xi32, #tpu.memory_space<vmem>>, vector<16xi32>,
    %swap3A_195 = vector.shape_cast %swap3A_194 : vector<16xi32> to vector<16xi32>
    %swap3A_196 = vector.shape_cast %broadcast_in_dim3A_192 : vector<16xi32> to vector<16xi32>
    tpu.vector_store %arg5[%swap3A_193], %swap3A_196 {strides = array<i32>} : memref<10240xi32, #tpu.memory_space<vmem>>, vector<16xi32>,
    %broadcast_in_dim3A_197 = arith.constant 0 : i32
    %broadcast_in_dim3A_198 = vector.broadcast %broadcast_in_dim3A_197 : i32 to vector<16xi32>
    %swap3A_199 = arith.constant 10128 : index
    %swap3A_200 = tpu.vector_load %arg5[%swap3A_199] {strides = array<i32>} : memref<10240xi32, #tpu.memory_space<vmem>>, vector<16xi32>,
    %swap3A_201 = vector.shape_cast %swap3A_200 : vector<16xi32> to vector<16xi32>
    %swap3A_202 = vector.shape_cast %broadcast_in_dim3A_198 : vector<16xi32> to vector<16xi32>
    tpu.vector_store %arg5[%swap3A_199], %swap3A_202 {strides = array<i32>} : memref<10240xi32, #tpu.memory_space<vmem>>, vector<16xi32>,
    %broadcast_in_dim3A_203 = arith.constant 0 : i32
    %broadcast_in_dim3A_204 = vector.broadcast %broadcast_in_dim3A_203 : i32 to vector<16xi32>
    %swap3A_205 = arith.constant 10144 : index
    %swap3A_206 = tpu.vector_load %arg5[%swap3A_205] {strides = array<i32>} : memref<10240xi32, #tpu.memory_space<vmem>>, vector<16xi32>,
    %swap3A_207 = vector.shape_cast %swap3A_206 : vector<16xi32> to vector<16xi32>
    %swap3A_208 = vector.shape_cast %broadcast_in_dim3A_204 : vector<16xi32> to vector<16xi32>
    tpu.vector_store %arg5[%swap3A_205], %swap3A_208 {strides = array<i32>} : memref<10240xi32, #tpu.memory_space<vmem>>, vector<16xi32>,
    %broadcast_in_dim3A_209 = arith.constant 0 : i32
    %broadcast_in_dim3A_210 = vector.broadcast %broadcast_in_dim3A_209 : i32 to vector<16xi32>
    %swap3A_211 = arith.constant 10160 : index
    %swap3A_212 = tpu.vector_load %arg5[%swap3A_211] {strides = array<i32>} : memref<10240xi32, #tpu.memory_space<vmem>>, vector<16xi32>,
    %swap3A_213 = vector.shape_cast %swap3A_212 : vector<16xi32> to vector<16xi32>
    %swap3A_214 = vector.shape_cast %broadcast_in_dim3A_210 : vector<16xi32> to vector<16xi32>
    tpu.vector_store %arg5[%swap3A_211], %swap3A_214 {strides = array<i32>} : memref<10240xi32, #tpu.memory_space<vmem>>, vector<16xi32>,
    %broadcast_in_dim3A_215 = arith.constant 0 : i32
    %broadcast_in_dim3A_216 = vector.broadcast %broadcast_in_dim3A_215 : i32 to vector<16xi32>
    %swap3A_217 = arith.constant 10176 : index
    %swap3A_218 = tpu.vector_load %arg5[%swap3A_217] {strides = array<i32>} : memref<10240xi32, #tpu.memory_space<vmem>>, vector<16xi32>,
    %swap3A_219 = vector.shape_cast %swap3A_218 : vector<16xi32> to vector<16xi32>
    %swap3A_220 = vector.shape_cast %broadcast_in_dim3A_216 : vector<16xi32> to vector<16xi32>
    tpu.vector_store %arg5[%swap3A_217], %swap3A_220 {strides = array<i32>} : memref<10240xi32, #tpu.memory_space<vmem>>, vector<16xi32>,
    %broadcast_in_dim3A_221 = arith.constant 0 : i32
    %broadcast_in_dim3A_222 = vector.broadcast %broadcast_in_dim3A_221 : i32 to vector<16xi32>
    %swap3A_223 = arith.constant 10192 : index
    %swap3A_224 = tpu.vector_load %arg5[%swap3A_223] {strides = array<i32>} : memref<10240xi32, #tpu.memory_space<vmem>>, vector<16xi32>,
    %swap3A_225 = vector.shape_cast %swap3A_224 : vector<16xi32> to vector<16xi32>
    %swap3A_226 = vector.shape_cast %broadcast_in_dim3A_222 : vector<16xi32> to vector<16xi32>
    tpu.vector_store %arg5[%swap3A_223], %swap3A_226 {strides = array<i32>} : memref<10240xi32, #tpu.memory_space<vmem>>, vector<16xi32>,
    %broadcast_in_dim3A_227 = arith.constant 0 : i32
    %broadcast_in_dim3A_228 = vector.broadcast %broadcast_in_dim3A_227 : i32 to vector<16xi32>
    %swap3A_229 = arith.constant 10208 : index
    %swap3A_230 = tpu.vector_load %arg5[%swap3A_229] {strides = array<i32>} : memref<10240xi32, #tpu.memory_space<vmem>>, vector<16xi32>,
    %swap3A_231 = vector.shape_cast %swap3A_230 : vector<16xi32> to vector<16xi32>
    %swap3A_232 = vector.shape_cast %broadcast_in_dim3A_228 : vector<16xi32> to vector<16xi32>
    tpu.vector_store %arg5[%swap3A_229], %swap3A_232 {strides = array<i32>} : memref<10240xi32, #tpu.memory_space<vmem>>, vector<16xi32>,
    %broadcast_in_dim3A_233 = arith.constant 0 : i32
    %broadcast_in_dim3A_234 = vector.broadcast %broadcast_in_dim3A_233 : i32 to vector<16xi32>
    %swap3A_235 = arith.constant 10224 : index
    %swap3A_236 = tpu.vector_load %arg5[%swap3A_235] {strides = array<i32>} : memref<10240xi32, #tpu.memory_space<vmem>>, vector<16xi32>,
    %swap3A_237 = vector.shape_cast %swap3A_236 : vector<16xi32> to vector<16xi32>
    %swap3A_238 = vector.shape_cast %broadcast_in_dim3A_234 : vector<16xi32> to vector<16xi32>
    tpu.vector_store %arg5[%swap3A_235], %swap3A_238 {strides = array<i32>} : memref<10240xi32, #tpu.memory_space<vmem>>, vector<16xi32>,
    %scan3A_239 = arith.constant 0 : i32
    %scan3A_240 = arith.constant 64 : i32
    %scan3A_241 = arith.addi %scan3A_239, %scan3A_240 : i32
    %scan3A_242 = arith.constant 1 : i32
    scf.for %scan3A_719 = %scan3A_239 to %scan3A_241 step %scan3A_242  : i32 {
      %mul3A_720 = arith.constant 1 : i32
      %mul3A_721 = arith.muli %scan3A_719, %mul3A_720 : i32
      %add3A_722 = arith.constant 0 : i32
      %add3A_723 = arith.addi %add3A_722, %mul3A_721 : i32
      %broadcast_in_dim3A_724 = arith.constant 0.000000e+00 : f32
      %broadcast_in_dim3A_725 = vector.broadcast %broadcast_in_dim3A_724 : f32 to vector<16xf32>
      %swap3A_726 = arith.index_cast %add3A_723 : i32 to index
      %swap3A_727 = arith.constant 0 : index
      %swap3A_728 = tpu.vector_load %arg8[%swap3A_726, %swap3A_727] {strides = array<i32>} : memref<64x16xf32, #tpu.memory_space<vmem>>, vector<1x16xf32>,
      %swap3A_729 = vector.shape_cast %swap3A_728 : vector<1x16xf32> to vector<16xf32>
      %swap3A_730 = vector.shape_cast %broadcast_in_dim3A_725 : vector<16xf32> to vector<1x16xf32>
      tpu.vector_store %arg8[%swap3A_726, %swap3A_727], %swap3A_730 {strides = array<i32>} : memref<64x16xf32, #tpu.memory_space<vmem>>, vector<1x16xf32>,
    }
    %scan3A_243 = arith.constant 64 : i32
    %scan3A_244 = arith.constant 0 : i32
    %scan3A_245 = arith.constant 10 : i32
    %scan3A_246 = arith.addi %scan3A_244, %scan3A_245 : i32
    %scan3A_247 = arith.constant 1 : i32
    scf.for %scan3A_719 = %scan3A_244 to %scan3A_246 step %scan3A_247  : i32 {
      %mul3A_720 = arith.constant 64 : i32
      %mul3A_721 = arith.muli %scan3A_719, %mul3A_720 : i32
      %add3A_722 = arith.constant 0 : i32
      %add3A_723 = arith.addi %add3A_722, %mul3A_721 : i32
      %mul3A_724 = arith.constant 640 : i32
      %mul3A_725 = arith.muli %arg1, %mul3A_724 : i32
      %add3A_726 = arith.addi %mul3A_725, %add3A_723 : i32
      "tpu.region"() ({
        %run_scoped3A_727 = tpu.sem_alloc : memref<!tpu.dma_semaphore, #tpu.memory_space<semaphore_mem>>
        %dma_start3A_728 = arith.constant 0 : i32
        %dma_start3A_729 = tpu.memref_slice %arg9[%add3A_726, %dma_start3A_728] : memref<10240x16xf32, #tpu.memory_space<vmem_shared>> -> memref<64x16xf32, #tpu.memory_space<vmem_shared>>
        %dma_start3A_730 = arith.constant 0 : i32
        %dma_start3A_731 = tpu.memref_slice %arg9[%add3A_726, %dma_start3A_730] : memref<10240x16xf32, #tpu.memory_space<vmem_shared>> -> memref<64x16xf32, #tpu.memory_space<vmem_shared>>
        tpu.enqueue_dma source(%arg8 : memref<64x16xf32, #tpu.memory_space<vmem>>) target(%dma_start3A_731 : memref<64x16xf32, #tpu.memory_space<vmem_shared>>) target_semaphore(%run_scoped3A_727 : memref<!tpu.dma_semaphore, #tpu.memory_space<semaphore_mem>>)
        %dma_wait3A_732 = arith.constant 0 : i32
        %dma_wait3A_733 = tpu.memref_slice %arg9[%add3A_726, %dma_wait3A_732] : memref<10240x16xf32, #tpu.memory_space<vmem_shared>> -> memref<64x16xf32, #tpu.memory_space<vmem_shared>>
        %dma_wait3A_734 = arith.constant 0 : i32
        %dma_wait3A_735 = tpu.memref_slice %arg9[%add3A_726, %dma_wait3A_734] : memref<10240x16xf32, #tpu.memory_space<vmem_shared>> -> memref<64x16xf32, #tpu.memory_space<vmem_shared>>
        tpu.wait_dma2 semaphore(%run_scoped3A_727 : memref<!tpu.dma_semaphore, #tpu.memory_space<semaphore_mem>>) src(%arg8 : memref<64x16xf32, #tpu.memory_space<vmem>>) dst(%dma_wait3A_735 : memref<64x16xf32, #tpu.memory_space<vmem_shared>>)
        tpu.yield
      }) : () -> ()
    }
    %scan3A_248 = arith.constant 10 : i32
    %dma_wait3A = arith.constant 0 : i32
    %dma_wait3A_249 = arith.constant 0 : i32
    %dma_wait3A_250 = tpu.memref_slice %arg5[%dma_wait3A_249] : memref<10240xi32, #tpu.memory_space<vmem>> -> memref<10000xi32, #tpu.memory_space<vmem>>
    %dma_wait3A_251 = tpu.memref_slice %arg3[%dma_wait3A, %mul3A_2] : memref<2x320000xi32, #tpu.memory_space<hbm>> -> memref<1x10000xi32, #tpu.memory_space<hbm>>
    %dma_wait3A_252 = tpu.memref_squeeze %dma_wait3A_251 : memref<1x10000xi32, #tpu.memory_space<hbm>> -> memref<10000xi32, #tpu.memory_space<hbm>>
    %dma_wait3A_253 = arith.constant 0 : i32
    %dma_wait3A_254 = tpu.memref_slice %arg5[%dma_wait3A_253] : memref<10240xi32, #tpu.memory_space<vmem>> -> memref<10000xi32, #tpu.memory_space<vmem>>
    %dma_wait3A_255 = tpu.memref_slice %arg3[%dma_wait3A, %mul3A_2] : memref<2x320000xi32, #tpu.memory_space<hbm>> -> memref<1x10000xi32, #tpu.memory_space<hbm>>
    %dma_wait3A_256 = tpu.memref_squeeze %dma_wait3A_255 : memref<1x10000xi32, #tpu.memory_space<hbm>> -> memref<10000xi32, #tpu.memory_space<hbm>>
    tpu.wait_dma2 semaphore(%arg11 : memref<!tpu.dma_semaphore, #tpu.memory_space<semaphore_mem>>) src(%dma_wait3A_256 : memref<10000xi32, #tpu.memory_space<hbm>>) dst(%dma_wait3A_254 : memref<10000xi32, #tpu.memory_space<vmem>>)
    %dma_wait3A_257 = arith.constant 0 : i32
    %dma_wait3A_258 = tpu.memref_slice %arg10[%mul3A_14, %dma_wait3A_257] : memref<10000x16xf32, #tpu.memory_space<vmem_shared>> -> memref<625x16xf32, #tpu.memory_space<vmem_shared>>
    %dma_wait3A_259 = arith.constant 0 : i32
    %dma_wait3A_260 = tpu.memref_slice %arg2[%mul3A_12, %dma_wait3A_259] : memref<10000x16xf32, #tpu.memory_space<hbm>> -> memref<625x16xf32, #tpu.memory_space<hbm>>
    tpu.wait_dma2 semaphore(%arg13 : memref<!tpu.dma_semaphore, #tpu.memory_space<semaphore_mem>>) src(%dma_wait3A_260 : memref<625x16xf32, #tpu.memory_space<hbm>>) dst(%dma_wait3A_258 : memref<625x16xf32, #tpu.memory_space<vmem_shared>>)
    %barrier3A = arith.constant 0 : index
    tpu.barrier barrier_id(%barrier3A)
    %dma_start3A_261 = arith.constant 0 : i32
    %dma_start3A_262 = arith.constant 0 : i32
    %dma_start3A_263 = arith.constant 0 : i32
    %dma_start3A_264 = arith.constant 0 : i32
    %dma_start3A_265 = tpu.memref_slice %arg7[%dma_start3A_261, %dma_start3A_263, %dma_start3A_264] : memref<8x128x16xf32, #tpu.memory_space<vmem>> -> memref<1x128x16xf32, #tpu.memory_space<vmem>>
    %dma_start3A_266 = tpu.memref_squeeze %dma_start3A_265 : memref<1x128x16xf32, #tpu.memory_space<vmem>> -> memref<128x16xf32, #tpu.memory_space<vmem>>
    %dma_start3A_267 = arith.constant 0 : i32
    %dma_start3A_268 = tpu.memref_slice %arg5[%dma_start3A_267] : memref<10240xi32, #tpu.memory_space<vmem>> -> memref<128xi32, #tpu.memory_space<vmem>>
    %dma_start3A_269 = arith.constant 0 : i32
    %dma_start3A_270 = arith.constant 0 : i32
    %dma_start3A_271 = tpu.memref_slice %arg10[%dma_start3A_269, %dma_start3A_270] : memref<10000x16xf32, #tpu.memory_space<vmem_shared>> -> memref<10000x16xf32, #tpu.memory_space<vmem_shared>>
    %dma_start3A_272 = tpu.memref_slice %arg14[%dma_start3A_262] : memref<8x!tpu.dma_semaphore, #tpu.memory_space<semaphore_mem>> -> memref<1x!tpu.dma_semaphore, #tpu.memory_space<semaphore_mem>>
    %dma_start3A_273 = tpu.memref_squeeze %dma_start3A_272 : memref<1x!tpu.dma_semaphore, #tpu.memory_space<semaphore_mem>> -> memref<!tpu.dma_semaphore, #tpu.memory_space<semaphore_mem>>
    tpu.enqueue_indirect_dma source(%dma_start3A_271 : memref<10000x16xf32, #tpu.memory_space<vmem_shared>>) target(%dma_start3A_266 : memref<128x16xf32, #tpu.memory_space<vmem>>) offsets(%dma_start3A_268 : memref<128xi32, #tpu.memory_space<vmem>>) semaphore(%dma_start3A_273 : memref<!tpu.dma_semaphore, #tpu.memory_space<semaphore_mem>>)
    %dma_start3A_274 = arith.constant 1 : i32
    %dma_start3A_275 = arith.constant 1 : i32
    %dma_start3A_276 = arith.constant 0 : i32
    %dma_start3A_277 = arith.constant 0 : i32
    %dma_start3A_278 = tpu.memref_slice %arg7[%dma_start3A_274, %dma_start3A_276, %dma_start3A_277] : memref<8x128x16xf32, #tpu.memory_space<vmem>> -> memref<1x128x16xf32, #tpu.memory_space<vmem>>
    %dma_start3A_279 = tpu.memref_squeeze %dma_start3A_278 : memref<1x128x16xf32, #tpu.memory_space<vmem>> -> memref<128x16xf32, #tpu.memory_space<vmem>>
    %dma_start3A_280 = arith.constant 128 : i32
    %dma_start3A_281 = tpu.memref_slice %arg5[%dma_start3A_280] : memref<10240xi32, #tpu.memory_space<vmem>> -> memref<128xi32, #tpu.memory_space<vmem>>
    %dma_start3A_282 = arith.constant 0 : i32
    %dma_start3A_283 = arith.constant 0 : i32
    %dma_start3A_284 = tpu.memref_slice %arg10[%dma_start3A_282, %dma_start3A_283] : memref<10000x16xf32, #tpu.memory_space<vmem_shared>> -> memref<10000x16xf32, #tpu.memory_space<vmem_shared>>
    %dma_start3A_285 = tpu.memref_slice %arg14[%dma_start3A_275] : memref<8x!tpu.dma_semaphore, #tpu.memory_space<semaphore_mem>> -> memref<1x!tpu.dma_semaphore, #tpu.memory_space<semaphore_mem>>
    %dma_start3A_286 = tpu.memref_squeeze %dma_start3A_285 : memref<1x!tpu.dma_semaphore, #tpu.memory_space<semaphore_mem>> -> memref<!tpu.dma_semaphore, #tpu.memory_space<semaphore_mem>>
    tpu.enqueue_indirect_dma source(%dma_start3A_284 : memref<10000x16xf32, #tpu.memory_space<vmem_shared>>) target(%dma_start3A_279 : memref<128x16xf32, #tpu.memory_space<vmem>>) offsets(%dma_start3A_281 : memref<128xi32, #tpu.memory_space<vmem>>) semaphore(%dma_start3A_286 : memref<!tpu.dma_semaphore, #tpu.memory_space<semaphore_mem>>)
    %dma_start3A_287 = arith.constant 2 : i32
    %dma_start3A_288 = arith.constant 2 : i32
    %dma_start3A_289 = arith.constant 0 : i32
    %dma_start3A_290 = arith.constant 0 : i32
    %dma_start3A_291 = tpu.memref_slice %arg7[%dma_start3A_287, %dma_start3A_289, %dma_start3A_290] : memref<8x128x16xf32, #tpu.memory_space<vmem>> -> memref<1x128x16xf32, #tpu.memory_space<vmem>>
    %dma_start3A_292 = tpu.memref_squeeze %dma_start3A_291 : memref<1x128x16xf32, #tpu.memory_space<vmem>> -> memref<128x16xf32, #tpu.memory_space<vmem>>
    %dma_start3A_293 = arith.constant 256 : i32
    %dma_start3A_294 = tpu.memref_slice %arg5[%dma_start3A_293] : memref<10240xi32, #tpu.memory_space<vmem>> -> memref<128xi32, #tpu.memory_space<vmem>>
    %dma_start3A_295 = arith.constant 0 : i32
    %dma_start3A_296 = arith.constant 0 : i32
    %dma_start3A_297 = tpu.memref_slice %arg10[%dma_start3A_295, %dma_start3A_296] : memref<10000x16xf32, #tpu.memory_space<vmem_shared>> -> memref<10000x16xf32, #tpu.memory_space<vmem_shared>>
    %dma_start3A_298 = tpu.memref_slice %arg14[%dma_start3A_288] : memref<8x!tpu.dma_semaphore, #tpu.memory_space<semaphore_mem>> -> memref<1x!tpu.dma_semaphore, #tpu.memory_space<semaphore_mem>>
    %dma_start3A_299 = tpu.memref_squeeze %dma_start3A_298 : memref<1x!tpu.dma_semaphore, #tpu.memory_space<semaphore_mem>> -> memref<!tpu.dma_semaphore, #tpu.memory_space<semaphore_mem>>
    tpu.enqueue_indirect_dma source(%dma_start3A_297 : memref<10000x16xf32, #tpu.memory_space<vmem_shared>>) target(%dma_start3A_292 : memref<128x16xf32, #tpu.memory_space<vmem>>) offsets(%dma_start3A_294 : memref<128xi32, #tpu.memory_space<vmem>>) semaphore(%dma_start3A_299 : memref<!tpu.dma_semaphore, #tpu.memory_space<semaphore_mem>>)
    %dma_start3A_300 = arith.constant 3 : i32
    %dma_start3A_301 = arith.constant 3 : i32
    %dma_start3A_302 = arith.constant 0 : i32
    %dma_start3A_303 = arith.constant 0 : i32
    %dma_start3A_304 = tpu.memref_slice %arg7[%dma_start3A_300, %dma_start3A_302, %dma_start3A_303] : memref<8x128x16xf32, #tpu.memory_space<vmem>> -> memref<1x128x16xf32, #tpu.memory_space<vmem>>
    %dma_start3A_305 = tpu.memref_squeeze %dma_start3A_304 : memref<1x128x16xf32, #tpu.memory_space<vmem>> -> memref<128x16xf32, #tpu.memory_space<vmem>>
    %dma_start3A_306 = arith.constant 384 : i32
    %dma_start3A_307 = tpu.memref_slice %arg5[%dma_start3A_306] : memref<10240xi32, #tpu.memory_space<vmem>> -> memref<128xi32, #tpu.memory_space<vmem>>
    %dma_start3A_308 = arith.constant 0 : i32
    %dma_start3A_309 = arith.constant 0 : i32
    %dma_start3A_310 = tpu.memref_slice %arg10[%dma_start3A_308, %dma_start3A_309] : memref<10000x16xf32, #tpu.memory_space<vmem_shared>> -> memref<10000x16xf32, #tpu.memory_space<vmem_shared>>
    %dma_start3A_311 = tpu.memref_slice %arg14[%dma_start3A_301] : memref<8x!tpu.dma_semaphore, #tpu.memory_space<semaphore_mem>> -> memref<1x!tpu.dma_semaphore, #tpu.memory_space<semaphore_mem>>
    %dma_start3A_312 = tpu.memref_squeeze %dma_start3A_311 : memref<1x!tpu.dma_semaphore, #tpu.memory_space<semaphore_mem>> -> memref<!tpu.dma_semaphore, #tpu.memory_space<semaphore_mem>>
    tpu.enqueue_indirect_dma source(%dma_start3A_310 : memref<10000x16xf32, #tpu.memory_space<vmem_shared>>) target(%dma_start3A_305 : memref<128x16xf32, #tpu.memory_space<vmem>>) offsets(%dma_start3A_307 : memref<128xi32, #tpu.memory_space<vmem>>) semaphore(%dma_start3A_312 : memref<!tpu.dma_semaphore, #tpu.memory_space<semaphore_mem>>)
    %dma_wait3A_313 = arith.constant 0 : i32
    %dma_wait3A_314 = arith.constant 0 : i32
    %dma_wait3A_315 = arith.constant 0 : i32
    %dma_wait3A_316 = arith.constant 0 : i32
    %dma_wait3A_317 = tpu.memref_slice %arg7[%dma_wait3A_313, %dma_wait3A_315, %dma_wait3A_316] : memref<8x128x16xf32, #tpu.memory_space<vmem>> -> memref<1x128x16xf32, #tpu.memory_space<vmem>>
    %dma_wait3A_318 = tpu.memref_squeeze %dma_wait3A_317 : memref<1x128x16xf32, #tpu.memory_space<vmem>> -> memref<128x16xf32, #tpu.memory_space<vmem>>
    %dma_wait3A_319 = arith.constant 0 : i32
    %dma_wait3A_320 = tpu.memref_slice %arg5[%dma_wait3A_319] : memref<10240xi32, #tpu.memory_space<vmem>> -> memref<128xi32, #tpu.memory_space<vmem>>
    %dma_wait3A_321 = arith.constant 0 : i32
    %dma_wait3A_322 = arith.constant 0 : i32
    %dma_wait3A_323 = tpu.memref_slice %arg10[%dma_wait3A_321, %dma_wait3A_322] : memref<10000x16xf32, #tpu.memory_space<vmem_shared>> -> memref<10000x16xf32, #tpu.memory_space<vmem_shared>>
    %dma_wait3A_324 = tpu.memref_slice %arg14[%dma_wait3A_314] : memref<8x!tpu.dma_semaphore, #tpu.memory_space<semaphore_mem>> -> memref<1x!tpu.dma_semaphore, #tpu.memory_space<semaphore_mem>>
    %dma_wait3A_325 = tpu.memref_squeeze %dma_wait3A_324 : memref<1x!tpu.dma_semaphore, #tpu.memory_space<semaphore_mem>> -> memref<!tpu.dma_semaphore, #tpu.memory_space<semaphore_mem>>
    tpu.wait_indirect_dma semaphore(%dma_wait3A_325 : memref<!tpu.dma_semaphore, #tpu.memory_space<semaphore_mem>>) src(%dma_wait3A_323 : memref<10000x16xf32, #tpu.memory_space<vmem_shared>>) dst(%dma_wait3A_318 : memref<128x16xf32, #tpu.memory_space<vmem>>)
    %dma_start3A_326 = arith.constant 0 : i32
    %dma_start3A_327 = arith.constant 0 : i32
    %dma_start3A_328 = arith.constant 0 : i32
    %dma_start3A_329 = arith.constant 0 : i32
    %dma_start3A_330 = arith.constant 0 : i32
    %dma_start3A_331 = tpu.memref_slice %arg7[%dma_start3A_326, %dma_start3A_329, %dma_start3A_330] : memref<8x128x16xf32, #tpu.memory_space<vmem>> -> memref<1x128x16xf32, #tpu.memory_space<vmem>>
    %dma_start3A_332 = tpu.memref_squeeze %dma_start3A_331 : memref<1x128x16xf32, #tpu.memory_space<vmem>> -> memref<128x16xf32, #tpu.memory_space<vmem>>
    %dma_start3A_333 = arith.constant 0 : i32
    %dma_start3A_334 = tpu.memref_slice %arg6[%dma_start3A_327, %dma_start3A_333] : memref<80x128xi32, #tpu.memory_space<vmem>> -> memref<1x128xi32, #tpu.memory_space<vmem>>
    %dma_start3A_335 = tpu.memref_squeeze %dma_start3A_334 : memref<1x128xi32, #tpu.memory_space<vmem>> -> memref<128xi32, #tpu.memory_space<vmem>>
    %dma_start3A_336 = arith.constant 0 : i32
    %dma_start3A_337 = arith.constant 0 : i32
    %dma_start3A_338 = tpu.memref_slice %arg9[%dma_start3A_336, %dma_start3A_337] : memref<10240x16xf32, #tpu.memory_space<vmem_shared>> -> memref<10240x16xf32, #tpu.memory_space<vmem_shared>>
    %dma_start3A_339 = tpu.memref_slice %arg15[%dma_start3A_328] : memref<8x!tpu.dma_semaphore, #tpu.memory_space<semaphore_mem>> -> memref<1x!tpu.dma_semaphore, #tpu.memory_space<semaphore_mem>>
    %dma_start3A_340 = tpu.memref_squeeze %dma_start3A_339 : memref<1x!tpu.dma_semaphore, #tpu.memory_space<semaphore_mem>> -> memref<!tpu.dma_semaphore, #tpu.memory_space<semaphore_mem>>
    tpu.enqueue_indirect_dma source(%dma_start3A_332 : memref<128x16xf32, #tpu.memory_space<vmem>>) target(%dma_start3A_338 : memref<10240x16xf32, #tpu.memory_space<vmem_shared>>) offsets(%dma_start3A_335 : memref<128xi32, #tpu.memory_space<vmem>>) semaphore(%dma_start3A_340 : memref<!tpu.dma_semaphore, #tpu.memory_space<semaphore_mem>>) {add = true}
    %dma_start3A_341 = arith.constant 4 : i32
    %dma_start3A_342 = arith.constant 4 : i32
    %dma_start3A_343 = arith.constant 0 : i32
    %dma_start3A_344 = arith.constant 0 : i32
    %dma_start3A_345 = tpu.memref_slice %arg7[%dma_start3A_341, %dma_start3A_343, %dma_start3A_344] : memref<8x128x16xf32, #tpu.memory_space<vmem>> -> memref<1x128x16xf32, #tpu.memory_space<vmem>>
    %dma_start3A_346 = tpu.memref_squeeze %dma_start3A_345 : memref<1x128x16xf32, #tpu.memory_space<vmem>> -> memref<128x16xf32, #tpu.memory_space<vmem>>
    %dma_start3A_347 = arith.constant 512 : i32
    %dma_start3A_348 = tpu.memref_slice %arg5[%dma_start3A_347] : memref<10240xi32, #tpu.memory_space<vmem>> -> memref<128xi32, #tpu.memory_space<vmem>>
    %dma_start3A_349 = arith.constant 0 : i32
    %dma_start3A_350 = arith.constant 0 : i32
    %dma_start3A_351 = tpu.memref_slice %arg10[%dma_start3A_349, %dma_start3A_350] : memref<10000x16xf32, #tpu.memory_space<vmem_shared>> -> memref<10000x16xf32, #tpu.memory_space<vmem_shared>>
    %dma_start3A_352 = tpu.memref_slice %arg14[%dma_start3A_342] : memref<8x!tpu.dma_semaphore, #tpu.memory_space<semaphore_mem>> -> memref<1x!tpu.dma_semaphore, #tpu.memory_space<semaphore_mem>>
    %dma_start3A_353 = tpu.memref_squeeze %dma_start3A_352 : memref<1x!tpu.dma_semaphore, #tpu.memory_space<semaphore_mem>> -> memref<!tpu.dma_semaphore, #tpu.memory_space<semaphore_mem>>
    tpu.enqueue_indirect_dma source(%dma_start3A_351 : memref<10000x16xf32, #tpu.memory_space<vmem_shared>>) target(%dma_start3A_346 : memref<128x16xf32, #tpu.memory_space<vmem>>) offsets(%dma_start3A_348 : memref<128xi32, #tpu.memory_space<vmem>>) semaphore(%dma_start3A_353 : memref<!tpu.dma_semaphore, #tpu.memory_space<semaphore_mem>>)
    %dma_wait3A_354 = arith.constant 1 : i32
    %dma_wait3A_355 = arith.constant 1 : i32
    %dma_wait3A_356 = arith.constant 0 : i32
    %dma_wait3A_357 = arith.constant 0 : i32
    %dma_wait3A_358 = tpu.memref_slice %arg7[%dma_wait3A_354, %dma_wait3A_356, %dma_wait3A_357] : memref<8x128x16xf32, #tpu.memory_space<vmem>> -> memref<1x128x16xf32, #tpu.memory_space<vmem>>
    %dma_wait3A_359 = tpu.memref_squeeze %dma_wait3A_358 : memref<1x128x16xf32, #tpu.memory_space<vmem>> -> memref<128x16xf32, #tpu.memory_space<vmem>>
    %dma_wait3A_360 = arith.constant 128 : i32
    %dma_wait3A_361 = tpu.memref_slice %arg5[%dma_wait3A_360] : memref<10240xi32, #tpu.memory_space<vmem>> -> memref<128xi32, #tpu.memory_space<vmem>>
    %dma_wait3A_362 = arith.constant 0 : i32
    %dma_wait3A_363 = arith.constant 0 : i32
    %dma_wait3A_364 = tpu.memref_slice %arg10[%dma_wait3A_362, %dma_wait3A_363] : memref<10000x16xf32, #tpu.memory_space<vmem_shared>> -> memref<10000x16xf32, #tpu.memory_space<vmem_shared>>
    %dma_wait3A_365 = tpu.memref_slice %arg14[%dma_wait3A_355] : memref<8x!tpu.dma_semaphore, #tpu.memory_space<semaphore_mem>> -> memref<1x!tpu.dma_semaphore, #tpu.memory_space<semaphore_mem>>
    %dma_wait3A_366 = tpu.memref_squeeze %dma_wait3A_365 : memref<1x!tpu.dma_semaphore, #tpu.memory_space<semaphore_mem>> -> memref<!tpu.dma_semaphore, #tpu.memory_space<semaphore_mem>>
    tpu.wait_indirect_dma semaphore(%dma_wait3A_366 : memref<!tpu.dma_semaphore, #tpu.memory_space<semaphore_mem>>) src(%dma_wait3A_364 : memref<10000x16xf32, #tpu.memory_space<vmem_shared>>) dst(%dma_wait3A_359 : memref<128x16xf32, #tpu.memory_space<vmem>>)
    %dma_start3A_367 = arith.constant 1 : i32
    %dma_start3A_368 = arith.constant 1 : i32
    %dma_start3A_369 = arith.constant 1 : i32
    %dma_start3A_370 = arith.constant 0 : i32
    %dma_start3A_371 = arith.constant 0 : i32
    %dma_start3A_372 = tpu.memref_slice %arg7[%dma_start3A_367, %dma_start3A_370, %dma_start3A_371] : memref<8x128x16xf32, #tpu.memory_space<vmem>> -> memref<1x128x16xf32, #tpu.memory_space<vmem>>
    %dma_start3A_373 = tpu.memref_squeeze %dma_start3A_372 : memref<1x128x16xf32, #tpu.memory_space<vmem>> -> memref<128x16xf32, #tpu.memory_space<vmem>>
    %dma_start3A_374 = arith.constant 0 : i32
    %dma_start3A_375 = tpu.memref_slice %arg6[%dma_start3A_368, %dma_start3A_374] : memref<80x128xi32, #tpu.memory_space<vmem>> -> memref<1x128xi32, #tpu.memory_space<vmem>>
    %dma_start3A_376 = tpu.memref_squeeze %dma_start3A_375 : memref<1x128xi32, #tpu.memory_space<vmem>> -> memref<128xi32, #tpu.memory_space<vmem>>
    %dma_start3A_377 = arith.constant 0 : i32
    %dma_start3A_378 = arith.constant 0 : i32
    %dma_start3A_379 = tpu.memref_slice %arg9[%dma_start3A_377, %dma_start3A_378] : memref<10240x16xf32, #tpu.memory_space<vmem_shared>> -> memref<10240x16xf32, #tpu.memory_space<vmem_shared>>
    %dma_start3A_380 = tpu.memref_slice %arg15[%dma_start3A_369] : memref<8x!tpu.dma_semaphore, #tpu.memory_space<semaphore_mem>> -> memref<1x!tpu.dma_semaphore, #tpu.memory_space<semaphore_mem>>
    %dma_start3A_381 = tpu.memref_squeeze %dma_start3A_380 : memref<1x!tpu.dma_semaphore, #tpu.memory_space<semaphore_mem>> -> memref<!tpu.dma_semaphore, #tpu.memory_space<semaphore_mem>>
    tpu.enqueue_indirect_dma source(%dma_start3A_373 : memref<128x16xf32, #tpu.memory_space<vmem>>) target(%dma_start3A_379 : memref<10240x16xf32, #tpu.memory_space<vmem_shared>>) offsets(%dma_start3A_376 : memref<128xi32, #tpu.memory_space<vmem>>) semaphore(%dma_start3A_381 : memref<!tpu.dma_semaphore, #tpu.memory_space<semaphore_mem>>) {add = true}
    %dma_start3A_382 = arith.constant 5 : i32
    %dma_start3A_383 = arith.constant 5 : i32
    %dma_start3A_384 = arith.constant 0 : i32
    %dma_start3A_385 = arith.constant 0 : i32
    %dma_start3A_386 = tpu.memref_slice %arg7[%dma_start3A_382, %dma_start3A_384, %dma_start3A_385] : memref<8x128x16xf32, #tpu.memory_space<vmem>> -> memref<1x128x16xf32, #tpu.memory_space<vmem>>
    %dma_start3A_387 = tpu.memref_squeeze %dma_start3A_386 : memref<1x128x16xf32, #tpu.memory_space<vmem>> -> memref<128x16xf32, #tpu.memory_space<vmem>>
    %dma_start3A_388 = arith.constant 640 : i32
    %dma_start3A_389 = tpu.memref_slice %arg5[%dma_start3A_388] : memref<10240xi32, #tpu.memory_space<vmem>> -> memref<128xi32, #tpu.memory_space<vmem>>
    %dma_start3A_390 = arith.constant 0 : i32
    %dma_start3A_391 = arith.constant 0 : i32
    %dma_start3A_392 = tpu.memref_slice %arg10[%dma_start3A_390, %dma_start3A_391] : memref<10000x16xf32, #tpu.memory_space<vmem_shared>> -> memref<10000x16xf32, #tpu.memory_space<vmem_shared>>
    %dma_start3A_393 = tpu.memref_slice %arg14[%dma_start3A_383] : memref<8x!tpu.dma_semaphore, #tpu.memory_space<semaphore_mem>> -> memref<1x!tpu.dma_semaphore, #tpu.memory_space<semaphore_mem>>
    %dma_start3A_394 = tpu.memref_squeeze %dma_start3A_393 : memref<1x!tpu.dma_semaphore, #tpu.memory_space<semaphore_mem>> -> memref<!tpu.dma_semaphore, #tpu.memory_space<semaphore_mem>>
    tpu.enqueue_indirect_dma source(%dma_start3A_392 : memref<10000x16xf32, #tpu.memory_space<vmem_shared>>) target(%dma_start3A_387 : memref<128x16xf32, #tpu.memory_space<vmem>>) offsets(%dma_start3A_389 : memref<128xi32, #tpu.memory_space<vmem>>) semaphore(%dma_start3A_394 : memref<!tpu.dma_semaphore, #tpu.memory_space<semaphore_mem>>)
    %dma_wait3A_395 = arith.constant 2 : i32
    %dma_wait3A_396 = arith.constant 2 : i32
    %dma_wait3A_397 = arith.constant 0 : i32
    %dma_wait3A_398 = arith.constant 0 : i32
    %dma_wait3A_399 = tpu.memref_slice %arg7[%dma_wait3A_395, %dma_wait3A_397, %dma_wait3A_398] : memref<8x128x16xf32, #tpu.memory_space<vmem>> -> memref<1x128x16xf32, #tpu.memory_space<vmem>>
    %dma_wait3A_400 = tpu.memref_squeeze %dma_wait3A_399 : memref<1x128x16xf32, #tpu.memory_space<vmem>> -> memref<128x16xf32, #tpu.memory_space<vmem>>
    %dma_wait3A_401 = arith.constant 256 : i32
    %dma_wait3A_402 = tpu.memref_slice %arg5[%dma_wait3A_401] : memref<10240xi32, #tpu.memory_space<vmem>> -> memref<128xi32, #tpu.memory_space<vmem>>
    %dma_wait3A_403 = arith.constant 0 : i32
    %dma_wait3A_404 = arith.constant 0 : i32
    %dma_wait3A_405 = tpu.memref_slice %arg10[%dma_wait3A_403, %dma_wait3A_404] : memref<10000x16xf32, #tpu.memory_space<vmem_shared>> -> memref<10000x16xf32, #tpu.memory_space<vmem_shared>>
    %dma_wait3A_406 = tpu.memref_slice %arg14[%dma_wait3A_396] : memref<8x!tpu.dma_semaphore, #tpu.memory_space<semaphore_mem>> -> memref<1x!tpu.dma_semaphore, #tpu.memory_space<semaphore_mem>>
    %dma_wait3A_407 = tpu.memref_squeeze %dma_wait3A_406 : memref<1x!tpu.dma_semaphore, #tpu.memory_space<semaphore_mem>> -> memref<!tpu.dma_semaphore, #tpu.memory_space<semaphore_mem>>
    tpu.wait_indirect_dma semaphore(%dma_wait3A_407 : memref<!tpu.dma_semaphore, #tpu.memory_space<semaphore_mem>>) src(%dma_wait3A_405 : memref<10000x16xf32, #tpu.memory_space<vmem_shared>>) dst(%dma_wait3A_400 : memref<128x16xf32, #tpu.memory_space<vmem>>)
    %dma_start3A_408 = arith.constant 2 : i32
    %dma_start3A_409 = arith.constant 2 : i32
    %dma_start3A_410 = arith.constant 2 : i32
    %dma_start3A_411 = arith.constant 0 : i32
    %dma_start3A_412 = arith.constant 0 : i32
    %dma_start3A_413 = tpu.memref_slice %arg7[%dma_start3A_408, %dma_start3A_411, %dma_start3A_412] : memref<8x128x16xf32, #tpu.memory_space<vmem>> -> memref<1x128x16xf32, #tpu.memory_space<vmem>>
    %dma_start3A_414 = tpu.memref_squeeze %dma_start3A_413 : memref<1x128x16xf32, #tpu.memory_space<vmem>> -> memref<128x16xf32, #tpu.memory_space<vmem>>
    %dma_start3A_415 = arith.constant 0 : i32
    %dma_start3A_416 = tpu.memref_slice %arg6[%dma_start3A_409, %dma_start3A_415] : memref<80x128xi32, #tpu.memory_space<vmem>> -> memref<1x128xi32, #tpu.memory_space<vmem>>
    %dma_start3A_417 = tpu.memref_squeeze %dma_start3A_416 : memref<1x128xi32, #tpu.memory_space<vmem>> -> memref<128xi32, #tpu.memory_space<vmem>>
    %dma_start3A_418 = arith.constant 0 : i32
    %dma_start3A_419 = arith.constant 0 : i32
    %dma_start3A_420 = tpu.memref_slice %arg9[%dma_start3A_418, %dma_start3A_419] : memref<10240x16xf32, #tpu.memory_space<vmem_shared>> -> memref<10240x16xf32, #tpu.memory_space<vmem_shared>>
    %dma_start3A_421 = tpu.memref_slice %arg15[%dma_start3A_410] : memref<8x!tpu.dma_semaphore, #tpu.memory_space<semaphore_mem>> -> memref<1x!tpu.dma_semaphore, #tpu.memory_space<semaphore_mem>>
    %dma_start3A_422 = tpu.memref_squeeze %dma_start3A_421 : memref<1x!tpu.dma_semaphore, #tpu.memory_space<semaphore_mem>> -> memref<!tpu.dma_semaphore, #tpu.memory_space<semaphore_mem>>
    tpu.enqueue_indirect_dma source(%dma_start3A_414 : memref<128x16xf32, #tpu.memory_space<vmem>>) target(%dma_start3A_420 : memref<10240x16xf32, #tpu.memory_space<vmem_shared>>) offsets(%dma_start3A_417 : memref<128xi32, #tpu.memory_space<vmem>>) semaphore(%dma_start3A_422 : memref<!tpu.dma_semaphore, #tpu.memory_space<semaphore_mem>>) {add = true}
    %dma_start3A_423 = arith.constant 6 : i32
    %dma_start3A_424 = arith.constant 6 : i32
    %dma_start3A_425 = arith.constant 0 : i32
    %dma_start3A_426 = arith.constant 0 : i32
    %dma_start3A_427 = tpu.memref_slice %arg7[%dma_start3A_423, %dma_start3A_425, %dma_start3A_426] : memref<8x128x16xf32, #tpu.memory_space<vmem>> -> memref<1x128x16xf32, #tpu.memory_space<vmem>>
    %dma_start3A_428 = tpu.memref_squeeze %dma_start3A_427 : memref<1x128x16xf32, #tpu.memory_space<vmem>> -> memref<128x16xf32, #tpu.memory_space<vmem>>
    %dma_start3A_429 = arith.constant 768 : i32
    %dma_start3A_430 = tpu.memref_slice %arg5[%dma_start3A_429] : memref<10240xi32, #tpu.memory_space<vmem>> -> memref<128xi32, #tpu.memory_space<vmem>>
    %dma_start3A_431 = arith.constant 0 : i32
    %dma_start3A_432 = arith.constant 0 : i32
    %dma_start3A_433 = tpu.memref_slice %arg10[%dma_start3A_431, %dma_start3A_432] : memref<10000x16xf32, #tpu.memory_space<vmem_shared>> -> memref<10000x16xf32, #tpu.memory_space<vmem_shared>>
    %dma_start3A_434 = tpu.memref_slice %arg14[%dma_start3A_424] : memref<8x!tpu.dma_semaphore, #tpu.memory_space<semaphore_mem>> -> memref<1x!tpu.dma_semaphore, #tpu.memory_space<semaphore_mem>>
    %dma_start3A_435 = tpu.memref_squeeze %dma_start3A_434 : memref<1x!tpu.dma_semaphore, #tpu.memory_space<semaphore_mem>> -> memref<!tpu.dma_semaphore, #tpu.memory_space<semaphore_mem>>
    tpu.enqueue_indirect_dma source(%dma_start3A_433 : memref<10000x16xf32, #tpu.memory_space<vmem_shared>>) target(%dma_start3A_428 : memref<128x16xf32, #tpu.memory_space<vmem>>) offsets(%dma_start3A_430 : memref<128xi32, #tpu.memory_space<vmem>>) semaphore(%dma_start3A_435 : memref<!tpu.dma_semaphore, #tpu.memory_space<semaphore_mem>>)
    %dma_wait3A_436 = arith.constant 3 : i32
    %dma_wait3A_437 = arith.constant 3 : i32
    %dma_wait3A_438 = arith.constant 0 : i32
    %dma_wait3A_439 = arith.constant 0 : i32
    %dma_wait3A_440 = tpu.memref_slice %arg7[%dma_wait3A_436, %dma_wait3A_438, %dma_wait3A_439] : memref<8x128x16xf32, #tpu.memory_space<vmem>> -> memref<1x128x16xf32, #tpu.memory_space<vmem>>
    %dma_wait3A_441 = tpu.memref_squeeze %dma_wait3A_440 : memref<1x128x16xf32, #tpu.memory_space<vmem>> -> memref<128x16xf32, #tpu.memory_space<vmem>>
    %dma_wait3A_442 = arith.constant 384 : i32
    %dma_wait3A_443 = tpu.memref_slice %arg5[%dma_wait3A_442] : memref<10240xi32, #tpu.memory_space<vmem>> -> memref<128xi32, #tpu.memory_space<vmem>>
    %dma_wait3A_444 = arith.constant 0 : i32
    %dma_wait3A_445 = arith.constant 0 : i32
    %dma_wait3A_446 = tpu.memref_slice %arg10[%dma_wait3A_444, %dma_wait3A_445] : memref<10000x16xf32, #tpu.memory_space<vmem_shared>> -> memref<10000x16xf32, #tpu.memory_space<vmem_shared>>
    %dma_wait3A_447 = tpu.memref_slice %arg14[%dma_wait3A_437] : memref<8x!tpu.dma_semaphore, #tpu.memory_space<semaphore_mem>> -> memref<1x!tpu.dma_semaphore, #tpu.memory_space<semaphore_mem>>
    %dma_wait3A_448 = tpu.memref_squeeze %dma_wait3A_447 : memref<1x!tpu.dma_semaphore, #tpu.memory_space<semaphore_mem>> -> memref<!tpu.dma_semaphore, #tpu.memory_space<semaphore_mem>>
    tpu.wait_indirect_dma semaphore(%dma_wait3A_448 : memref<!tpu.dma_semaphore, #tpu.memory_space<semaphore_mem>>) src(%dma_wait3A_446 : memref<10000x16xf32, #tpu.memory_space<vmem_shared>>) dst(%dma_wait3A_441 : memref<128x16xf32, #tpu.memory_space<vmem>>)
    %dma_start3A_449 = arith.constant 3 : i32
    %dma_start3A_450 = arith.constant 3 : i32
    %dma_start3A_451 = arith.constant 3 : i32
    %dma_start3A_452 = arith.constant 0 : i32
    %dma_start3A_453 = arith.constant 0 : i32
    %dma_start3A_454 = tpu.memref_slice %arg7[%dma_start3A_449, %dma_start3A_452, %dma_start3A_453] : memref<8x128x16xf32, #tpu.memory_space<vmem>> -> memref<1x128x16xf32, #tpu.memory_space<vmem>>
    %dma_start3A_455 = tpu.memref_squeeze %dma_start3A_454 : memref<1x128x16xf32, #tpu.memory_space<vmem>> -> memref<128x16xf32, #tpu.memory_space<vmem>>
    %dma_start3A_456 = arith.constant 0 : i32
    %dma_start3A_457 = tpu.memref_slice %arg6[%dma_start3A_450, %dma_start3A_456] : memref<80x128xi32, #tpu.memory_space<vmem>> -> memref<1x128xi32, #tpu.memory_space<vmem>>
    %dma_start3A_458 = tpu.memref_squeeze %dma_start3A_457 : memref<1x128xi32, #tpu.memory_space<vmem>> -> memref<128xi32, #tpu.memory_space<vmem>>
    %dma_start3A_459 = arith.constant 0 : i32
    %dma_start3A_460 = arith.constant 0 : i32
    %dma_start3A_461 = tpu.memref_slice %arg9[%dma_start3A_459, %dma_start3A_460] : memref<10240x16xf32, #tpu.memory_space<vmem_shared>> -> memref<10240x16xf32, #tpu.memory_space<vmem_shared>>
    %dma_start3A_462 = tpu.memref_slice %arg15[%dma_start3A_451] : memref<8x!tpu.dma_semaphore, #tpu.memory_space<semaphore_mem>> -> memref<1x!tpu.dma_semaphore, #tpu.memory_space<semaphore_mem>>
    %dma_start3A_463 = tpu.memref_squeeze %dma_start3A_462 : memref<1x!tpu.dma_semaphore, #tpu.memory_space<semaphore_mem>> -> memref<!tpu.dma_semaphore, #tpu.memory_space<semaphore_mem>>
    tpu.enqueue_indirect_dma source(%dma_start3A_455 : memref<128x16xf32, #tpu.memory_space<vmem>>) target(%dma_start3A_461 : memref<10240x16xf32, #tpu.memory_space<vmem_shared>>) offsets(%dma_start3A_458 : memref<128xi32, #tpu.memory_space<vmem>>) semaphore(%dma_start3A_463 : memref<!tpu.dma_semaphore, #tpu.memory_space<semaphore_mem>>) {add = true}
    %dma_start3A_464 = arith.constant 7 : i32
    %dma_start3A_465 = arith.constant 7 : i32
    %dma_start3A_466 = arith.constant 0 : i32
    %dma_start3A_467 = arith.constant 0 : i32
    %dma_start3A_468 = tpu.memref_slice %arg7[%dma_start3A_464, %dma_start3A_466, %dma_start3A_467] : memref<8x128x16xf32, #tpu.memory_space<vmem>> -> memref<1x128x16xf32, #tpu.memory_space<vmem>>
    %dma_start3A_469 = tpu.memref_squeeze %dma_start3A_468 : memref<1x128x16xf32, #tpu.memory_space<vmem>> -> memref<128x16xf32, #tpu.memory_space<vmem>>
    %dma_start3A_470 = arith.constant 896 : i32
    %dma_start3A_471 = tpu.memref_slice %arg5[%dma_start3A_470] : memref<10240xi32, #tpu.memory_space<vmem>> -> memref<128xi32, #tpu.memory_space<vmem>>
    %dma_start3A_472 = arith.constant 0 : i32
    %dma_start3A_473 = arith.constant 0 : i32
    %dma_start3A_474 = tpu.memref_slice %arg10[%dma_start3A_472, %dma_start3A_473] : memref<10000x16xf32, #tpu.memory_space<vmem_shared>> -> memref<10000x16xf32, #tpu.memory_space<vmem_shared>>
    %dma_start3A_475 = tpu.memref_slice %arg14[%dma_start3A_465] : memref<8x!tpu.dma_semaphore, #tpu.memory_space<semaphore_mem>> -> memref<1x!tpu.dma_semaphore, #tpu.memory_space<semaphore_mem>>
    %dma_start3A_476 = tpu.memref_squeeze %dma_start3A_475 : memref<1x!tpu.dma_semaphore, #tpu.memory_space<semaphore_mem>> -> memref<!tpu.dma_semaphore, #tpu.memory_space<semaphore_mem>>
    tpu.enqueue_indirect_dma source(%dma_start3A_474 : memref<10000x16xf32, #tpu.memory_space<vmem_shared>>) target(%dma_start3A_469 : memref<128x16xf32, #tpu.memory_space<vmem>>) offsets(%dma_start3A_471 : memref<128xi32, #tpu.memory_space<vmem>>) semaphore(%dma_start3A_476 : memref<!tpu.dma_semaphore, #tpu.memory_space<semaphore_mem>>)
    %scan3A_477 = arith.constant 0 : i32
    %scan3A_478 = arith.constant 9 : i32
    %scan3A_479 = arith.addi %scan3A_477, %scan3A_478 : i32
    %scan3A_480 = arith.constant 1 : i32
    scf.for %scan3A_719 = %scan3A_477 to %scan3A_479 step %scan3A_480  : i32 {
      %mul3A_720 = arith.constant 1 : i32
      %mul3A_721 = arith.muli %scan3A_719, %mul3A_720 : i32
      %add3A_722 = arith.constant 0 : i32
      %add3A_723 = arith.addi %add3A_722, %mul3A_721 : i32
      %mul3A_724 = arith.constant 2 : i32
      %mul3A_725 = arith.muli %mul3A_724, %add3A_723 : i32
      %add3A_726 = arith.constant 1 : i32
      %add3A_727 = arith.addi %mul3A_725, %add3A_726 : i32
      %add3A_728 = arith.constant 0 : i32
      %add3A_729 = arith.addi %add3A_727, %add3A_728 : i32
      %mul3A_730 = arith.constant 4 : i32
      %mul3A_731 = arith.muli %add3A_729, %mul3A_730 : i32
      %sub3A = arith.constant 4 : i32
      %sub3A_732 = arith.subi %mul3A_731, %sub3A : i32
      %add3A_733 = arith.constant 0 : i32
      %add3A_734 = arith.addi %sub3A_732, %add3A_733 : i32
      %dma_wait3A_735 = arith.constant 0 : i32
      %dma_wait3A_736 = arith.constant 0 : i32
      %dma_wait3A_737 = arith.constant 0 : i32
      %dma_wait3A_738 = arith.constant 0 : i32
      %dma_wait3A_739 = tpu.memref_slice %arg7[%dma_wait3A_735, %dma_wait3A_737, %dma_wait3A_738] : memref<8x128x16xf32, #tpu.memory_space<vmem>> -> memref<1x128x16xf32, #tpu.memory_space<vmem>>
      %dma_wait3A_740 = tpu.memref_squeeze %dma_wait3A_739 : memref<1x128x16xf32, #tpu.memory_space<vmem>> -> memref<128x16xf32, #tpu.memory_space<vmem>>
      %dma_wait3A_741 = arith.constant 0 : i32
      %dma_wait3A_742 = tpu.memref_slice %arg6[%add3A_734, %dma_wait3A_741] : memref<80x128xi32, #tpu.memory_space<vmem>> -> memref<1x128xi32, #tpu.memory_space<vmem>>
      %dma_wait3A_743 = tpu.memref_squeeze %dma_wait3A_742 : memref<1x128xi32, #tpu.memory_space<vmem>> -> memref<128xi32, #tpu.memory_space<vmem>>
      %dma_wait3A_744 = arith.constant 0 : i32
      %dma_wait3A_745 = arith.constant 0 : i32
      %dma_wait3A_746 = tpu.memref_slice %arg9[%dma_wait3A_744, %dma_wait3A_745] : memref<10240x16xf32, #tpu.memory_space<vmem_shared>> -> memref<10240x16xf32, #tpu.memory_space<vmem_shared>>
      %dma_wait3A_747 = tpu.memref_slice %arg15[%dma_wait3A_736] : memref<8x!tpu.dma_semaphore, #tpu.memory_space<semaphore_mem>> -> memref<1x!tpu.dma_semaphore, #tpu.memory_space<semaphore_mem>>
      %dma_wait3A_748 = tpu.memref_squeeze %dma_wait3A_747 : memref<1x!tpu.dma_semaphore, #tpu.memory_space<semaphore_mem>> -> memref<!tpu.dma_semaphore, #tpu.memory_space<semaphore_mem>>
      tpu.wait_indirect_dma semaphore(%dma_wait3A_748 : memref<!tpu.dma_semaphore, #tpu.memory_space<semaphore_mem>>) src(%dma_wait3A_740 : memref<128x16xf32, #tpu.memory_space<vmem>>) dst(%dma_wait3A_746 : memref<10240x16xf32, #tpu.memory_space<vmem_shared>>)
      %add3A_749 = arith.constant 0 : i32
      %add3A_750 = arith.addi %mul3A_731, %add3A_749 : i32
      %mul3A_751 = arith.constant 128 : i32
      %mul3A_752 = arith.muli %add3A_750, %mul3A_751 : i32
      %dma_wait3A_753 = arith.constant 4 : i32
      %dma_wait3A_754 = arith.constant 4 : i32
      %dma_wait3A_755 = arith.constant 0 : i32
      %dma_wait3A_756 = arith.constant 0 : i32
      %dma_wait3A_757 = tpu.memref_slice %arg7[%dma_wait3A_753, %dma_wait3A_755, %dma_wait3A_756] : memref<8x128x16xf32, #tpu.memory_space<vmem>> -> memref<1x128x16xf32, #tpu.memory_space<vmem>>
      %dma_wait3A_758 = tpu.memref_squeeze %dma_wait3A_757 : memref<1x128x16xf32, #tpu.memory_space<vmem>> -> memref<128x16xf32, #tpu.memory_space<vmem>>
      %dma_wait3A_759 = tpu.memref_slice %arg5[%mul3A_752] : memref<10240xi32, #tpu.memory_space<vmem>> -> memref<128xi32, #tpu.memory_space<vmem>>
      %dma_wait3A_760 = arith.constant 0 : i32
      %dma_wait3A_761 = arith.constant 0 : i32
      %dma_wait3A_762 = tpu.memref_slice %arg10[%dma_wait3A_760, %dma_wait3A_761] : memref<10000x16xf32, #tpu.memory_space<vmem_shared>> -> memref<10000x16xf32, #tpu.memory_space<vmem_shared>>
      %dma_wait3A_763 = tpu.memref_slice %arg14[%dma_wait3A_754] : memref<8x!tpu.dma_semaphore, #tpu.memory_space<semaphore_mem>> -> memref<1x!tpu.dma_semaphore, #tpu.memory_space<semaphore_mem>>
      %dma_wait3A_764 = tpu.memref_squeeze %dma_wait3A_763 : memref<1x!tpu.dma_semaphore, #tpu.memory_space<semaphore_mem>> -> memref<!tpu.dma_semaphore, #tpu.memory_space<semaphore_mem>>
      tpu.wait_indirect_dma semaphore(%dma_wait3A_764 : memref<!tpu.dma_semaphore, #tpu.memory_space<semaphore_mem>>) src(%dma_wait3A_762 : memref<10000x16xf32, #tpu.memory_space<vmem_shared>>) dst(%dma_wait3A_758 : memref<128x16xf32, #tpu.memory_space<vmem>>)
      %add3A_765 = arith.constant 0 : i32
      %add3A_766 = arith.addi %mul3A_731, %add3A_765 : i32
      %dma_start3A_767 = arith.constant 4 : i32
      %dma_start3A_768 = arith.constant 4 : i32
      %dma_start3A_769 = arith.constant 0 : i32
      %dma_start3A_770 = arith.constant 0 : i32
      %dma_start3A_771 = tpu.memref_slice %arg7[%dma_start3A_767, %dma_start3A_769, %dma_start3A_770] : memref<8x128x16xf32, #tpu.memory_space<vmem>> -> memref<1x128x16xf32, #tpu.memory_space<vmem>>
      %dma_start3A_772 = tpu.memref_squeeze %dma_start3A_771 : memref<1x128x16xf32, #tpu.memory_space<vmem>> -> memref<128x16xf32, #tpu.memory_space<vmem>>
      %dma_start3A_773 = arith.constant 0 : i32
      %dma_start3A_774 = tpu.memref_slice %arg6[%add3A_766, %dma_start3A_773] : memref<80x128xi32, #tpu.memory_space<vmem>> -> memref<1x128xi32, #tpu.memory_space<vmem>>
      %dma_start3A_775 = tpu.memref_squeeze %dma_start3A_774 : memref<1x128xi32, #tpu.memory_space<vmem>> -> memref<128xi32, #tpu.memory_space<vmem>>
      %dma_start3A_776 = arith.constant 0 : i32
      %dma_start3A_777 = arith.constant 0 : i32
      %dma_start3A_778 = tpu.memref_slice %arg9[%dma_start3A_776, %dma_start3A_777] : memref<10240x16xf32, #tpu.memory_space<vmem_shared>> -> memref<10240x16xf32, #tpu.memory_space<vmem_shared>>
      %dma_start3A_779 = tpu.memref_slice %arg15[%dma_start3A_768] : memref<8x!tpu.dma_semaphore, #tpu.memory_space<semaphore_mem>> -> memref<1x!tpu.dma_semaphore, #tpu.memory_space<semaphore_mem>>
      %dma_start3A_780 = tpu.memref_squeeze %dma_start3A_779 : memref<1x!tpu.dma_semaphore, #tpu.memory_space<semaphore_mem>> -> memref<!tpu.dma_semaphore, #tpu.memory_space<semaphore_mem>>
      tpu.enqueue_indirect_dma source(%dma_start3A_772 : memref<128x16xf32, #tpu.memory_space<vmem>>) target(%dma_start3A_778 : memref<10240x16xf32, #tpu.memory_space<vmem_shared>>) offsets(%dma_start3A_775 : memref<128xi32, #tpu.memory_space<vmem>>) semaphore(%dma_start3A_780 : memref<!tpu.dma_semaphore, #tpu.memory_space<semaphore_mem>>) {add = true}
      %add3A_781 = arith.constant 4 : i32
      %add3A_782 = arith.addi %mul3A_731, %add3A_781 : i32
      %add3A_783 = arith.constant 0 : i32
      %add3A_784 = arith.addi %add3A_782, %add3A_783 : i32
      %mul3A_785 = arith.constant 128 : i32
      %mul3A_786 = arith.muli %add3A_784, %mul3A_785 : i32
      %dma_start3A_787 = arith.constant 0 : i32
      %dma_start3A_788 = arith.constant 0 : i32
      %dma_start3A_789 = arith.constant 0 : i32
      %dma_start3A_790 = arith.constant 0 : i32
      %dma_start3A_791 = tpu.memref_slice %arg7[%dma_start3A_787, %dma_start3A_789, %dma_start3A_790] : memref<8x128x16xf32, #tpu.memory_space<vmem>> -> memref<1x128x16xf32, #tpu.memory_space<vmem>>
      %dma_start3A_792 = tpu.memref_squeeze %dma_start3A_791 : memref<1x128x16xf32, #tpu.memory_space<vmem>> -> memref<128x16xf32, #tpu.memory_space<vmem>>
      %dma_start3A_793 = tpu.memref_slice %arg5[%mul3A_786] : memref<10240xi32, #tpu.memory_space<vmem>> -> memref<128xi32, #tpu.memory_space<vmem>>
      %dma_start3A_794 = arith.constant 0 : i32
      %dma_start3A_795 = arith.constant 0 : i32
      %dma_start3A_796 = tpu.memref_slice %arg10[%dma_start3A_794, %dma_start3A_795] : memref<10000x16xf32, #tpu.memory_space<vmem_shared>> -> memref<10000x16xf32, #tpu.memory_space<vmem_shared>>
      %dma_start3A_797 = tpu.memref_slice %arg14[%dma_start3A_788] : memref<8x!tpu.dma_semaphore, #tpu.memory_space<semaphore_mem>> -> memref<1x!tpu.dma_semaphore, #tpu.memory_space<semaphore_mem>>
      %dma_start3A_798 = tpu.memref_squeeze %dma_start3A_797 : memref<1x!tpu.dma_semaphore, #tpu.memory_space<semaphore_mem>> -> memref<!tpu.dma_semaphore, #tpu.memory_space<semaphore_mem>>
      tpu.enqueue_indirect_dma source(%dma_start3A_796 : memref<10000x16xf32, #tpu.memory_space<vmem_shared>>) target(%dma_start3A_792 : memref<128x16xf32, #tpu.memory_space<vmem>>) offsets(%dma_start3A_793 : memref<128xi32, #tpu.memory_space<vmem>>) semaphore(%dma_start3A_798 : memref<!tpu.dma_semaphore, #tpu.memory_space<semaphore_mem>>)
      %sub3A_799 = arith.constant 4 : i32
      %sub3A_800 = arith.subi %mul3A_731, %sub3A_799 : i32
      %add3A_801 = arith.constant 1 : i32
      %add3A_802 = arith.addi %sub3A_800, %add3A_801 : i32
      %dma_wait3A_803 = arith.constant 1 : i32
      %dma_wait3A_804 = arith.constant 1 : i32
      %dma_wait3A_805 = arith.constant 0 : i32
      %dma_wait3A_806 = arith.constant 0 : i32
      %dma_wait3A_807 = tpu.memref_slice %arg7[%dma_wait3A_803, %dma_wait3A_805, %dma_wait3A_806] : memref<8x128x16xf32, #tpu.memory_space<vmem>> -> memref<1x128x16xf32, #tpu.memory_space<vmem>>
      %dma_wait3A_808 = tpu.memref_squeeze %dma_wait3A_807 : memref<1x128x16xf32, #tpu.memory_space<vmem>> -> memref<128x16xf32, #tpu.memory_space<vmem>>
      %dma_wait3A_809 = arith.constant 0 : i32
      %dma_wait3A_810 = tpu.memref_slice %arg6[%add3A_802, %dma_wait3A_809] : memref<80x128xi32, #tpu.memory_space<vmem>> -> memref<1x128xi32, #tpu.memory_space<vmem>>
      %dma_wait3A_811 = tpu.memref_squeeze %dma_wait3A_810 : memref<1x128xi32, #tpu.memory_space<vmem>> -> memref<128xi32, #tpu.memory_space<vmem>>
      %dma_wait3A_812 = arith.constant 0 : i32
      %dma_wait3A_813 = arith.constant 0 : i32
      %dma_wait3A_814 = tpu.memref_slice %arg9[%dma_wait3A_812, %dma_wait3A_813] : memref<10240x16xf32, #tpu.memory_space<vmem_shared>> -> memref<10240x16xf32, #tpu.memory_space<vmem_shared>>
      %dma_wait3A_815 = tpu.memref_slice %arg15[%dma_wait3A_804] : memref<8x!tpu.dma_semaphore, #tpu.memory_space<semaphore_mem>> -> memref<1x!tpu.dma_semaphore, #tpu.memory_space<semaphore_mem>>
      %dma_wait3A_816 = tpu.memref_squeeze %dma_wait3A_815 : memref<1x!tpu.dma_semaphore, #tpu.memory_space<semaphore_mem>> -> memref<!tpu.dma_semaphore, #tpu.memory_space<semaphore_mem>>
      tpu.wait_indirect_dma semaphore(%dma_wait3A_816 : memref<!tpu.dma_semaphore, #tpu.memory_space<semaphore_mem>>) src(%dma_wait3A_808 : memref<128x16xf32, #tpu.memory_space<vmem>>) dst(%dma_wait3A_814 : memref<10240x16xf32, #tpu.memory_space<vmem_shared>>)
      %add3A_817 = arith.constant 1 : i32
      %add3A_818 = arith.addi %mul3A_731, %add3A_817 : i32
      %mul3A_819 = arith.constant 128 : i32
      %mul3A_820 = arith.muli %add3A_818, %mul3A_819 : i32
      %dma_wait3A_821 = arith.constant 5 : i32
      %dma_wait3A_822 = arith.constant 5 : i32
      %dma_wait3A_823 = arith.constant 0 : i32
      %dma_wait3A_824 = arith.constant 0 : i32
      %dma_wait3A_825 = tpu.memref_slice %arg7[%dma_wait3A_821, %dma_wait3A_823, %dma_wait3A_824] : memref<8x128x16xf32, #tpu.memory_space<vmem>> -> memref<1x128x16xf32, #tpu.memory_space<vmem>>
      %dma_wait3A_826 = tpu.memref_squeeze %dma_wait3A_825 : memref<1x128x16xf32, #tpu.memory_space<vmem>> -> memref<128x16xf32, #tpu.memory_space<vmem>>
      %dma_wait3A_827 = tpu.memref_slice %arg5[%mul3A_820] : memref<10240xi32, #tpu.memory_space<vmem>> -> memref<128xi32, #tpu.memory_space<vmem>>
      %dma_wait3A_828 = arith.constant 0 : i32
      %dma_wait3A_829 = arith.constant 0 : i32
      %dma_wait3A_830 = tpu.memref_slice %arg10[%dma_wait3A_828, %dma_wait3A_829] : memref<10000x16xf32, #tpu.memory_space<vmem_shared>> -> memref<10000x16xf32, #tpu.memory_space<vmem_shared>>
      %dma_wait3A_831 = tpu.memref_slice %arg14[%dma_wait3A_822] : memref<8x!tpu.dma_semaphore, #tpu.memory_space<semaphore_mem>> -> memref<1x!tpu.dma_semaphore, #tpu.memory_space<semaphore_mem>>
      %dma_wait3A_832 = tpu.memref_squeeze %dma_wait3A_831 : memref<1x!tpu.dma_semaphore, #tpu.memory_space<semaphore_mem>> -> memref<!tpu.dma_semaphore, #tpu.memory_space<semaphore_mem>>
      tpu.wait_indirect_dma semaphore(%dma_wait3A_832 : memref<!tpu.dma_semaphore, #tpu.memory_space<semaphore_mem>>) src(%dma_wait3A_830 : memref<10000x16xf32, #tpu.memory_space<vmem_shared>>) dst(%dma_wait3A_826 : memref<128x16xf32, #tpu.memory_space<vmem>>)
      %add3A_833 = arith.constant 1 : i32
      %add3A_834 = arith.addi %mul3A_731, %add3A_833 : i32
      %dma_start3A_835 = arith.constant 5 : i32
      %dma_start3A_836 = arith.constant 5 : i32
      %dma_start3A_837 = arith.constant 0 : i32
      %dma_start3A_838 = arith.constant 0 : i32
      %dma_start3A_839 = tpu.memref_slice %arg7[%dma_start3A_835, %dma_start3A_837, %dma_start3A_838] : memref<8x128x16xf32, #tpu.memory_space<vmem>> -> memref<1x128x16xf32, #tpu.memory_space<vmem>>
      %dma_start3A_840 = tpu.memref_squeeze %dma_start3A_839 : memref<1x128x16xf32, #tpu.memory_space<vmem>> -> memref<128x16xf32, #tpu.memory_space<vmem>>
      %dma_start3A_841 = arith.constant 0 : i32
      %dma_start3A_842 = tpu.memref_slice %arg6[%add3A_834, %dma_start3A_841] : memref<80x128xi32, #tpu.memory_space<vmem>> -> memref<1x128xi32, #tpu.memory_space<vmem>>
      %dma_start3A_843 = tpu.memref_squeeze %dma_start3A_842 : memref<1x128xi32, #tpu.memory_space<vmem>> -> memref<128xi32, #tpu.memory_space<vmem>>
      %dma_start3A_844 = arith.constant 0 : i32
      %dma_start3A_845 = arith.constant 0 : i32
      %dma_start3A_846 = tpu.memref_slice %arg9[%dma_start3A_844, %dma_start3A_845] : memref<10240x16xf32, #tpu.memory_space<vmem_shared>> -> memref<10240x16xf32, #tpu.memory_space<vmem_shared>>
      %dma_start3A_847 = tpu.memref_slice %arg15[%dma_start3A_836] : memref<8x!tpu.dma_semaphore, #tpu.memory_space<semaphore_mem>> -> memref<1x!tpu.dma_semaphore, #tpu.memory_space<semaphore_mem>>
      %dma_start3A_848 = tpu.memref_squeeze %dma_start3A_847 : memref<1x!tpu.dma_semaphore, #tpu.memory_space<semaphore_mem>> -> memref<!tpu.dma_semaphore, #tpu.memory_space<semaphore_mem>>
      tpu.enqueue_indirect_dma source(%dma_start3A_840 : memref<128x16xf32, #tpu.memory_space<vmem>>) target(%dma_start3A_846 : memref<10240x16xf32, #tpu.memory_space<vmem_shared>>) offsets(%dma_start3A_843 : memref<128xi32, #tpu.memory_space<vmem>>) semaphore(%dma_start3A_848 : memref<!tpu.dma_semaphore, #tpu.memory_space<semaphore_mem>>) {add = true}
      %add3A_849 = arith.constant 4 : i32
      %add3A_850 = arith.addi %mul3A_731, %add3A_849 : i32
      %add3A_851 = arith.constant 1 : i32
      %add3A_852 = arith.addi %add3A_850, %add3A_851 : i32
      %mul3A_853 = arith.constant 128 : i32
      %mul3A_854 = arith.muli %add3A_852, %mul3A_853 : i32
      %dma_start3A_855 = arith.constant 1 : i32
      %dma_start3A_856 = arith.constant 1 : i32
      %dma_start3A_857 = arith.constant 0 : i32
      %dma_start3A_858 = arith.constant 0 : i32
      %dma_start3A_859 = tpu.memref_slice %arg7[%dma_start3A_855, %dma_start3A_857, %dma_start3A_858] : memref<8x128x16xf32, #tpu.memory_space<vmem>> -> memref<1x128x16xf32, #tpu.memory_space<vmem>>
      %dma_start3A_860 = tpu.memref_squeeze %dma_start3A_859 : memref<1x128x16xf32, #tpu.memory_space<vmem>> -> memref<128x16xf32, #tpu.memory_space<vmem>>
      %dma_start3A_861 = tpu.memref_slice %arg5[%mul3A_854] : memref<10240xi32, #tpu.memory_space<vmem>> -> memref<128xi32, #tpu.memory_space<vmem>>
      %dma_start3A_862 = arith.constant 0 : i32
      %dma_start3A_863 = arith.constant 0 : i32
      %dma_start3A_864 = tpu.memref_slice %arg10[%dma_start3A_862, %dma_start3A_863] : memref<10000x16xf32, #tpu.memory_space<vmem_shared>> -> memref<10000x16xf32, #tpu.memory_space<vmem_shared>>
      %dma_start3A_865 = tpu.memref_slice %arg14[%dma_start3A_856] : memref<8x!tpu.dma_semaphore, #tpu.memory_space<semaphore_mem>> -> memref<1x!tpu.dma_semaphore, #tpu.memory_space<semaphore_mem>>
      %dma_start3A_866 = tpu.memref_squeeze %dma_start3A_865 : memref<1x!tpu.dma_semaphore, #tpu.memory_space<semaphore_mem>> -> memref<!tpu.dma_semaphore, #tpu.memory_space<semaphore_mem>>
      tpu.enqueue_indirect_dma source(%dma_start3A_864 : memref<10000x16xf32, #tpu.memory_space<vmem_shared>>) target(%dma_start3A_860 : memref<128x16xf32, #tpu.memory_space<vmem>>) offsets(%dma_start3A_861 : memref<128xi32, #tpu.memory_space<vmem>>) semaphore(%dma_start3A_866 : memref<!tpu.dma_semaphore, #tpu.memory_space<semaphore_mem>>)
      %sub3A_867 = arith.constant 4 : i32
      %sub3A_868 = arith.subi %mul3A_731, %sub3A_867 : i32
      %add3A_869 = arith.constant 2 : i32
      %add3A_870 = arith.addi %sub3A_868, %add3A_869 : i32
      %dma_wait3A_871 = arith.constant 2 : i32
      %dma_wait3A_872 = arith.constant 2 : i32
      %dma_wait3A_873 = arith.constant 0 : i32
      %dma_wait3A_874 = arith.constant 0 : i32
      %dma_wait3A_875 = tpu.memref_slice %arg7[%dma_wait3A_871, %dma_wait3A_873, %dma_wait3A_874] : memref<8x128x16xf32, #tpu.memory_space<vmem>> -> memref<1x128x16xf32, #tpu.memory_space<vmem>>
      %dma_wait3A_876 = tpu.memref_squeeze %dma_wait3A_875 : memref<1x128x16xf32, #tpu.memory_space<vmem>> -> memref<128x16xf32, #tpu.memory_space<vmem>>
      %dma_wait3A_877 = arith.constant 0 : i32
      %dma_wait3A_878 = tpu.memref_slice %arg6[%add3A_870, %dma_wait3A_877] : memref<80x128xi32, #tpu.memory_space<vmem>> -> memref<1x128xi32, #tpu.memory_space<vmem>>
      %dma_wait3A_879 = tpu.memref_squeeze %dma_wait3A_878 : memref<1x128xi32, #tpu.memory_space<vmem>> -> memref<128xi32, #tpu.memory_space<vmem>>
      %dma_wait3A_880 = arith.constant 0 : i32
      %dma_wait3A_881 = arith.constant 0 : i32
      %dma_wait3A_882 = tpu.memref_slice %arg9[%dma_wait3A_880, %dma_wait3A_881] : memref<10240x16xf32, #tpu.memory_space<vmem_shared>> -> memref<10240x16xf32, #tpu.memory_space<vmem_shared>>
      %dma_wait3A_883 = tpu.memref_slice %arg15[%dma_wait3A_872] : memref<8x!tpu.dma_semaphore, #tpu.memory_space<semaphore_mem>> -> memref<1x!tpu.dma_semaphore, #tpu.memory_space<semaphore_mem>>
      %dma_wait3A_884 = tpu.memref_squeeze %dma_wait3A_883 : memref<1x!tpu.dma_semaphore, #tpu.memory_space<semaphore_mem>> -> memref<!tpu.dma_semaphore, #tpu.memory_space<semaphore_mem>>
      tpu.wait_indirect_dma semaphore(%dma_wait3A_884 : memref<!tpu.dma_semaphore, #tpu.memory_space<semaphore_mem>>) src(%dma_wait3A_876 : memref<128x16xf32, #tpu.memory_space<vmem>>) dst(%dma_wait3A_882 : memref<10240x16xf32, #tpu.memory_space<vmem_shared>>)
      %add3A_885 = arith.constant 2 : i32
      %add3A_886 = arith.addi %mul3A_731, %add3A_885 : i32
      %mul3A_887 = arith.constant 128 : i32
      %mul3A_888 = arith.muli %add3A_886, %mul3A_887 : i32
      %dma_wait3A_889 = arith.constant 6 : i32
      %dma_wait3A_890 = arith.constant 6 : i32
      %dma_wait3A_891 = arith.constant 0 : i32
      %dma_wait3A_892 = arith.constant 0 : i32
      %dma_wait3A_893 = tpu.memref_slice %arg7[%dma_wait3A_889, %dma_wait3A_891, %dma_wait3A_892] : memref<8x128x16xf32, #tpu.memory_space<vmem>> -> memref<1x128x16xf32, #tpu.memory_space<vmem>>
      %dma_wait3A_894 = tpu.memref_squeeze %dma_wait3A_893 : memref<1x128x16xf32, #tpu.memory_space<vmem>> -> memref<128x16xf32, #tpu.memory_space<vmem>>
      %dma_wait3A_895 = tpu.memref_slice %arg5[%mul3A_888] : memref<10240xi32, #tpu.memory_space<vmem>> -> memref<128xi32, #tpu.memory_space<vmem>>
      %dma_wait3A_896 = arith.constant 0 : i32
      %dma_wait3A_897 = arith.constant 0 : i32
      %dma_wait3A_898 = tpu.memref_slice %arg10[%dma_wait3A_896, %dma_wait3A_897] : memref<10000x16xf32, #tpu.memory_space<vmem_shared>> -> memref<10000x16xf32, #tpu.memory_space<vmem_shared>>
      %dma_wait3A_899 = tpu.memref_slice %arg14[%dma_wait3A_890] : memref<8x!tpu.dma_semaphore, #tpu.memory_space<semaphore_mem>> -> memref<1x!tpu.dma_semaphore, #tpu.memory_space<semaphore_mem>>
      %dma_wait3A_900 = tpu.memref_squeeze %dma_wait3A_899 : memref<1x!tpu.dma_semaphore, #tpu.memory_space<semaphore_mem>> -> memref<!tpu.dma_semaphore, #tpu.memory_space<semaphore_mem>>
      tpu.wait_indirect_dma semaphore(%dma_wait3A_900 : memref<!tpu.dma_semaphore, #tpu.memory_space<semaphore_mem>>) src(%dma_wait3A_898 : memref<10000x16xf32, #tpu.memory_space<vmem_shared>>) dst(%dma_wait3A_894 : memref<128x16xf32, #tpu.memory_space<vmem>>)
      %add3A_901 = arith.constant 2 : i32
      %add3A_902 = arith.addi %mul3A_731, %add3A_901 : i32
      %dma_start3A_903 = arith.constant 6 : i32
      %dma_start3A_904 = arith.constant 6 : i32
      %dma_start3A_905 = arith.constant 0 : i32
      %dma_start3A_906 = arith.constant 0 : i32
      %dma_start3A_907 = tpu.memref_slice %arg7[%dma_start3A_903, %dma_start3A_905, %dma_start3A_906] : memref<8x128x16xf32, #tpu.memory_space<vmem>> -> memref<1x128x16xf32, #tpu.memory_space<vmem>>
      %dma_start3A_908 = tpu.memref_squeeze %dma_start3A_907 : memref<1x128x16xf32, #tpu.memory_space<vmem>> -> memref<128x16xf32, #tpu.memory_space<vmem>>
      %dma_start3A_909 = arith.constant 0 : i32
      %dma_start3A_910 = tpu.memref_slice %arg6[%add3A_902, %dma_start3A_909] : memref<80x128xi32, #tpu.memory_space<vmem>> -> memref<1x128xi32, #tpu.memory_space<vmem>>
      %dma_start3A_911 = tpu.memref_squeeze %dma_start3A_910 : memref<1x128xi32, #tpu.memory_space<vmem>> -> memref<128xi32, #tpu.memory_space<vmem>>
      %dma_start3A_912 = arith.constant 0 : i32
      %dma_start3A_913 = arith.constant 0 : i32
      %dma_start3A_914 = tpu.memref_slice %arg9[%dma_start3A_912, %dma_start3A_913] : memref<10240x16xf32, #tpu.memory_space<vmem_shared>> -> memref<10240x16xf32, #tpu.memory_space<vmem_shared>>
      %dma_start3A_915 = tpu.memref_slice %arg15[%dma_start3A_904] : memref<8x!tpu.dma_semaphore, #tpu.memory_space<semaphore_mem>> -> memref<1x!tpu.dma_semaphore, #tpu.memory_space<semaphore_mem>>
      %dma_start3A_916 = tpu.memref_squeeze %dma_start3A_915 : memref<1x!tpu.dma_semaphore, #tpu.memory_space<semaphore_mem>> -> memref<!tpu.dma_semaphore, #tpu.memory_space<semaphore_mem>>
      tpu.enqueue_indirect_dma source(%dma_start3A_908 : memref<128x16xf32, #tpu.memory_space<vmem>>) target(%dma_start3A_914 : memref<10240x16xf32, #tpu.memory_space<vmem_shared>>) offsets(%dma_start3A_911 : memref<128xi32, #tpu.memory_space<vmem>>) semaphore(%dma_start3A_916 : memref<!tpu.dma_semaphore, #tpu.memory_space<semaphore_mem>>) {add = true}
      %add3A_917 = arith.constant 4 : i32
      %add3A_918 = arith.addi %mul3A_731, %add3A_917 : i32
      %add3A_919 = arith.constant 2 : i32
      %add3A_920 = arith.addi %add3A_918, %add3A_919 : i32
      %mul3A_921 = arith.constant 128 : i32
      %mul3A_922 = arith.muli %add3A_920, %mul3A_921 : i32
      %dma_start3A_923 = arith.constant 2 : i32
      %dma_start3A_924 = arith.constant 2 : i32
      %dma_start3A_925 = arith.constant 0 : i32
      %dma_start3A_926 = arith.constant 0 : i32
      %dma_start3A_927 = tpu.memref_slice %arg7[%dma_start3A_923, %dma_start3A_925, %dma_start3A_926] : memref<8x128x16xf32, #tpu.memory_space<vmem>> -> memref<1x128x16xf32, #tpu.memory_space<vmem>>
      %dma_start3A_928 = tpu.memref_squeeze %dma_start3A_927 : memref<1x128x16xf32, #tpu.memory_space<vmem>> -> memref<128x16xf32, #tpu.memory_space<vmem>>
      %dma_start3A_929 = tpu.memref_slice %arg5[%mul3A_922] : memref<10240xi32, #tpu.memory_space<vmem>> -> memref<128xi32, #tpu.memory_space<vmem>>
      %dma_start3A_930 = arith.constant 0 : i32
      %dma_start3A_931 = arith.constant 0 : i32
      %dma_start3A_932 = tpu.memref_slice %arg10[%dma_start3A_930, %dma_start3A_931] : memref<10000x16xf32, #tpu.memory_space<vmem_shared>> -> memref<10000x16xf32, #tpu.memory_space<vmem_shared>>
      %dma_start3A_933 = tpu.memref_slice %arg14[%dma_start3A_924] : memref<8x!tpu.dma_semaphore, #tpu.memory_space<semaphore_mem>> -> memref<1x!tpu.dma_semaphore, #tpu.memory_space<semaphore_mem>>
      %dma_start3A_934 = tpu.memref_squeeze %dma_start3A_933 : memref<1x!tpu.dma_semaphore, #tpu.memory_space<semaphore_mem>> -> memref<!tpu.dma_semaphore, #tpu.memory_space<semaphore_mem>>
      tpu.enqueue_indirect_dma source(%dma_start3A_932 : memref<10000x16xf32, #tpu.memory_space<vmem_shared>>) target(%dma_start3A_928 : memref<128x16xf32, #tpu.memory_space<vmem>>) offsets(%dma_start3A_929 : memref<128xi32, #tpu.memory_space<vmem>>) semaphore(%dma_start3A_934 : memref<!tpu.dma_semaphore, #tpu.memory_space<semaphore_mem>>)
      %sub3A_935 = arith.constant 4 : i32
      %sub3A_936 = arith.subi %mul3A_731, %sub3A_935 : i32
      %add3A_937 = arith.constant 3 : i32
      %add3A_938 = arith.addi %sub3A_936, %add3A_937 : i32
      %dma_wait3A_939 = arith.constant 3 : i32
      %dma_wait3A_940 = arith.constant 3 : i32
      %dma_wait3A_941 = arith.constant 0 : i32
      %dma_wait3A_942 = arith.constant 0 : i32
      %dma_wait3A_943 = tpu.memref_slice %arg7[%dma_wait3A_939, %dma_wait3A_941, %dma_wait3A_942] : memref<8x128x16xf32, #tpu.memory_space<vmem>> -> memref<1x128x16xf32, #tpu.memory_space<vmem>>
      %dma_wait3A_944 = tpu.memref_squeeze %dma_wait3A_943 : memref<1x128x16xf32, #tpu.memory_space<vmem>> -> memref<128x16xf32, #tpu.memory_space<vmem>>
      %dma_wait3A_945 = arith.constant 0 : i32
      %dma_wait3A_946 = tpu.memref_slice %arg6[%add3A_938, %dma_wait3A_945] : memref<80x128xi32, #tpu.memory_space<vmem>> -> memref<1x128xi32, #tpu.memory_space<vmem>>
      %dma_wait3A_947 = tpu.memref_squeeze %dma_wait3A_946 : memref<1x128xi32, #tpu.memory_space<vmem>> -> memref<128xi32, #tpu.memory_space<vmem>>
      %dma_wait3A_948 = arith.constant 0 : i32
      %dma_wait3A_949 = arith.constant 0 : i32
      %dma_wait3A_950 = tpu.memref_slice %arg9[%dma_wait3A_948, %dma_wait3A_949] : memref<10240x16xf32, #tpu.memory_space<vmem_shared>> -> memref<10240x16xf32, #tpu.memory_space<vmem_shared>>
      %dma_wait3A_951 = tpu.memref_slice %arg15[%dma_wait3A_940] : memref<8x!tpu.dma_semaphore, #tpu.memory_space<semaphore_mem>> -> memref<1x!tpu.dma_semaphore, #tpu.memory_space<semaphore_mem>>
      %dma_wait3A_952 = tpu.memref_squeeze %dma_wait3A_951 : memref<1x!tpu.dma_semaphore, #tpu.memory_space<semaphore_mem>> -> memref<!tpu.dma_semaphore, #tpu.memory_space<semaphore_mem>>
      tpu.wait_indirect_dma semaphore(%dma_wait3A_952 : memref<!tpu.dma_semaphore, #tpu.memory_space<semaphore_mem>>) src(%dma_wait3A_944 : memref<128x16xf32, #tpu.memory_space<vmem>>) dst(%dma_wait3A_950 : memref<10240x16xf32, #tpu.memory_space<vmem_shared>>)
      %add3A_953 = arith.constant 3 : i32
      %add3A_954 = arith.addi %mul3A_731, %add3A_953 : i32
      %mul3A_955 = arith.constant 128 : i32
      %mul3A_956 = arith.muli %add3A_954, %mul3A_955 : i32
      %dma_wait3A_957 = arith.constant 7 : i32
      %dma_wait3A_958 = arith.constant 7 : i32
      %dma_wait3A_959 = arith.constant 0 : i32
      %dma_wait3A_960 = arith.constant 0 : i32
      %dma_wait3A_961 = tpu.memref_slice %arg7[%dma_wait3A_957, %dma_wait3A_959, %dma_wait3A_960] : memref<8x128x16xf32, #tpu.memory_space<vmem>> -> memref<1x128x16xf32, #tpu.memory_space<vmem>>
      %dma_wait3A_962 = tpu.memref_squeeze %dma_wait3A_961 : memref<1x128x16xf32, #tpu.memory_space<vmem>> -> memref<128x16xf32, #tpu.memory_space<vmem>>
      %dma_wait3A_963 = tpu.memref_slice %arg5[%mul3A_956] : memref<10240xi32, #tpu.memory_space<vmem>> -> memref<128xi32, #tpu.memory_space<vmem>>
      %dma_wait3A_964 = arith.constant 0 : i32
      %dma_wait3A_965 = arith.constant 0 : i32
      %dma_wait3A_966 = tpu.memref_slice %arg10[%dma_wait3A_964, %dma_wait3A_965] : memref<10000x16xf32, #tpu.memory_space<vmem_shared>> -> memref<10000x16xf32, #tpu.memory_space<vmem_shared>>
      %dma_wait3A_967 = tpu.memref_slice %arg14[%dma_wait3A_958] : memref<8x!tpu.dma_semaphore, #tpu.memory_space<semaphore_mem>> -> memref<1x!tpu.dma_semaphore, #tpu.memory_space<semaphore_mem>>
      %dma_wait3A_968 = tpu.memref_squeeze %dma_wait3A_967 : memref<1x!tpu.dma_semaphore, #tpu.memory_space<semaphore_mem>> -> memref<!tpu.dma_semaphore, #tpu.memory_space<semaphore_mem>>
      tpu.wait_indirect_dma semaphore(%dma_wait3A_968 : memref<!tpu.dma_semaphore, #tpu.memory_space<semaphore_mem>>) src(%dma_wait3A_966 : memref<10000x16xf32, #tpu.memory_space<vmem_shared>>) dst(%dma_wait3A_962 : memref<128x16xf32, #tpu.memory_space<vmem>>)
      %add3A_969 = arith.constant 3 : i32
      %add3A_970 = arith.addi %mul3A_731, %add3A_969 : i32
      %dma_start3A_971 = arith.constant 7 : i32
      %dma_start3A_972 = arith.constant 7 : i32
      %dma_start3A_973 = arith.constant 0 : i32
      %dma_start3A_974 = arith.constant 0 : i32
      %dma_start3A_975 = tpu.memref_slice %arg7[%dma_start3A_971, %dma_start3A_973, %dma_start3A_974] : memref<8x128x16xf32, #tpu.memory_space<vmem>> -> memref<1x128x16xf32, #tpu.memory_space<vmem>>
      %dma_start3A_976 = tpu.memref_squeeze %dma_start3A_975 : memref<1x128x16xf32, #tpu.memory_space<vmem>> -> memref<128x16xf32, #tpu.memory_space<vmem>>
      %dma_start3A_977 = arith.constant 0 : i32
      %dma_start3A_978 = tpu.memref_slice %arg6[%add3A_970, %dma_start3A_977] : memref<80x128xi32, #tpu.memory_space<vmem>> -> memref<1x128xi32, #tpu.memory_space<vmem>>
      %dma_start3A_979 = tpu.memref_squeeze %dma_start3A_978 : memref<1x128xi32, #tpu.memory_space<vmem>> -> memref<128xi32, #tpu.memory_space<vmem>>
      %dma_start3A_980 = arith.constant 0 : i32
      %dma_start3A_981 = arith.constant 0 : i32
      %dma_start3A_982 = tpu.memref_slice %arg9[%dma_start3A_980, %dma_start3A_981] : memref<10240x16xf32, #tpu.memory_space<vmem_shared>> -> memref<10240x16xf32, #tpu.memory_space<vmem_shared>>
      %dma_start3A_983 = tpu.memref_slice %arg15[%dma_start3A_972] : memref<8x!tpu.dma_semaphore, #tpu.memory_space<semaphore_mem>> -> memref<1x!tpu.dma_semaphore, #tpu.memory_space<semaphore_mem>>
      %dma_start3A_984 = tpu.memref_squeeze %dma_start3A_983 : memref<1x!tpu.dma_semaphore, #tpu.memory_space<semaphore_mem>> -> memref<!tpu.dma_semaphore, #tpu.memory_space<semaphore_mem>>
      tpu.enqueue_indirect_dma source(%dma_start3A_976 : memref<128x16xf32, #tpu.memory_space<vmem>>) target(%dma_start3A_982 : memref<10240x16xf32, #tpu.memory_space<vmem_shared>>) offsets(%dma_start3A_979 : memref<128xi32, #tpu.memory_space<vmem>>) semaphore(%dma_start3A_984 : memref<!tpu.dma_semaphore, #tpu.memory_space<semaphore_mem>>) {add = true}
      %add3A_985 = arith.constant 4 : i32
      %add3A_986 = arith.addi %mul3A_731, %add3A_985 : i32
      %add3A_987 = arith.constant 3 : i32
      %add3A_988 = arith.addi %add3A_986, %add3A_987 : i32
      %mul3A_989 = arith.constant 128 : i32
      %mul3A_990 = arith.muli %add3A_988, %mul3A_989 : i32
      %dma_start3A_991 = arith.constant 3 : i32
      %dma_start3A_992 = arith.constant 3 : i32
      %dma_start3A_993 = arith.constant 0 : i32
      %dma_start3A_994 = arith.constant 0 : i32
      %dma_start3A_995 = tpu.memref_slice %arg7[%dma_start3A_991, %dma_start3A_993, %dma_start3A_994] : memref<8x128x16xf32, #tpu.memory_space<vmem>> -> memref<1x128x16xf32, #tpu.memory_space<vmem>>
      %dma_start3A_996 = tpu.memref_squeeze %dma_start3A_995 : memref<1x128x16xf32, #tpu.memory_space<vmem>> -> memref<128x16xf32, #tpu.memory_space<vmem>>
      %dma_start3A_997 = tpu.memref_slice %arg5[%mul3A_990] : memref<10240xi32, #tpu.memory_space<vmem>> -> memref<128xi32, #tpu.memory_space<vmem>>
      %dma_start3A_998 = arith.constant 0 : i32
      %dma_start3A_999 = arith.constant 0 : i32
      %dma_start3A_1000 = tpu.memref_slice %arg10[%dma_start3A_998, %dma_start3A_999] : memref<10000x16xf32, #tpu.memory_space<vmem_shared>> -> memref<10000x16xf32, #tpu.memory_space<vmem_shared>>
      %dma_start3A_1001 = tpu.memref_slice %arg14[%dma_start3A_992] : memref<8x!tpu.dma_semaphore, #tpu.memory_space<semaphore_mem>> -> memref<1x!tpu.dma_semaphore, #tpu.memory_space<semaphore_mem>>
      %dma_start3A_1002 = tpu.memref_squeeze %dma_start3A_1001 : memref<1x!tpu.dma_semaphore, #tpu.memory_space<semaphore_mem>> -> memref<!tpu.dma_semaphore, #tpu.memory_space<semaphore_mem>>
      tpu.enqueue_indirect_dma source(%dma_start3A_1000 : memref<10000x16xf32, #tpu.memory_space<vmem_shared>>) target(%dma_start3A_996 : memref<128x16xf32, #tpu.memory_space<vmem>>) offsets(%dma_start3A_997 : memref<128xi32, #tpu.memory_space<vmem>>) semaphore(%dma_start3A_1002 : memref<!tpu.dma_semaphore, #tpu.memory_space<semaphore_mem>>)
      %mul3A_1003 = arith.constant 2 : i32
      %mul3A_1004 = arith.muli %mul3A_1003, %add3A_723 : i32
      %add3A_1005 = arith.constant 1 : i32
      %add3A_1006 = arith.addi %mul3A_1004, %add3A_1005 : i32
      %add3A_1007 = arith.constant 1 : i32
      %add3A_1008 = arith.addi %add3A_1006, %add3A_1007 : i32
      %mul3A_1009 = arith.constant 4 : i32
      %mul3A_1010 = arith.muli %add3A_1008, %mul3A_1009 : i32
      %sub3A_1011 = arith.constant 4 : i32
      %sub3A_1012 = arith.subi %mul3A_1010, %sub3A_1011 : i32
      %add3A_1013 = arith.constant 0 : i32
      %add3A_1014 = arith.addi %sub3A_1012, %add3A_1013 : i32
      %dma_wait3A_1015 = arith.constant 4 : i32
      %dma_wait3A_1016 = arith.constant 4 : i32
      %dma_wait3A_1017 = arith.constant 0 : i32
      %dma_wait3A_1018 = arith.constant 0 : i32
      %dma_wait3A_1019 = tpu.memref_slice %arg7[%dma_wait3A_1015, %dma_wait3A_1017, %dma_wait3A_1018] : memref<8x128x16xf32, #tpu.memory_space<vmem>> -> memref<1x128x16xf32, #tpu.memory_space<vmem>>
      %dma_wait3A_1020 = tpu.memref_squeeze %dma_wait3A_1019 : memref<1x128x16xf32, #tpu.memory_space<vmem>> -> memref<128x16xf32, #tpu.memory_space<vmem>>
      %dma_wait3A_1021 = arith.constant 0 : i32
      %dma_wait3A_1022 = tpu.memref_slice %arg6[%add3A_1014, %dma_wait3A_1021] : memref<80x128xi32, #tpu.memory_space<vmem>> -> memref<1x128xi32, #tpu.memory_space<vmem>>
      %dma_wait3A_1023 = tpu.memref_squeeze %dma_wait3A_1022 : memref<1x128xi32, #tpu.memory_space<vmem>> -> memref<128xi32, #tpu.memory_space<vmem>>
      %dma_wait3A_1024 = arith.constant 0 : i32
      %dma_wait3A_1025 = arith.constant 0 : i32
      %dma_wait3A_1026 = tpu.memref_slice %arg9[%dma_wait3A_1024, %dma_wait3A_1025] : memref<10240x16xf32, #tpu.memory_space<vmem_shared>> -> memref<10240x16xf32, #tpu.memory_space<vmem_shared>>
      %dma_wait3A_1027 = tpu.memref_slice %arg15[%dma_wait3A_1016] : memref<8x!tpu.dma_semaphore, #tpu.memory_space<semaphore_mem>> -> memref<1x!tpu.dma_semaphore, #tpu.memory_space<semaphore_mem>>
      %dma_wait3A_1028 = tpu.memref_squeeze %dma_wait3A_1027 : memref<1x!tpu.dma_semaphore, #tpu.memory_space<semaphore_mem>> -> memref<!tpu.dma_semaphore, #tpu.memory_space<semaphore_mem>>
      tpu.wait_indirect_dma semaphore(%dma_wait3A_1028 : memref<!tpu.dma_semaphore, #tpu.memory_space<semaphore_mem>>) src(%dma_wait3A_1020 : memref<128x16xf32, #tpu.memory_space<vmem>>) dst(%dma_wait3A_1026 : memref<10240x16xf32, #tpu.memory_space<vmem_shared>>)
      %add3A_1029 = arith.constant 0 : i32
      %add3A_1030 = arith.addi %mul3A_1010, %add3A_1029 : i32
      %mul3A_1031 = arith.constant 128 : i32
      %mul3A_1032 = arith.muli %add3A_1030, %mul3A_1031 : i32
      %dma_wait3A_1033 = arith.constant 0 : i32
      %dma_wait3A_1034 = arith.constant 0 : i32
      %dma_wait3A_1035 = arith.constant 0 : i32
      %dma_wait3A_1036 = arith.constant 0 : i32
      %dma_wait3A_1037 = tpu.memref_slice %arg7[%dma_wait3A_1033, %dma_wait3A_1035, %dma_wait3A_1036] : memref<8x128x16xf32, #tpu.memory_space<vmem>> -> memref<1x128x16xf32, #tpu.memory_space<vmem>>
      %dma_wait3A_1038 = tpu.memref_squeeze %dma_wait3A_1037 : memref<1x128x16xf32, #tpu.memory_space<vmem>> -> memref<128x16xf32, #tpu.memory_space<vmem>>
      %dma_wait3A_1039 = tpu.memref_slice %arg5[%mul3A_1032] : memref<10240xi32, #tpu.memory_space<vmem>> -> memref<128xi32, #tpu.memory_space<vmem>>
      %dma_wait3A_1040 = arith.constant 0 : i32
      %dma_wait3A_1041 = arith.constant 0 : i32
      %dma_wait3A_1042 = tpu.memref_slice %arg10[%dma_wait3A_1040, %dma_wait3A_1041] : memref<10000x16xf32, #tpu.memory_space<vmem_shared>> -> memref<10000x16xf32, #tpu.memory_space<vmem_shared>>
      %dma_wait3A_1043 = tpu.memref_slice %arg14[%dma_wait3A_1034] : memref<8x!tpu.dma_semaphore, #tpu.memory_space<semaphore_mem>> -> memref<1x!tpu.dma_semaphore, #tpu.memory_space<semaphore_mem>>
      %dma_wait3A_1044 = tpu.memref_squeeze %dma_wait3A_1043 : memref<1x!tpu.dma_semaphore, #tpu.memory_space<semaphore_mem>> -> memref<!tpu.dma_semaphore, #tpu.memory_space<semaphore_mem>>
      tpu.wait_indirect_dma semaphore(%dma_wait3A_1044 : memref<!tpu.dma_semaphore, #tpu.memory_space<semaphore_mem>>) src(%dma_wait3A_1042 : memref<10000x16xf32, #tpu.memory_space<vmem_shared>>) dst(%dma_wait3A_1038 : memref<128x16xf32, #tpu.memory_space<vmem>>)
      %add3A_1045 = arith.constant 0 : i32
      %add3A_1046 = arith.addi %mul3A_1010, %add3A_1045 : i32
      %dma_start3A_1047 = arith.constant 0 : i32
      %dma_start3A_1048 = arith.constant 0 : i32
      %dma_start3A_1049 = arith.constant 0 : i32
      %dma_start3A_1050 = arith.constant 0 : i32
      %dma_start3A_1051 = tpu.memref_slice %arg7[%dma_start3A_1047, %dma_start3A_1049, %dma_start3A_1050] : memref<8x128x16xf32, #tpu.memory_space<vmem>> -> memref<1x128x16xf32, #tpu.memory_space<vmem>>
      %dma_start3A_1052 = tpu.memref_squeeze %dma_start3A_1051 : memref<1x128x16xf32, #tpu.memory_space<vmem>> -> memref<128x16xf32, #tpu.memory_space<vmem>>
      %dma_start3A_1053 = arith.constant 0 : i32
      %dma_start3A_1054 = tpu.memref_slice %arg6[%add3A_1046, %dma_start3A_1053] : memref<80x128xi32, #tpu.memory_space<vmem>> -> memref<1x128xi32, #tpu.memory_space<vmem>>
      %dma_start3A_1055 = tpu.memref_squeeze %dma_start3A_1054 : memref<1x128xi32, #tpu.memory_space<vmem>> -> memref<128xi32, #tpu.memory_space<vmem>>
      %dma_start3A_1056 = arith.constant 0 : i32
      %dma_start3A_1057 = arith.constant 0 : i32
      %dma_start3A_1058 = tpu.memref_slice %arg9[%dma_start3A_1056, %dma_start3A_1057] : memref<10240x16xf32, #tpu.memory_space<vmem_shared>> -> memref<10240x16xf32, #tpu.memory_space<vmem_shared>>
      %dma_start3A_1059 = tpu.memref_slice %arg15[%dma_start3A_1048] : memref<8x!tpu.dma_semaphore, #tpu.memory_space<semaphore_mem>> -> memref<1x!tpu.dma_semaphore, #tpu.memory_space<semaphore_mem>>
      %dma_start3A_1060 = tpu.memref_squeeze %dma_start3A_1059 : memref<1x!tpu.dma_semaphore, #tpu.memory_space<semaphore_mem>> -> memref<!tpu.dma_semaphore, #tpu.memory_space<semaphore_mem>>
      tpu.enqueue_indirect_dma source(%dma_start3A_1052 : memref<128x16xf32, #tpu.memory_space<vmem>>) target(%dma_start3A_1058 : memref<10240x16xf32, #tpu.memory_space<vmem_shared>>) offsets(%dma_start3A_1055 : memref<128xi32, #tpu.memory_space<vmem>>) semaphore(%dma_start3A_1060 : memref<!tpu.dma_semaphore, #tpu.memory_space<semaphore_mem>>) {add = true}
      %add3A_1061 = arith.constant 4 : i32
      %add3A_1062 = arith.addi %mul3A_1010, %add3A_1061 : i32
      %add3A_1063 = arith.constant 0 : i32
      %add3A_1064 = arith.addi %add3A_1062, %add3A_1063 : i32
      %mul3A_1065 = arith.constant 128 : i32
      %mul3A_1066 = arith.muli %add3A_1064, %mul3A_1065 : i32
      %dma_start3A_1067 = arith.constant 4 : i32
      %dma_start3A_1068 = arith.constant 4 : i32
      %dma_start3A_1069 = arith.constant 0 : i32
      %dma_start3A_1070 = arith.constant 0 : i32
      %dma_start3A_1071 = tpu.memref_slice %arg7[%dma_start3A_1067, %dma_start3A_1069, %dma_start3A_1070] : memref<8x128x16xf32, #tpu.memory_space<vmem>> -> memref<1x128x16xf32, #tpu.memory_space<vmem>>
      %dma_start3A_1072 = tpu.memref_squeeze %dma_start3A_1071 : memref<1x128x16xf32, #tpu.memory_space<vmem>> -> memref<128x16xf32, #tpu.memory_space<vmem>>
      %dma_start3A_1073 = tpu.memref_slice %arg5[%mul3A_1066] : memref<10240xi32, #tpu.memory_space<vmem>> -> memref<128xi32, #tpu.memory_space<vmem>>
      %dma_start3A_1074 = arith.constant 0 : i32
      %dma_start3A_1075 = arith.constant 0 : i32
      %dma_start3A_1076 = tpu.memref_slice %arg10[%dma_start3A_1074, %dma_start3A_1075] : memref<10000x16xf32, #tpu.memory_space<vmem_shared>> -> memref<10000x16xf32, #tpu.memory_space<vmem_shared>>
      %dma_start3A_1077 = tpu.memref_slice %arg14[%dma_start3A_1068] : memref<8x!tpu.dma_semaphore, #tpu.memory_space<semaphore_mem>> -> memref<1x!tpu.dma_semaphore, #tpu.memory_space<semaphore_mem>>
      %dma_start3A_1078 = tpu.memref_squeeze %dma_start3A_1077 : memref<1x!tpu.dma_semaphore, #tpu.memory_space<semaphore_mem>> -> memref<!tpu.dma_semaphore, #tpu.memory_space<semaphore_mem>>
      tpu.enqueue_indirect_dma source(%dma_start3A_1076 : memref<10000x16xf32, #tpu.memory_space<vmem_shared>>) target(%dma_start3A_1072 : memref<128x16xf32, #tpu.memory_space<vmem>>) offsets(%dma_start3A_1073 : memref<128xi32, #tpu.memory_space<vmem>>) semaphore(%dma_start3A_1078 : memref<!tpu.dma_semaphore, #tpu.memory_space<semaphore_mem>>)
      %sub3A_1079 = arith.constant 4 : i32
      %sub3A_1080 = arith.subi %mul3A_1010, %sub3A_1079 : i32
      %add3A_1081 = arith.constant 1 : i32
      %add3A_1082 = arith.addi %sub3A_1080, %add3A_1081 : i32
      %dma_wait3A_1083 = arith.constant 5 : i32
      %dma_wait3A_1084 = arith.constant 5 : i32
      %dma_wait3A_1085 = arith.constant 0 : i32
      %dma_wait3A_1086 = arith.constant 0 : i32
      %dma_wait3A_1087 = tpu.memref_slice %arg7[%dma_wait3A_1083, %dma_wait3A_1085, %dma_wait3A_1086] : memref<8x128x16xf32, #tpu.memory_space<vmem>> -> memref<1x128x16xf32, #tpu.memory_space<vmem>>
      %dma_wait3A_1088 = tpu.memref_squeeze %dma_wait3A_1087 : memref<1x128x16xf32, #tpu.memory_space<vmem>> -> memref<128x16xf32, #tpu.memory_space<vmem>>
      %dma_wait3A_1089 = arith.constant 0 : i32
      %dma_wait3A_1090 = tpu.memref_slice %arg6[%add3A_1082, %dma_wait3A_1089] : memref<80x128xi32, #tpu.memory_space<vmem>> -> memref<1x128xi32, #tpu.memory_space<vmem>>
      %dma_wait3A_1091 = tpu.memref_squeeze %dma_wait3A_1090 : memref<1x128xi32, #tpu.memory_space<vmem>> -> memref<128xi32, #tpu.memory_space<vmem>>
      %dma_wait3A_1092 = arith.constant 0 : i32
      %dma_wait3A_1093 = arith.constant 0 : i32
      %dma_wait3A_1094 = tpu.memref_slice %arg9[%dma_wait3A_1092, %dma_wait3A_1093] : memref<10240x16xf32, #tpu.memory_space<vmem_shared>> -> memref<10240x16xf32, #tpu.memory_space<vmem_shared>>
      %dma_wait3A_1095 = tpu.memref_slice %arg15[%dma_wait3A_1084] : memref<8x!tpu.dma_semaphore, #tpu.memory_space<semaphore_mem>> -> memref<1x!tpu.dma_semaphore, #tpu.memory_space<semaphore_mem>>
      %dma_wait3A_1096 = tpu.memref_squeeze %dma_wait3A_1095 : memref<1x!tpu.dma_semaphore, #tpu.memory_space<semaphore_mem>> -> memref<!tpu.dma_semaphore, #tpu.memory_space<semaphore_mem>>
      tpu.wait_indirect_dma semaphore(%dma_wait3A_1096 : memref<!tpu.dma_semaphore, #tpu.memory_space<semaphore_mem>>) src(%dma_wait3A_1088 : memref<128x16xf32, #tpu.memory_space<vmem>>) dst(%dma_wait3A_1094 : memref<10240x16xf32, #tpu.memory_space<vmem_shared>>)
      %add3A_1097 = arith.constant 1 : i32
      %add3A_1098 = arith.addi %mul3A_1010, %add3A_1097 : i32
      %mul3A_1099 = arith.constant 128 : i32
      %mul3A_1100 = arith.muli %add3A_1098, %mul3A_1099 : i32
      %dma_wait3A_1101 = arith.constant 1 : i32
      %dma_wait3A_1102 = arith.constant 1 : i32
      %dma_wait3A_1103 = arith.constant 0 : i32
      %dma_wait3A_1104 = arith.constant 0 : i32
      %dma_wait3A_1105 = tpu.memref_slice %arg7[%dma_wait3A_1101, %dma_wait3A_1103, %dma_wait3A_1104] : memref<8x128x16xf32, #tpu.memory_space<vmem>> -> memref<1x128x16xf32, #tpu.memory_space<vmem>>
      %dma_wait3A_1106 = tpu.memref_squeeze %dma_wait3A_1105 : memref<1x128x16xf32, #tpu.memory_space<vmem>> -> memref<128x16xf32, #tpu.memory_space<vmem>>
      %dma_wait3A_1107 = tpu.memref_slice %arg5[%mul3A_1100] : memref<10240xi32, #tpu.memory_space<vmem>> -> memref<128xi32, #tpu.memory_space<vmem>>
      %dma_wait3A_1108 = arith.constant 0 : i32
      %dma_wait3A_1109 = arith.constant 0 : i32
      %dma_wait3A_1110 = tpu.memref_slice %arg10[%dma_wait3A_1108, %dma_wait3A_1109] : memref<10000x16xf32, #tpu.memory_space<vmem_shared>> -> memref<10000x16xf32, #tpu.memory_space<vmem_shared>>
      %dma_wait3A_1111 = tpu.memref_slice %arg14[%dma_wait3A_1102] : memref<8x!tpu.dma_semaphore, #tpu.memory_space<semaphore_mem>> -> memref<1x!tpu.dma_semaphore, #tpu.memory_space<semaphore_mem>>
      %dma_wait3A_1112 = tpu.memref_squeeze %dma_wait3A_1111 : memref<1x!tpu.dma_semaphore, #tpu.memory_space<semaphore_mem>> -> memref<!tpu.dma_semaphore, #tpu.memory_space<semaphore_mem>>
      tpu.wait_indirect_dma semaphore(%dma_wait3A_1112 : memref<!tpu.dma_semaphore, #tpu.memory_space<semaphore_mem>>) src(%dma_wait3A_1110 : memref<10000x16xf32, #tpu.memory_space<vmem_shared>>) dst(%dma_wait3A_1106 : memref<128x16xf32, #tpu.memory_space<vmem>>)
      %add3A_1113 = arith.constant 1 : i32
      %add3A_1114 = arith.addi %mul3A_1010, %add3A_1113 : i32
      %dma_start3A_1115 = arith.constant 1 : i32
      %dma_start3A_1116 = arith.constant 1 : i32
      %dma_start3A_1117 = arith.constant 0 : i32
      %dma_start3A_1118 = arith.constant 0 : i32
      %dma_start3A_1119 = tpu.memref_slice %arg7[%dma_start3A_1115, %dma_start3A_1117, %dma_start3A_1118] : memref<8x128x16xf32, #tpu.memory_space<vmem>> -> memref<1x128x16xf32, #tpu.memory_space<vmem>>
      %dma_start3A_1120 = tpu.memref_squeeze %dma_start3A_1119 : memref<1x128x16xf32, #tpu.memory_space<vmem>> -> memref<128x16xf32, #tpu.memory_space<vmem>>
      %dma_start3A_1121 = arith.constant 0 : i32
      %dma_start3A_1122 = tpu.memref_slice %arg6[%add3A_1114, %dma_start3A_1121] : memref<80x128xi32, #tpu.memory_space<vmem>> -> memref<1x128xi32, #tpu.memory_space<vmem>>
      %dma_start3A_1123 = tpu.memref_squeeze %dma_start3A_1122 : memref<1x128xi32, #tpu.memory_space<vmem>> -> memref<128xi32, #tpu.memory_space<vmem>>
      %dma_start3A_1124 = arith.constant 0 : i32
      %dma_start3A_1125 = arith.constant 0 : i32
      %dma_start3A_1126 = tpu.memref_slice %arg9[%dma_start3A_1124, %dma_start3A_1125] : memref<10240x16xf32, #tpu.memory_space<vmem_shared>> -> memref<10240x16xf32, #tpu.memory_space<vmem_shared>>
      %dma_start3A_1127 = tpu.memref_slice %arg15[%dma_start3A_1116] : memref<8x!tpu.dma_semaphore, #tpu.memory_space<semaphore_mem>> -> memref<1x!tpu.dma_semaphore, #tpu.memory_space<semaphore_mem>>
      %dma_start3A_1128 = tpu.memref_squeeze %dma_start3A_1127 : memref<1x!tpu.dma_semaphore, #tpu.memory_space<semaphore_mem>> -> memref<!tpu.dma_semaphore, #tpu.memory_space<semaphore_mem>>
      tpu.enqueue_indirect_dma source(%dma_start3A_1120 : memref<128x16xf32, #tpu.memory_space<vmem>>) target(%dma_start3A_1126 : memref<10240x16xf32, #tpu.memory_space<vmem_shared>>) offsets(%dma_start3A_1123 : memref<128xi32, #tpu.memory_space<vmem>>) semaphore(%dma_start3A_1128 : memref<!tpu.dma_semaphore, #tpu.memory_space<semaphore_mem>>) {add = true}
      %add3A_1129 = arith.constant 4 : i32
      %add3A_1130 = arith.addi %mul3A_1010, %add3A_1129 : i32
      %add3A_1131 = arith.constant 1 : i32
      %add3A_1132 = arith.addi %add3A_1130, %add3A_1131 : i32
      %mul3A_1133 = arith.constant 128 : i32
      %mul3A_1134 = arith.muli %add3A_1132, %mul3A_1133 : i32
      %dma_start3A_1135 = arith.constant 5 : i32
      %dma_start3A_1136 = arith.constant 5 : i32
      %dma_start3A_1137 = arith.constant 0 : i32
      %dma_start3A_1138 = arith.constant 0 : i32
      %dma_start3A_1139 = tpu.memref_slice %arg7[%dma_start3A_1135, %dma_start3A_1137, %dma_start3A_1138] : memref<8x128x16xf32, #tpu.memory_space<vmem>> -> memref<1x128x16xf32, #tpu.memory_space<vmem>>
      %dma_start3A_1140 = tpu.memref_squeeze %dma_start3A_1139 : memref<1x128x16xf32, #tpu.memory_space<vmem>> -> memref<128x16xf32, #tpu.memory_space<vmem>>
      %dma_start3A_1141 = tpu.memref_slice %arg5[%mul3A_1134] : memref<10240xi32, #tpu.memory_space<vmem>> -> memref<128xi32, #tpu.memory_space<vmem>>
      %dma_start3A_1142 = arith.constant 0 : i32
      %dma_start3A_1143 = arith.constant 0 : i32
      %dma_start3A_1144 = tpu.memref_slice %arg10[%dma_start3A_1142, %dma_start3A_1143] : memref<10000x16xf32, #tpu.memory_space<vmem_shared>> -> memref<10000x16xf32, #tpu.memory_space<vmem_shared>>
      %dma_start3A_1145 = tpu.memref_slice %arg14[%dma_start3A_1136] : memref<8x!tpu.dma_semaphore, #tpu.memory_space<semaphore_mem>> -> memref<1x!tpu.dma_semaphore, #tpu.memory_space<semaphore_mem>>
      %dma_start3A_1146 = tpu.memref_squeeze %dma_start3A_1145 : memref<1x!tpu.dma_semaphore, #tpu.memory_space<semaphore_mem>> -> memref<!tpu.dma_semaphore, #tpu.memory_space<semaphore_mem>>
      tpu.enqueue_indirect_dma source(%dma_start3A_1144 : memref<10000x16xf32, #tpu.memory_space<vmem_shared>>) target(%dma_start3A_1140 : memref<128x16xf32, #tpu.memory_space<vmem>>) offsets(%dma_start3A_1141 : memref<128xi32, #tpu.memory_space<vmem>>) semaphore(%dma_start3A_1146 : memref<!tpu.dma_semaphore, #tpu.memory_space<semaphore_mem>>)
      %sub3A_1147 = arith.constant 4 : i32
      %sub3A_1148 = arith.subi %mul3A_1010, %sub3A_1147 : i32
      %add3A_1149 = arith.constant 2 : i32
      %add3A_1150 = arith.addi %sub3A_1148, %add3A_1149 : i32
      %dma_wait3A_1151 = arith.constant 6 : i32
      %dma_wait3A_1152 = arith.constant 6 : i32
      %dma_wait3A_1153 = arith.constant 0 : i32
      %dma_wait3A_1154 = arith.constant 0 : i32
      %dma_wait3A_1155 = tpu.memref_slice %arg7[%dma_wait3A_1151, %dma_wait3A_1153, %dma_wait3A_1154] : memref<8x128x16xf32, #tpu.memory_space<vmem>> -> memref<1x128x16xf32, #tpu.memory_space<vmem>>
      %dma_wait3A_1156 = tpu.memref_squeeze %dma_wait3A_1155 : memref<1x128x16xf32, #tpu.memory_space<vmem>> -> memref<128x16xf32, #tpu.memory_space<vmem>>
      %dma_wait3A_1157 = arith.constant 0 : i32
      %dma_wait3A_1158 = tpu.memref_slice %arg6[%add3A_1150, %dma_wait3A_1157] : memref<80x128xi32, #tpu.memory_space<vmem>> -> memref<1x128xi32, #tpu.memory_space<vmem>>
      %dma_wait3A_1159 = tpu.memref_squeeze %dma_wait3A_1158 : memref<1x128xi32, #tpu.memory_space<vmem>> -> memref<128xi32, #tpu.memory_space<vmem>>
      %dma_wait3A_1160 = arith.constant 0 : i32
      %dma_wait3A_1161 = arith.constant 0 : i32
      %dma_wait3A_1162 = tpu.memref_slice %arg9[%dma_wait3A_1160, %dma_wait3A_1161] : memref<10240x16xf32, #tpu.memory_space<vmem_shared>> -> memref<10240x16xf32, #tpu.memory_space<vmem_shared>>
      %dma_wait3A_1163 = tpu.memref_slice %arg15[%dma_wait3A_1152] : memref<8x!tpu.dma_semaphore, #tpu.memory_space<semaphore_mem>> -> memref<1x!tpu.dma_semaphore, #tpu.memory_space<semaphore_mem>>
      %dma_wait3A_1164 = tpu.memref_squeeze %dma_wait3A_1163 : memref<1x!tpu.dma_semaphore, #tpu.memory_space<semaphore_mem>> -> memref<!tpu.dma_semaphore, #tpu.memory_space<semaphore_mem>>
      tpu.wait_indirect_dma semaphore(%dma_wait3A_1164 : memref<!tpu.dma_semaphore, #tpu.memory_space<semaphore_mem>>) src(%dma_wait3A_1156 : memref<128x16xf32, #tpu.memory_space<vmem>>) dst(%dma_wait3A_1162 : memref<10240x16xf32, #tpu.memory_space<vmem_shared>>)
      %add3A_1165 = arith.constant 2 : i32
      %add3A_1166 = arith.addi %mul3A_1010, %add3A_1165 : i32
      %mul3A_1167 = arith.constant 128 : i32
      %mul3A_1168 = arith.muli %add3A_1166, %mul3A_1167 : i32
      %dma_wait3A_1169 = arith.constant 2 : i32
      %dma_wait3A_1170 = arith.constant 2 : i32
      %dma_wait3A_1171 = arith.constant 0 : i32
      %dma_wait3A_1172 = arith.constant 0 : i32
      %dma_wait3A_1173 = tpu.memref_slice %arg7[%dma_wait3A_1169, %dma_wait3A_1171, %dma_wait3A_1172] : memref<8x128x16xf32, #tpu.memory_space<vmem>> -> memref<1x128x16xf32, #tpu.memory_space<vmem>>
      %dma_wait3A_1174 = tpu.memref_squeeze %dma_wait3A_1173 : memref<1x128x16xf32, #tpu.memory_space<vmem>> -> memref<128x16xf32, #tpu.memory_space<vmem>>
      %dma_wait3A_1175 = tpu.memref_slice %arg5[%mul3A_1168] : memref<10240xi32, #tpu.memory_space<vmem>> -> memref<128xi32, #tpu.memory_space<vmem>>
      %dma_wait3A_1176 = arith.constant 0 : i32
      %dma_wait3A_1177 = arith.constant 0 : i32
      %dma_wait3A_1178 = tpu.memref_slice %arg10[%dma_wait3A_1176, %dma_wait3A_1177] : memref<10000x16xf32, #tpu.memory_space<vmem_shared>> -> memref<10000x16xf32, #tpu.memory_space<vmem_shared>>
      %dma_wait3A_1179 = tpu.memref_slice %arg14[%dma_wait3A_1170] : memref<8x!tpu.dma_semaphore, #tpu.memory_space<semaphore_mem>> -> memref<1x!tpu.dma_semaphore, #tpu.memory_space<semaphore_mem>>
      %dma_wait3A_1180 = tpu.memref_squeeze %dma_wait3A_1179 : memref<1x!tpu.dma_semaphore, #tpu.memory_space<semaphore_mem>> -> memref<!tpu.dma_semaphore, #tpu.memory_space<semaphore_mem>>
      tpu.wait_indirect_dma semaphore(%dma_wait3A_1180 : memref<!tpu.dma_semaphore, #tpu.memory_space<semaphore_mem>>) src(%dma_wait3A_1178 : memref<10000x16xf32, #tpu.memory_space<vmem_shared>>) dst(%dma_wait3A_1174 : memref<128x16xf32, #tpu.memory_space<vmem>>)
      %add3A_1181 = arith.constant 2 : i32
      %add3A_1182 = arith.addi %mul3A_1010, %add3A_1181 : i32
      %dma_start3A_1183 = arith.constant 2 : i32
      %dma_start3A_1184 = arith.constant 2 : i32
      %dma_start3A_1185 = arith.constant 0 : i32
      %dma_start3A_1186 = arith.constant 0 : i32
      %dma_start3A_1187 = tpu.memref_slice %arg7[%dma_start3A_1183, %dma_start3A_1185, %dma_start3A_1186] : memref<8x128x16xf32, #tpu.memory_space<vmem>> -> memref<1x128x16xf32, #tpu.memory_space<vmem>>
      %dma_start3A_1188 = tpu.memref_squeeze %dma_start3A_1187 : memref<1x128x16xf32, #tpu.memory_space<vmem>> -> memref<128x16xf32, #tpu.memory_space<vmem>>
      %dma_start3A_1189 = arith.constant 0 : i32
      %dma_start3A_1190 = tpu.memref_slice %arg6[%add3A_1182, %dma_start3A_1189] : memref<80x128xi32, #tpu.memory_space<vmem>> -> memref<1x128xi32, #tpu.memory_space<vmem>>
      %dma_start3A_1191 = tpu.memref_squeeze %dma_start3A_1190 : memref<1x128xi32, #tpu.memory_space<vmem>> -> memref<128xi32, #tpu.memory_space<vmem>>
      %dma_start3A_1192 = arith.constant 0 : i32
      %dma_start3A_1193 = arith.constant 0 : i32
      %dma_start3A_1194 = tpu.memref_slice %arg9[%dma_start3A_1192, %dma_start3A_1193] : memref<10240x16xf32, #tpu.memory_space<vmem_shared>> -> memref<10240x16xf32, #tpu.memory_space<vmem_shared>>
      %dma_start3A_1195 = tpu.memref_slice %arg15[%dma_start3A_1184] : memref<8x!tpu.dma_semaphore, #tpu.memory_space<semaphore_mem>> -> memref<1x!tpu.dma_semaphore, #tpu.memory_space<semaphore_mem>>
      %dma_start3A_1196 = tpu.memref_squeeze %dma_start3A_1195 : memref<1x!tpu.dma_semaphore, #tpu.memory_space<semaphore_mem>> -> memref<!tpu.dma_semaphore, #tpu.memory_space<semaphore_mem>>
      tpu.enqueue_indirect_dma source(%dma_start3A_1188 : memref<128x16xf32, #tpu.memory_space<vmem>>) target(%dma_start3A_1194 : memref<10240x16xf32, #tpu.memory_space<vmem_shared>>) offsets(%dma_start3A_1191 : memref<128xi32, #tpu.memory_space<vmem>>) semaphore(%dma_start3A_1196 : memref<!tpu.dma_semaphore, #tpu.memory_space<semaphore_mem>>) {add = true}
      %add3A_1197 = arith.constant 4 : i32
      %add3A_1198 = arith.addi %mul3A_1010, %add3A_1197 : i32
      %add3A_1199 = arith.constant 2 : i32
      %add3A_1200 = arith.addi %add3A_1198, %add3A_1199 : i32
      %mul3A_1201 = arith.constant 128 : i32
      %mul3A_1202 = arith.muli %add3A_1200, %mul3A_1201 : i32
      %dma_start3A_1203 = arith.constant 6 : i32
      %dma_start3A_1204 = arith.constant 6 : i32
      %dma_start3A_1205 = arith.constant 0 : i32
      %dma_start3A_1206 = arith.constant 0 : i32
      %dma_start3A_1207 = tpu.memref_slice %arg7[%dma_start3A_1203, %dma_start3A_1205, %dma_start3A_1206] : memref<8x128x16xf32, #tpu.memory_space<vmem>> -> memref<1x128x16xf32, #tpu.memory_space<vmem>>
      %dma_start3A_1208 = tpu.memref_squeeze %dma_start3A_1207 : memref<1x128x16xf32, #tpu.memory_space<vmem>> -> memref<128x16xf32, #tpu.memory_space<vmem>>
      %dma_start3A_1209 = tpu.memref_slice %arg5[%mul3A_1202] : memref<10240xi32, #tpu.memory_space<vmem>> -> memref<128xi32, #tpu.memory_space<vmem>>
      %dma_start3A_1210 = arith.constant 0 : i32
      %dma_start3A_1211 = arith.constant 0 : i32
      %dma_start3A_1212 = tpu.memref_slice %arg10[%dma_start3A_1210, %dma_start3A_1211] : memref<10000x16xf32, #tpu.memory_space<vmem_shared>> -> memref<10000x16xf32, #tpu.memory_space<vmem_shared>>
      %dma_start3A_1213 = tpu.memref_slice %arg14[%dma_start3A_1204] : memref<8x!tpu.dma_semaphore, #tpu.memory_space<semaphore_mem>> -> memref<1x!tpu.dma_semaphore, #tpu.memory_space<semaphore_mem>>
      %dma_start3A_1214 = tpu.memref_squeeze %dma_start3A_1213 : memref<1x!tpu.dma_semaphore, #tpu.memory_space<semaphore_mem>> -> memref<!tpu.dma_semaphore, #tpu.memory_space<semaphore_mem>>
      tpu.enqueue_indirect_dma source(%dma_start3A_1212 : memref<10000x16xf32, #tpu.memory_space<vmem_shared>>) target(%dma_start3A_1208 : memref<128x16xf32, #tpu.memory_space<vmem>>) offsets(%dma_start3A_1209 : memref<128xi32, #tpu.memory_space<vmem>>) semaphore(%dma_start3A_1214 : memref<!tpu.dma_semaphore, #tpu.memory_space<semaphore_mem>>)
      %sub3A_1215 = arith.constant 4 : i32
      %sub3A_1216 = arith.subi %mul3A_1010, %sub3A_1215 : i32
      %add3A_1217 = arith.constant 3 : i32
      %add3A_1218 = arith.addi %sub3A_1216, %add3A_1217 : i32
      %dma_wait3A_1219 = arith.constant 7 : i32
      %dma_wait3A_1220 = arith.constant 7 : i32
      %dma_wait3A_1221 = arith.constant 0 : i32
      %dma_wait3A_1222 = arith.constant 0 : i32
      %dma_wait3A_1223 = tpu.memref_slice %arg7[%dma_wait3A_1219, %dma_wait3A_1221, %dma_wait3A_1222] : memref<8x128x16xf32, #tpu.memory_space<vmem>> -> memref<1x128x16xf32, #tpu.memory_space<vmem>>
      %dma_wait3A_1224 = tpu.memref_squeeze %dma_wait3A_1223 : memref<1x128x16xf32, #tpu.memory_space<vmem>> -> memref<128x16xf32, #tpu.memory_space<vmem>>
      %dma_wait3A_1225 = arith.constant 0 : i32
      %dma_wait3A_1226 = tpu.memref_slice %arg6[%add3A_1218, %dma_wait3A_1225] : memref<80x128xi32, #tpu.memory_space<vmem>> -> memref<1x128xi32, #tpu.memory_space<vmem>>
      %dma_wait3A_1227 = tpu.memref_squeeze %dma_wait3A_1226 : memref<1x128xi32, #tpu.memory_space<vmem>> -> memref<128xi32, #tpu.memory_space<vmem>>
      %dma_wait3A_1228 = arith.constant 0 : i32
      %dma_wait3A_1229 = arith.constant 0 : i32
      %dma_wait3A_1230 = tpu.memref_slice %arg9[%dma_wait3A_1228, %dma_wait3A_1229] : memref<10240x16xf32, #tpu.memory_space<vmem_shared>> -> memref<10240x16xf32, #tpu.memory_space<vmem_shared>>
      %dma_wait3A_1231 = tpu.memref_slice %arg15[%dma_wait3A_1220] : memref<8x!tpu.dma_semaphore, #tpu.memory_space<semaphore_mem>> -> memref<1x!tpu.dma_semaphore, #tpu.memory_space<semaphore_mem>>
      %dma_wait3A_1232 = tpu.memref_squeeze %dma_wait3A_1231 : memref<1x!tpu.dma_semaphore, #tpu.memory_space<semaphore_mem>> -> memref<!tpu.dma_semaphore, #tpu.memory_space<semaphore_mem>>
      tpu.wait_indirect_dma semaphore(%dma_wait3A_1232 : memref<!tpu.dma_semaphore, #tpu.memory_space<semaphore_mem>>) src(%dma_wait3A_1224 : memref<128x16xf32, #tpu.memory_space<vmem>>) dst(%dma_wait3A_1230 : memref<10240x16xf32, #tpu.memory_space<vmem_shared>>)
      %add3A_1233 = arith.constant 3 : i32
      %add3A_1234 = arith.addi %mul3A_1010, %add3A_1233 : i32
      %mul3A_1235 = arith.constant 128 : i32
      %mul3A_1236 = arith.muli %add3A_1234, %mul3A_1235 : i32
      %dma_wait3A_1237 = arith.constant 3 : i32
      %dma_wait3A_1238 = arith.constant 3 : i32
      %dma_wait3A_1239 = arith.constant 0 : i32
      %dma_wait3A_1240 = arith.constant 0 : i32
      %dma_wait3A_1241 = tpu.memref_slice %arg7[%dma_wait3A_1237, %dma_wait3A_1239, %dma_wait3A_1240] : memref<8x128x16xf32, #tpu.memory_space<vmem>> -> memref<1x128x16xf32, #tpu.memory_space<vmem>>
      %dma_wait3A_1242 = tpu.memref_squeeze %dma_wait3A_1241 : memref<1x128x16xf32, #tpu.memory_space<vmem>> -> memref<128x16xf32, #tpu.memory_space<vmem>>
      %dma_wait3A_1243 = tpu.memref_slice %arg5[%mul3A_1236] : memref<10240xi32, #tpu.memory_space<vmem>> -> memref<128xi32, #tpu.memory_space<vmem>>
      %dma_wait3A_1244 = arith.constant 0 : i32
      %dma_wait3A_1245 = arith.constant 0 : i32
      %dma_wait3A_1246 = tpu.memref_slice %arg10[%dma_wait3A_1244, %dma_wait3A_1245] : memref<10000x16xf32, #tpu.memory_space<vmem_shared>> -> memref<10000x16xf32, #tpu.memory_space<vmem_shared>>
      %dma_wait3A_1247 = tpu.memref_slice %arg14[%dma_wait3A_1238] : memref<8x!tpu.dma_semaphore, #tpu.memory_space<semaphore_mem>> -> memref<1x!tpu.dma_semaphore, #tpu.memory_space<semaphore_mem>>
      %dma_wait3A_1248 = tpu.memref_squeeze %dma_wait3A_1247 : memref<1x!tpu.dma_semaphore, #tpu.memory_space<semaphore_mem>> -> memref<!tpu.dma_semaphore, #tpu.memory_space<semaphore_mem>>
      tpu.wait_indirect_dma semaphore(%dma_wait3A_1248 : memref<!tpu.dma_semaphore, #tpu.memory_space<semaphore_mem>>) src(%dma_wait3A_1246 : memref<10000x16xf32, #tpu.memory_space<vmem_shared>>) dst(%dma_wait3A_1242 : memref<128x16xf32, #tpu.memory_space<vmem>>)
      %add3A_1249 = arith.constant 3 : i32
      %add3A_1250 = arith.addi %mul3A_1010, %add3A_1249 : i32
      %dma_start3A_1251 = arith.constant 3 : i32
      %dma_start3A_1252 = arith.constant 3 : i32
      %dma_start3A_1253 = arith.constant 0 : i32
      %dma_start3A_1254 = arith.constant 0 : i32
      %dma_start3A_1255 = tpu.memref_slice %arg7[%dma_start3A_1251, %dma_start3A_1253, %dma_start3A_1254] : memref<8x128x16xf32, #tpu.memory_space<vmem>> -> memref<1x128x16xf32, #tpu.memory_space<vmem>>
      %dma_start3A_1256 = tpu.memref_squeeze %dma_start3A_1255 : memref<1x128x16xf32, #tpu.memory_space<vmem>> -> memref<128x16xf32, #tpu.memory_space<vmem>>
      %dma_start3A_1257 = arith.constant 0 : i32
      %dma_start3A_1258 = tpu.memref_slice %arg6[%add3A_1250, %dma_start3A_1257] : memref<80x128xi32, #tpu.memory_space<vmem>> -> memref<1x128xi32, #tpu.memory_space<vmem>>
      %dma_start3A_1259 = tpu.memref_squeeze %dma_start3A_1258 : memref<1x128xi32, #tpu.memory_space<vmem>> -> memref<128xi32, #tpu.memory_space<vmem>>
      %dma_start3A_1260 = arith.constant 0 : i32
      %dma_start3A_1261 = arith.constant 0 : i32
      %dma_start3A_1262 = tpu.memref_slice %arg9[%dma_start3A_1260, %dma_start3A_1261] : memref<10240x16xf32, #tpu.memory_space<vmem_shared>> -> memref<10240x16xf32, #tpu.memory_space<vmem_shared>>
      %dma_start3A_1263 = tpu.memref_slice %arg15[%dma_start3A_1252] : memref<8x!tpu.dma_semaphore, #tpu.memory_space<semaphore_mem>> -> memref<1x!tpu.dma_semaphore, #tpu.memory_space<semaphore_mem>>
      %dma_start3A_1264 = tpu.memref_squeeze %dma_start3A_1263 : memref<1x!tpu.dma_semaphore, #tpu.memory_space<semaphore_mem>> -> memref<!tpu.dma_semaphore, #tpu.memory_space<semaphore_mem>>
      tpu.enqueue_indirect_dma source(%dma_start3A_1256 : memref<128x16xf32, #tpu.memory_space<vmem>>) target(%dma_start3A_1262 : memref<10240x16xf32, #tpu.memory_space<vmem_shared>>) offsets(%dma_start3A_1259 : memref<128xi32, #tpu.memory_space<vmem>>) semaphore(%dma_start3A_1264 : memref<!tpu.dma_semaphore, #tpu.memory_space<semaphore_mem>>) {add = true}
      %add3A_1265 = arith.constant 4 : i32
      %add3A_1266 = arith.addi %mul3A_1010, %add3A_1265 : i32
      %add3A_1267 = arith.constant 3 : i32
      %add3A_1268 = arith.addi %add3A_1266, %add3A_1267 : i32
      %mul3A_1269 = arith.constant 128 : i32
      %mul3A_1270 = arith.muli %add3A_1268, %mul3A_1269 : i32
      %dma_start3A_1271 = arith.constant 7 : i32
      %dma_start3A_1272 = arith.constant 7 : i32
      %dma_start3A_1273 = arith.constant 0 : i32
      %dma_start3A_1274 = arith.constant 0 : i32
      %dma_start3A_1275 = tpu.memref_slice %arg7[%dma_start3A_1271, %dma_start3A_1273, %dma_start3A_1274] : memref<8x128x16xf32, #tpu.memory_space<vmem>> -> memref<1x128x16xf32, #tpu.memory_space<vmem>>
      %dma_start3A_1276 = tpu.memref_squeeze %dma_start3A_1275 : memref<1x128x16xf32, #tpu.memory_space<vmem>> -> memref<128x16xf32, #tpu.memory_space<vmem>>
      %dma_start3A_1277 = tpu.memref_slice %arg5[%mul3A_1270] : memref<10240xi32, #tpu.memory_space<vmem>> -> memref<128xi32, #tpu.memory_space<vmem>>
      %dma_start3A_1278 = arith.constant 0 : i32
      %dma_start3A_1279 = arith.constant 0 : i32
      %dma_start3A_1280 = tpu.memref_slice %arg10[%dma_start3A_1278, %dma_start3A_1279] : memref<10000x16xf32, #tpu.memory_space<vmem_shared>> -> memref<10000x16xf32, #tpu.memory_space<vmem_shared>>
      %dma_start3A_1281 = tpu.memref_slice %arg14[%dma_start3A_1272] : memref<8x!tpu.dma_semaphore, #tpu.memory_space<semaphore_mem>> -> memref<1x!tpu.dma_semaphore, #tpu.memory_space<semaphore_mem>>
      %dma_start3A_1282 = tpu.memref_squeeze %dma_start3A_1281 : memref<1x!tpu.dma_semaphore, #tpu.memory_space<semaphore_mem>> -> memref<!tpu.dma_semaphore, #tpu.memory_space<semaphore_mem>>
      tpu.enqueue_indirect_dma source(%dma_start3A_1280 : memref<10000x16xf32, #tpu.memory_space<vmem_shared>>) target(%dma_start3A_1276 : memref<128x16xf32, #tpu.memory_space<vmem>>) offsets(%dma_start3A_1277 : memref<128xi32, #tpu.memory_space<vmem>>) semaphore(%dma_start3A_1282 : memref<!tpu.dma_semaphore, #tpu.memory_space<semaphore_mem>>)
    }
    %scan3A_481 = arith.constant 9 : i32
    %dma_wait3A_482 = arith.constant 0 : i32
    %dma_wait3A_483 = arith.constant 72 : i32
    %dma_wait3A_484 = arith.constant 0 : i32
    %dma_wait3A_485 = arith.constant 0 : i32
    %dma_wait3A_486 = arith.constant 0 : i32
    %dma_wait3A_487 = tpu.memref_slice %arg7[%dma_wait3A_482, %dma_wait3A_485, %dma_wait3A_486] : memref<8x128x16xf32, #tpu.memory_space<vmem>> -> memref<1x128x16xf32, #tpu.memory_space<vmem>>
    %dma_wait3A_488 = tpu.memref_squeeze %dma_wait3A_487 : memref<1x128x16xf32, #tpu.memory_space<vmem>> -> memref<128x16xf32, #tpu.memory_space<vmem>>
    %dma_wait3A_489 = arith.constant 0 : i32
    %dma_wait3A_490 = tpu.memref_slice %arg6[%dma_wait3A_483, %dma_wait3A_489] : memref<80x128xi32, #tpu.memory_space<vmem>> -> memref<1x128xi32, #tpu.memory_space<vmem>>
    %dma_wait3A_491 = tpu.memref_squeeze %dma_wait3A_490 : memref<1x128xi32, #tpu.memory_space<vmem>> -> memref<128xi32, #tpu.memory_space<vmem>>
    %dma_wait3A_492 = arith.constant 0 : i32
    %dma_wait3A_493 = arith.constant 0 : i32
    %dma_wait3A_494 = tpu.memref_slice %arg9[%dma_wait3A_492, %dma_wait3A_493] : memref<10240x16xf32, #tpu.memory_space<vmem_shared>> -> memref<10240x16xf32, #tpu.memory_space<vmem_shared>>
    %dma_wait3A_495 = tpu.memref_slice %arg15[%dma_wait3A_484] : memref<8x!tpu.dma_semaphore, #tpu.memory_space<semaphore_mem>> -> memref<1x!tpu.dma_semaphore, #tpu.memory_space<semaphore_mem>>
    %dma_wait3A_496 = tpu.memref_squeeze %dma_wait3A_495 : memref<1x!tpu.dma_semaphore, #tpu.memory_space<semaphore_mem>> -> memref<!tpu.dma_semaphore, #tpu.memory_space<semaphore_mem>>
    tpu.wait_indirect_dma semaphore(%dma_wait3A_496 : memref<!tpu.dma_semaphore, #tpu.memory_space<semaphore_mem>>) src(%dma_wait3A_488 : memref<128x16xf32, #tpu.memory_space<vmem>>) dst(%dma_wait3A_494 : memref<10240x16xf32, #tpu.memory_space<vmem_shared>>)
    %dma_wait3A_497 = arith.constant 4 : i32
    %dma_wait3A_498 = arith.constant 4 : i32
    %dma_wait3A_499 = arith.constant 0 : i32
    %dma_wait3A_500 = arith.constant 0 : i32
    %dma_wait3A_501 = tpu.memref_slice %arg7[%dma_wait3A_497, %dma_wait3A_499, %dma_wait3A_500] : memref<8x128x16xf32, #tpu.memory_space<vmem>> -> memref<1x128x16xf32, #tpu.memory_space<vmem>>
    %dma_wait3A_502 = tpu.memref_squeeze %dma_wait3A_501 : memref<1x128x16xf32, #tpu.memory_space<vmem>> -> memref<128x16xf32, #tpu.memory_space<vmem>>
    %dma_wait3A_503 = arith.constant 9728 : i32
    %dma_wait3A_504 = tpu.memref_slice %arg5[%dma_wait3A_503] : memref<10240xi32, #tpu.memory_space<vmem>> -> memref<128xi32, #tpu.memory_space<vmem>>
    %dma_wait3A_505 = arith.constant 0 : i32
    %dma_wait3A_506 = arith.constant 0 : i32
    %dma_wait3A_507 = tpu.memref_slice %arg10[%dma_wait3A_505, %dma_wait3A_506] : memref<10000x16xf32, #tpu.memory_space<vmem_shared>> -> memref<10000x16xf32, #tpu.memory_space<vmem_shared>>
    %dma_wait3A_508 = tpu.memref_slice %arg14[%dma_wait3A_498] : memref<8x!tpu.dma_semaphore, #tpu.memory_space<semaphore_mem>> -> memref<1x!tpu.dma_semaphore, #tpu.memory_space<semaphore_mem>>
    %dma_wait3A_509 = tpu.memref_squeeze %dma_wait3A_508 : memref<1x!tpu.dma_semaphore, #tpu.memory_space<semaphore_mem>> -> memref<!tpu.dma_semaphore, #tpu.memory_space<semaphore_mem>>
    tpu.wait_indirect_dma semaphore(%dma_wait3A_509 : memref<!tpu.dma_semaphore, #tpu.memory_space<semaphore_mem>>) src(%dma_wait3A_507 : memref<10000x16xf32, #tpu.memory_space<vmem_shared>>) dst(%dma_wait3A_502 : memref<128x16xf32, #tpu.memory_space<vmem>>)
    %dma_start3A_510 = arith.constant 4 : i32
    %dma_start3A_511 = arith.constant 76 : i32
    %dma_start3A_512 = arith.constant 4 : i32
    %dma_start3A_513 = arith.constant 0 : i32
    %dma_start3A_514 = arith.constant 0 : i32
    %dma_start3A_515 = tpu.memref_slice %arg7[%dma_start3A_510, %dma_start3A_513, %dma_start3A_514] : memref<8x128x16xf32, #tpu.memory_space<vmem>> -> memref<1x128x16xf32, #tpu.memory_space<vmem>>
    %dma_start3A_516 = tpu.memref_squeeze %dma_start3A_515 : memref<1x128x16xf32, #tpu.memory_space<vmem>> -> memref<128x16xf32, #tpu.memory_space<vmem>>
    %dma_start3A_517 = arith.constant 0 : i32
    %dma_start3A_518 = tpu.memref_slice %arg6[%dma_start3A_511, %dma_start3A_517] : memref<80x128xi32, #tpu.memory_space<vmem>> -> memref<1x128xi32, #tpu.memory_space<vmem>>
    %dma_start3A_519 = tpu.memref_squeeze %dma_start3A_518 : memref<1x128xi32, #tpu.memory_space<vmem>> -> memref<128xi32, #tpu.memory_space<vmem>>
    %dma_start3A_520 = arith.constant 0 : i32
    %dma_start3A_521 = arith.constant 0 : i32
    %dma_start3A_522 = tpu.memref_slice %arg9[%dma_start3A_520, %dma_start3A_521] : memref<10240x16xf32, #tpu.memory_space<vmem_shared>> -> memref<10240x16xf32, #tpu.memory_space<vmem_shared>>
    %dma_start3A_523 = tpu.memref_slice %arg15[%dma_start3A_512] : memref<8x!tpu.dma_semaphore, #tpu.memory_space<semaphore_mem>> -> memref<1x!tpu.dma_semaphore, #tpu.memory_space<semaphore_mem>>
    %dma_start3A_524 = tpu.memref_squeeze %dma_start3A_523 : memref<1x!tpu.dma_semaphore, #tpu.memory_space<semaphore_mem>> -> memref<!tpu.dma_semaphore, #tpu.memory_space<semaphore_mem>>
    tpu.enqueue_indirect_dma source(%dma_start3A_516 : memref<128x16xf32, #tpu.memory_space<vmem>>) target(%dma_start3A_522 : memref<10240x16xf32, #tpu.memory_space<vmem_shared>>) offsets(%dma_start3A_519 : memref<128xi32, #tpu.memory_space<vmem>>) semaphore(%dma_start3A_524 : memref<!tpu.dma_semaphore, #tpu.memory_space<semaphore_mem>>) {add = true}
    %dma_wait3A_525 = arith.constant 1 : i32
    %dma_wait3A_526 = arith.constant 73 : i32
    %dma_wait3A_527 = arith.constant 1 : i32
    %dma_wait3A_528 = arith.constant 0 : i32
    %dma_wait3A_529 = arith.constant 0 : i32
    %dma_wait3A_530 = tpu.memref_slice %arg7[%dma_wait3A_525, %dma_wait3A_528, %dma_wait3A_529] : memref<8x128x16xf32, #tpu.memory_space<vmem>> -> memref<1x128x16xf32, #tpu.memory_space<vmem>>
    %dma_wait3A_531 = tpu.memref_squeeze %dma_wait3A_530 : memref<1x128x16xf32, #tpu.memory_space<vmem>> -> memref<128x16xf32, #tpu.memory_space<vmem>>
    %dma_wait3A_532 = arith.constant 0 : i32
    %dma_wait3A_533 = tpu.memref_slice %arg6[%dma_wait3A_526, %dma_wait3A_532] : memref<80x128xi32, #tpu.memory_space<vmem>> -> memref<1x128xi32, #tpu.memory_space<vmem>>
    %dma_wait3A_534 = tpu.memref_squeeze %dma_wait3A_533 : memref<1x128xi32, #tpu.memory_space<vmem>> -> memref<128xi32, #tpu.memory_space<vmem>>
    %dma_wait3A_535 = arith.constant 0 : i32
    %dma_wait3A_536 = arith.constant 0 : i32
    %dma_wait3A_537 = tpu.memref_slice %arg9[%dma_wait3A_535, %dma_wait3A_536] : memref<10240x16xf32, #tpu.memory_space<vmem_shared>> -> memref<10240x16xf32, #tpu.memory_space<vmem_shared>>
    %dma_wait3A_538 = tpu.memref_slice %arg15[%dma_wait3A_527] : memref<8x!tpu.dma_semaphore, #tpu.memory_space<semaphore_mem>> -> memref<1x!tpu.dma_semaphore, #tpu.memory_space<semaphore_mem>>
    %dma_wait3A_539 = tpu.memref_squeeze %dma_wait3A_538 : memref<1x!tpu.dma_semaphore, #tpu.memory_space<semaphore_mem>> -> memref<!tpu.dma_semaphore, #tpu.memory_space<semaphore_mem>>
    tpu.wait_indirect_dma semaphore(%dma_wait3A_539 : memref<!tpu.dma_semaphore, #tpu.memory_space<semaphore_mem>>) src(%dma_wait3A_531 : memref<128x16xf32, #tpu.memory_space<vmem>>) dst(%dma_wait3A_537 : memref<10240x16xf32, #tpu.memory_space<vmem_shared>>)
    %dma_wait3A_540 = arith.constant 5 : i32
    %dma_wait3A_541 = arith.constant 5 : i32
    %dma_wait3A_542 = arith.constant 0 : i32
    %dma_wait3A_543 = arith.constant 0 : i32
    %dma_wait3A_544 = tpu.memref_slice %arg7[%dma_wait3A_540, %dma_wait3A_542, %dma_wait3A_543] : memref<8x128x16xf32, #tpu.memory_space<vmem>> -> memref<1x128x16xf32, #tpu.memory_space<vmem>>
    %dma_wait3A_545 = tpu.memref_squeeze %dma_wait3A_544 : memref<1x128x16xf32, #tpu.memory_space<vmem>> -> memref<128x16xf32, #tpu.memory_space<vmem>>
    %dma_wait3A_546 = arith.constant 9856 : i32
    %dma_wait3A_547 = tpu.memref_slice %arg5[%dma_wait3A_546] : memref<10240xi32, #tpu.memory_space<vmem>> -> memref<128xi32, #tpu.memory_space<vmem>>
    %dma_wait3A_548 = arith.constant 0 : i32
    %dma_wait3A_549 = arith.constant 0 : i32
    %dma_wait3A_550 = tpu.memref_slice %arg10[%dma_wait3A_548, %dma_wait3A_549] : memref<10000x16xf32, #tpu.memory_space<vmem_shared>> -> memref<10000x16xf32, #tpu.memory_space<vmem_shared>>
    %dma_wait3A_551 = tpu.memref_slice %arg14[%dma_wait3A_541] : memref<8x!tpu.dma_semaphore, #tpu.memory_space<semaphore_mem>> -> memref<1x!tpu.dma_semaphore, #tpu.memory_space<semaphore_mem>>
    %dma_wait3A_552 = tpu.memref_squeeze %dma_wait3A_551 : memref<1x!tpu.dma_semaphore, #tpu.memory_space<semaphore_mem>> -> memref<!tpu.dma_semaphore, #tpu.memory_space<semaphore_mem>>
    tpu.wait_indirect_dma semaphore(%dma_wait3A_552 : memref<!tpu.dma_semaphore, #tpu.memory_space<semaphore_mem>>) src(%dma_wait3A_550 : memref<10000x16xf32, #tpu.memory_space<vmem_shared>>) dst(%dma_wait3A_545 : memref<128x16xf32, #tpu.memory_space<vmem>>)
    %dma_start3A_553 = arith.constant 5 : i32
    %dma_start3A_554 = arith.constant 77 : i32
    %dma_start3A_555 = arith.constant 5 : i32
    %dma_start3A_556 = arith.constant 0 : i32
    %dma_start3A_557 = arith.constant 0 : i32
    %dma_start3A_558 = tpu.memref_slice %arg7[%dma_start3A_553, %dma_start3A_556, %dma_start3A_557] : memref<8x128x16xf32, #tpu.memory_space<vmem>> -> memref<1x128x16xf32, #tpu.memory_space<vmem>>
    %dma_start3A_559 = tpu.memref_squeeze %dma_start3A_558 : memref<1x128x16xf32, #tpu.memory_space<vmem>> -> memref<128x16xf32, #tpu.memory_space<vmem>>
    %dma_start3A_560 = arith.constant 0 : i32
    %dma_start3A_561 = tpu.memref_slice %arg6[%dma_start3A_554, %dma_start3A_560] : memref<80x128xi32, #tpu.memory_space<vmem>> -> memref<1x128xi32, #tpu.memory_space<vmem>>
    %dma_start3A_562 = tpu.memref_squeeze %dma_start3A_561 : memref<1x128xi32, #tpu.memory_space<vmem>> -> memref<128xi32, #tpu.memory_space<vmem>>
    %dma_start3A_563 = arith.constant 0 : i32
    %dma_start3A_564 = arith.constant 0 : i32
    %dma_start3A_565 = tpu.memref_slice %arg9[%dma_start3A_563, %dma_start3A_564] : memref<10240x16xf32, #tpu.memory_space<vmem_shared>> -> memref<10240x16xf32, #tpu.memory_space<vmem_shared>>
    %dma_start3A_566 = tpu.memref_slice %arg15[%dma_start3A_555] : memref<8x!tpu.dma_semaphore, #tpu.memory_space<semaphore_mem>> -> memref<1x!tpu.dma_semaphore, #tpu.memory_space<semaphore_mem>>
    %dma_start3A_567 = tpu.memref_squeeze %dma_start3A_566 : memref<1x!tpu.dma_semaphore, #tpu.memory_space<semaphore_mem>> -> memref<!tpu.dma_semaphore, #tpu.memory_space<semaphore_mem>>
    tpu.enqueue_indirect_dma source(%dma_start3A_559 : memref<128x16xf32, #tpu.memory_space<vmem>>) target(%dma_start3A_565 : memref<10240x16xf32, #tpu.memory_space<vmem_shared>>) offsets(%dma_start3A_562 : memref<128xi32, #tpu.memory_space<vmem>>) semaphore(%dma_start3A_567 : memref<!tpu.dma_semaphore, #tpu.memory_space<semaphore_mem>>) {add = true}
    %dma_wait3A_568 = arith.constant 2 : i32
    %dma_wait3A_569 = arith.constant 74 : i32
    %dma_wait3A_570 = arith.constant 2 : i32
    %dma_wait3A_571 = arith.constant 0 : i32
    %dma_wait3A_572 = arith.constant 0 : i32
    %dma_wait3A_573 = tpu.memref_slice %arg7[%dma_wait3A_568, %dma_wait3A_571, %dma_wait3A_572] : memref<8x128x16xf32, #tpu.memory_space<vmem>> -> memref<1x128x16xf32, #tpu.memory_space<vmem>>
    %dma_wait3A_574 = tpu.memref_squeeze %dma_wait3A_573 : memref<1x128x16xf32, #tpu.memory_space<vmem>> -> memref<128x16xf32, #tpu.memory_space<vmem>>
    %dma_wait3A_575 = arith.constant 0 : i32
    %dma_wait3A_576 = tpu.memref_slice %arg6[%dma_wait3A_569, %dma_wait3A_575] : memref<80x128xi32, #tpu.memory_space<vmem>> -> memref<1x128xi32, #tpu.memory_space<vmem>>
    %dma_wait3A_577 = tpu.memref_squeeze %dma_wait3A_576 : memref<1x128xi32, #tpu.memory_space<vmem>> -> memref<128xi32, #tpu.memory_space<vmem>>
    %dma_wait3A_578 = arith.constant 0 : i32
    %dma_wait3A_579 = arith.constant 0 : i32
    %dma_wait3A_580 = tpu.memref_slice %arg9[%dma_wait3A_578, %dma_wait3A_579] : memref<10240x16xf32, #tpu.memory_space<vmem_shared>> -> memref<10240x16xf32, #tpu.memory_space<vmem_shared>>
    %dma_wait3A_581 = tpu.memref_slice %arg15[%dma_wait3A_570] : memref<8x!tpu.dma_semaphore, #tpu.memory_space<semaphore_mem>> -> memref<1x!tpu.dma_semaphore, #tpu.memory_space<semaphore_mem>>
    %dma_wait3A_582 = tpu.memref_squeeze %dma_wait3A_581 : memref<1x!tpu.dma_semaphore, #tpu.memory_space<semaphore_mem>> -> memref<!tpu.dma_semaphore, #tpu.memory_space<semaphore_mem>>
    tpu.wait_indirect_dma semaphore(%dma_wait3A_582 : memref<!tpu.dma_semaphore, #tpu.memory_space<semaphore_mem>>) src(%dma_wait3A_574 : memref<128x16xf32, #tpu.memory_space<vmem>>) dst(%dma_wait3A_580 : memref<10240x16xf32, #tpu.memory_space<vmem_shared>>)
    %dma_wait3A_583 = arith.constant 6 : i32
    %dma_wait3A_584 = arith.constant 6 : i32
    %dma_wait3A_585 = arith.constant 0 : i32
    %dma_wait3A_586 = arith.constant 0 : i32
    %dma_wait3A_587 = tpu.memref_slice %arg7[%dma_wait3A_583, %dma_wait3A_585, %dma_wait3A_586] : memref<8x128x16xf32, #tpu.memory_space<vmem>> -> memref<1x128x16xf32, #tpu.memory_space<vmem>>
    %dma_wait3A_588 = tpu.memref_squeeze %dma_wait3A_587 : memref<1x128x16xf32, #tpu.memory_space<vmem>> -> memref<128x16xf32, #tpu.memory_space<vmem>>
    %dma_wait3A_589 = arith.constant 9984 : i32
    %dma_wait3A_590 = tpu.memref_slice %arg5[%dma_wait3A_589] : memref<10240xi32, #tpu.memory_space<vmem>> -> memref<128xi32, #tpu.memory_space<vmem>>
    %dma_wait3A_591 = arith.constant 0 : i32
    %dma_wait3A_592 = arith.constant 0 : i32
    %dma_wait3A_593 = tpu.memref_slice %arg10[%dma_wait3A_591, %dma_wait3A_592] : memref<10000x16xf32, #tpu.memory_space<vmem_shared>> -> memref<10000x16xf32, #tpu.memory_space<vmem_shared>>
    %dma_wait3A_594 = tpu.memref_slice %arg14[%dma_wait3A_584] : memref<8x!tpu.dma_semaphore, #tpu.memory_space<semaphore_mem>> -> memref<1x!tpu.dma_semaphore, #tpu.memory_space<semaphore_mem>>
    %dma_wait3A_595 = tpu.memref_squeeze %dma_wait3A_594 : memref<1x!tpu.dma_semaphore, #tpu.memory_space<semaphore_mem>> -> memref<!tpu.dma_semaphore, #tpu.memory_space<semaphore_mem>>
    tpu.wait_indirect_dma semaphore(%dma_wait3A_595 : memref<!tpu.dma_semaphore, #tpu.memory_space<semaphore_mem>>) src(%dma_wait3A_593 : memref<10000x16xf32, #tpu.memory_space<vmem_shared>>) dst(%dma_wait3A_588 : memref<128x16xf32, #tpu.memory_space<vmem>>)
    %dma_start3A_596 = arith.constant 6 : i32
    %dma_start3A_597 = arith.constant 78 : i32
    %dma_start3A_598 = arith.constant 6 : i32
    %dma_start3A_599 = arith.constant 0 : i32
    %dma_start3A_600 = arith.constant 0 : i32
    %dma_start3A_601 = tpu.memref_slice %arg7[%dma_start3A_596, %dma_start3A_599, %dma_start3A_600] : memref<8x128x16xf32, #tpu.memory_space<vmem>> -> memref<1x128x16xf32, #tpu.memory_space<vmem>>
    %dma_start3A_602 = tpu.memref_squeeze %dma_start3A_601 : memref<1x128x16xf32, #tpu.memory_space<vmem>> -> memref<128x16xf32, #tpu.memory_space<vmem>>
    %dma_start3A_603 = arith.constant 0 : i32
    %dma_start3A_604 = tpu.memref_slice %arg6[%dma_start3A_597, %dma_start3A_603] : memref<80x128xi32, #tpu.memory_space<vmem>> -> memref<1x128xi32, #tpu.memory_space<vmem>>
    %dma_start3A_605 = tpu.memref_squeeze %dma_start3A_604 : memref<1x128xi32, #tpu.memory_space<vmem>> -> memref<128xi32, #tpu.memory_space<vmem>>
    %dma_start3A_606 = arith.constant 0 : i32
    %dma_start3A_607 = arith.constant 0 : i32
    %dma_start3A_608 = tpu.memref_slice %arg9[%dma_start3A_606, %dma_start3A_607] : memref<10240x16xf32, #tpu.memory_space<vmem_shared>> -> memref<10240x16xf32, #tpu.memory_space<vmem_shared>>
    %dma_start3A_609 = tpu.memref_slice %arg15[%dma_start3A_598] : memref<8x!tpu.dma_semaphore, #tpu.memory_space<semaphore_mem>> -> memref<1x!tpu.dma_semaphore, #tpu.memory_space<semaphore_mem>>
    %dma_start3A_610 = tpu.memref_squeeze %dma_start3A_609 : memref<1x!tpu.dma_semaphore, #tpu.memory_space<semaphore_mem>> -> memref<!tpu.dma_semaphore, #tpu.memory_space<semaphore_mem>>
    tpu.enqueue_indirect_dma source(%dma_start3A_602 : memref<128x16xf32, #tpu.memory_space<vmem>>) target(%dma_start3A_608 : memref<10240x16xf32, #tpu.memory_space<vmem_shared>>) offsets(%dma_start3A_605 : memref<128xi32, #tpu.memory_space<vmem>>) semaphore(%dma_start3A_610 : memref<!tpu.dma_semaphore, #tpu.memory_space<semaphore_mem>>) {add = true}
    %dma_wait3A_611 = arith.constant 3 : i32
    %dma_wait3A_612 = arith.constant 75 : i32
    %dma_wait3A_613 = arith.constant 3 : i32
    %dma_wait3A_614 = arith.constant 0 : i32
    %dma_wait3A_615 = arith.constant 0 : i32
    %dma_wait3A_616 = tpu.memref_slice %arg7[%dma_wait3A_611, %dma_wait3A_614, %dma_wait3A_615] : memref<8x128x16xf32, #tpu.memory_space<vmem>> -> memref<1x128x16xf32, #tpu.memory_space<vmem>>
    %dma_wait3A_617 = tpu.memref_squeeze %dma_wait3A_616 : memref<1x128x16xf32, #tpu.memory_space<vmem>> -> memref<128x16xf32, #tpu.memory_space<vmem>>
    %dma_wait3A_618 = arith.constant 0 : i32
    %dma_wait3A_619 = tpu.memref_slice %arg6[%dma_wait3A_612, %dma_wait3A_618] : memref<80x128xi32, #tpu.memory_space<vmem>> -> memref<1x128xi32, #tpu.memory_space<vmem>>
    %dma_wait3A_620 = tpu.memref_squeeze %dma_wait3A_619 : memref<1x128xi32, #tpu.memory_space<vmem>> -> memref<128xi32, #tpu.memory_space<vmem>>
    %dma_wait3A_621 = arith.constant 0 : i32
    %dma_wait3A_622 = arith.constant 0 : i32
    %dma_wait3A_623 = tpu.memref_slice %arg9[%dma_wait3A_621, %dma_wait3A_622] : memref<10240x16xf32, #tpu.memory_space<vmem_shared>> -> memref<10240x16xf32, #tpu.memory_space<vmem_shared>>
    %dma_wait3A_624 = tpu.memref_slice %arg15[%dma_wait3A_613] : memref<8x!tpu.dma_semaphore, #tpu.memory_space<semaphore_mem>> -> memref<1x!tpu.dma_semaphore, #tpu.memory_space<semaphore_mem>>
    %dma_wait3A_625 = tpu.memref_squeeze %dma_wait3A_624 : memref<1x!tpu.dma_semaphore, #tpu.memory_space<semaphore_mem>> -> memref<!tpu.dma_semaphore, #tpu.memory_space<semaphore_mem>>
    tpu.wait_indirect_dma semaphore(%dma_wait3A_625 : memref<!tpu.dma_semaphore, #tpu.memory_space<semaphore_mem>>) src(%dma_wait3A_617 : memref<128x16xf32, #tpu.memory_space<vmem>>) dst(%dma_wait3A_623 : memref<10240x16xf32, #tpu.memory_space<vmem_shared>>)
    %dma_wait3A_626 = arith.constant 7 : i32
    %dma_wait3A_627 = arith.constant 7 : i32
    %dma_wait3A_628 = arith.constant 0 : i32
    %dma_wait3A_629 = arith.constant 0 : i32
    %dma_wait3A_630 = tpu.memref_slice %arg7[%dma_wait3A_626, %dma_wait3A_628, %dma_wait3A_629] : memref<8x128x16xf32, #tpu.memory_space<vmem>> -> memref<1x128x16xf32, #tpu.memory_space<vmem>>
    %dma_wait3A_631 = tpu.memref_squeeze %dma_wait3A_630 : memref<1x128x16xf32, #tpu.memory_space<vmem>> -> memref<128x16xf32, #tpu.memory_space<vmem>>
    %dma_wait3A_632 = arith.constant 10112 : i32
    %dma_wait3A_633 = tpu.memref_slice %arg5[%dma_wait3A_632] : memref<10240xi32, #tpu.memory_space<vmem>> -> memref<128xi32, #tpu.memory_space<vmem>>
    %dma_wait3A_634 = arith.constant 0 : i32
    %dma_wait3A_635 = arith.constant 0 : i32
    %dma_wait3A_636 = tpu.memref_slice %arg10[%dma_wait3A_634, %dma_wait3A_635] : memref<10000x16xf32, #tpu.memory_space<vmem_shared>> -> memref<10000x16xf32, #tpu.memory_space<vmem_shared>>
    %dma_wait3A_637 = tpu.memref_slice %arg14[%dma_wait3A_627] : memref<8x!tpu.dma_semaphore, #tpu.memory_space<semaphore_mem>> -> memref<1x!tpu.dma_semaphore, #tpu.memory_space<semaphore_mem>>
    %dma_wait3A_638 = tpu.memref_squeeze %dma_wait3A_637 : memref<1x!tpu.dma_semaphore, #tpu.memory_space<semaphore_mem>> -> memref<!tpu.dma_semaphore, #tpu.memory_space<semaphore_mem>>
    tpu.wait_indirect_dma semaphore(%dma_wait3A_638 : memref<!tpu.dma_semaphore, #tpu.memory_space<semaphore_mem>>) src(%dma_wait3A_636 : memref<10000x16xf32, #tpu.memory_space<vmem_shared>>) dst(%dma_wait3A_631 : memref<128x16xf32, #tpu.memory_space<vmem>>)
    %dma_start3A_639 = arith.constant 7 : i32
    %dma_start3A_640 = arith.constant 79 : i32
    %dma_start3A_641 = arith.constant 7 : i32
    %dma_start3A_642 = arith.constant 0 : i32
    %dma_start3A_643 = arith.constant 0 : i32
    %dma_start3A_644 = tpu.memref_slice %arg7[%dma_start3A_639, %dma_start3A_642, %dma_start3A_643] : memref<8x128x16xf32, #tpu.memory_space<vmem>> -> memref<1x128x16xf32, #tpu.memory_space<vmem>>
    %dma_start3A_645 = tpu.memref_squeeze %dma_start3A_644 : memref<1x128x16xf32, #tpu.memory_space<vmem>> -> memref<128x16xf32, #tpu.memory_space<vmem>>
    %dma_start3A_646 = arith.constant 0 : i32
    %dma_start3A_647 = tpu.memref_slice %arg6[%dma_start3A_640, %dma_start3A_646] : memref<80x128xi32, #tpu.memory_space<vmem>> -> memref<1x128xi32, #tpu.memory_space<vmem>>
    %dma_start3A_648 = tpu.memref_squeeze %dma_start3A_647 : memref<1x128xi32, #tpu.memory_space<vmem>> -> memref<128xi32, #tpu.memory_space<vmem>>
    %dma_start3A_649 = arith.constant 0 : i32
    %dma_start3A_650 = arith.constant 0 : i32
    %dma_start3A_651 = tpu.memref_slice %arg9[%dma_start3A_649, %dma_start3A_650] : memref<10240x16xf32, #tpu.memory_space<vmem_shared>> -> memref<10240x16xf32, #tpu.memory_space<vmem_shared>>
    %dma_start3A_652 = tpu.memref_slice %arg15[%dma_start3A_641] : memref<8x!tpu.dma_semaphore, #tpu.memory_space<semaphore_mem>> -> memref<1x!tpu.dma_semaphore, #tpu.memory_space<semaphore_mem>>
    %dma_start3A_653 = tpu.memref_squeeze %dma_start3A_652 : memref<1x!tpu.dma_semaphore, #tpu.memory_space<semaphore_mem>> -> memref<!tpu.dma_semaphore, #tpu.memory_space<semaphore_mem>>
    tpu.enqueue_indirect_dma source(%dma_start3A_645 : memref<128x16xf32, #tpu.memory_space<vmem>>) target(%dma_start3A_651 : memref<10240x16xf32, #tpu.memory_space<vmem_shared>>) offsets(%dma_start3A_648 : memref<128xi32, #tpu.memory_space<vmem>>) semaphore(%dma_start3A_653 : memref<!tpu.dma_semaphore, #tpu.memory_space<semaphore_mem>>) {add = true}
    %dma_wait3A_654 = arith.constant 4 : i32
    %dma_wait3A_655 = arith.constant 76 : i32
    %dma_wait3A_656 = arith.constant 4 : i32
    %dma_wait3A_657 = arith.constant 0 : i32
    %dma_wait3A_658 = arith.constant 0 : i32
    %dma_wait3A_659 = tpu.memref_slice %arg7[%dma_wait3A_654, %dma_wait3A_657, %dma_wait3A_658] : memref<8x128x16xf32, #tpu.memory_space<vmem>> -> memref<1x128x16xf32, #tpu.memory_space<vmem>>
    %dma_wait3A_660 = tpu.memref_squeeze %dma_wait3A_659 : memref<1x128x16xf32, #tpu.memory_space<vmem>> -> memref<128x16xf32, #tpu.memory_space<vmem>>
    %dma_wait3A_661 = arith.constant 0 : i32
    %dma_wait3A_662 = tpu.memref_slice %arg6[%dma_wait3A_655, %dma_wait3A_661] : memref<80x128xi32, #tpu.memory_space<vmem>> -> memref<1x128xi32, #tpu.memory_space<vmem>>
    %dma_wait3A_663 = tpu.memref_squeeze %dma_wait3A_662 : memref<1x128xi32, #tpu.memory_space<vmem>> -> memref<128xi32, #tpu.memory_space<vmem>>
    %dma_wait3A_664 = arith.constant 0 : i32
    %dma_wait3A_665 = arith.constant 0 : i32
    %dma_wait3A_666 = tpu.memref_slice %arg9[%dma_wait3A_664, %dma_wait3A_665] : memref<10240x16xf32, #tpu.memory_space<vmem_shared>> -> memref<10240x16xf32, #tpu.memory_space<vmem_shared>>
    %dma_wait3A_667 = tpu.memref_slice %arg15[%dma_wait3A_656] : memref<8x!tpu.dma_semaphore, #tpu.memory_space<semaphore_mem>> -> memref<1x!tpu.dma_semaphore, #tpu.memory_space<semaphore_mem>>
    %dma_wait3A_668 = tpu.memref_squeeze %dma_wait3A_667 : memref<1x!tpu.dma_semaphore, #tpu.memory_space<semaphore_mem>> -> memref<!tpu.dma_semaphore, #tpu.memory_space<semaphore_mem>>
    tpu.wait_indirect_dma semaphore(%dma_wait3A_668 : memref<!tpu.dma_semaphore, #tpu.memory_space<semaphore_mem>>) src(%dma_wait3A_660 : memref<128x16xf32, #tpu.memory_space<vmem>>) dst(%dma_wait3A_666 : memref<10240x16xf32, #tpu.memory_space<vmem_shared>>)
    %dma_wait3A_669 = arith.constant 5 : i32
    %dma_wait3A_670 = arith.constant 77 : i32
    %dma_wait3A_671 = arith.constant 5 : i32
    %dma_wait3A_672 = arith.constant 0 : i32
    %dma_wait3A_673 = arith.constant 0 : i32
    %dma_wait3A_674 = tpu.memref_slice %arg7[%dma_wait3A_669, %dma_wait3A_672, %dma_wait3A_673] : memref<8x128x16xf32, #tpu.memory_space<vmem>> -> memref<1x128x16xf32, #tpu.memory_space<vmem>>
    %dma_wait3A_675 = tpu.memref_squeeze %dma_wait3A_674 : memref<1x128x16xf32, #tpu.memory_space<vmem>> -> memref<128x16xf32, #tpu.memory_space<vmem>>
    %dma_wait3A_676 = arith.constant 0 : i32
    %dma_wait3A_677 = tpu.memref_slice %arg6[%dma_wait3A_670, %dma_wait3A_676] : memref<80x128xi32, #tpu.memory_space<vmem>> -> memref<1x128xi32, #tpu.memory_space<vmem>>
    %dma_wait3A_678 = tpu.memref_squeeze %dma_wait3A_677 : memref<1x128xi32, #tpu.memory_space<vmem>> -> memref<128xi32, #tpu.memory_space<vmem>>
    %dma_wait3A_679 = arith.constant 0 : i32
    %dma_wait3A_680 = arith.constant 0 : i32
    %dma_wait3A_681 = tpu.memref_slice %arg9[%dma_wait3A_679, %dma_wait3A_680] : memref<10240x16xf32, #tpu.memory_space<vmem_shared>> -> memref<10240x16xf32, #tpu.memory_space<vmem_shared>>
    %dma_wait3A_682 = tpu.memref_slice %arg15[%dma_wait3A_671] : memref<8x!tpu.dma_semaphore, #tpu.memory_space<semaphore_mem>> -> memref<1x!tpu.dma_semaphore, #tpu.memory_space<semaphore_mem>>
    %dma_wait3A_683 = tpu.memref_squeeze %dma_wait3A_682 : memref<1x!tpu.dma_semaphore, #tpu.memory_space<semaphore_mem>> -> memref<!tpu.dma_semaphore, #tpu.memory_space<semaphore_mem>>
    tpu.wait_indirect_dma semaphore(%dma_wait3A_683 : memref<!tpu.dma_semaphore, #tpu.memory_space<semaphore_mem>>) src(%dma_wait3A_675 : memref<128x16xf32, #tpu.memory_space<vmem>>) dst(%dma_wait3A_681 : memref<10240x16xf32, #tpu.memory_space<vmem_shared>>)
    %dma_wait3A_684 = arith.constant 6 : i32
    %dma_wait3A_685 = arith.constant 78 : i32
    %dma_wait3A_686 = arith.constant 6 : i32
    %dma_wait3A_687 = arith.constant 0 : i32
    %dma_wait3A_688 = arith.constant 0 : i32
    %dma_wait3A_689 = tpu.memref_slice %arg7[%dma_wait3A_684, %dma_wait3A_687, %dma_wait3A_688] : memref<8x128x16xf32, #tpu.memory_space<vmem>> -> memref<1x128x16xf32, #tpu.memory_space<vmem>>
    %dma_wait3A_690 = tpu.memref_squeeze %dma_wait3A_689 : memref<1x128x16xf32, #tpu.memory_space<vmem>> -> memref<128x16xf32, #tpu.memory_space<vmem>>
    %dma_wait3A_691 = arith.constant 0 : i32
    %dma_wait3A_692 = tpu.memref_slice %arg6[%dma_wait3A_685, %dma_wait3A_691] : memref<80x128xi32, #tpu.memory_space<vmem>> -> memref<1x128xi32, #tpu.memory_space<vmem>>
    %dma_wait3A_693 = tpu.memref_squeeze %dma_wait3A_692 : memref<1x128xi32, #tpu.memory_space<vmem>> -> memref<128xi32, #tpu.memory_space<vmem>>
    %dma_wait3A_694 = arith.constant 0 : i32
    %dma_wait3A_695 = arith.constant 0 : i32
    %dma_wait3A_696 = tpu.memref_slice %arg9[%dma_wait3A_694, %dma_wait3A_695] : memref<10240x16xf32, #tpu.memory_space<vmem_shared>> -> memref<10240x16xf32, #tpu.memory_space<vmem_shared>>
    %dma_wait3A_697 = tpu.memref_slice %arg15[%dma_wait3A_686] : memref<8x!tpu.dma_semaphore, #tpu.memory_space<semaphore_mem>> -> memref<1x!tpu.dma_semaphore, #tpu.memory_space<semaphore_mem>>
    %dma_wait3A_698 = tpu.memref_squeeze %dma_wait3A_697 : memref<1x!tpu.dma_semaphore, #tpu.memory_space<semaphore_mem>> -> memref<!tpu.dma_semaphore, #tpu.memory_space<semaphore_mem>>
    tpu.wait_indirect_dma semaphore(%dma_wait3A_698 : memref<!tpu.dma_semaphore, #tpu.memory_space<semaphore_mem>>) src(%dma_wait3A_690 : memref<128x16xf32, #tpu.memory_space<vmem>>) dst(%dma_wait3A_696 : memref<10240x16xf32, #tpu.memory_space<vmem_shared>>)
    %dma_wait3A_699 = arith.constant 7 : i32
    %dma_wait3A_700 = arith.constant 79 : i32
    %dma_wait3A_701 = arith.constant 7 : i32
    %dma_wait3A_702 = arith.constant 0 : i32
    %dma_wait3A_703 = arith.constant 0 : i32
    %dma_wait3A_704 = tpu.memref_slice %arg7[%dma_wait3A_699, %dma_wait3A_702, %dma_wait3A_703] : memref<8x128x16xf32, #tpu.memory_space<vmem>> -> memref<1x128x16xf32, #tpu.memory_space<vmem>>
    %dma_wait3A_705 = tpu.memref_squeeze %dma_wait3A_704 : memref<1x128x16xf32, #tpu.memory_space<vmem>> -> memref<128x16xf32, #tpu.memory_space<vmem>>
    %dma_wait3A_706 = arith.constant 0 : i32
    %dma_wait3A_707 = tpu.memref_slice %arg6[%dma_wait3A_700, %dma_wait3A_706] : memref<80x128xi32, #tpu.memory_space<vmem>> -> memref<1x128xi32, #tpu.memory_space<vmem>>
    %dma_wait3A_708 = tpu.memref_squeeze %dma_wait3A_707 : memref<1x128xi32, #tpu.memory_space<vmem>> -> memref<128xi32, #tpu.memory_space<vmem>>
    %dma_wait3A_709 = arith.constant 0 : i32
    %dma_wait3A_710 = arith.constant 0 : i32
    %dma_wait3A_711 = tpu.memref_slice %arg9[%dma_wait3A_709, %dma_wait3A_710] : memref<10240x16xf32, #tpu.memory_space<vmem_shared>> -> memref<10240x16xf32, #tpu.memory_space<vmem_shared>>
    %dma_wait3A_712 = tpu.memref_slice %arg15[%dma_wait3A_701] : memref<8x!tpu.dma_semaphore, #tpu.memory_space<semaphore_mem>> -> memref<1x!tpu.dma_semaphore, #tpu.memory_space<semaphore_mem>>
    %dma_wait3A_713 = tpu.memref_squeeze %dma_wait3A_712 : memref<1x!tpu.dma_semaphore, #tpu.memory_space<semaphore_mem>> -> memref<!tpu.dma_semaphore, #tpu.memory_space<semaphore_mem>>
    tpu.wait_indirect_dma semaphore(%dma_wait3A_713 : memref<!tpu.dma_semaphore, #tpu.memory_space<semaphore_mem>>) src(%dma_wait3A_705 : memref<128x16xf32, #tpu.memory_space<vmem>>) dst(%dma_wait3A_711 : memref<10240x16xf32, #tpu.memory_space<vmem_shared>>)
    %barrier3A_714 = arith.constant 0 : index
    tpu.barrier barrier_id(%barrier3A_714)
    %mul3A_715 = arith.constant 640 : i32
    %mul3A_716 = arith.muli %arg1, %mul3A_715 : i32
    %mul3A_717 = arith.constant 640 : i32
    %mul3A_718 = arith.muli %arg1, %mul3A_717 : i32
    "tpu.region"() ({
      %run_scoped3A_719 = tpu.sem_alloc : memref<!tpu.dma_semaphore, #tpu.memory_space<semaphore_mem>>
      %dma_start3A_720 = arith.constant 0 : i32
      %dma_start3A_721 = tpu.memref_slice %arg4[%arg0, %mul3A_718, %dma_start3A_720] : memref<2x10240x16xf32, #tpu.memory_space<hbm>> -> memref<1x640x16xf32, #tpu.memory_space<hbm>>
      %dma_start3A_722 = tpu.memref_squeeze %dma_start3A_721 : memref<1x640x16xf32, #tpu.memory_space<hbm>> -> memref<640x16xf32, #tpu.memory_space<hbm>>
      %dma_start3A_723 = arith.constant 0 : i32
      %dma_start3A_724 = tpu.memref_slice %arg9[%mul3A_716, %dma_start3A_723] : memref<10240x16xf32, #tpu.memory_space<vmem_shared>> -> memref<640x16xf32, #tpu.memory_space<vmem_shared>>
      tpu.enqueue_dma source(%dma_start3A_724 : memref<640x16xf32, #tpu.memory_space<vmem_shared>>) target(%dma_start3A_722 : memref<640x16xf32, #tpu.memory_space<hbm>>) target_semaphore(%run_scoped3A_719 : memref<!tpu.dma_semaphore, #tpu.memory_space<semaphore_mem>>)
      %dma_wait3A_725 = arith.constant 0 : i32
      %dma_wait3A_726 = tpu.memref_slice %arg4[%arg0, %mul3A_718, %dma_wait3A_725] : memref<2x10240x16xf32, #tpu.memory_space<hbm>> -> memref<1x640x16xf32, #tpu.memory_space<hbm>>
      %dma_wait3A_727 = tpu.memref_squeeze %dma_wait3A_726 : memref<1x640x16xf32, #tpu.memory_space<hbm>> -> memref<640x16xf32, #tpu.memory_space<hbm>>
      %dma_wait3A_728 = arith.constant 0 : i32
      %dma_wait3A_729 = tpu.memref_slice %arg9[%mul3A_716, %dma_wait3A_728] : memref<10240x16xf32, #tpu.memory_space<vmem_shared>> -> memref<640x16xf32, #tpu.memory_space<vmem_shared>>
      tpu.wait_dma2 semaphore(%run_scoped3A_719 : memref<!tpu.dma_semaphore, #tpu.memory_space<semaphore_mem>>) src(%dma_wait3A_729 : memref<640x16xf32, #tpu.memory_space<vmem_shared>>) dst(%dma_wait3A_727 : memref<640x16xf32, #tpu.memory_space<hbm>>)
      tpu.yield
    }) : () -> ()
    return
  }
}

#map = affine_map<(d0, d1) -> (0, 0)>
#map1 = affine_map<(d0, d1) -> (0, 0, 0)>
module attributes {stable_mosaic.version = 14 : i64} {
  func.func @_sc_degree(%arg0: i32, %arg1: i32, %arg2: memref<2x320000xi32, #tpu.memory_space<hbm>>, %arg3: memref<2x10240x16xf32, #tpu.memory_space<hbm>>, %arg4: memref<80x128xi32, #tpu.memory_space<vmem>>, %arg5: memref<128x16xf32, #tpu.memory_space<vmem>>, %arg6: memref<64x16xf32, #tpu.memory_space<vmem>>, %arg7: memref<10240x16xf32, #tpu.memory_space<vmem_shared>>, %arg8: memref<!tpu.dma_semaphore, #tpu.memory_space<semaphore_mem>>, %arg9: memref<!tpu.dma_semaphore, #tpu.memory_space<semaphore_mem>>) attributes {dimension_semantics = [#tpu.dimension_semantics<core_parallel>, #tpu.dimension_semantics<subcore_parallel>], iteration_bounds = array<i64: 2, 16>, scalar_prefetch = 0 : i64, scratch_operands = 6 : i64, tpu.core_type = #tpu.core_type<sc_vector_subcore>, window_params = [{transform_indices = #map}, {transform_indices = #map1}]} {
    %mul3A = arith.constant 2 : i32
    %mul3A_0 = arith.muli %arg1, %mul3A : i32
    %add3A = arith.addi %mul3A_0, %arg0 : i32
    %mul3A_1 = arith.constant 10000 : i32
    %mul3A_2 = arith.muli %add3A, %mul3A_1 : i32
    %scan3A = arith.constant 0 : i32
    %scan3A_3 = arith.constant 78 : i32
    %scan3A_4 = arith.addi %scan3A, %scan3A_3 : i32
    %scan3A_5 = arith.constant 1 : i32
    scf.for %scan3A_158 = %scan3A to %scan3A_4 step %scan3A_5  : i32 {
      %mul3A_159 = arith.constant 1 : i32
      %mul3A_160 = arith.muli %scan3A_158, %mul3A_159 : i32
      %add3A_161 = arith.constant 0 : i32
      %add3A_162 = arith.addi %add3A_161, %mul3A_160 : i32
      %mul3A_163 = arith.constant 128 : i32
      %mul3A_164 = arith.muli %add3A_162, %mul3A_163 : i32
      %add3A_165 = arith.addi %mul3A_2, %mul3A_164 : i32
      %dma_start3A = arith.constant 1 : i32
      %dma_start3A_166 = arith.constant 0 : i32
      %dma_start3A_167 = tpu.memref_slice %arg4[%add3A_162, %dma_start3A_166] : memref<80x128xi32, #tpu.memory_space<vmem>> -> memref<1x128xi32, #tpu.memory_space<vmem>>
      %dma_start3A_168 = tpu.memref_squeeze %dma_start3A_167 : memref<1x128xi32, #tpu.memory_space<vmem>> -> memref<128xi32, #tpu.memory_space<vmem>>
      %dma_start3A_169 = tpu.memref_slice %arg2[%dma_start3A, %add3A_165] : memref<2x320000xi32, #tpu.memory_space<hbm>> -> memref<1x128xi32, #tpu.memory_space<hbm>>
      %dma_start3A_170 = tpu.memref_squeeze %dma_start3A_169 : memref<1x128xi32, #tpu.memory_space<hbm>> -> memref<128xi32, #tpu.memory_space<hbm>>
      %dma_start3A_171 = arith.constant 0 : i32
      %dma_start3A_172 = tpu.memref_slice %arg4[%add3A_162, %dma_start3A_171] : memref<80x128xi32, #tpu.memory_space<vmem>> -> memref<1x128xi32, #tpu.memory_space<vmem>>
      %dma_start3A_173 = tpu.memref_squeeze %dma_start3A_172 : memref<1x128xi32, #tpu.memory_space<vmem>> -> memref<128xi32, #tpu.memory_space<vmem>>
      %dma_start3A_174 = tpu.memref_slice %arg2[%dma_start3A, %add3A_165] : memref<2x320000xi32, #tpu.memory_space<hbm>> -> memref<1x128xi32, #tpu.memory_space<hbm>>
      %dma_start3A_175 = tpu.memref_squeeze %dma_start3A_174 : memref<1x128xi32, #tpu.memory_space<hbm>> -> memref<128xi32, #tpu.memory_space<hbm>>
      tpu.enqueue_dma source(%dma_start3A_175 : memref<128xi32, #tpu.memory_space<hbm>>) target(%dma_start3A_173 : memref<128xi32, #tpu.memory_space<vmem>>) target_semaphore(%arg8 : memref<!tpu.dma_semaphore, #tpu.memory_space<semaphore_mem>>)
    }
    %scan3A_6 = arith.constant 78 : i32
    %add3A_7 = arith.constant 9984 : i32
    %add3A_8 = arith.addi %mul3A_2, %add3A_7 : i32
    %run_scoped3A = arith.constant 1 : i32
    %run_scoped3A_9 = arith.constant 78 : i32
    "tpu.region"() ({
      %run_scoped3A_158 = tpu.sem_alloc : memref<!tpu.dma_semaphore, #tpu.memory_space<semaphore_mem>>
      %dma_start3A = arith.constant 0 : i32
      %dma_start3A_159 = tpu.memref_slice %arg4[%run_scoped3A_9, %dma_start3A] : memref<80x128xi32, #tpu.memory_space<vmem>> -> memref<1x16xi32, #tpu.memory_space<vmem>>
      %dma_start3A_160 = tpu.memref_squeeze %dma_start3A_159 : memref<1x16xi32, #tpu.memory_space<vmem>> -> memref<16xi32, #tpu.memory_space<vmem>>
      %dma_start3A_161 = tpu.memref_slice %arg2[%run_scoped3A, %add3A_8] : memref<2x320000xi32, #tpu.memory_space<hbm>> -> memref<1x16xi32, #tpu.memory_space<hbm>>
      %dma_start3A_162 = tpu.memref_squeeze %dma_start3A_161 : memref<1x16xi32, #tpu.memory_space<hbm>> -> memref<16xi32, #tpu.memory_space<hbm>>
      %dma_start3A_163 = arith.constant 0 : i32
      %dma_start3A_164 = tpu.memref_slice %arg4[%run_scoped3A_9, %dma_start3A_163] : memref<80x128xi32, #tpu.memory_space<vmem>> -> memref<1x16xi32, #tpu.memory_space<vmem>>
      %dma_start3A_165 = tpu.memref_squeeze %dma_start3A_164 : memref<1x16xi32, #tpu.memory_space<vmem>> -> memref<16xi32, #tpu.memory_space<vmem>>
      %dma_start3A_166 = tpu.memref_slice %arg2[%run_scoped3A, %add3A_8] : memref<2x320000xi32, #tpu.memory_space<hbm>> -> memref<1x16xi32, #tpu.memory_space<hbm>>
      %dma_start3A_167 = tpu.memref_squeeze %dma_start3A_166 : memref<1x16xi32, #tpu.memory_space<hbm>> -> memref<16xi32, #tpu.memory_space<hbm>>
      tpu.enqueue_dma source(%dma_start3A_167 : memref<16xi32, #tpu.memory_space<hbm>>) target(%dma_start3A_165 : memref<16xi32, #tpu.memory_space<vmem>>) target_semaphore(%run_scoped3A_158 : memref<!tpu.dma_semaphore, #tpu.memory_space<semaphore_mem>>)
      %dma_wait3A = arith.constant 0 : i32
      %dma_wait3A_168 = tpu.memref_slice %arg4[%run_scoped3A_9, %dma_wait3A] : memref<80x128xi32, #tpu.memory_space<vmem>> -> memref<1x16xi32, #tpu.memory_space<vmem>>
      %dma_wait3A_169 = tpu.memref_squeeze %dma_wait3A_168 : memref<1x16xi32, #tpu.memory_space<vmem>> -> memref<16xi32, #tpu.memory_space<vmem>>
      %dma_wait3A_170 = tpu.memref_slice %arg2[%run_scoped3A, %add3A_8] : memref<2x320000xi32, #tpu.memory_space<hbm>> -> memref<1x16xi32, #tpu.memory_space<hbm>>
      %dma_wait3A_171 = tpu.memref_squeeze %dma_wait3A_170 : memref<1x16xi32, #tpu.memory_space<hbm>> -> memref<16xi32, #tpu.memory_space<hbm>>
      %dma_wait3A_172 = arith.constant 0 : i32
      %dma_wait3A_173 = tpu.memref_slice %arg4[%run_scoped3A_9, %dma_wait3A_172] : memref<80x128xi32, #tpu.memory_space<vmem>> -> memref<1x16xi32, #tpu.memory_space<vmem>>
      %dma_wait3A_174 = tpu.memref_squeeze %dma_wait3A_173 : memref<1x16xi32, #tpu.memory_space<vmem>> -> memref<16xi32, #tpu.memory_space<vmem>>
      %dma_wait3A_175 = tpu.memref_slice %arg2[%run_scoped3A, %add3A_8] : memref<2x320000xi32, #tpu.memory_space<hbm>> -> memref<1x16xi32, #tpu.memory_space<hbm>>
      %dma_wait3A_176 = tpu.memref_squeeze %dma_wait3A_175 : memref<1x16xi32, #tpu.memory_space<hbm>> -> memref<16xi32, #tpu.memory_space<hbm>>
      tpu.wait_dma2 semaphore(%run_scoped3A_158 : memref<!tpu.dma_semaphore, #tpu.memory_space<semaphore_mem>>) src(%dma_wait3A_176 : memref<16xi32, #tpu.memory_space<hbm>>) dst(%dma_wait3A_174 : memref<16xi32, #tpu.memory_space<vmem>>)
      tpu.yield
    }) : () -> ()
    %broadcast_in_dim3A = arith.constant 10000 : i32
    %broadcast_in_dim3A_10 = vector.broadcast %broadcast_in_dim3A : i32 to vector<16xi32>
    %swap3A = arith.constant 78 : i32
    %swap3A_11 = arith.index_cast %swap3A : i32 to index
    %swap3A_12 = arith.constant 16 : index
    %swap3A_13 = tpu.vector_load %arg4[%swap3A_11, %swap3A_12] {strides = array<i32>} : memref<80x128xi32, #tpu.memory_space<vmem>>, vector<1x16xi32>,
    %swap3A_14 = vector.shape_cast %swap3A_13 : vector<1x16xi32> to vector<16xi32>
    %swap3A_15 = vector.shape_cast %broadcast_in_dim3A_10 : vector<16xi32> to vector<1x16xi32>
    tpu.vector_store %arg4[%swap3A_11, %swap3A_12], %swap3A_15 {strides = array<i32>} : memref<80x128xi32, #tpu.memory_space<vmem>>, vector<1x16xi32>,
    %broadcast_in_dim3A_16 = arith.constant 10000 : i32
    %broadcast_in_dim3A_17 = vector.broadcast %broadcast_in_dim3A_16 : i32 to vector<16xi32>
    %swap3A_18 = arith.constant 78 : i32
    %swap3A_19 = arith.index_cast %swap3A_18 : i32 to index
    %swap3A_20 = arith.constant 32 : index
    %swap3A_21 = tpu.vector_load %arg4[%swap3A_19, %swap3A_20] {strides = array<i32>} : memref<80x128xi32, #tpu.memory_space<vmem>>, vector<1x16xi32>,
    %swap3A_22 = vector.shape_cast %swap3A_21 : vector<1x16xi32> to vector<16xi32>
    %swap3A_23 = vector.shape_cast %broadcast_in_dim3A_17 : vector<16xi32> to vector<1x16xi32>
    tpu.vector_store %arg4[%swap3A_19, %swap3A_20], %swap3A_23 {strides = array<i32>} : memref<80x128xi32, #tpu.memory_space<vmem>>, vector<1x16xi32>,
    %broadcast_in_dim3A_24 = arith.constant 10000 : i32
    %broadcast_in_dim3A_25 = vector.broadcast %broadcast_in_dim3A_24 : i32 to vector<16xi32>
    %swap3A_26 = arith.constant 78 : i32
    %swap3A_27 = arith.index_cast %swap3A_26 : i32 to index
    %swap3A_28 = arith.constant 48 : index
    %swap3A_29 = tpu.vector_load %arg4[%swap3A_27, %swap3A_28] {strides = array<i32>} : memref<80x128xi32, #tpu.memory_space<vmem>>, vector<1x16xi32>,
    %swap3A_30 = vector.shape_cast %swap3A_29 : vector<1x16xi32> to vector<16xi32>
    %swap3A_31 = vector.shape_cast %broadcast_in_dim3A_25 : vector<16xi32> to vector<1x16xi32>
    tpu.vector_store %arg4[%swap3A_27, %swap3A_28], %swap3A_31 {strides = array<i32>} : memref<80x128xi32, #tpu.memory_space<vmem>>, vector<1x16xi32>,
    %broadcast_in_dim3A_32 = arith.constant 10000 : i32
    %broadcast_in_dim3A_33 = vector.broadcast %broadcast_in_dim3A_32 : i32 to vector<16xi32>
    %swap3A_34 = arith.constant 78 : i32
    %swap3A_35 = arith.index_cast %swap3A_34 : i32 to index
    %swap3A_36 = arith.constant 64 : index
    %swap3A_37 = tpu.vector_load %arg4[%swap3A_35, %swap3A_36] {strides = array<i32>} : memref<80x128xi32, #tpu.memory_space<vmem>>, vector<1x16xi32>,
    %swap3A_38 = vector.shape_cast %swap3A_37 : vector<1x16xi32> to vector<16xi32>
    %swap3A_39 = vector.shape_cast %broadcast_in_dim3A_33 : vector<16xi32> to vector<1x16xi32>
    tpu.vector_store %arg4[%swap3A_35, %swap3A_36], %swap3A_39 {strides = array<i32>} : memref<80x128xi32, #tpu.memory_space<vmem>>, vector<1x16xi32>,
    %broadcast_in_dim3A_40 = arith.constant 10000 : i32
    %broadcast_in_dim3A_41 = vector.broadcast %broadcast_in_dim3A_40 : i32 to vector<16xi32>
    %swap3A_42 = arith.constant 78 : i32
    %swap3A_43 = arith.index_cast %swap3A_42 : i32 to index
    %swap3A_44 = arith.constant 80 : index
    %swap3A_45 = tpu.vector_load %arg4[%swap3A_43, %swap3A_44] {strides = array<i32>} : memref<80x128xi32, #tpu.memory_space<vmem>>, vector<1x16xi32>,
    %swap3A_46 = vector.shape_cast %swap3A_45 : vector<1x16xi32> to vector<16xi32>
    %swap3A_47 = vector.shape_cast %broadcast_in_dim3A_41 : vector<16xi32> to vector<1x16xi32>
    tpu.vector_store %arg4[%swap3A_43, %swap3A_44], %swap3A_47 {strides = array<i32>} : memref<80x128xi32, #tpu.memory_space<vmem>>, vector<1x16xi32>,
    %broadcast_in_dim3A_48 = arith.constant 10000 : i32
    %broadcast_in_dim3A_49 = vector.broadcast %broadcast_in_dim3A_48 : i32 to vector<16xi32>
    %swap3A_50 = arith.constant 78 : i32
    %swap3A_51 = arith.index_cast %swap3A_50 : i32 to index
    %swap3A_52 = arith.constant 96 : index
    %swap3A_53 = tpu.vector_load %arg4[%swap3A_51, %swap3A_52] {strides = array<i32>} : memref<80x128xi32, #tpu.memory_space<vmem>>, vector<1x16xi32>,
    %swap3A_54 = vector.shape_cast %swap3A_53 : vector<1x16xi32> to vector<16xi32>
    %swap3A_55 = vector.shape_cast %broadcast_in_dim3A_49 : vector<16xi32> to vector<1x16xi32>
    tpu.vector_store %arg4[%swap3A_51, %swap3A_52], %swap3A_55 {strides = array<i32>} : memref<80x128xi32, #tpu.memory_space<vmem>>, vector<1x16xi32>,
    %broadcast_in_dim3A_56 = arith.constant 10000 : i32
    %broadcast_in_dim3A_57 = vector.broadcast %broadcast_in_dim3A_56 : i32 to vector<16xi32>
    %swap3A_58 = arith.constant 78 : i32
    %swap3A_59 = arith.index_cast %swap3A_58 : i32 to index
    %swap3A_60 = arith.constant 112 : index
    %swap3A_61 = tpu.vector_load %arg4[%swap3A_59, %swap3A_60] {strides = array<i32>} : memref<80x128xi32, #tpu.memory_space<vmem>>, vector<1x16xi32>,
    %swap3A_62 = vector.shape_cast %swap3A_61 : vector<1x16xi32> to vector<16xi32>
    %swap3A_63 = vector.shape_cast %broadcast_in_dim3A_57 : vector<16xi32> to vector<1x16xi32>
    tpu.vector_store %arg4[%swap3A_59, %swap3A_60], %swap3A_63 {strides = array<i32>} : memref<80x128xi32, #tpu.memory_space<vmem>>, vector<1x16xi32>,
    %broadcast_in_dim3A_64 = arith.constant 10000 : i32
    %broadcast_in_dim3A_65 = vector.broadcast %broadcast_in_dim3A_64 : i32 to vector<16xi32>
    %swap3A_66 = arith.constant 79 : i32
    %swap3A_67 = arith.index_cast %swap3A_66 : i32 to index
    %swap3A_68 = arith.constant 0 : index
    %swap3A_69 = tpu.vector_load %arg4[%swap3A_67, %swap3A_68] {strides = array<i32>} : memref<80x128xi32, #tpu.memory_space<vmem>>, vector<1x16xi32>,
    %swap3A_70 = vector.shape_cast %swap3A_69 : vector<1x16xi32> to vector<16xi32>
    %swap3A_71 = vector.shape_cast %broadcast_in_dim3A_65 : vector<16xi32> to vector<1x16xi32>
    tpu.vector_store %arg4[%swap3A_67, %swap3A_68], %swap3A_71 {strides = array<i32>} : memref<80x128xi32, #tpu.memory_space<vmem>>, vector<1x16xi32>,
    %broadcast_in_dim3A_72 = arith.constant 10000 : i32
    %broadcast_in_dim3A_73 = vector.broadcast %broadcast_in_dim3A_72 : i32 to vector<16xi32>
    %swap3A_74 = arith.constant 79 : i32
    %swap3A_75 = arith.index_cast %swap3A_74 : i32 to index
    %swap3A_76 = arith.constant 16 : index
    %swap3A_77 = tpu.vector_load %arg4[%swap3A_75, %swap3A_76] {strides = array<i32>} : memref<80x128xi32, #tpu.memory_space<vmem>>, vector<1x16xi32>,
    %swap3A_78 = vector.shape_cast %swap3A_77 : vector<1x16xi32> to vector<16xi32>
    %swap3A_79 = vector.shape_cast %broadcast_in_dim3A_73 : vector<16xi32> to vector<1x16xi32>
    tpu.vector_store %arg4[%swap3A_75, %swap3A_76], %swap3A_79 {strides = array<i32>} : memref<80x128xi32, #tpu.memory_space<vmem>>, vector<1x16xi32>,
    %broadcast_in_dim3A_80 = arith.constant 10000 : i32
    %broadcast_in_dim3A_81 = vector.broadcast %broadcast_in_dim3A_80 : i32 to vector<16xi32>
    %swap3A_82 = arith.constant 79 : i32
    %swap3A_83 = arith.index_cast %swap3A_82 : i32 to index
    %swap3A_84 = arith.constant 32 : index
    %swap3A_85 = tpu.vector_load %arg4[%swap3A_83, %swap3A_84] {strides = array<i32>} : memref<80x128xi32, #tpu.memory_space<vmem>>, vector<1x16xi32>,
    %swap3A_86 = vector.shape_cast %swap3A_85 : vector<1x16xi32> to vector<16xi32>
    %swap3A_87 = vector.shape_cast %broadcast_in_dim3A_81 : vector<16xi32> to vector<1x16xi32>
    tpu.vector_store %arg4[%swap3A_83, %swap3A_84], %swap3A_87 {strides = array<i32>} : memref<80x128xi32, #tpu.memory_space<vmem>>, vector<1x16xi32>,
    %broadcast_in_dim3A_88 = arith.constant 10000 : i32
    %broadcast_in_dim3A_89 = vector.broadcast %broadcast_in_dim3A_88 : i32 to vector<16xi32>
    %swap3A_90 = arith.constant 79 : i32
    %swap3A_91 = arith.index_cast %swap3A_90 : i32 to index
    %swap3A_92 = arith.constant 48 : index
    %swap3A_93 = tpu.vector_load %arg4[%swap3A_91, %swap3A_92] {strides = array<i32>} : memref<80x128xi32, #tpu.memory_space<vmem>>, vector<1x16xi32>,
    %swap3A_94 = vector.shape_cast %swap3A_93 : vector<1x16xi32> to vector<16xi32>
    %swap3A_95 = vector.shape_cast %broadcast_in_dim3A_89 : vector<16xi32> to vector<1x16xi32>
    tpu.vector_store %arg4[%swap3A_91, %swap3A_92], %swap3A_95 {strides = array<i32>} : memref<80x128xi32, #tpu.memory_space<vmem>>, vector<1x16xi32>,
    %broadcast_in_dim3A_96 = arith.constant 10000 : i32
    %broadcast_in_dim3A_97 = vector.broadcast %broadcast_in_dim3A_96 : i32 to vector<16xi32>
    %swap3A_98 = arith.constant 79 : i32
    %swap3A_99 = arith.index_cast %swap3A_98 : i32 to index
    %swap3A_100 = arith.constant 64 : index
    %swap3A_101 = tpu.vector_load %arg4[%swap3A_99, %swap3A_100] {strides = array<i32>} : memref<80x128xi32, #tpu.memory_space<vmem>>, vector<1x16xi32>,
    %swap3A_102 = vector.shape_cast %swap3A_101 : vector<1x16xi32> to vector<16xi32>
    %swap3A_103 = vector.shape_cast %broadcast_in_dim3A_97 : vector<16xi32> to vector<1x16xi32>
    tpu.vector_store %arg4[%swap3A_99, %swap3A_100], %swap3A_103 {strides = array<i32>} : memref<80x128xi32, #tpu.memory_space<vmem>>, vector<1x16xi32>,
    %broadcast_in_dim3A_104 = arith.constant 10000 : i32
    %broadcast_in_dim3A_105 = vector.broadcast %broadcast_in_dim3A_104 : i32 to vector<16xi32>
    %swap3A_106 = arith.constant 79 : i32
    %swap3A_107 = arith.index_cast %swap3A_106 : i32 to index
    %swap3A_108 = arith.constant 80 : index
    %swap3A_109 = tpu.vector_load %arg4[%swap3A_107, %swap3A_108] {strides = array<i32>} : memref<80x128xi32, #tpu.memory_space<vmem>>, vector<1x16xi32>,
    %swap3A_110 = vector.shape_cast %swap3A_109 : vector<1x16xi32> to vector<16xi32>
    %swap3A_111 = vector.shape_cast %broadcast_in_dim3A_105 : vector<16xi32> to vector<1x16xi32>
    tpu.vector_store %arg4[%swap3A_107, %swap3A_108], %swap3A_111 {strides = array<i32>} : memref<80x128xi32, #tpu.memory_space<vmem>>, vector<1x16xi32>,
    %broadcast_in_dim3A_112 = arith.constant 10000 : i32
    %broadcast_in_dim3A_113 = vector.broadcast %broadcast_in_dim3A_112 : i32 to vector<16xi32>
    %swap3A_114 = arith.constant 79 : i32
    %swap3A_115 = arith.index_cast %swap3A_114 : i32 to index
    %swap3A_116 = arith.constant 96 : index
    %swap3A_117 = tpu.vector_load %arg4[%swap3A_115, %swap3A_116] {strides = array<i32>} : memref<80x128xi32, #tpu.memory_space<vmem>>, vector<1x16xi32>,
    %swap3A_118 = vector.shape_cast %swap3A_117 : vector<1x16xi32> to vector<16xi32>
    %swap3A_119 = vector.shape_cast %broadcast_in_dim3A_113 : vector<16xi32> to vector<1x16xi32>
    tpu.vector_store %arg4[%swap3A_115, %swap3A_116], %swap3A_119 {strides = array<i32>} : memref<80x128xi32, #tpu.memory_space<vmem>>, vector<1x16xi32>,
    %broadcast_in_dim3A_120 = arith.constant 10000 : i32
    %broadcast_in_dim3A_121 = vector.broadcast %broadcast_in_dim3A_120 : i32 to vector<16xi32>
    %swap3A_122 = arith.constant 79 : i32
    %swap3A_123 = arith.index_cast %swap3A_122 : i32 to index
    %swap3A_124 = arith.constant 112 : index
    %swap3A_125 = tpu.vector_load %arg4[%swap3A_123, %swap3A_124] {strides = array<i32>} : memref<80x128xi32, #tpu.memory_space<vmem>>, vector<1x16xi32>,
    %swap3A_126 = vector.shape_cast %swap3A_125 : vector<1x16xi32> to vector<16xi32>
    %swap3A_127 = vector.shape_cast %broadcast_in_dim3A_121 : vector<16xi32> to vector<1x16xi32>
    tpu.vector_store %arg4[%swap3A_123, %swap3A_124], %swap3A_127 {strides = array<i32>} : memref<80x128xi32, #tpu.memory_space<vmem>>, vector<1x16xi32>,
    %scan3A_128 = arith.constant 0 : i32
    %scan3A_129 = arith.constant 78 : i32
    %scan3A_130 = arith.addi %scan3A_128, %scan3A_129 : i32
    %scan3A_131 = arith.constant 1 : i32
    scf.for %scan3A_158 = %scan3A_128 to %scan3A_130 step %scan3A_131  : i32 {
      %mul3A_159 = arith.constant 1 : i32
      %mul3A_160 = arith.muli %scan3A_158, %mul3A_159 : i32
      %add3A_161 = arith.constant 0 : i32
      %add3A_162 = arith.addi %add3A_161, %mul3A_160 : i32
      %mul3A_163 = arith.constant 128 : i32
      %mul3A_164 = arith.muli %add3A_162, %mul3A_163 : i32
      %add3A_165 = arith.addi %mul3A_2, %mul3A_164 : i32
      %dma_wait3A = arith.constant 1 : i32
      %dma_wait3A_166 = arith.constant 0 : i32
      %dma_wait3A_167 = tpu.memref_slice %arg4[%add3A_162, %dma_wait3A_166] : memref<80x128xi32, #tpu.memory_space<vmem>> -> memref<1x128xi32, #tpu.memory_space<vmem>>
      %dma_wait3A_168 = tpu.memref_squeeze %dma_wait3A_167 : memref<1x128xi32, #tpu.memory_space<vmem>> -> memref<128xi32, #tpu.memory_space<vmem>>
      %dma_wait3A_169 = tpu.memref_slice %arg2[%dma_wait3A, %add3A_165] : memref<2x320000xi32, #tpu.memory_space<hbm>> -> memref<1x128xi32, #tpu.memory_space<hbm>>
      %dma_wait3A_170 = tpu.memref_squeeze %dma_wait3A_169 : memref<1x128xi32, #tpu.memory_space<hbm>> -> memref<128xi32, #tpu.memory_space<hbm>>
      %dma_wait3A_171 = arith.constant 0 : i32
      %dma_wait3A_172 = tpu.memref_slice %arg4[%add3A_162, %dma_wait3A_171] : memref<80x128xi32, #tpu.memory_space<vmem>> -> memref<1x128xi32, #tpu.memory_space<vmem>>
      %dma_wait3A_173 = tpu.memref_squeeze %dma_wait3A_172 : memref<1x128xi32, #tpu.memory_space<vmem>> -> memref<128xi32, #tpu.memory_space<vmem>>
      %dma_wait3A_174 = tpu.memref_slice %arg2[%dma_wait3A, %add3A_165] : memref<2x320000xi32, #tpu.memory_space<hbm>> -> memref<1x128xi32, #tpu.memory_space<hbm>>
      %dma_wait3A_175 = tpu.memref_squeeze %dma_wait3A_174 : memref<1x128xi32, #tpu.memory_space<hbm>> -> memref<128xi32, #tpu.memory_space<hbm>>
      tpu.wait_dma2 semaphore(%arg8 : memref<!tpu.dma_semaphore, #tpu.memory_space<semaphore_mem>>) src(%dma_wait3A_175 : memref<128xi32, #tpu.memory_space<hbm>>) dst(%dma_wait3A_173 : memref<128xi32, #tpu.memory_space<vmem>>)
    }
    %scan3A_132 = arith.constant 78 : i32
    %scan3A_133 = arith.constant 0 : i32
    %scan3A_134 = arith.constant 128 : i32
    %scan3A_135 = arith.addi %scan3A_133, %scan3A_134 : i32
    %scan3A_136 = arith.constant 1 : i32
    scf.for %scan3A_158 = %scan3A_133 to %scan3A_135 step %scan3A_136  : i32 {
      %mul3A_159 = arith.constant 1 : i32
      %mul3A_160 = arith.muli %scan3A_158, %mul3A_159 : i32
      %add3A_161 = arith.constant 0 : i32
      %add3A_162 = arith.addi %add3A_161, %mul3A_160 : i32
      %broadcast_in_dim3A_163 = arith.constant 1.000000e+00 : f32
      %broadcast_in_dim3A_164 = vector.broadcast %broadcast_in_dim3A_163 : f32 to vector<16xf32>
      %swap3A_165 = arith.index_cast %add3A_162 : i32 to index
      %swap3A_166 = arith.constant 0 : index
      %swap3A_167 = tpu.vector_load %arg5[%swap3A_165, %swap3A_166] {strides = array<i32>} : memref<128x16xf32, #tpu.memory_space<vmem>>, vector<1x16xf32>,
      %swap3A_168 = vector.shape_cast %swap3A_167 : vector<1x16xf32> to vector<16xf32>
      %swap3A_169 = vector.shape_cast %broadcast_in_dim3A_164 : vector<16xf32> to vector<1x16xf32>
      tpu.vector_store %arg5[%swap3A_165, %swap3A_166], %swap3A_169 {strides = array<i32>} : memref<128x16xf32, #tpu.memory_space<vmem>>, vector<1x16xf32>,
    }
    %scan3A_137 = arith.constant 128 : i32
    %scan3A_138 = arith.constant 0 : i32
    %scan3A_139 = arith.constant 64 : i32
    %scan3A_140 = arith.addi %scan3A_138, %scan3A_139 : i32
    %scan3A_141 = arith.constant 1 : i32
    scf.for %scan3A_158 = %scan3A_138 to %scan3A_140 step %scan3A_141  : i32 {
      %mul3A_159 = arith.constant 1 : i32
      %mul3A_160 = arith.muli %scan3A_158, %mul3A_159 : i32
      %add3A_161 = arith.constant 0 : i32
      %add3A_162 = arith.addi %add3A_161, %mul3A_160 : i32
      %broadcast_in_dim3A_163 = arith.constant 0.000000e+00 : f32
      %broadcast_in_dim3A_164 = vector.broadcast %broadcast_in_dim3A_163 : f32 to vector<16xf32>
      %swap3A_165 = arith.index_cast %add3A_162 : i32 to index
      %swap3A_166 = arith.constant 0 : index
      %swap3A_167 = tpu.vector_load %arg6[%swap3A_165, %swap3A_166] {strides = array<i32>} : memref<64x16xf32, #tpu.memory_space<vmem>>, vector<1x16xf32>,
      %swap3A_168 = vector.shape_cast %swap3A_167 : vector<1x16xf32> to vector<16xf32>
      %swap3A_169 = vector.shape_cast %broadcast_in_dim3A_164 : vector<16xf32> to vector<1x16xf32>
      tpu.vector_store %arg6[%swap3A_165, %swap3A_166], %swap3A_169 {strides = array<i32>} : memref<64x16xf32, #tpu.memory_space<vmem>>, vector<1x16xf32>,
    }
    %scan3A_142 = arith.constant 64 : i32
    %scan3A_143 = arith.constant 0 : i32
    %scan3A_144 = arith.constant 10 : i32
    %scan3A_145 = arith.addi %scan3A_143, %scan3A_144 : i32
    %scan3A_146 = arith.constant 1 : i32
    scf.for %scan3A_158 = %scan3A_143 to %scan3A_145 step %scan3A_146  : i32 {
      %mul3A_159 = arith.constant 64 : i32
      %mul3A_160 = arith.muli %scan3A_158, %mul3A_159 : i32
      %add3A_161 = arith.constant 0 : i32
      %add3A_162 = arith.addi %add3A_161, %mul3A_160 : i32
      %mul3A_163 = arith.constant 640 : i32
      %mul3A_164 = arith.muli %arg1, %mul3A_163 : i32
      %add3A_165 = arith.addi %mul3A_164, %add3A_162 : i32
      "tpu.region"() ({
        %run_scoped3A_166 = tpu.sem_alloc : memref<!tpu.dma_semaphore, #tpu.memory_space<semaphore_mem>>
        %dma_start3A = arith.constant 0 : i32
        %dma_start3A_167 = tpu.memref_slice %arg7[%add3A_165, %dma_start3A] : memref<10240x16xf32, #tpu.memory_space<vmem_shared>> -> memref<64x16xf32, #tpu.memory_space<vmem_shared>>
        %dma_start3A_168 = arith.constant 0 : i32
        %dma_start3A_169 = tpu.memref_slice %arg7[%add3A_165, %dma_start3A_168] : memref<10240x16xf32, #tpu.memory_space<vmem_shared>> -> memref<64x16xf32, #tpu.memory_space<vmem_shared>>
        tpu.enqueue_dma source(%arg6 : memref<64x16xf32, #tpu.memory_space<vmem>>) target(%dma_start3A_169 : memref<64x16xf32, #tpu.memory_space<vmem_shared>>) target_semaphore(%run_scoped3A_166 : memref<!tpu.dma_semaphore, #tpu.memory_space<semaphore_mem>>)
        %dma_wait3A = arith.constant 0 : i32
        %dma_wait3A_170 = tpu.memref_slice %arg7[%add3A_165, %dma_wait3A] : memref<10240x16xf32, #tpu.memory_space<vmem_shared>> -> memref<64x16xf32, #tpu.memory_space<vmem_shared>>
        %dma_wait3A_171 = arith.constant 0 : i32
        %dma_wait3A_172 = tpu.memref_slice %arg7[%add3A_165, %dma_wait3A_171] : memref<10240x16xf32, #tpu.memory_space<vmem_shared>> -> memref<64x16xf32, #tpu.memory_space<vmem_shared>>
        tpu.wait_dma2 semaphore(%run_scoped3A_166 : memref<!tpu.dma_semaphore, #tpu.memory_space<semaphore_mem>>) src(%arg6 : memref<64x16xf32, #tpu.memory_space<vmem>>) dst(%dma_wait3A_172 : memref<64x16xf32, #tpu.memory_space<vmem_shared>>)
        tpu.yield
      }) : () -> ()
    }
    %scan3A_147 = arith.constant 10 : i32
    %barrier3A = arith.constant 0 : index
    tpu.barrier barrier_id(%barrier3A)
    %scan3A_148 = arith.constant 0 : i32
    %scan3A_149 = arith.constant 10 : i32
    %scan3A_150 = arith.addi %scan3A_148, %scan3A_149 : i32
    %scan3A_151 = arith.constant 1 : i32
    scf.for %scan3A_158 = %scan3A_148 to %scan3A_150 step %scan3A_151  : i32 {
      %mul3A_159 = arith.constant 8 : i32
      %mul3A_160 = arith.muli %scan3A_158, %mul3A_159 : i32
      %add3A_161 = arith.constant 0 : i32
      %add3A_162 = arith.addi %add3A_161, %mul3A_160 : i32
      %add3A_163 = arith.constant 0 : i32
      %add3A_164 = arith.addi %add3A_162, %add3A_163 : i32
      %dma_start3A = arith.constant 0 : i32
      %dma_start3A_165 = tpu.memref_slice %arg4[%add3A_164, %dma_start3A] : memref<80x128xi32, #tpu.memory_space<vmem>> -> memref<1x128xi32, #tpu.memory_space<vmem>>
      %dma_start3A_166 = tpu.memref_squeeze %dma_start3A_165 : memref<1x128xi32, #tpu.memory_space<vmem>> -> memref<128xi32, #tpu.memory_space<vmem>>
      %dma_start3A_167 = arith.constant 0 : i32
      %dma_start3A_168 = arith.constant 0 : i32
      %dma_start3A_169 = tpu.memref_slice %arg7[%dma_start3A_167, %dma_start3A_168] : memref<10240x16xf32, #tpu.memory_space<vmem_shared>> -> memref<10240x16xf32, #tpu.memory_space<vmem_shared>>
      tpu.enqueue_indirect_dma source(%arg5 : memref<128x16xf32, #tpu.memory_space<vmem>>) target(%dma_start3A_169 : memref<10240x16xf32, #tpu.memory_space<vmem_shared>>) offsets(%dma_start3A_166 : memref<128xi32, #tpu.memory_space<vmem>>) semaphore(%arg9 : memref<!tpu.dma_semaphore, #tpu.memory_space<semaphore_mem>>) {add = true}
      %add3A_170 = arith.constant 1 : i32
      %add3A_171 = arith.addi %add3A_162, %add3A_170 : i32
      %dma_start3A_172 = arith.constant 0 : i32
      %dma_start3A_173 = tpu.memref_slice %arg4[%add3A_171, %dma_start3A_172] : memref<80x128xi32, #tpu.memory_space<vmem>> -> memref<1x128xi32, #tpu.memory_space<vmem>>
      %dma_start3A_174 = tpu.memref_squeeze %dma_start3A_173 : memref<1x128xi32, #tpu.memory_space<vmem>> -> memref<128xi32, #tpu.memory_space<vmem>>
      %dma_start3A_175 = arith.constant 0 : i32
      %dma_start3A_176 = arith.constant 0 : i32
      %dma_start3A_177 = tpu.memref_slice %arg7[%dma_start3A_175, %dma_start3A_176] : memref<10240x16xf32, #tpu.memory_space<vmem_shared>> -> memref<10240x16xf32, #tpu.memory_space<vmem_shared>>
      tpu.enqueue_indirect_dma source(%arg5 : memref<128x16xf32, #tpu.memory_space<vmem>>) target(%dma_start3A_177 : memref<10240x16xf32, #tpu.memory_space<vmem_shared>>) offsets(%dma_start3A_174 : memref<128xi32, #tpu.memory_space<vmem>>) semaphore(%arg9 : memref<!tpu.dma_semaphore, #tpu.memory_space<semaphore_mem>>) {add = true}
      %add3A_178 = arith.constant 2 : i32
      %add3A_179 = arith.addi %add3A_162, %add3A_178 : i32
      %dma_start3A_180 = arith.constant 0 : i32
      %dma_start3A_181 = tpu.memref_slice %arg4[%add3A_179, %dma_start3A_180] : memref<80x128xi32, #tpu.memory_space<vmem>> -> memref<1x128xi32, #tpu.memory_space<vmem>>
      %dma_start3A_182 = tpu.memref_squeeze %dma_start3A_181 : memref<1x128xi32, #tpu.memory_space<vmem>> -> memref<128xi32, #tpu.memory_space<vmem>>
      %dma_start3A_183 = arith.constant 0 : i32
      %dma_start3A_184 = arith.constant 0 : i32
      %dma_start3A_185 = tpu.memref_slice %arg7[%dma_start3A_183, %dma_start3A_184] : memref<10240x16xf32, #tpu.memory_space<vmem_shared>> -> memref<10240x16xf32, #tpu.memory_space<vmem_shared>>
      tpu.enqueue_indirect_dma source(%arg5 : memref<128x16xf32, #tpu.memory_space<vmem>>) target(%dma_start3A_185 : memref<10240x16xf32, #tpu.memory_space<vmem_shared>>) offsets(%dma_start3A_182 : memref<128xi32, #tpu.memory_space<vmem>>) semaphore(%arg9 : memref<!tpu.dma_semaphore, #tpu.memory_space<semaphore_mem>>) {add = true}
      %add3A_186 = arith.constant 3 : i32
      %add3A_187 = arith.addi %add3A_162, %add3A_186 : i32
      %dma_start3A_188 = arith.constant 0 : i32
      %dma_start3A_189 = tpu.memref_slice %arg4[%add3A_187, %dma_start3A_188] : memref<80x128xi32, #tpu.memory_space<vmem>> -> memref<1x128xi32, #tpu.memory_space<vmem>>
      %dma_start3A_190 = tpu.memref_squeeze %dma_start3A_189 : memref<1x128xi32, #tpu.memory_space<vmem>> -> memref<128xi32, #tpu.memory_space<vmem>>
      %dma_start3A_191 = arith.constant 0 : i32
      %dma_start3A_192 = arith.constant 0 : i32
      %dma_start3A_193 = tpu.memref_slice %arg7[%dma_start3A_191, %dma_start3A_192] : memref<10240x16xf32, #tpu.memory_space<vmem_shared>> -> memref<10240x16xf32, #tpu.memory_space<vmem_shared>>
      tpu.enqueue_indirect_dma source(%arg5 : memref<128x16xf32, #tpu.memory_space<vmem>>) target(%dma_start3A_193 : memref<10240x16xf32, #tpu.memory_space<vmem_shared>>) offsets(%dma_start3A_190 : memref<128xi32, #tpu.memory_space<vmem>>) semaphore(%arg9 : memref<!tpu.dma_semaphore, #tpu.memory_space<semaphore_mem>>) {add = true}
      %add3A_194 = arith.constant 4 : i32
      %add3A_195 = arith.addi %add3A_162, %add3A_194 : i32
      %dma_start3A_196 = arith.constant 0 : i32
      %dma_start3A_197 = tpu.memref_slice %arg4[%add3A_195, %dma_start3A_196] : memref<80x128xi32, #tpu.memory_space<vmem>> -> memref<1x128xi32, #tpu.memory_space<vmem>>
      %dma_start3A_198 = tpu.memref_squeeze %dma_start3A_197 : memref<1x128xi32, #tpu.memory_space<vmem>> -> memref<128xi32, #tpu.memory_space<vmem>>
      %dma_start3A_199 = arith.constant 0 : i32
      %dma_start3A_200 = arith.constant 0 : i32
      %dma_start3A_201 = tpu.memref_slice %arg7[%dma_start3A_199, %dma_start3A_200] : memref<10240x16xf32, #tpu.memory_space<vmem_shared>> -> memref<10240x16xf32, #tpu.memory_space<vmem_shared>>
      tpu.enqueue_indirect_dma source(%arg5 : memref<128x16xf32, #tpu.memory_space<vmem>>) target(%dma_start3A_201 : memref<10240x16xf32, #tpu.memory_space<vmem_shared>>) offsets(%dma_start3A_198 : memref<128xi32, #tpu.memory_space<vmem>>) semaphore(%arg9 : memref<!tpu.dma_semaphore, #tpu.memory_space<semaphore_mem>>) {add = true}
      %add3A_202 = arith.constant 5 : i32
      %add3A_203 = arith.addi %add3A_162, %add3A_202 : i32
      %dma_start3A_204 = arith.constant 0 : i32
      %dma_start3A_205 = tpu.memref_slice %arg4[%add3A_203, %dma_start3A_204] : memref<80x128xi32, #tpu.memory_space<vmem>> -> memref<1x128xi32, #tpu.memory_space<vmem>>
      %dma_start3A_206 = tpu.memref_squeeze %dma_start3A_205 : memref<1x128xi32, #tpu.memory_space<vmem>> -> memref<128xi32, #tpu.memory_space<vmem>>
      %dma_start3A_207 = arith.constant 0 : i32
      %dma_start3A_208 = arith.constant 0 : i32
      %dma_start3A_209 = tpu.memref_slice %arg7[%dma_start3A_207, %dma_start3A_208] : memref<10240x16xf32, #tpu.memory_space<vmem_shared>> -> memref<10240x16xf32, #tpu.memory_space<vmem_shared>>
      tpu.enqueue_indirect_dma source(%arg5 : memref<128x16xf32, #tpu.memory_space<vmem>>) target(%dma_start3A_209 : memref<10240x16xf32, #tpu.memory_space<vmem_shared>>) offsets(%dma_start3A_206 : memref<128xi32, #tpu.memory_space<vmem>>) semaphore(%arg9 : memref<!tpu.dma_semaphore, #tpu.memory_space<semaphore_mem>>) {add = true}
      %add3A_210 = arith.constant 6 : i32
      %add3A_211 = arith.addi %add3A_162, %add3A_210 : i32
      %dma_start3A_212 = arith.constant 0 : i32
      %dma_start3A_213 = tpu.memref_slice %arg4[%add3A_211, %dma_start3A_212] : memref<80x128xi32, #tpu.memory_space<vmem>> -> memref<1x128xi32, #tpu.memory_space<vmem>>
      %dma_start3A_214 = tpu.memref_squeeze %dma_start3A_213 : memref<1x128xi32, #tpu.memory_space<vmem>> -> memref<128xi32, #tpu.memory_space<vmem>>
      %dma_start3A_215 = arith.constant 0 : i32
      %dma_start3A_216 = arith.constant 0 : i32
      %dma_start3A_217 = tpu.memref_slice %arg7[%dma_start3A_215, %dma_start3A_216] : memref<10240x16xf32, #tpu.memory_space<vmem_shared>> -> memref<10240x16xf32, #tpu.memory_space<vmem_shared>>
      tpu.enqueue_indirect_dma source(%arg5 : memref<128x16xf32, #tpu.memory_space<vmem>>) target(%dma_start3A_217 : memref<10240x16xf32, #tpu.memory_space<vmem_shared>>) offsets(%dma_start3A_214 : memref<128xi32, #tpu.memory_space<vmem>>) semaphore(%arg9 : memref<!tpu.dma_semaphore, #tpu.memory_space<semaphore_mem>>) {add = true}
      %add3A_218 = arith.constant 7 : i32
      %add3A_219 = arith.addi %add3A_162, %add3A_218 : i32
      %dma_start3A_220 = arith.constant 0 : i32
      %dma_start3A_221 = tpu.memref_slice %arg4[%add3A_219, %dma_start3A_220] : memref<80x128xi32, #tpu.memory_space<vmem>> -> memref<1x128xi32, #tpu.memory_space<vmem>>
      %dma_start3A_222 = tpu.memref_squeeze %dma_start3A_221 : memref<1x128xi32, #tpu.memory_space<vmem>> -> memref<128xi32, #tpu.memory_space<vmem>>
      %dma_start3A_223 = arith.constant 0 : i32
      %dma_start3A_224 = arith.constant 0 : i32
      %dma_start3A_225 = tpu.memref_slice %arg7[%dma_start3A_223, %dma_start3A_224] : memref<10240x16xf32, #tpu.memory_space<vmem_shared>> -> memref<10240x16xf32, #tpu.memory_space<vmem_shared>>
      tpu.enqueue_indirect_dma source(%arg5 : memref<128x16xf32, #tpu.memory_space<vmem>>) target(%dma_start3A_225 : memref<10240x16xf32, #tpu.memory_space<vmem_shared>>) offsets(%dma_start3A_222 : memref<128xi32, #tpu.memory_space<vmem>>) semaphore(%arg9 : memref<!tpu.dma_semaphore, #tpu.memory_space<semaphore_mem>>) {add = true}
      %add3A_226 = arith.constant 0 : i32
      %add3A_227 = arith.addi %add3A_162, %add3A_226 : i32
      %dma_wait3A = arith.constant 0 : i32
      %dma_wait3A_228 = tpu.memref_slice %arg4[%add3A_227, %dma_wait3A] : memref<80x128xi32, #tpu.memory_space<vmem>> -> memref<1x128xi32, #tpu.memory_space<vmem>>
      %dma_wait3A_229 = tpu.memref_squeeze %dma_wait3A_228 : memref<1x128xi32, #tpu.memory_space<vmem>> -> memref<128xi32, #tpu.memory_space<vmem>>
      %dma_wait3A_230 = arith.constant 0 : i32
      %dma_wait3A_231 = arith.constant 0 : i32
      %dma_wait3A_232 = tpu.memref_slice %arg7[%dma_wait3A_230, %dma_wait3A_231] : memref<10240x16xf32, #tpu.memory_space<vmem_shared>> -> memref<10240x16xf32, #tpu.memory_space<vmem_shared>>
      tpu.wait_indirect_dma semaphore(%arg9 : memref<!tpu.dma_semaphore, #tpu.memory_space<semaphore_mem>>) src(%arg5 : memref<128x16xf32, #tpu.memory_space<vmem>>) dst(%dma_wait3A_232 : memref<10240x16xf32, #tpu.memory_space<vmem_shared>>)
      %add3A_233 = arith.constant 1 : i32
      %add3A_234 = arith.addi %add3A_162, %add3A_233 : i32
      %dma_wait3A_235 = arith.constant 0 : i32
      %dma_wait3A_236 = tpu.memref_slice %arg4[%add3A_234, %dma_wait3A_235] : memref<80x128xi32, #tpu.memory_space<vmem>> -> memref<1x128xi32, #tpu.memory_space<vmem>>
      %dma_wait3A_237 = tpu.memref_squeeze %dma_wait3A_236 : memref<1x128xi32, #tpu.memory_space<vmem>> -> memref<128xi32, #tpu.memory_space<vmem>>
      %dma_wait3A_238 = arith.constant 0 : i32
      %dma_wait3A_239 = arith.constant 0 : i32
      %dma_wait3A_240 = tpu.memref_slice %arg7[%dma_wait3A_238, %dma_wait3A_239] : memref<10240x16xf32, #tpu.memory_space<vmem_shared>> -> memref<10240x16xf32, #tpu.memory_space<vmem_shared>>
      tpu.wait_indirect_dma semaphore(%arg9 : memref<!tpu.dma_semaphore, #tpu.memory_space<semaphore_mem>>) src(%arg5 : memref<128x16xf32, #tpu.memory_space<vmem>>) dst(%dma_wait3A_240 : memref<10240x16xf32, #tpu.memory_space<vmem_shared>>)
      %add3A_241 = arith.constant 2 : i32
      %add3A_242 = arith.addi %add3A_162, %add3A_241 : i32
      %dma_wait3A_243 = arith.constant 0 : i32
      %dma_wait3A_244 = tpu.memref_slice %arg4[%add3A_242, %dma_wait3A_243] : memref<80x128xi32, #tpu.memory_space<vmem>> -> memref<1x128xi32, #tpu.memory_space<vmem>>
      %dma_wait3A_245 = tpu.memref_squeeze %dma_wait3A_244 : memref<1x128xi32, #tpu.memory_space<vmem>> -> memref<128xi32, #tpu.memory_space<vmem>>
      %dma_wait3A_246 = arith.constant 0 : i32
      %dma_wait3A_247 = arith.constant 0 : i32
      %dma_wait3A_248 = tpu.memref_slice %arg7[%dma_wait3A_246, %dma_wait3A_247] : memref<10240x16xf32, #tpu.memory_space<vmem_shared>> -> memref<10240x16xf32, #tpu.memory_space<vmem_shared>>
      tpu.wait_indirect_dma semaphore(%arg9 : memref<!tpu.dma_semaphore, #tpu.memory_space<semaphore_mem>>) src(%arg5 : memref<128x16xf32, #tpu.memory_space<vmem>>) dst(%dma_wait3A_248 : memref<10240x16xf32, #tpu.memory_space<vmem_shared>>)
      %add3A_249 = arith.constant 3 : i32
      %add3A_250 = arith.addi %add3A_162, %add3A_249 : i32
      %dma_wait3A_251 = arith.constant 0 : i32
      %dma_wait3A_252 = tpu.memref_slice %arg4[%add3A_250, %dma_wait3A_251] : memref<80x128xi32, #tpu.memory_space<vmem>> -> memref<1x128xi32, #tpu.memory_space<vmem>>
      %dma_wait3A_253 = tpu.memref_squeeze %dma_wait3A_252 : memref<1x128xi32, #tpu.memory_space<vmem>> -> memref<128xi32, #tpu.memory_space<vmem>>
      %dma_wait3A_254 = arith.constant 0 : i32
      %dma_wait3A_255 = arith.constant 0 : i32
      %dma_wait3A_256 = tpu.memref_slice %arg7[%dma_wait3A_254, %dma_wait3A_255] : memref<10240x16xf32, #tpu.memory_space<vmem_shared>> -> memref<10240x16xf32, #tpu.memory_space<vmem_shared>>
      tpu.wait_indirect_dma semaphore(%arg9 : memref<!tpu.dma_semaphore, #tpu.memory_space<semaphore_mem>>) src(%arg5 : memref<128x16xf32, #tpu.memory_space<vmem>>) dst(%dma_wait3A_256 : memref<10240x16xf32, #tpu.memory_space<vmem_shared>>)
      %add3A_257 = arith.constant 4 : i32
      %add3A_258 = arith.addi %add3A_162, %add3A_257 : i32
      %dma_wait3A_259 = arith.constant 0 : i32
      %dma_wait3A_260 = tpu.memref_slice %arg4[%add3A_258, %dma_wait3A_259] : memref<80x128xi32, #tpu.memory_space<vmem>> -> memref<1x128xi32, #tpu.memory_space<vmem>>
      %dma_wait3A_261 = tpu.memref_squeeze %dma_wait3A_260 : memref<1x128xi32, #tpu.memory_space<vmem>> -> memref<128xi32, #tpu.memory_space<vmem>>
      %dma_wait3A_262 = arith.constant 0 : i32
      %dma_wait3A_263 = arith.constant 0 : i32
      %dma_wait3A_264 = tpu.memref_slice %arg7[%dma_wait3A_262, %dma_wait3A_263] : memref<10240x16xf32, #tpu.memory_space<vmem_shared>> -> memref<10240x16xf32, #tpu.memory_space<vmem_shared>>
      tpu.wait_indirect_dma semaphore(%arg9 : memref<!tpu.dma_semaphore, #tpu.memory_space<semaphore_mem>>) src(%arg5 : memref<128x16xf32, #tpu.memory_space<vmem>>) dst(%dma_wait3A_264 : memref<10240x16xf32, #tpu.memory_space<vmem_shared>>)
      %add3A_265 = arith.constant 5 : i32
      %add3A_266 = arith.addi %add3A_162, %add3A_265 : i32
      %dma_wait3A_267 = arith.constant 0 : i32
      %dma_wait3A_268 = tpu.memref_slice %arg4[%add3A_266, %dma_wait3A_267] : memref<80x128xi32, #tpu.memory_space<vmem>> -> memref<1x128xi32, #tpu.memory_space<vmem>>
      %dma_wait3A_269 = tpu.memref_squeeze %dma_wait3A_268 : memref<1x128xi32, #tpu.memory_space<vmem>> -> memref<128xi32, #tpu.memory_space<vmem>>
      %dma_wait3A_270 = arith.constant 0 : i32
      %dma_wait3A_271 = arith.constant 0 : i32
      %dma_wait3A_272 = tpu.memref_slice %arg7[%dma_wait3A_270, %dma_wait3A_271] : memref<10240x16xf32, #tpu.memory_space<vmem_shared>> -> memref<10240x16xf32, #tpu.memory_space<vmem_shared>>
      tpu.wait_indirect_dma semaphore(%arg9 : memref<!tpu.dma_semaphore, #tpu.memory_space<semaphore_mem>>) src(%arg5 : memref<128x16xf32, #tpu.memory_space<vmem>>) dst(%dma_wait3A_272 : memref<10240x16xf32, #tpu.memory_space<vmem_shared>>)
      %add3A_273 = arith.constant 6 : i32
      %add3A_274 = arith.addi %add3A_162, %add3A_273 : i32
      %dma_wait3A_275 = arith.constant 0 : i32
      %dma_wait3A_276 = tpu.memref_slice %arg4[%add3A_274, %dma_wait3A_275] : memref<80x128xi32, #tpu.memory_space<vmem>> -> memref<1x128xi32, #tpu.memory_space<vmem>>
      %dma_wait3A_277 = tpu.memref_squeeze %dma_wait3A_276 : memref<1x128xi32, #tpu.memory_space<vmem>> -> memref<128xi32, #tpu.memory_space<vmem>>
      %dma_wait3A_278 = arith.constant 0 : i32
      %dma_wait3A_279 = arith.constant 0 : i32
      %dma_wait3A_280 = tpu.memref_slice %arg7[%dma_wait3A_278, %dma_wait3A_279] : memref<10240x16xf32, #tpu.memory_space<vmem_shared>> -> memref<10240x16xf32, #tpu.memory_space<vmem_shared>>
      tpu.wait_indirect_dma semaphore(%arg9 : memref<!tpu.dma_semaphore, #tpu.memory_space<semaphore_mem>>) src(%arg5 : memref<128x16xf32, #tpu.memory_space<vmem>>) dst(%dma_wait3A_280 : memref<10240x16xf32, #tpu.memory_space<vmem_shared>>)
      %add3A_281 = arith.constant 7 : i32
      %add3A_282 = arith.addi %add3A_162, %add3A_281 : i32
      %dma_wait3A_283 = arith.constant 0 : i32
      %dma_wait3A_284 = tpu.memref_slice %arg4[%add3A_282, %dma_wait3A_283] : memref<80x128xi32, #tpu.memory_space<vmem>> -> memref<1x128xi32, #tpu.memory_space<vmem>>
      %dma_wait3A_285 = tpu.memref_squeeze %dma_wait3A_284 : memref<1x128xi32, #tpu.memory_space<vmem>> -> memref<128xi32, #tpu.memory_space<vmem>>
      %dma_wait3A_286 = arith.constant 0 : i32
      %dma_wait3A_287 = arith.constant 0 : i32
      %dma_wait3A_288 = tpu.memref_slice %arg7[%dma_wait3A_286, %dma_wait3A_287] : memref<10240x16xf32, #tpu.memory_space<vmem_shared>> -> memref<10240x16xf32, #tpu.memory_space<vmem_shared>>
      tpu.wait_indirect_dma semaphore(%arg9 : memref<!tpu.dma_semaphore, #tpu.memory_space<semaphore_mem>>) src(%arg5 : memref<128x16xf32, #tpu.memory_space<vmem>>) dst(%dma_wait3A_288 : memref<10240x16xf32, #tpu.memory_space<vmem_shared>>)
    }
    %scan3A_152 = arith.constant 10 : i32
    %barrier3A_153 = arith.constant 0 : index
    tpu.barrier barrier_id(%barrier3A_153)
    %mul3A_154 = arith.constant 640 : i32
    %mul3A_155 = arith.muli %arg1, %mul3A_154 : i32
    %mul3A_156 = arith.constant 640 : i32
    %mul3A_157 = arith.muli %arg1, %mul3A_156 : i32
    "tpu.region"() ({
      %run_scoped3A_158 = tpu.sem_alloc : memref<!tpu.dma_semaphore, #tpu.memory_space<semaphore_mem>>
      %dma_start3A = arith.constant 0 : i32
      %dma_start3A_159 = tpu.memref_slice %arg3[%arg0, %mul3A_157, %dma_start3A] : memref<2x10240x16xf32, #tpu.memory_space<hbm>> -> memref<1x640x16xf32, #tpu.memory_space<hbm>>
      %dma_start3A_160 = tpu.memref_squeeze %dma_start3A_159 : memref<1x640x16xf32, #tpu.memory_space<hbm>> -> memref<640x16xf32, #tpu.memory_space<hbm>>
      %dma_start3A_161 = arith.constant 0 : i32
      %dma_start3A_162 = tpu.memref_slice %arg7[%mul3A_155, %dma_start3A_161] : memref<10240x16xf32, #tpu.memory_space<vmem_shared>> -> memref<640x16xf32, #tpu.memory_space<vmem_shared>>
      tpu.enqueue_dma source(%dma_start3A_162 : memref<640x16xf32, #tpu.memory_space<vmem_shared>>) target(%dma_start3A_160 : memref<640x16xf32, #tpu.memory_space<hbm>>) target_semaphore(%run_scoped3A_158 : memref<!tpu.dma_semaphore, #tpu.memory_space<semaphore_mem>>)
      %dma_wait3A = arith.constant 0 : i32
      %dma_wait3A_163 = tpu.memref_slice %arg3[%arg0, %mul3A_157, %dma_wait3A] : memref<2x10240x16xf32, #tpu.memory_space<hbm>> -> memref<1x640x16xf32, #tpu.memory_space<hbm>>
      %dma_wait3A_164 = tpu.memref_squeeze %dma_wait3A_163 : memref<1x640x16xf32, #tpu.memory_space<hbm>> -> memref<640x16xf32, #tpu.memory_space<hbm>>
      %dma_wait3A_165 = arith.constant 0 : i32
      %dma_wait3A_166 = tpu.memref_slice %arg7[%mul3A_155, %dma_wait3A_165] : memref<10240x16xf32, #tpu.memory_space<vmem_shared>> -> memref<640x16xf32, #tpu.memory_space<vmem_shared>>
      tpu.wait_dma2 semaphore(%run_scoped3A_158 : memref<!tpu.dma_semaphore, #tpu.memory_space<semaphore_mem>>) src(%dma_wait3A_166 : memref<640x16xf32, #tpu.memory_space<vmem_shared>>) dst(%dma_wait3A_164 : memref<640x16xf32, #tpu.memory_space<hbm>>)
      tpu.yield
    }) : () -> ()
    return
  }
}

#map = affine_map<(d0, d1) -> (0, 0)>
#map1 = affine_map<(d0, d1) -> (0, 0, 0)>
module attributes {stable_mosaic.version = 14 : i64} {
  func.func @_sc_aggregate(%arg0: i32, %arg1: i32, %arg2: memref<10000x16xf32, #tpu.memory_space<hbm>>, %arg3: memref<2x320000xi32, #tpu.memory_space<hbm>>, %arg4: memref<2x10240x16xf32, #tpu.memory_space<hbm>>, %arg5: memref<10240xi32, #tpu.memory_space<vmem>>, %arg6: memref<80x128xi32, #tpu.memory_space<vmem>>, %arg7: memref<8x128x16xf32, #tpu.memory_space<vmem>>, %arg8: memref<64x16xf32, #tpu.memory_space<vmem>>, %arg9: memref<10240x16xf32, #tpu.memory_space<vmem_shared>>, %arg10: memref<10000x16xf32, #tpu.memory_space<vmem_shared>>, %arg11: memref<!tpu.dma_semaphore, #tpu.memory_space<semaphore_mem>>, %arg12: memref<!tpu.dma_semaphore, #tpu.memory_space<semaphore_mem>>, %arg13: memref<!tpu.dma_semaphore, #tpu.memory_space<semaphore_mem>>, %arg14: memref<8x!tpu.dma_semaphore, #tpu.memory_space<semaphore_mem>>, %arg15: memref<8x!tpu.dma_semaphore, #tpu.memory_space<semaphore_mem>>) attributes {dimension_semantics = [#tpu.dimension_semantics<core_parallel>, #tpu.dimension_semantics<subcore_parallel>], iteration_bounds = array<i64: 2, 16>, scalar_prefetch = 0 : i64, scratch_operands = 11 : i64, tpu.core_type = #tpu.core_type<sc_vector_subcore>, window_params = [{transform_indices = #map}, {transform_indices = #map}, {transform_indices = #map1}]} {
    %mul3A = arith.constant 2 : i32
    %mul3A_0 = arith.muli %arg1, %mul3A : i32
    %add3A = arith.addi %mul3A_0, %arg0 : i32
    %mul3A_1 = arith.constant 10000 : i32
    %mul3A_2 = arith.muli %add3A, %mul3A_1 : i32
    %dma_start3A = arith.constant 0 : i32
    %dma_start3A_3 = arith.constant 0 : i32
    %dma_start3A_4 = tpu.memref_slice %arg5[%dma_start3A_3] : memref<10240xi32, #tpu.memory_space<vmem>> -> memref<10000xi32, #tpu.memory_space<vmem>>
    %dma_start3A_5 = tpu.memref_slice %arg3[%dma_start3A, %mul3A_2] : memref<2x320000xi32, #tpu.memory_space<hbm>> -> memref<1x10000xi32, #tpu.memory_space<hbm>>
    %dma_start3A_6 = tpu.memref_squeeze %dma_start3A_5 : memref<1x10000xi32, #tpu.memory_space<hbm>> -> memref<10000xi32, #tpu.memory_space<hbm>>
    %dma_start3A_7 = arith.constant 0 : i32
    %dma_start3A_8 = tpu.memref_slice %arg5[%dma_start3A_7] : memref<10240xi32, #tpu.memory_space<vmem>> -> memref<10000xi32, #tpu.memory_space<vmem>>
    %dma_start3A_9 = tpu.memref_slice %arg3[%dma_start3A, %mul3A_2] : memref<2x320000xi32, #tpu.memory_space<hbm>> -> memref<1x10000xi32, #tpu.memory_space<hbm>>
    %dma_start3A_10 = tpu.memref_squeeze %dma_start3A_9 : memref<1x10000xi32, #tpu.memory_space<hbm>> -> memref<10000xi32, #tpu.memory_space<hbm>>
    tpu.enqueue_dma source(%dma_start3A_10 : memref<10000xi32, #tpu.memory_space<hbm>>) target(%dma_start3A_8 : memref<10000xi32, #tpu.memory_space<vmem>>) target_semaphore(%arg11 : memref<!tpu.dma_semaphore, #tpu.memory_space<semaphore_mem>>)
    %mul3A_11 = arith.constant 625 : i32
    %mul3A_12 = arith.muli %arg1, %mul3A_11 : i32
    %mul3A_13 = arith.constant 625 : i32
    %mul3A_14 = arith.muli %arg1, %mul3A_13 : i32
    %dma_start3A_15 = arith.constant 0 : i32
    %dma_start3A_16 = tpu.memref_slice %arg10[%mul3A_14, %dma_start3A_15] : memref<10000x16xf32, #tpu.memory_space<vmem_shared>> -> memref<625x16xf32, #tpu.memory_space<vmem_shared>>
    %dma_start3A_17 = arith.constant 0 : i32
    %dma_start3A_18 = tpu.memref_slice %arg2[%mul3A_12, %dma_start3A_17] : memref<10000x16xf32, #tpu.memory_space<hbm>> -> memref<625x16xf32, #tpu.memory_space<hbm>>
    tpu.enqueue_dma source(%dma_start3A_18 : memref<625x16xf32, #tpu.memory_space<hbm>>) target(%dma_start3A_16 : memref<625x16xf32, #tpu.memory_space<vmem_shared>>) target_semaphore(%arg13 : memref<!tpu.dma_semaphore, #tpu.memory_space<semaphore_mem>>)
    %scan3A = arith.constant 0 : i32
    %scan3A_19 = arith.constant 78 : i32
    %scan3A_20 = arith.addi %scan3A, %scan3A_19 : i32
    %scan3A_21 = arith.constant 1 : i32
    scf.for %scan3A_719 = %scan3A to %scan3A_20 step %scan3A_21  : i32 {
      %mul3A_720 = arith.constant 1 : i32
      %mul3A_721 = arith.muli %scan3A_719, %mul3A_720 : i32
      %add3A_722 = arith.constant 0 : i32
      %add3A_723 = arith.addi %add3A_722, %mul3A_721 : i32
      %mul3A_724 = arith.constant 128 : i32
      %mul3A_725 = arith.muli %add3A_723, %mul3A_724 : i32
      %add3A_726 = arith.addi %mul3A_2, %mul3A_725 : i32
      %dma_start3A_727 = arith.constant 1 : i32
      %dma_start3A_728 = arith.constant 0 : i32
      %dma_start3A_729 = tpu.memref_slice %arg6[%add3A_723, %dma_start3A_728] : memref<80x128xi32, #tpu.memory_space<vmem>> -> memref<1x128xi32, #tpu.memory_space<vmem>>
      %dma_start3A_730 = tpu.memref_squeeze %dma_start3A_729 : memref<1x128xi32, #tpu.memory_space<vmem>> -> memref<128xi32, #tpu.memory_space<vmem>>
      %dma_start3A_731 = tpu.memref_slice %arg3[%dma_start3A_727, %add3A_726] : memref<2x320000xi32, #tpu.memory_space<hbm>> -> memref<1x128xi32, #tpu.memory_space<hbm>>
      %dma_start3A_732 = tpu.memref_squeeze %dma_start3A_731 : memref<1x128xi32, #tpu.memory_space<hbm>> -> memref<128xi32, #tpu.memory_space<hbm>>
      %dma_start3A_733 = arith.constant 0 : i32
      %dma_start3A_734 = tpu.memref_slice %arg6[%add3A_723, %dma_start3A_733] : memref<80x128xi32, #tpu.memory_space<vmem>> -> memref<1x128xi32, #tpu.memory_space<vmem>>
      %dma_start3A_735 = tpu.memref_squeeze %dma_start3A_734 : memref<1x128xi32, #tpu.memory_space<vmem>> -> memref<128xi32, #tpu.memory_space<vmem>>
      %dma_start3A_736 = tpu.memref_slice %arg3[%dma_start3A_727, %add3A_726] : memref<2x320000xi32, #tpu.memory_space<hbm>> -> memref<1x128xi32, #tpu.memory_space<hbm>>
      %dma_start3A_737 = tpu.memref_squeeze %dma_start3A_736 : memref<1x128xi32, #tpu.memory_space<hbm>> -> memref<128xi32, #tpu.memory_space<hbm>>
      tpu.enqueue_dma source(%dma_start3A_737 : memref<128xi32, #tpu.memory_space<hbm>>) target(%dma_start3A_735 : memref<128xi32, #tpu.memory_space<vmem>>) target_semaphore(%arg12 : memref<!tpu.dma_semaphore, #tpu.memory_space<semaphore_mem>>)
    }
    %scan3A_22 = arith.constant 78 : i32
    %add3A_23 = arith.constant 9984 : i32
    %add3A_24 = arith.addi %mul3A_2, %add3A_23 : i32
    %run_scoped3A = arith.constant 1 : i32
    %run_scoped3A_25 = arith.constant 78 : i32
    "tpu.region"() ({
      %run_scoped3A_719 = tpu.sem_alloc : memref<!tpu.dma_semaphore, #tpu.memory_space<semaphore_mem>>
      %dma_start3A_720 = arith.constant 0 : i32
      %dma_start3A_721 = tpu.memref_slice %arg6[%run_scoped3A_25, %dma_start3A_720] : memref<80x128xi32, #tpu.memory_space<vmem>> -> memref<1x16xi32, #tpu.memory_space<vmem>>
      %dma_start3A_722 = tpu.memref_squeeze %dma_start3A_721 : memref<1x16xi32, #tpu.memory_space<vmem>> -> memref<16xi32, #tpu.memory_space<vmem>>
      %dma_start3A_723 = tpu.memref_slice %arg3[%run_scoped3A, %add3A_24] : memref<2x320000xi32, #tpu.memory_space<hbm>> -> memref<1x16xi32, #tpu.memory_space<hbm>>
      %dma_start3A_724 = tpu.memref_squeeze %dma_start3A_723 : memref<1x16xi32, #tpu.memory_space<hbm>> -> memref<16xi32, #tpu.memory_space<hbm>>
      %dma_start3A_725 = arith.constant 0 : i32
      %dma_start3A_726 = tpu.memref_slice %arg6[%run_scoped3A_25, %dma_start3A_725] : memref<80x128xi32, #tpu.memory_space<vmem>> -> memref<1x16xi32, #tpu.memory_space<vmem>>
      %dma_start3A_727 = tpu.memref_squeeze %dma_start3A_726 : memref<1x16xi32, #tpu.memory_space<vmem>> -> memref<16xi32, #tpu.memory_space<vmem>>
      %dma_start3A_728 = tpu.memref_slice %arg3[%run_scoped3A, %add3A_24] : memref<2x320000xi32, #tpu.memory_space<hbm>> -> memref<1x16xi32, #tpu.memory_space<hbm>>
      %dma_start3A_729 = tpu.memref_squeeze %dma_start3A_728 : memref<1x16xi32, #tpu.memory_space<hbm>> -> memref<16xi32, #tpu.memory_space<hbm>>
      tpu.enqueue_dma source(%dma_start3A_729 : memref<16xi32, #tpu.memory_space<hbm>>) target(%dma_start3A_727 : memref<16xi32, #tpu.memory_space<vmem>>) target_semaphore(%run_scoped3A_719 : memref<!tpu.dma_semaphore, #tpu.memory_space<semaphore_mem>>)
      %dma_wait3A_730 = arith.constant 0 : i32
      %dma_wait3A_731 = tpu.memref_slice %arg6[%run_scoped3A_25, %dma_wait3A_730] : memref<80x128xi32, #tpu.memory_space<vmem>> -> memref<1x16xi32, #tpu.memory_space<vmem>>
      %dma_wait3A_732 = tpu.memref_squeeze %dma_wait3A_731 : memref<1x16xi32, #tpu.memory_space<vmem>> -> memref<16xi32, #tpu.memory_space<vmem>>
      %dma_wait3A_733 = tpu.memref_slice %arg3[%run_scoped3A, %add3A_24] : memref<2x320000xi32, #tpu.memory_space<hbm>> -> memref<1x16xi32, #tpu.memory_space<hbm>>
      %dma_wait3A_734 = tpu.memref_squeeze %dma_wait3A_733 : memref<1x16xi32, #tpu.memory_space<hbm>> -> memref<16xi32, #tpu.memory_space<hbm>>
      %dma_wait3A_735 = arith.constant 0 : i32
      %dma_wait3A_736 = tpu.memref_slice %arg6[%run_scoped3A_25, %dma_wait3A_735] : memref<80x128xi32, #tpu.memory_space<vmem>> -> memref<1x16xi32, #tpu.memory_space<vmem>>
      %dma_wait3A_737 = tpu.memref_squeeze %dma_wait3A_736 : memref<1x16xi32, #tpu.memory_space<vmem>> -> memref<16xi32, #tpu.memory_space<vmem>>
      %dma_wait3A_738 = tpu.memref_slice %arg3[%run_scoped3A, %add3A_24] : memref<2x320000xi32, #tpu.memory_space<hbm>> -> memref<1x16xi32, #tpu.memory_space<hbm>>
      %dma_wait3A_739 = tpu.memref_squeeze %dma_wait3A_738 : memref<1x16xi32, #tpu.memory_space<hbm>> -> memref<16xi32, #tpu.memory_space<hbm>>
      tpu.wait_dma2 semaphore(%run_scoped3A_719 : memref<!tpu.dma_semaphore, #tpu.memory_space<semaphore_mem>>) src(%dma_wait3A_739 : memref<16xi32, #tpu.memory_space<hbm>>) dst(%dma_wait3A_737 : memref<16xi32, #tpu.memory_space<vmem>>)
      tpu.yield
    }) : () -> ()
    %broadcast_in_dim3A = arith.constant 10000 : i32
    %broadcast_in_dim3A_26 = vector.broadcast %broadcast_in_dim3A : i32 to vector<16xi32>
    %swap3A = arith.constant 78 : i32
    %swap3A_27 = arith.index_cast %swap3A : i32 to index
    %swap3A_28 = arith.constant 16 : index
    %swap3A_29 = tpu.vector_load %arg6[%swap3A_27, %swap3A_28] {strides = array<i32>} : memref<80x128xi32, #tpu.memory_space<vmem>>, vector<1x16xi32>,
    %swap3A_30 = vector.shape_cast %swap3A_29 : vector<1x16xi32> to vector<16xi32>
    %swap3A_31 = vector.shape_cast %broadcast_in_dim3A_26 : vector<16xi32> to vector<1x16xi32>
    tpu.vector_store %arg6[%swap3A_27, %swap3A_28], %swap3A_31 {strides = array<i32>} : memref<80x128xi32, #tpu.memory_space<vmem>>, vector<1x16xi32>,
    %broadcast_in_dim3A_32 = arith.constant 10000 : i32
    %broadcast_in_dim3A_33 = vector.broadcast %broadcast_in_dim3A_32 : i32 to vector<16xi32>
    %swap3A_34 = arith.constant 78 : i32
    %swap3A_35 = arith.index_cast %swap3A_34 : i32 to index
    %swap3A_36 = arith.constant 32 : index
    %swap3A_37 = tpu.vector_load %arg6[%swap3A_35, %swap3A_36] {strides = array<i32>} : memref<80x128xi32, #tpu.memory_space<vmem>>, vector<1x16xi32>,
    %swap3A_38 = vector.shape_cast %swap3A_37 : vector<1x16xi32> to vector<16xi32>
    %swap3A_39 = vector.shape_cast %broadcast_in_dim3A_33 : vector<16xi32> to vector<1x16xi32>
    tpu.vector_store %arg6[%swap3A_35, %swap3A_36], %swap3A_39 {strides = array<i32>} : memref<80x128xi32, #tpu.memory_space<vmem>>, vector<1x16xi32>,
    %broadcast_in_dim3A_40 = arith.constant 10000 : i32
    %broadcast_in_dim3A_41 = vector.broadcast %broadcast_in_dim3A_40 : i32 to vector<16xi32>
    %swap3A_42 = arith.constant 78 : i32
    %swap3A_43 = arith.index_cast %swap3A_42 : i32 to index
    %swap3A_44 = arith.constant 48 : index
    %swap3A_45 = tpu.vector_load %arg6[%swap3A_43, %swap3A_44] {strides = array<i32>} : memref<80x128xi32, #tpu.memory_space<vmem>>, vector<1x16xi32>,
    %swap3A_46 = vector.shape_cast %swap3A_45 : vector<1x16xi32> to vector<16xi32>
    %swap3A_47 = vector.shape_cast %broadcast_in_dim3A_41 : vector<16xi32> to vector<1x16xi32>
    tpu.vector_store %arg6[%swap3A_43, %swap3A_44], %swap3A_47 {strides = array<i32>} : memref<80x128xi32, #tpu.memory_space<vmem>>, vector<1x16xi32>,
    %broadcast_in_dim3A_48 = arith.constant 10000 : i32
    %broadcast_in_dim3A_49 = vector.broadcast %broadcast_in_dim3A_48 : i32 to vector<16xi32>
    %swap3A_50 = arith.constant 78 : i32
    %swap3A_51 = arith.index_cast %swap3A_50 : i32 to index
    %swap3A_52 = arith.constant 64 : index
    %swap3A_53 = tpu.vector_load %arg6[%swap3A_51, %swap3A_52] {strides = array<i32>} : memref<80x128xi32, #tpu.memory_space<vmem>>, vector<1x16xi32>,
    %swap3A_54 = vector.shape_cast %swap3A_53 : vector<1x16xi32> to vector<16xi32>
    %swap3A_55 = vector.shape_cast %broadcast_in_dim3A_49 : vector<16xi32> to vector<1x16xi32>
    tpu.vector_store %arg6[%swap3A_51, %swap3A_52], %swap3A_55 {strides = array<i32>} : memref<80x128xi32, #tpu.memory_space<vmem>>, vector<1x16xi32>,
    %broadcast_in_dim3A_56 = arith.constant 10000 : i32
    %broadcast_in_dim3A_57 = vector.broadcast %broadcast_in_dim3A_56 : i32 to vector<16xi32>
    %swap3A_58 = arith.constant 78 : i32
    %swap3A_59 = arith.index_cast %swap3A_58 : i32 to index
    %swap3A_60 = arith.constant 80 : index
    %swap3A_61 = tpu.vector_load %arg6[%swap3A_59, %swap3A_60] {strides = array<i32>} : memref<80x128xi32, #tpu.memory_space<vmem>>, vector<1x16xi32>,
    %swap3A_62 = vector.shape_cast %swap3A_61 : vector<1x16xi32> to vector<16xi32>
    %swap3A_63 = vector.shape_cast %broadcast_in_dim3A_57 : vector<16xi32> to vector<1x16xi32>
    tpu.vector_store %arg6[%swap3A_59, %swap3A_60], %swap3A_63 {strides = array<i32>} : memref<80x128xi32, #tpu.memory_space<vmem>>, vector<1x16xi32>,
    %broadcast_in_dim3A_64 = arith.constant 10000 : i32
    %broadcast_in_dim3A_65 = vector.broadcast %broadcast_in_dim3A_64 : i32 to vector<16xi32>
    %swap3A_66 = arith.constant 78 : i32
    %swap3A_67 = arith.index_cast %swap3A_66 : i32 to index
    %swap3A_68 = arith.constant 96 : index
    %swap3A_69 = tpu.vector_load %arg6[%swap3A_67, %swap3A_68] {strides = array<i32>} : memref<80x128xi32, #tpu.memory_space<vmem>>, vector<1x16xi32>,
    %swap3A_70 = vector.shape_cast %swap3A_69 : vector<1x16xi32> to vector<16xi32>
    %swap3A_71 = vector.shape_cast %broadcast_in_dim3A_65 : vector<16xi32> to vector<1x16xi32>
    tpu.vector_store %arg6[%swap3A_67, %swap3A_68], %swap3A_71 {strides = array<i32>} : memref<80x128xi32, #tpu.memory_space<vmem>>, vector<1x16xi32>,
    %broadcast_in_dim3A_72 = arith.constant 10000 : i32
    %broadcast_in_dim3A_73 = vector.broadcast %broadcast_in_dim3A_72 : i32 to vector<16xi32>
    %swap3A_74 = arith.constant 78 : i32
    %swap3A_75 = arith.index_cast %swap3A_74 : i32 to index
    %swap3A_76 = arith.constant 112 : index
    %swap3A_77 = tpu.vector_load %arg6[%swap3A_75, %swap3A_76] {strides = array<i32>} : memref<80x128xi32, #tpu.memory_space<vmem>>, vector<1x16xi32>,
    %swap3A_78 = vector.shape_cast %swap3A_77 : vector<1x16xi32> to vector<16xi32>
    %swap3A_79 = vector.shape_cast %broadcast_in_dim3A_73 : vector<16xi32> to vector<1x16xi32>
    tpu.vector_store %arg6[%swap3A_75, %swap3A_76], %swap3A_79 {strides = array<i32>} : memref<80x128xi32, #tpu.memory_space<vmem>>, vector<1x16xi32>,
    %broadcast_in_dim3A_80 = arith.constant 10000 : i32
    %broadcast_in_dim3A_81 = vector.broadcast %broadcast_in_dim3A_80 : i32 to vector<16xi32>
    %swap3A_82 = arith.constant 79 : i32
    %swap3A_83 = arith.index_cast %swap3A_82 : i32 to index
    %swap3A_84 = arith.constant 0 : index
    %swap3A_85 = tpu.vector_load %arg6[%swap3A_83, %swap3A_84] {strides = array<i32>} : memref<80x128xi32, #tpu.memory_space<vmem>>, vector<1x16xi32>,
    %swap3A_86 = vector.shape_cast %swap3A_85 : vector<1x16xi32> to vector<16xi32>
    %swap3A_87 = vector.shape_cast %broadcast_in_dim3A_81 : vector<16xi32> to vector<1x16xi32>
    tpu.vector_store %arg6[%swap3A_83, %swap3A_84], %swap3A_87 {strides = array<i32>} : memref<80x128xi32, #tpu.memory_space<vmem>>, vector<1x16xi32>,
    %broadcast_in_dim3A_88 = arith.constant 10000 : i32
    %broadcast_in_dim3A_89 = vector.broadcast %broadcast_in_dim3A_88 : i32 to vector<16xi32>
    %swap3A_90 = arith.constant 79 : i32
    %swap3A_91 = arith.index_cast %swap3A_90 : i32 to index
    %swap3A_92 = arith.constant 16 : index
    %swap3A_93 = tpu.vector_load %arg6[%swap3A_91, %swap3A_92] {strides = array<i32>} : memref<80x128xi32, #tpu.memory_space<vmem>>, vector<1x16xi32>,
    %swap3A_94 = vector.shape_cast %swap3A_93 : vector<1x16xi32> to vector<16xi32>
    %swap3A_95 = vector.shape_cast %broadcast_in_dim3A_89 : vector<16xi32> to vector<1x16xi32>
    tpu.vector_store %arg6[%swap3A_91, %swap3A_92], %swap3A_95 {strides = array<i32>} : memref<80x128xi32, #tpu.memory_space<vmem>>, vector<1x16xi32>,
    %broadcast_in_dim3A_96 = arith.constant 10000 : i32
    %broadcast_in_dim3A_97 = vector.broadcast %broadcast_in_dim3A_96 : i32 to vector<16xi32>
    %swap3A_98 = arith.constant 79 : i32
    %swap3A_99 = arith.index_cast %swap3A_98 : i32 to index
    %swap3A_100 = arith.constant 32 : index
    %swap3A_101 = tpu.vector_load %arg6[%swap3A_99, %swap3A_100] {strides = array<i32>} : memref<80x128xi32, #tpu.memory_space<vmem>>, vector<1x16xi32>,
    %swap3A_102 = vector.shape_cast %swap3A_101 : vector<1x16xi32> to vector<16xi32>
    %swap3A_103 = vector.shape_cast %broadcast_in_dim3A_97 : vector<16xi32> to vector<1x16xi32>
    tpu.vector_store %arg6[%swap3A_99, %swap3A_100], %swap3A_103 {strides = array<i32>} : memref<80x128xi32, #tpu.memory_space<vmem>>, vector<1x16xi32>,
    %broadcast_in_dim3A_104 = arith.constant 10000 : i32
    %broadcast_in_dim3A_105 = vector.broadcast %broadcast_in_dim3A_104 : i32 to vector<16xi32>
    %swap3A_106 = arith.constant 79 : i32
    %swap3A_107 = arith.index_cast %swap3A_106 : i32 to index
    %swap3A_108 = arith.constant 48 : index
    %swap3A_109 = tpu.vector_load %arg6[%swap3A_107, %swap3A_108] {strides = array<i32>} : memref<80x128xi32, #tpu.memory_space<vmem>>, vector<1x16xi32>,
    %swap3A_110 = vector.shape_cast %swap3A_109 : vector<1x16xi32> to vector<16xi32>
    %swap3A_111 = vector.shape_cast %broadcast_in_dim3A_105 : vector<16xi32> to vector<1x16xi32>
    tpu.vector_store %arg6[%swap3A_107, %swap3A_108], %swap3A_111 {strides = array<i32>} : memref<80x128xi32, #tpu.memory_space<vmem>>, vector<1x16xi32>,
    %broadcast_in_dim3A_112 = arith.constant 10000 : i32
    %broadcast_in_dim3A_113 = vector.broadcast %broadcast_in_dim3A_112 : i32 to vector<16xi32>
    %swap3A_114 = arith.constant 79 : i32
    %swap3A_115 = arith.index_cast %swap3A_114 : i32 to index
    %swap3A_116 = arith.constant 64 : index
    %swap3A_117 = tpu.vector_load %arg6[%swap3A_115, %swap3A_116] {strides = array<i32>} : memref<80x128xi32, #tpu.memory_space<vmem>>, vector<1x16xi32>,
    %swap3A_118 = vector.shape_cast %swap3A_117 : vector<1x16xi32> to vector<16xi32>
    %swap3A_119 = vector.shape_cast %broadcast_in_dim3A_113 : vector<16xi32> to vector<1x16xi32>
    tpu.vector_store %arg6[%swap3A_115, %swap3A_116], %swap3A_119 {strides = array<i32>} : memref<80x128xi32, #tpu.memory_space<vmem>>, vector<1x16xi32>,
    %broadcast_in_dim3A_120 = arith.constant 10000 : i32
    %broadcast_in_dim3A_121 = vector.broadcast %broadcast_in_dim3A_120 : i32 to vector<16xi32>
    %swap3A_122 = arith.constant 79 : i32
    %swap3A_123 = arith.index_cast %swap3A_122 : i32 to index
    %swap3A_124 = arith.constant 80 : index
    %swap3A_125 = tpu.vector_load %arg6[%swap3A_123, %swap3A_124] {strides = array<i32>} : memref<80x128xi32, #tpu.memory_space<vmem>>, vector<1x16xi32>,
    %swap3A_126 = vector.shape_cast %swap3A_125 : vector<1x16xi32> to vector<16xi32>
    %swap3A_127 = vector.shape_cast %broadcast_in_dim3A_121 : vector<16xi32> to vector<1x16xi32>
    tpu.vector_store %arg6[%swap3A_123, %swap3A_124], %swap3A_127 {strides = array<i32>} : memref<80x128xi32, #tpu.memory_space<vmem>>, vector<1x16xi32>,
    %broadcast_in_dim3A_128 = arith.constant 10000 : i32
    %broadcast_in_dim3A_129 = vector.broadcast %broadcast_in_dim3A_128 : i32 to vector<16xi32>
    %swap3A_130 = arith.constant 79 : i32
    %swap3A_131 = arith.index_cast %swap3A_130 : i32 to index
    %swap3A_132 = arith.constant 96 : index
    %swap3A_133 = tpu.vector_load %arg6[%swap3A_131, %swap3A_132] {strides = array<i32>} : memref<80x128xi32, #tpu.memory_space<vmem>>, vector<1x16xi32>,
    %swap3A_134 = vector.shape_cast %swap3A_133 : vector<1x16xi32> to vector<16xi32>
    %swap3A_135 = vector.shape_cast %broadcast_in_dim3A_129 : vector<16xi32> to vector<1x16xi32>
    tpu.vector_store %arg6[%swap3A_131, %swap3A_132], %swap3A_135 {strides = array<i32>} : memref<80x128xi32, #tpu.memory_space<vmem>>, vector<1x16xi32>,
    %broadcast_in_dim3A_136 = arith.constant 10000 : i32
    %broadcast_in_dim3A_137 = vector.broadcast %broadcast_in_dim3A_136 : i32 to vector<16xi32>
    %swap3A_138 = arith.constant 79 : i32
    %swap3A_139 = arith.index_cast %swap3A_138 : i32 to index
    %swap3A_140 = arith.constant 112 : index
    %swap3A_141 = tpu.vector_load %arg6[%swap3A_139, %swap3A_140] {strides = array<i32>} : memref<80x128xi32, #tpu.memory_space<vmem>>, vector<1x16xi32>,
    %swap3A_142 = vector.shape_cast %swap3A_141 : vector<1x16xi32> to vector<16xi32>
    %swap3A_143 = vector.shape_cast %broadcast_in_dim3A_137 : vector<16xi32> to vector<1x16xi32>
    tpu.vector_store %arg6[%swap3A_139, %swap3A_140], %swap3A_143 {strides = array<i32>} : memref<80x128xi32, #tpu.memory_space<vmem>>, vector<1x16xi32>,
    %scan3A_144 = arith.constant 0 : i32
    %scan3A_145 = arith.constant 78 : i32
    %scan3A_146 = arith.addi %scan3A_144, %scan3A_145 : i32
    %scan3A_147 = arith.constant 1 : i32
    scf.for %scan3A_719 = %scan3A_144 to %scan3A_146 step %scan3A_147  : i32 {
      %mul3A_720 = arith.constant 1 : i32
      %mul3A_721 = arith.muli %scan3A_719, %mul3A_720 : i32
      %add3A_722 = arith.constant 0 : i32
      %add3A_723 = arith.addi %add3A_722, %mul3A_721 : i32
      %mul3A_724 = arith.constant 128 : i32
      %mul3A_725 = arith.muli %add3A_723, %mul3A_724 : i32
      %add3A_726 = arith.addi %mul3A_2, %mul3A_725 : i32
      %dma_wait3A_727 = arith.constant 1 : i32
      %dma_wait3A_728 = arith.constant 0 : i32
      %dma_wait3A_729 = tpu.memref_slice %arg6[%add3A_723, %dma_wait3A_728] : memref<80x128xi32, #tpu.memory_space<vmem>> -> memref<1x128xi32, #tpu.memory_space<vmem>>
      %dma_wait3A_730 = tpu.memref_squeeze %dma_wait3A_729 : memref<1x128xi32, #tpu.memory_space<vmem>> -> memref<128xi32, #tpu.memory_space<vmem>>
      %dma_wait3A_731 = tpu.memref_slice %arg3[%dma_wait3A_727, %add3A_726] : memref<2x320000xi32, #tpu.memory_space<hbm>> -> memref<1x128xi32, #tpu.memory_space<hbm>>
      %dma_wait3A_732 = tpu.memref_squeeze %dma_wait3A_731 : memref<1x128xi32, #tpu.memory_space<hbm>> -> memref<128xi32, #tpu.memory_space<hbm>>
      %dma_wait3A_733 = arith.constant 0 : i32
      %dma_wait3A_734 = tpu.memref_slice %arg6[%add3A_723, %dma_wait3A_733] : memref<80x128xi32, #tpu.memory_space<vmem>> -> memref<1x128xi32, #tpu.memory_space<vmem>>
      %dma_wait3A_735 = tpu.memref_squeeze %dma_wait3A_734 : memref<1x128xi32, #tpu.memory_space<vmem>> -> memref<128xi32, #tpu.memory_space<vmem>>
      %dma_wait3A_736 = tpu.memref_slice %arg3[%dma_wait3A_727, %add3A_726] : memref<2x320000xi32, #tpu.memory_space<hbm>> -> memref<1x128xi32, #tpu.memory_space<hbm>>
      %dma_wait3A_737 = tpu.memref_squeeze %dma_wait3A_736 : memref<1x128xi32, #tpu.memory_space<hbm>> -> memref<128xi32, #tpu.memory_space<hbm>>
      tpu.wait_dma2 semaphore(%arg12 : memref<!tpu.dma_semaphore, #tpu.memory_space<semaphore_mem>>) src(%dma_wait3A_737 : memref<128xi32, #tpu.memory_space<hbm>>) dst(%dma_wait3A_735 : memref<128xi32, #tpu.memory_space<vmem>>)
    }
    %scan3A_148 = arith.constant 78 : i32
    %broadcast_in_dim3A_149 = arith.constant 0 : i32
    %broadcast_in_dim3A_150 = vector.broadcast %broadcast_in_dim3A_149 : i32 to vector<16xi32>
    %swap3A_151 = arith.constant 10000 : index
    %swap3A_152 = tpu.vector_load %arg5[%swap3A_151] {strides = array<i32>} : memref<10240xi32, #tpu.memory_space<vmem>>, vector<16xi32>,
    %swap3A_153 = vector.shape_cast %swap3A_152 : vector<16xi32> to vector<16xi32>
    %swap3A_154 = vector.shape_cast %broadcast_in_dim3A_150 : vector<16xi32> to vector<16xi32>
    tpu.vector_store %arg5[%swap3A_151], %swap3A_154 {strides = array<i32>} : memref<10240xi32, #tpu.memory_space<vmem>>, vector<16xi32>,
    %broadcast_in_dim3A_155 = arith.constant 0 : i32
    %broadcast_in_dim3A_156 = vector.broadcast %broadcast_in_dim3A_155 : i32 to vector<16xi32>
    %swap3A_157 = arith.constant 10016 : index
    %swap3A_158 = tpu.vector_load %arg5[%swap3A_157] {strides = array<i32>} : memref<10240xi32, #tpu.memory_space<vmem>>, vector<16xi32>,
    %swap3A_159 = vector.shape_cast %swap3A_158 : vector<16xi32> to vector<16xi32>
    %swap3A_160 = vector.shape_cast %broadcast_in_dim3A_156 : vector<16xi32> to vector<16xi32>
    tpu.vector_store %arg5[%swap3A_157], %swap3A_160 {strides = array<i32>} : memref<10240xi32, #tpu.memory_space<vmem>>, vector<16xi32>,
    %broadcast_in_dim3A_161 = arith.constant 0 : i32
    %broadcast_in_dim3A_162 = vector.broadcast %broadcast_in_dim3A_161 : i32 to vector<16xi32>
    %swap3A_163 = arith.constant 10032 : index
    %swap3A_164 = tpu.vector_load %arg5[%swap3A_163] {strides = array<i32>} : memref<10240xi32, #tpu.memory_space<vmem>>, vector<16xi32>,
    %swap3A_165 = vector.shape_cast %swap3A_164 : vector<16xi32> to vector<16xi32>
    %swap3A_166 = vector.shape_cast %broadcast_in_dim3A_162 : vector<16xi32> to vector<16xi32>
    tpu.vector_store %arg5[%swap3A_163], %swap3A_166 {strides = array<i32>} : memref<10240xi32, #tpu.memory_space<vmem>>, vector<16xi32>,
    %broadcast_in_dim3A_167 = arith.constant 0 : i32
    %broadcast_in_dim3A_168 = vector.broadcast %broadcast_in_dim3A_167 : i32 to vector<16xi32>
    %swap3A_169 = arith.constant 10048 : index
    %swap3A_170 = tpu.vector_load %arg5[%swap3A_169] {strides = array<i32>} : memref<10240xi32, #tpu.memory_space<vmem>>, vector<16xi32>,
    %swap3A_171 = vector.shape_cast %swap3A_170 : vector<16xi32> to vector<16xi32>
    %swap3A_172 = vector.shape_cast %broadcast_in_dim3A_168 : vector<16xi32> to vector<16xi32>
    tpu.vector_store %arg5[%swap3A_169], %swap3A_172 {strides = array<i32>} : memref<10240xi32, #tpu.memory_space<vmem>>, vector<16xi32>,
    %broadcast_in_dim3A_173 = arith.constant 0 : i32
    %broadcast_in_dim3A_174 = vector.broadcast %broadcast_in_dim3A_173 : i32 to vector<16xi32>
    %swap3A_175 = arith.constant 10064 : index
    %swap3A_176 = tpu.vector_load %arg5[%swap3A_175] {strides = array<i32>} : memref<10240xi32, #tpu.memory_space<vmem>>, vector<16xi32>,
    %swap3A_177 = vector.shape_cast %swap3A_176 : vector<16xi32> to vector<16xi32>
    %swap3A_178 = vector.shape_cast %broadcast_in_dim3A_174 : vector<16xi32> to vector<16xi32>
    tpu.vector_store %arg5[%swap3A_175], %swap3A_178 {strides = array<i32>} : memref<10240xi32, #tpu.memory_space<vmem>>, vector<16xi32>,
    %broadcast_in_dim3A_179 = arith.constant 0 : i32
    %broadcast_in_dim3A_180 = vector.broadcast %broadcast_in_dim3A_179 : i32 to vector<16xi32>
    %swap3A_181 = arith.constant 10080 : index
    %swap3A_182 = tpu.vector_load %arg5[%swap3A_181] {strides = array<i32>} : memref<10240xi32, #tpu.memory_space<vmem>>, vector<16xi32>,
    %swap3A_183 = vector.shape_cast %swap3A_182 : vector<16xi32> to vector<16xi32>
    %swap3A_184 = vector.shape_cast %broadcast_in_dim3A_180 : vector<16xi32> to vector<16xi32>
    tpu.vector_store %arg5[%swap3A_181], %swap3A_184 {strides = array<i32>} : memref<10240xi32, #tpu.memory_space<vmem>>, vector<16xi32>,
    %broadcast_in_dim3A_185 = arith.constant 0 : i32
    %broadcast_in_dim3A_186 = vector.broadcast %broadcast_in_dim3A_185 : i32 to vector<16xi32>
    %swap3A_187 = arith.constant 10096 : index
    %swap3A_188 = tpu.vector_load %arg5[%swap3A_187] {strides = array<i32>} : memref<10240xi32, #tpu.memory_space<vmem>>, vector<16xi32>,
    %swap3A_189 = vector.shape_cast %swap3A_188 : vector<16xi32> to vector<16xi32>
    %swap3A_190 = vector.shape_cast %broadcast_in_dim3A_186 : vector<16xi32> to vector<16xi32>
    tpu.vector_store %arg5[%swap3A_187], %swap3A_190 {strides = array<i32>} : memref<10240xi32, #tpu.memory_space<vmem>>, vector<16xi32>,
    %broadcast_in_dim3A_191 = arith.constant 0 : i32
    %broadcast_in_dim3A_192 = vector.broadcast %broadcast_in_dim3A_191 : i32 to vector<16xi32>
    %swap3A_193 = arith.constant 10112 : index
    %swap3A_194 = tpu.vector_load %arg5[%swap3A_193] {strides = array<i32>} : memref<10240xi32, #tpu.memory_space<vmem>>, vector<16xi32>,
    %swap3A_195 = vector.shape_cast %swap3A_194 : vector<16xi32> to vector<16xi32>
    %swap3A_196 = vector.shape_cast %broadcast_in_dim3A_192 : vector<16xi32> to vector<16xi32>
    tpu.vector_store %arg5[%swap3A_193], %swap3A_196 {strides = array<i32>} : memref<10240xi32, #tpu.memory_space<vmem>>, vector<16xi32>,
    %broadcast_in_dim3A_197 = arith.constant 0 : i32
    %broadcast_in_dim3A_198 = vector.broadcast %broadcast_in_dim3A_197 : i32 to vector<16xi32>
    %swap3A_199 = arith.constant 10128 : index
    %swap3A_200 = tpu.vector_load %arg5[%swap3A_199] {strides = array<i32>} : memref<10240xi32, #tpu.memory_space<vmem>>, vector<16xi32>,
    %swap3A_201 = vector.shape_cast %swap3A_200 : vector<16xi32> to vector<16xi32>
    %swap3A_202 = vector.shape_cast %broadcast_in_dim3A_198 : vector<16xi32> to vector<16xi32>
    tpu.vector_store %arg5[%swap3A_199], %swap3A_202 {strides = array<i32>} : memref<10240xi32, #tpu.memory_space<vmem>>, vector<16xi32>,
    %broadcast_in_dim3A_203 = arith.constant 0 : i32
    %broadcast_in_dim3A_204 = vector.broadcast %broadcast_in_dim3A_203 : i32 to vector<16xi32>
    %swap3A_205 = arith.constant 10144 : index
    %swap3A_206 = tpu.vector_load %arg5[%swap3A_205] {strides = array<i32>} : memref<10240xi32, #tpu.memory_space<vmem>>, vector<16xi32>,
    %swap3A_207 = vector.shape_cast %swap3A_206 : vector<16xi32> to vector<16xi32>
    %swap3A_208 = vector.shape_cast %broadcast_in_dim3A_204 : vector<16xi32> to vector<16xi32>
    tpu.vector_store %arg5[%swap3A_205], %swap3A_208 {strides = array<i32>} : memref<10240xi32, #tpu.memory_space<vmem>>, vector<16xi32>,
    %broadcast_in_dim3A_209 = arith.constant 0 : i32
    %broadcast_in_dim3A_210 = vector.broadcast %broadcast_in_dim3A_209 : i32 to vector<16xi32>
    %swap3A_211 = arith.constant 10160 : index
    %swap3A_212 = tpu.vector_load %arg5[%swap3A_211] {strides = array<i32>} : memref<10240xi32, #tpu.memory_space<vmem>>, vector<16xi32>,
    %swap3A_213 = vector.shape_cast %swap3A_212 : vector<16xi32> to vector<16xi32>
    %swap3A_214 = vector.shape_cast %broadcast_in_dim3A_210 : vector<16xi32> to vector<16xi32>
    tpu.vector_store %arg5[%swap3A_211], %swap3A_214 {strides = array<i32>} : memref<10240xi32, #tpu.memory_space<vmem>>, vector<16xi32>,
    %broadcast_in_dim3A_215 = arith.constant 0 : i32
    %broadcast_in_dim3A_216 = vector.broadcast %broadcast_in_dim3A_215 : i32 to vector<16xi32>
    %swap3A_217 = arith.constant 10176 : index
    %swap3A_218 = tpu.vector_load %arg5[%swap3A_217] {strides = array<i32>} : memref<10240xi32, #tpu.memory_space<vmem>>, vector<16xi32>,
    %swap3A_219 = vector.shape_cast %swap3A_218 : vector<16xi32> to vector<16xi32>
    %swap3A_220 = vector.shape_cast %broadcast_in_dim3A_216 : vector<16xi32> to vector<16xi32>
    tpu.vector_store %arg5[%swap3A_217], %swap3A_220 {strides = array<i32>} : memref<10240xi32, #tpu.memory_space<vmem>>, vector<16xi32>,
    %broadcast_in_dim3A_221 = arith.constant 0 : i32
    %broadcast_in_dim3A_222 = vector.broadcast %broadcast_in_dim3A_221 : i32 to vector<16xi32>
    %swap3A_223 = arith.constant 10192 : index
    %swap3A_224 = tpu.vector_load %arg5[%swap3A_223] {strides = array<i32>} : memref<10240xi32, #tpu.memory_space<vmem>>, vector<16xi32>,
    %swap3A_225 = vector.shape_cast %swap3A_224 : vector<16xi32> to vector<16xi32>
    %swap3A_226 = vector.shape_cast %broadcast_in_dim3A_222 : vector<16xi32> to vector<16xi32>
    tpu.vector_store %arg5[%swap3A_223], %swap3A_226 {strides = array<i32>} : memref<10240xi32, #tpu.memory_space<vmem>>, vector<16xi32>,
    %broadcast_in_dim3A_227 = arith.constant 0 : i32
    %broadcast_in_dim3A_228 = vector.broadcast %broadcast_in_dim3A_227 : i32 to vector<16xi32>
    %swap3A_229 = arith.constant 10208 : index
    %swap3A_230 = tpu.vector_load %arg5[%swap3A_229] {strides = array<i32>} : memref<10240xi32, #tpu.memory_space<vmem>>, vector<16xi32>,
    %swap3A_231 = vector.shape_cast %swap3A_230 : vector<16xi32> to vector<16xi32>
    %swap3A_232 = vector.shape_cast %broadcast_in_dim3A_228 : vector<16xi32> to vector<16xi32>
    tpu.vector_store %arg5[%swap3A_229], %swap3A_232 {strides = array<i32>} : memref<10240xi32, #tpu.memory_space<vmem>>, vector<16xi32>,
    %broadcast_in_dim3A_233 = arith.constant 0 : i32
    %broadcast_in_dim3A_234 = vector.broadcast %broadcast_in_dim3A_233 : i32 to vector<16xi32>
    %swap3A_235 = arith.constant 10224 : index
    %swap3A_236 = tpu.vector_load %arg5[%swap3A_235] {strides = array<i32>} : memref<10240xi32, #tpu.memory_space<vmem>>, vector<16xi32>,
    %swap3A_237 = vector.shape_cast %swap3A_236 : vector<16xi32> to vector<16xi32>
    %swap3A_238 = vector.shape_cast %broadcast_in_dim3A_234 : vector<16xi32> to vector<16xi32>
    tpu.vector_store %arg5[%swap3A_235], %swap3A_238 {strides = array<i32>} : memref<10240xi32, #tpu.memory_space<vmem>>, vector<16xi32>,
    %scan3A_239 = arith.constant 0 : i32
    %scan3A_240 = arith.constant 64 : i32
    %scan3A_241 = arith.addi %scan3A_239, %scan3A_240 : i32
    %scan3A_242 = arith.constant 1 : i32
    scf.for %scan3A_719 = %scan3A_239 to %scan3A_241 step %scan3A_242  : i32 {
      %mul3A_720 = arith.constant 1 : i32
      %mul3A_721 = arith.muli %scan3A_719, %mul3A_720 : i32
      %add3A_722 = arith.constant 0 : i32
      %add3A_723 = arith.addi %add3A_722, %mul3A_721 : i32
      %broadcast_in_dim3A_724 = arith.constant 0.000000e+00 : f32
      %broadcast_in_dim3A_725 = vector.broadcast %broadcast_in_dim3A_724 : f32 to vector<16xf32>
      %swap3A_726 = arith.index_cast %add3A_723 : i32 to index
      %swap3A_727 = arith.constant 0 : index
      %swap3A_728 = tpu.vector_load %arg8[%swap3A_726, %swap3A_727] {strides = array<i32>} : memref<64x16xf32, #tpu.memory_space<vmem>>, vector<1x16xf32>,
      %swap3A_729 = vector.shape_cast %swap3A_728 : vector<1x16xf32> to vector<16xf32>
      %swap3A_730 = vector.shape_cast %broadcast_in_dim3A_725 : vector<16xf32> to vector<1x16xf32>
      tpu.vector_store %arg8[%swap3A_726, %swap3A_727], %swap3A_730 {strides = array<i32>} : memref<64x16xf32, #tpu.memory_space<vmem>>, vector<1x16xf32>,
    }
    %scan3A_243 = arith.constant 64 : i32
    %scan3A_244 = arith.constant 0 : i32
    %scan3A_245 = arith.constant 10 : i32
    %scan3A_246 = arith.addi %scan3A_244, %scan3A_245 : i32
    %scan3A_247 = arith.constant 1 : i32
    scf.for %scan3A_719 = %scan3A_244 to %scan3A_246 step %scan3A_247  : i32 {
      %mul3A_720 = arith.constant 64 : i32
      %mul3A_721 = arith.muli %scan3A_719, %mul3A_720 : i32
      %add3A_722 = arith.constant 0 : i32
      %add3A_723 = arith.addi %add3A_722, %mul3A_721 : i32
      %mul3A_724 = arith.constant 640 : i32
      %mul3A_725 = arith.muli %arg1, %mul3A_724 : i32
      %add3A_726 = arith.addi %mul3A_725, %add3A_723 : i32
      "tpu.region"() ({
        %run_scoped3A_727 = tpu.sem_alloc : memref<!tpu.dma_semaphore, #tpu.memory_space<semaphore_mem>>
        %dma_start3A_728 = arith.constant 0 : i32
        %dma_start3A_729 = tpu.memref_slice %arg9[%add3A_726, %dma_start3A_728] : memref<10240x16xf32, #tpu.memory_space<vmem_shared>> -> memref<64x16xf32, #tpu.memory_space<vmem_shared>>
        %dma_start3A_730 = arith.constant 0 : i32
        %dma_start3A_731 = tpu.memref_slice %arg9[%add3A_726, %dma_start3A_730] : memref<10240x16xf32, #tpu.memory_space<vmem_shared>> -> memref<64x16xf32, #tpu.memory_space<vmem_shared>>
        tpu.enqueue_dma source(%arg8 : memref<64x16xf32, #tpu.memory_space<vmem>>) target(%dma_start3A_731 : memref<64x16xf32, #tpu.memory_space<vmem_shared>>) target_semaphore(%run_scoped3A_727 : memref<!tpu.dma_semaphore, #tpu.memory_space<semaphore_mem>>)
        %dma_wait3A_732 = arith.constant 0 : i32
        %dma_wait3A_733 = tpu.memref_slice %arg9[%add3A_726, %dma_wait3A_732] : memref<10240x16xf32, #tpu.memory_space<vmem_shared>> -> memref<64x16xf32, #tpu.memory_space<vmem_shared>>
        %dma_wait3A_734 = arith.constant 0 : i32
        %dma_wait3A_735 = tpu.memref_slice %arg9[%add3A_726, %dma_wait3A_734] : memref<10240x16xf32, #tpu.memory_space<vmem_shared>> -> memref<64x16xf32, #tpu.memory_space<vmem_shared>>
        tpu.wait_dma2 semaphore(%run_scoped3A_727 : memref<!tpu.dma_semaphore, #tpu.memory_space<semaphore_mem>>) src(%arg8 : memref<64x16xf32, #tpu.memory_space<vmem>>) dst(%dma_wait3A_735 : memref<64x16xf32, #tpu.memory_space<vmem_shared>>)
        tpu.yield
      }) : () -> ()
    }
    %scan3A_248 = arith.constant 10 : i32
    %dma_wait3A = arith.constant 0 : i32
    %dma_wait3A_249 = arith.constant 0 : i32
    %dma_wait3A_250 = tpu.memref_slice %arg5[%dma_wait3A_249] : memref<10240xi32, #tpu.memory_space<vmem>> -> memref<10000xi32, #tpu.memory_space<vmem>>
    %dma_wait3A_251 = tpu.memref_slice %arg3[%dma_wait3A, %mul3A_2] : memref<2x320000xi32, #tpu.memory_space<hbm>> -> memref<1x10000xi32, #tpu.memory_space<hbm>>
    %dma_wait3A_252 = tpu.memref_squeeze %dma_wait3A_251 : memref<1x10000xi32, #tpu.memory_space<hbm>> -> memref<10000xi32, #tpu.memory_space<hbm>>
    %dma_wait3A_253 = arith.constant 0 : i32
    %dma_wait3A_254 = tpu.memref_slice %arg5[%dma_wait3A_253] : memref<10240xi32, #tpu.memory_space<vmem>> -> memref<10000xi32, #tpu.memory_space<vmem>>
    %dma_wait3A_255 = tpu.memref_slice %arg3[%dma_wait3A, %mul3A_2] : memref<2x320000xi32, #tpu.memory_space<hbm>> -> memref<1x10000xi32, #tpu.memory_space<hbm>>
    %dma_wait3A_256 = tpu.memref_squeeze %dma_wait3A_255 : memref<1x10000xi32, #tpu.memory_space<hbm>> -> memref<10000xi32, #tpu.memory_space<hbm>>
    tpu.wait_dma2 semaphore(%arg11 : memref<!tpu.dma_semaphore, #tpu.memory_space<semaphore_mem>>) src(%dma_wait3A_256 : memref<10000xi32, #tpu.memory_space<hbm>>) dst(%dma_wait3A_254 : memref<10000xi32, #tpu.memory_space<vmem>>)
    %dma_wait3A_257 = arith.constant 0 : i32
    %dma_wait3A_258 = tpu.memref_slice %arg10[%mul3A_14, %dma_wait3A_257] : memref<10000x16xf32, #tpu.memory_space<vmem_shared>> -> memref<625x16xf32, #tpu.memory_space<vmem_shared>>
    %dma_wait3A_259 = arith.constant 0 : i32
    %dma_wait3A_260 = tpu.memref_slice %arg2[%mul3A_12, %dma_wait3A_259] : memref<10000x16xf32, #tpu.memory_space<hbm>> -> memref<625x16xf32, #tpu.memory_space<hbm>>
    tpu.wait_dma2 semaphore(%arg13 : memref<!tpu.dma_semaphore, #tpu.memory_space<semaphore_mem>>) src(%dma_wait3A_260 : memref<625x16xf32, #tpu.memory_space<hbm>>) dst(%dma_wait3A_258 : memref<625x16xf32, #tpu.memory_space<vmem_shared>>)
    %barrier3A = arith.constant 0 : index
    tpu.barrier barrier_id(%barrier3A)
    %dma_start3A_261 = arith.constant 0 : i32
    %dma_start3A_262 = arith.constant 0 : i32
    %dma_start3A_263 = arith.constant 0 : i32
    %dma_start3A_264 = arith.constant 0 : i32
    %dma_start3A_265 = tpu.memref_slice %arg7[%dma_start3A_261, %dma_start3A_263, %dma_start3A_264] : memref<8x128x16xf32, #tpu.memory_space<vmem>> -> memref<1x128x16xf32, #tpu.memory_space<vmem>>
    %dma_start3A_266 = tpu.memref_squeeze %dma_start3A_265 : memref<1x128x16xf32, #tpu.memory_space<vmem>> -> memref<128x16xf32, #tpu.memory_space<vmem>>
    %dma_start3A_267 = arith.constant 0 : i32
    %dma_start3A_268 = tpu.memref_slice %arg5[%dma_start3A_267] : memref<10240xi32, #tpu.memory_space<vmem>> -> memref<128xi32, #tpu.memory_space<vmem>>
    %dma_start3A_269 = arith.constant 0 : i32
    %dma_start3A_270 = arith.constant 0 : i32
    %dma_start3A_271 = tpu.memref_slice %arg10[%dma_start3A_269, %dma_start3A_270] : memref<10000x16xf32, #tpu.memory_space<vmem_shared>> -> memref<10000x16xf32, #tpu.memory_space<vmem_shared>>
    %dma_start3A_272 = tpu.memref_slice %arg14[%dma_start3A_262] : memref<8x!tpu.dma_semaphore, #tpu.memory_space<semaphore_mem>> -> memref<1x!tpu.dma_semaphore, #tpu.memory_space<semaphore_mem>>
    %dma_start3A_273 = tpu.memref_squeeze %dma_start3A_272 : memref<1x!tpu.dma_semaphore, #tpu.memory_space<semaphore_mem>> -> memref<!tpu.dma_semaphore, #tpu.memory_space<semaphore_mem>>
    tpu.enqueue_indirect_dma source(%dma_start3A_271 : memref<10000x16xf32, #tpu.memory_space<vmem_shared>>) target(%dma_start3A_266 : memref<128x16xf32, #tpu.memory_space<vmem>>) offsets(%dma_start3A_268 : memref<128xi32, #tpu.memory_space<vmem>>) semaphore(%dma_start3A_273 : memref<!tpu.dma_semaphore, #tpu.memory_space<semaphore_mem>>)
    %dma_start3A_274 = arith.constant 1 : i32
    %dma_start3A_275 = arith.constant 1 : i32
    %dma_start3A_276 = arith.constant 0 : i32
    %dma_start3A_277 = arith.constant 0 : i32
    %dma_start3A_278 = tpu.memref_slice %arg7[%dma_start3A_274, %dma_start3A_276, %dma_start3A_277] : memref<8x128x16xf32, #tpu.memory_space<vmem>> -> memref<1x128x16xf32, #tpu.memory_space<vmem>>
    %dma_start3A_279 = tpu.memref_squeeze %dma_start3A_278 : memref<1x128x16xf32, #tpu.memory_space<vmem>> -> memref<128x16xf32, #tpu.memory_space<vmem>>
    %dma_start3A_280 = arith.constant 128 : i32
    %dma_start3A_281 = tpu.memref_slice %arg5[%dma_start3A_280] : memref<10240xi32, #tpu.memory_space<vmem>> -> memref<128xi32, #tpu.memory_space<vmem>>
    %dma_start3A_282 = arith.constant 0 : i32
    %dma_start3A_283 = arith.constant 0 : i32
    %dma_start3A_284 = tpu.memref_slice %arg10[%dma_start3A_282, %dma_start3A_283] : memref<10000x16xf32, #tpu.memory_space<vmem_shared>> -> memref<10000x16xf32, #tpu.memory_space<vmem_shared>>
    %dma_start3A_285 = tpu.memref_slice %arg14[%dma_start3A_275] : memref<8x!tpu.dma_semaphore, #tpu.memory_space<semaphore_mem>> -> memref<1x!tpu.dma_semaphore, #tpu.memory_space<semaphore_mem>>
    %dma_start3A_286 = tpu.memref_squeeze %dma_start3A_285 : memref<1x!tpu.dma_semaphore, #tpu.memory_space<semaphore_mem>> -> memref<!tpu.dma_semaphore, #tpu.memory_space<semaphore_mem>>
    tpu.enqueue_indirect_dma source(%dma_start3A_284 : memref<10000x16xf32, #tpu.memory_space<vmem_shared>>) target(%dma_start3A_279 : memref<128x16xf32, #tpu.memory_space<vmem>>) offsets(%dma_start3A_281 : memref<128xi32, #tpu.memory_space<vmem>>) semaphore(%dma_start3A_286 : memref<!tpu.dma_semaphore, #tpu.memory_space<semaphore_mem>>)
    %dma_start3A_287 = arith.constant 2 : i32
    %dma_start3A_288 = arith.constant 2 : i32
    %dma_start3A_289 = arith.constant 0 : i32
    %dma_start3A_290 = arith.constant 0 : i32
    %dma_start3A_291 = tpu.memref_slice %arg7[%dma_start3A_287, %dma_start3A_289, %dma_start3A_290] : memref<8x128x16xf32, #tpu.memory_space<vmem>> -> memref<1x128x16xf32, #tpu.memory_space<vmem>>
    %dma_start3A_292 = tpu.memref_squeeze %dma_start3A_291 : memref<1x128x16xf32, #tpu.memory_space<vmem>> -> memref<128x16xf32, #tpu.memory_space<vmem>>
    %dma_start3A_293 = arith.constant 256 : i32
    %dma_start3A_294 = tpu.memref_slice %arg5[%dma_start3A_293] : memref<10240xi32, #tpu.memory_space<vmem>> -> memref<128xi32, #tpu.memory_space<vmem>>
    %dma_start3A_295 = arith.constant 0 : i32
    %dma_start3A_296 = arith.constant 0 : i32
    %dma_start3A_297 = tpu.memref_slice %arg10[%dma_start3A_295, %dma_start3A_296] : memref<10000x16xf32, #tpu.memory_space<vmem_shared>> -> memref<10000x16xf32, #tpu.memory_space<vmem_shared>>
    %dma_start3A_298 = tpu.memref_slice %arg14[%dma_start3A_288] : memref<8x!tpu.dma_semaphore, #tpu.memory_space<semaphore_mem>> -> memref<1x!tpu.dma_semaphore, #tpu.memory_space<semaphore_mem>>
    %dma_start3A_299 = tpu.memref_squeeze %dma_start3A_298 : memref<1x!tpu.dma_semaphore, #tpu.memory_space<semaphore_mem>> -> memref<!tpu.dma_semaphore, #tpu.memory_space<semaphore_mem>>
    tpu.enqueue_indirect_dma source(%dma_start3A_297 : memref<10000x16xf32, #tpu.memory_space<vmem_shared>>) target(%dma_start3A_292 : memref<128x16xf32, #tpu.memory_space<vmem>>) offsets(%dma_start3A_294 : memref<128xi32, #tpu.memory_space<vmem>>) semaphore(%dma_start3A_299 : memref<!tpu.dma_semaphore, #tpu.memory_space<semaphore_mem>>)
    %dma_start3A_300 = arith.constant 3 : i32
    %dma_start3A_301 = arith.constant 3 : i32
    %dma_start3A_302 = arith.constant 0 : i32
    %dma_start3A_303 = arith.constant 0 : i32
    %dma_start3A_304 = tpu.memref_slice %arg7[%dma_start3A_300, %dma_start3A_302, %dma_start3A_303] : memref<8x128x16xf32, #tpu.memory_space<vmem>> -> memref<1x128x16xf32, #tpu.memory_space<vmem>>
    %dma_start3A_305 = tpu.memref_squeeze %dma_start3A_304 : memref<1x128x16xf32, #tpu.memory_space<vmem>> -> memref<128x16xf32, #tpu.memory_space<vmem>>
    %dma_start3A_306 = arith.constant 384 : i32
    %dma_start3A_307 = tpu.memref_slice %arg5[%dma_start3A_306] : memref<10240xi32, #tpu.memory_space<vmem>> -> memref<128xi32, #tpu.memory_space<vmem>>
    %dma_start3A_308 = arith.constant 0 : i32
    %dma_start3A_309 = arith.constant 0 : i32
    %dma_start3A_310 = tpu.memref_slice %arg10[%dma_start3A_308, %dma_start3A_309] : memref<10000x16xf32, #tpu.memory_space<vmem_shared>> -> memref<10000x16xf32, #tpu.memory_space<vmem_shared>>
    %dma_start3A_311 = tpu.memref_slice %arg14[%dma_start3A_301] : memref<8x!tpu.dma_semaphore, #tpu.memory_space<semaphore_mem>> -> memref<1x!tpu.dma_semaphore, #tpu.memory_space<semaphore_mem>>
    %dma_start3A_312 = tpu.memref_squeeze %dma_start3A_311 : memref<1x!tpu.dma_semaphore, #tpu.memory_space<semaphore_mem>> -> memref<!tpu.dma_semaphore, #tpu.memory_space<semaphore_mem>>
    tpu.enqueue_indirect_dma source(%dma_start3A_310 : memref<10000x16xf32, #tpu.memory_space<vmem_shared>>) target(%dma_start3A_305 : memref<128x16xf32, #tpu.memory_space<vmem>>) offsets(%dma_start3A_307 : memref<128xi32, #tpu.memory_space<vmem>>) semaphore(%dma_start3A_312 : memref<!tpu.dma_semaphore, #tpu.memory_space<semaphore_mem>>)
    %dma_wait3A_313 = arith.constant 0 : i32
    %dma_wait3A_314 = arith.constant 0 : i32
    %dma_wait3A_315 = arith.constant 0 : i32
    %dma_wait3A_316 = arith.constant 0 : i32
    %dma_wait3A_317 = tpu.memref_slice %arg7[%dma_wait3A_313, %dma_wait3A_315, %dma_wait3A_316] : memref<8x128x16xf32, #tpu.memory_space<vmem>> -> memref<1x128x16xf32, #tpu.memory_space<vmem>>
    %dma_wait3A_318 = tpu.memref_squeeze %dma_wait3A_317 : memref<1x128x16xf32, #tpu.memory_space<vmem>> -> memref<128x16xf32, #tpu.memory_space<vmem>>
    %dma_wait3A_319 = arith.constant 0 : i32
    %dma_wait3A_320 = tpu.memref_slice %arg5[%dma_wait3A_319] : memref<10240xi32, #tpu.memory_space<vmem>> -> memref<128xi32, #tpu.memory_space<vmem>>
    %dma_wait3A_321 = arith.constant 0 : i32
    %dma_wait3A_322 = arith.constant 0 : i32
    %dma_wait3A_323 = tpu.memref_slice %arg10[%dma_wait3A_321, %dma_wait3A_322] : memref<10000x16xf32, #tpu.memory_space<vmem_shared>> -> memref<10000x16xf32, #tpu.memory_space<vmem_shared>>
    %dma_wait3A_324 = tpu.memref_slice %arg14[%dma_wait3A_314] : memref<8x!tpu.dma_semaphore, #tpu.memory_space<semaphore_mem>> -> memref<1x!tpu.dma_semaphore, #tpu.memory_space<semaphore_mem>>
    %dma_wait3A_325 = tpu.memref_squeeze %dma_wait3A_324 : memref<1x!tpu.dma_semaphore, #tpu.memory_space<semaphore_mem>> -> memref<!tpu.dma_semaphore, #tpu.memory_space<semaphore_mem>>
    tpu.wait_indirect_dma semaphore(%dma_wait3A_325 : memref<!tpu.dma_semaphore, #tpu.memory_space<semaphore_mem>>) src(%dma_wait3A_323 : memref<10000x16xf32, #tpu.memory_space<vmem_shared>>) dst(%dma_wait3A_318 : memref<128x16xf32, #tpu.memory_space<vmem>>)
    %dma_start3A_326 = arith.constant 0 : i32
    %dma_start3A_327 = arith.constant 0 : i32
    %dma_start3A_328 = arith.constant 0 : i32
    %dma_start3A_329 = arith.constant 0 : i32
    %dma_start3A_330 = arith.constant 0 : i32
    %dma_start3A_331 = tpu.memref_slice %arg7[%dma_start3A_326, %dma_start3A_329, %dma_start3A_330] : memref<8x128x16xf32, #tpu.memory_space<vmem>> -> memref<1x128x16xf32, #tpu.memory_space<vmem>>
    %dma_start3A_332 = tpu.memref_squeeze %dma_start3A_331 : memref<1x128x16xf32, #tpu.memory_space<vmem>> -> memref<128x16xf32, #tpu.memory_space<vmem>>
    %dma_start3A_333 = arith.constant 0 : i32
    %dma_start3A_334 = tpu.memref_slice %arg6[%dma_start3A_327, %dma_start3A_333] : memref<80x128xi32, #tpu.memory_space<vmem>> -> memref<1x128xi32, #tpu.memory_space<vmem>>
    %dma_start3A_335 = tpu.memref_squeeze %dma_start3A_334 : memref<1x128xi32, #tpu.memory_space<vmem>> -> memref<128xi32, #tpu.memory_space<vmem>>
    %dma_start3A_336 = arith.constant 0 : i32
    %dma_start3A_337 = arith.constant 0 : i32
    %dma_start3A_338 = tpu.memref_slice %arg9[%dma_start3A_336, %dma_start3A_337] : memref<10240x16xf32, #tpu.memory_space<vmem_shared>> -> memref<10240x16xf32, #tpu.memory_space<vmem_shared>>
    %dma_start3A_339 = tpu.memref_slice %arg15[%dma_start3A_328] : memref<8x!tpu.dma_semaphore, #tpu.memory_space<semaphore_mem>> -> memref<1x!tpu.dma_semaphore, #tpu.memory_space<semaphore_mem>>
    %dma_start3A_340 = tpu.memref_squeeze %dma_start3A_339 : memref<1x!tpu.dma_semaphore, #tpu.memory_space<semaphore_mem>> -> memref<!tpu.dma_semaphore, #tpu.memory_space<semaphore_mem>>
    tpu.enqueue_indirect_dma source(%dma_start3A_332 : memref<128x16xf32, #tpu.memory_space<vmem>>) target(%dma_start3A_338 : memref<10240x16xf32, #tpu.memory_space<vmem_shared>>) offsets(%dma_start3A_335 : memref<128xi32, #tpu.memory_space<vmem>>) semaphore(%dma_start3A_340 : memref<!tpu.dma_semaphore, #tpu.memory_space<semaphore_mem>>) {add = true}
    %dma_start3A_341 = arith.constant 4 : i32
    %dma_start3A_342 = arith.constant 4 : i32
    %dma_start3A_343 = arith.constant 0 : i32
    %dma_start3A_344 = arith.constant 0 : i32
    %dma_start3A_345 = tpu.memref_slice %arg7[%dma_start3A_341, %dma_start3A_343, %dma_start3A_344] : memref<8x128x16xf32, #tpu.memory_space<vmem>> -> memref<1x128x16xf32, #tpu.memory_space<vmem>>
    %dma_start3A_346 = tpu.memref_squeeze %dma_start3A_345 : memref<1x128x16xf32, #tpu.memory_space<vmem>> -> memref<128x16xf32, #tpu.memory_space<vmem>>
    %dma_start3A_347 = arith.constant 512 : i32
    %dma_start3A_348 = tpu.memref_slice %arg5[%dma_start3A_347] : memref<10240xi32, #tpu.memory_space<vmem>> -> memref<128xi32, #tpu.memory_space<vmem>>
    %dma_start3A_349 = arith.constant 0 : i32
    %dma_start3A_350 = arith.constant 0 : i32
    %dma_start3A_351 = tpu.memref_slice %arg10[%dma_start3A_349, %dma_start3A_350] : memref<10000x16xf32, #tpu.memory_space<vmem_shared>> -> memref<10000x16xf32, #tpu.memory_space<vmem_shared>>
    %dma_start3A_352 = tpu.memref_slice %arg14[%dma_start3A_342] : memref<8x!tpu.dma_semaphore, #tpu.memory_space<semaphore_mem>> -> memref<1x!tpu.dma_semaphore, #tpu.memory_space<semaphore_mem>>
    %dma_start3A_353 = tpu.memref_squeeze %dma_start3A_352 : memref<1x!tpu.dma_semaphore, #tpu.memory_space<semaphore_mem>> -> memref<!tpu.dma_semaphore, #tpu.memory_space<semaphore_mem>>
    tpu.enqueue_indirect_dma source(%dma_start3A_351 : memref<10000x16xf32, #tpu.memory_space<vmem_shared>>) target(%dma_start3A_346 : memref<128x16xf32, #tpu.memory_space<vmem>>) offsets(%dma_start3A_348 : memref<128xi32, #tpu.memory_space<vmem>>) semaphore(%dma_start3A_353 : memref<!tpu.dma_semaphore, #tpu.memory_space<semaphore_mem>>)
    %dma_wait3A_354 = arith.constant 1 : i32
    %dma_wait3A_355 = arith.constant 1 : i32
    %dma_wait3A_356 = arith.constant 0 : i32
    %dma_wait3A_357 = arith.constant 0 : i32
    %dma_wait3A_358 = tpu.memref_slice %arg7[%dma_wait3A_354, %dma_wait3A_356, %dma_wait3A_357] : memref<8x128x16xf32, #tpu.memory_space<vmem>> -> memref<1x128x16xf32, #tpu.memory_space<vmem>>
    %dma_wait3A_359 = tpu.memref_squeeze %dma_wait3A_358 : memref<1x128x16xf32, #tpu.memory_space<vmem>> -> memref<128x16xf32, #tpu.memory_space<vmem>>
    %dma_wait3A_360 = arith.constant 128 : i32
    %dma_wait3A_361 = tpu.memref_slice %arg5[%dma_wait3A_360] : memref<10240xi32, #tpu.memory_space<vmem>> -> memref<128xi32, #tpu.memory_space<vmem>>
    %dma_wait3A_362 = arith.constant 0 : i32
    %dma_wait3A_363 = arith.constant 0 : i32
    %dma_wait3A_364 = tpu.memref_slice %arg10[%dma_wait3A_362, %dma_wait3A_363] : memref<10000x16xf32, #tpu.memory_space<vmem_shared>> -> memref<10000x16xf32, #tpu.memory_space<vmem_shared>>
    %dma_wait3A_365 = tpu.memref_slice %arg14[%dma_wait3A_355] : memref<8x!tpu.dma_semaphore, #tpu.memory_space<semaphore_mem>> -> memref<1x!tpu.dma_semaphore, #tpu.memory_space<semaphore_mem>>
    %dma_wait3A_366 = tpu.memref_squeeze %dma_wait3A_365 : memref<1x!tpu.dma_semaphore, #tpu.memory_space<semaphore_mem>> -> memref<!tpu.dma_semaphore, #tpu.memory_space<semaphore_mem>>
    tpu.wait_indirect_dma semaphore(%dma_wait3A_366 : memref<!tpu.dma_semaphore, #tpu.memory_space<semaphore_mem>>) src(%dma_wait3A_364 : memref<10000x16xf32, #tpu.memory_space<vmem_shared>>) dst(%dma_wait3A_359 : memref<128x16xf32, #tpu.memory_space<vmem>>)
    %dma_start3A_367 = arith.constant 1 : i32
    %dma_start3A_368 = arith.constant 1 : i32
    %dma_start3A_369 = arith.constant 1 : i32
    %dma_start3A_370 = arith.constant 0 : i32
    %dma_start3A_371 = arith.constant 0 : i32
    %dma_start3A_372 = tpu.memref_slice %arg7[%dma_start3A_367, %dma_start3A_370, %dma_start3A_371] : memref<8x128x16xf32, #tpu.memory_space<vmem>> -> memref<1x128x16xf32, #tpu.memory_space<vmem>>
    %dma_start3A_373 = tpu.memref_squeeze %dma_start3A_372 : memref<1x128x16xf32, #tpu.memory_space<vmem>> -> memref<128x16xf32, #tpu.memory_space<vmem>>
    %dma_start3A_374 = arith.constant 0 : i32
    %dma_start3A_375 = tpu.memref_slice %arg6[%dma_start3A_368, %dma_start3A_374] : memref<80x128xi32, #tpu.memory_space<vmem>> -> memref<1x128xi32, #tpu.memory_space<vmem>>
    %dma_start3A_376 = tpu.memref_squeeze %dma_start3A_375 : memref<1x128xi32, #tpu.memory_space<vmem>> -> memref<128xi32, #tpu.memory_space<vmem>>
    %dma_start3A_377 = arith.constant 0 : i32
    %dma_start3A_378 = arith.constant 0 : i32
    %dma_start3A_379 = tpu.memref_slice %arg9[%dma_start3A_377, %dma_start3A_378] : memref<10240x16xf32, #tpu.memory_space<vmem_shared>> -> memref<10240x16xf32, #tpu.memory_space<vmem_shared>>
    %dma_start3A_380 = tpu.memref_slice %arg15[%dma_start3A_369] : memref<8x!tpu.dma_semaphore, #tpu.memory_space<semaphore_mem>> -> memref<1x!tpu.dma_semaphore, #tpu.memory_space<semaphore_mem>>
    %dma_start3A_381 = tpu.memref_squeeze %dma_start3A_380 : memref<1x!tpu.dma_semaphore, #tpu.memory_space<semaphore_mem>> -> memref<!tpu.dma_semaphore, #tpu.memory_space<semaphore_mem>>
    tpu.enqueue_indirect_dma source(%dma_start3A_373 : memref<128x16xf32, #tpu.memory_space<vmem>>) target(%dma_start3A_379 : memref<10240x16xf32, #tpu.memory_space<vmem_shared>>) offsets(%dma_start3A_376 : memref<128xi32, #tpu.memory_space<vmem>>) semaphore(%dma_start3A_381 : memref<!tpu.dma_semaphore, #tpu.memory_space<semaphore_mem>>) {add = true}
    %dma_start3A_382 = arith.constant 5 : i32
    %dma_start3A_383 = arith.constant 5 : i32
    %dma_start3A_384 = arith.constant 0 : i32
    %dma_start3A_385 = arith.constant 0 : i32
    %dma_start3A_386 = tpu.memref_slice %arg7[%dma_start3A_382, %dma_start3A_384, %dma_start3A_385] : memref<8x128x16xf32, #tpu.memory_space<vmem>> -> memref<1x128x16xf32, #tpu.memory_space<vmem>>
    %dma_start3A_387 = tpu.memref_squeeze %dma_start3A_386 : memref<1x128x16xf32, #tpu.memory_space<vmem>> -> memref<128x16xf32, #tpu.memory_space<vmem>>
    %dma_start3A_388 = arith.constant 640 : i32
    %dma_start3A_389 = tpu.memref_slice %arg5[%dma_start3A_388] : memref<10240xi32, #tpu.memory_space<vmem>> -> memref<128xi32, #tpu.memory_space<vmem>>
    %dma_start3A_390 = arith.constant 0 : i32
    %dma_start3A_391 = arith.constant 0 : i32
    %dma_start3A_392 = tpu.memref_slice %arg10[%dma_start3A_390, %dma_start3A_391] : memref<10000x16xf32, #tpu.memory_space<vmem_shared>> -> memref<10000x16xf32, #tpu.memory_space<vmem_shared>>
    %dma_start3A_393 = tpu.memref_slice %arg14[%dma_start3A_383] : memref<8x!tpu.dma_semaphore, #tpu.memory_space<semaphore_mem>> -> memref<1x!tpu.dma_semaphore, #tpu.memory_space<semaphore_mem>>
    %dma_start3A_394 = tpu.memref_squeeze %dma_start3A_393 : memref<1x!tpu.dma_semaphore, #tpu.memory_space<semaphore_mem>> -> memref<!tpu.dma_semaphore, #tpu.memory_space<semaphore_mem>>
    tpu.enqueue_indirect_dma source(%dma_start3A_392 : memref<10000x16xf32, #tpu.memory_space<vmem_shared>>) target(%dma_start3A_387 : memref<128x16xf32, #tpu.memory_space<vmem>>) offsets(%dma_start3A_389 : memref<128xi32, #tpu.memory_space<vmem>>) semaphore(%dma_start3A_394 : memref<!tpu.dma_semaphore, #tpu.memory_space<semaphore_mem>>)
    %dma_wait3A_395 = arith.constant 2 : i32
    %dma_wait3A_396 = arith.constant 2 : i32
    %dma_wait3A_397 = arith.constant 0 : i32
    %dma_wait3A_398 = arith.constant 0 : i32
    %dma_wait3A_399 = tpu.memref_slice %arg7[%dma_wait3A_395, %dma_wait3A_397, %dma_wait3A_398] : memref<8x128x16xf32, #tpu.memory_space<vmem>> -> memref<1x128x16xf32, #tpu.memory_space<vmem>>
    %dma_wait3A_400 = tpu.memref_squeeze %dma_wait3A_399 : memref<1x128x16xf32, #tpu.memory_space<vmem>> -> memref<128x16xf32, #tpu.memory_space<vmem>>
    %dma_wait3A_401 = arith.constant 256 : i32
    %dma_wait3A_402 = tpu.memref_slice %arg5[%dma_wait3A_401] : memref<10240xi32, #tpu.memory_space<vmem>> -> memref<128xi32, #tpu.memory_space<vmem>>
    %dma_wait3A_403 = arith.constant 0 : i32
    %dma_wait3A_404 = arith.constant 0 : i32
    %dma_wait3A_405 = tpu.memref_slice %arg10[%dma_wait3A_403, %dma_wait3A_404] : memref<10000x16xf32, #tpu.memory_space<vmem_shared>> -> memref<10000x16xf32, #tpu.memory_space<vmem_shared>>
    %dma_wait3A_406 = tpu.memref_slice %arg14[%dma_wait3A_396] : memref<8x!tpu.dma_semaphore, #tpu.memory_space<semaphore_mem>> -> memref<1x!tpu.dma_semaphore, #tpu.memory_space<semaphore_mem>>
    %dma_wait3A_407 = tpu.memref_squeeze %dma_wait3A_406 : memref<1x!tpu.dma_semaphore, #tpu.memory_space<semaphore_mem>> -> memref<!tpu.dma_semaphore, #tpu.memory_space<semaphore_mem>>
    tpu.wait_indirect_dma semaphore(%dma_wait3A_407 : memref<!tpu.dma_semaphore, #tpu.memory_space<semaphore_mem>>) src(%dma_wait3A_405 : memref<10000x16xf32, #tpu.memory_space<vmem_shared>>) dst(%dma_wait3A_400 : memref<128x16xf32, #tpu.memory_space<vmem>>)
    %dma_start3A_408 = arith.constant 2 : i32
    %dma_start3A_409 = arith.constant 2 : i32
    %dma_start3A_410 = arith.constant 2 : i32
    %dma_start3A_411 = arith.constant 0 : i32
    %dma_start3A_412 = arith.constant 0 : i32
    %dma_start3A_413 = tpu.memref_slice %arg7[%dma_start3A_408, %dma_start3A_411, %dma_start3A_412] : memref<8x128x16xf32, #tpu.memory_space<vmem>> -> memref<1x128x16xf32, #tpu.memory_space<vmem>>
    %dma_start3A_414 = tpu.memref_squeeze %dma_start3A_413 : memref<1x128x16xf32, #tpu.memory_space<vmem>> -> memref<128x16xf32, #tpu.memory_space<vmem>>
    %dma_start3A_415 = arith.constant 0 : i32
    %dma_start3A_416 = tpu.memref_slice %arg6[%dma_start3A_409, %dma_start3A_415] : memref<80x128xi32, #tpu.memory_space<vmem>> -> memref<1x128xi32, #tpu.memory_space<vmem>>
    %dma_start3A_417 = tpu.memref_squeeze %dma_start3A_416 : memref<1x128xi32, #tpu.memory_space<vmem>> -> memref<128xi32, #tpu.memory_space<vmem>>
    %dma_start3A_418 = arith.constant 0 : i32
    %dma_start3A_419 = arith.constant 0 : i32
    %dma_start3A_420 = tpu.memref_slice %arg9[%dma_start3A_418, %dma_start3A_419] : memref<10240x16xf32, #tpu.memory_space<vmem_shared>> -> memref<10240x16xf32, #tpu.memory_space<vmem_shared>>
    %dma_start3A_421 = tpu.memref_slice %arg15[%dma_start3A_410] : memref<8x!tpu.dma_semaphore, #tpu.memory_space<semaphore_mem>> -> memref<1x!tpu.dma_semaphore, #tpu.memory_space<semaphore_mem>>
    %dma_start3A_422 = tpu.memref_squeeze %dma_start3A_421 : memref<1x!tpu.dma_semaphore, #tpu.memory_space<semaphore_mem>> -> memref<!tpu.dma_semaphore, #tpu.memory_space<semaphore_mem>>
    tpu.enqueue_indirect_dma source(%dma_start3A_414 : memref<128x16xf32, #tpu.memory_space<vmem>>) target(%dma_start3A_420 : memref<10240x16xf32, #tpu.memory_space<vmem_shared>>) offsets(%dma_start3A_417 : memref<128xi32, #tpu.memory_space<vmem>>) semaphore(%dma_start3A_422 : memref<!tpu.dma_semaphore, #tpu.memory_space<semaphore_mem>>) {add = true}
    %dma_start3A_423 = arith.constant 6 : i32
    %dma_start3A_424 = arith.constant 6 : i32
    %dma_start3A_425 = arith.constant 0 : i32
    %dma_start3A_426 = arith.constant 0 : i32
    %dma_start3A_427 = tpu.memref_slice %arg7[%dma_start3A_423, %dma_start3A_425, %dma_start3A_426] : memref<8x128x16xf32, #tpu.memory_space<vmem>> -> memref<1x128x16xf32, #tpu.memory_space<vmem>>
    %dma_start3A_428 = tpu.memref_squeeze %dma_start3A_427 : memref<1x128x16xf32, #tpu.memory_space<vmem>> -> memref<128x16xf32, #tpu.memory_space<vmem>>
    %dma_start3A_429 = arith.constant 768 : i32
    %dma_start3A_430 = tpu.memref_slice %arg5[%dma_start3A_429] : memref<10240xi32, #tpu.memory_space<vmem>> -> memref<128xi32, #tpu.memory_space<vmem>>
    %dma_start3A_431 = arith.constant 0 : i32
    %dma_start3A_432 = arith.constant 0 : i32
    %dma_start3A_433 = tpu.memref_slice %arg10[%dma_start3A_431, %dma_start3A_432] : memref<10000x16xf32, #tpu.memory_space<vmem_shared>> -> memref<10000x16xf32, #tpu.memory_space<vmem_shared>>
    %dma_start3A_434 = tpu.memref_slice %arg14[%dma_start3A_424] : memref<8x!tpu.dma_semaphore, #tpu.memory_space<semaphore_mem>> -> memref<1x!tpu.dma_semaphore, #tpu.memory_space<semaphore_mem>>
    %dma_start3A_435 = tpu.memref_squeeze %dma_start3A_434 : memref<1x!tpu.dma_semaphore, #tpu.memory_space<semaphore_mem>> -> memref<!tpu.dma_semaphore, #tpu.memory_space<semaphore_mem>>
    tpu.enqueue_indirect_dma source(%dma_start3A_433 : memref<10000x16xf32, #tpu.memory_space<vmem_shared>>) target(%dma_start3A_428 : memref<128x16xf32, #tpu.memory_space<vmem>>) offsets(%dma_start3A_430 : memref<128xi32, #tpu.memory_space<vmem>>) semaphore(%dma_start3A_435 : memref<!tpu.dma_semaphore, #tpu.memory_space<semaphore_mem>>)
    %dma_wait3A_436 = arith.constant 3 : i32
    %dma_wait3A_437 = arith.constant 3 : i32
    %dma_wait3A_438 = arith.constant 0 : i32
    %dma_wait3A_439 = arith.constant 0 : i32
    %dma_wait3A_440 = tpu.memref_slice %arg7[%dma_wait3A_436, %dma_wait3A_438, %dma_wait3A_439] : memref<8x128x16xf32, #tpu.memory_space<vmem>> -> memref<1x128x16xf32, #tpu.memory_space<vmem>>
    %dma_wait3A_441 = tpu.memref_squeeze %dma_wait3A_440 : memref<1x128x16xf32, #tpu.memory_space<vmem>> -> memref<128x16xf32, #tpu.memory_space<vmem>>
    %dma_wait3A_442 = arith.constant 384 : i32
    %dma_wait3A_443 = tpu.memref_slice %arg5[%dma_wait3A_442] : memref<10240xi32, #tpu.memory_space<vmem>> -> memref<128xi32, #tpu.memory_space<vmem>>
    %dma_wait3A_444 = arith.constant 0 : i32
    %dma_wait3A_445 = arith.constant 0 : i32
    %dma_wait3A_446 = tpu.memref_slice %arg10[%dma_wait3A_444, %dma_wait3A_445] : memref<10000x16xf32, #tpu.memory_space<vmem_shared>> -> memref<10000x16xf32, #tpu.memory_space<vmem_shared>>
    %dma_wait3A_447 = tpu.memref_slice %arg14[%dma_wait3A_437] : memref<8x!tpu.dma_semaphore, #tpu.memory_space<semaphore_mem>> -> memref<1x!tpu.dma_semaphore, #tpu.memory_space<semaphore_mem>>
    %dma_wait3A_448 = tpu.memref_squeeze %dma_wait3A_447 : memref<1x!tpu.dma_semaphore, #tpu.memory_space<semaphore_mem>> -> memref<!tpu.dma_semaphore, #tpu.memory_space<semaphore_mem>>
    tpu.wait_indirect_dma semaphore(%dma_wait3A_448 : memref<!tpu.dma_semaphore, #tpu.memory_space<semaphore_mem>>) src(%dma_wait3A_446 : memref<10000x16xf32, #tpu.memory_space<vmem_shared>>) dst(%dma_wait3A_441 : memref<128x16xf32, #tpu.memory_space<vmem>>)
    %dma_start3A_449 = arith.constant 3 : i32
    %dma_start3A_450 = arith.constant 3 : i32
    %dma_start3A_451 = arith.constant 3 : i32
    %dma_start3A_452 = arith.constant 0 : i32
    %dma_start3A_453 = arith.constant 0 : i32
    %dma_start3A_454 = tpu.memref_slice %arg7[%dma_start3A_449, %dma_start3A_452, %dma_start3A_453] : memref<8x128x16xf32, #tpu.memory_space<vmem>> -> memref<1x128x16xf32, #tpu.memory_space<vmem>>
    %dma_start3A_455 = tpu.memref_squeeze %dma_start3A_454 : memref<1x128x16xf32, #tpu.memory_space<vmem>> -> memref<128x16xf32, #tpu.memory_space<vmem>>
    %dma_start3A_456 = arith.constant 0 : i32
    %dma_start3A_457 = tpu.memref_slice %arg6[%dma_start3A_450, %dma_start3A_456] : memref<80x128xi32, #tpu.memory_space<vmem>> -> memref<1x128xi32, #tpu.memory_space<vmem>>
    %dma_start3A_458 = tpu.memref_squeeze %dma_start3A_457 : memref<1x128xi32, #tpu.memory_space<vmem>> -> memref<128xi32, #tpu.memory_space<vmem>>
    %dma_start3A_459 = arith.constant 0 : i32
    %dma_start3A_460 = arith.constant 0 : i32
    %dma_start3A_461 = tpu.memref_slice %arg9[%dma_start3A_459, %dma_start3A_460] : memref<10240x16xf32, #tpu.memory_space<vmem_shared>> -> memref<10240x16xf32, #tpu.memory_space<vmem_shared>>
    %dma_start3A_462 = tpu.memref_slice %arg15[%dma_start3A_451] : memref<8x!tpu.dma_semaphore, #tpu.memory_space<semaphore_mem>> -> memref<1x!tpu.dma_semaphore, #tpu.memory_space<semaphore_mem>>
    %dma_start3A_463 = tpu.memref_squeeze %dma_start3A_462 : memref<1x!tpu.dma_semaphore, #tpu.memory_space<semaphore_mem>> -> memref<!tpu.dma_semaphore, #tpu.memory_space<semaphore_mem>>
    tpu.enqueue_indirect_dma source(%dma_start3A_455 : memref<128x16xf32, #tpu.memory_space<vmem>>) target(%dma_start3A_461 : memref<10240x16xf32, #tpu.memory_space<vmem_shared>>) offsets(%dma_start3A_458 : memref<128xi32, #tpu.memory_space<vmem>>) semaphore(%dma_start3A_463 : memref<!tpu.dma_semaphore, #tpu.memory_space<semaphore_mem>>) {add = true}
    %dma_start3A_464 = arith.constant 7 : i32
    %dma_start3A_465 = arith.constant 7 : i32
    %dma_start3A_466 = arith.constant 0 : i32
    %dma_start3A_467 = arith.constant 0 : i32
    %dma_start3A_468 = tpu.memref_slice %arg7[%dma_start3A_464, %dma_start3A_466, %dma_start3A_467] : memref<8x128x16xf32, #tpu.memory_space<vmem>> -> memref<1x128x16xf32, #tpu.memory_space<vmem>>
    %dma_start3A_469 = tpu.memref_squeeze %dma_start3A_468 : memref<1x128x16xf32, #tpu.memory_space<vmem>> -> memref<128x16xf32, #tpu.memory_space<vmem>>
    %dma_start3A_470 = arith.constant 896 : i32
    %dma_start3A_471 = tpu.memref_slice %arg5[%dma_start3A_470] : memref<10240xi32, #tpu.memory_space<vmem>> -> memref<128xi32, #tpu.memory_space<vmem>>
    %dma_start3A_472 = arith.constant 0 : i32
    %dma_start3A_473 = arith.constant 0 : i32
    %dma_start3A_474 = tpu.memref_slice %arg10[%dma_start3A_472, %dma_start3A_473] : memref<10000x16xf32, #tpu.memory_space<vmem_shared>> -> memref<10000x16xf32, #tpu.memory_space<vmem_shared>>
    %dma_start3A_475 = tpu.memref_slice %arg14[%dma_start3A_465] : memref<8x!tpu.dma_semaphore, #tpu.memory_space<semaphore_mem>> -> memref<1x!tpu.dma_semaphore, #tpu.memory_space<semaphore_mem>>
    %dma_start3A_476 = tpu.memref_squeeze %dma_start3A_475 : memref<1x!tpu.dma_semaphore, #tpu.memory_space<semaphore_mem>> -> memref<!tpu.dma_semaphore, #tpu.memory_space<semaphore_mem>>
    tpu.enqueue_indirect_dma source(%dma_start3A_474 : memref<10000x16xf32, #tpu.memory_space<vmem_shared>>) target(%dma_start3A_469 : memref<128x16xf32, #tpu.memory_space<vmem>>) offsets(%dma_start3A_471 : memref<128xi32, #tpu.memory_space<vmem>>) semaphore(%dma_start3A_476 : memref<!tpu.dma_semaphore, #tpu.memory_space<semaphore_mem>>)
    %scan3A_477 = arith.constant 0 : i32
    %scan3A_478 = arith.constant 9 : i32
    %scan3A_479 = arith.addi %scan3A_477, %scan3A_478 : i32
    %scan3A_480 = arith.constant 1 : i32
    scf.for %scan3A_719 = %scan3A_477 to %scan3A_479 step %scan3A_480  : i32 {
      %mul3A_720 = arith.constant 1 : i32
      %mul3A_721 = arith.muli %scan3A_719, %mul3A_720 : i32
      %add3A_722 = arith.constant 0 : i32
      %add3A_723 = arith.addi %add3A_722, %mul3A_721 : i32
      %mul3A_724 = arith.constant 2 : i32
      %mul3A_725 = arith.muli %mul3A_724, %add3A_723 : i32
      %add3A_726 = arith.constant 1 : i32
      %add3A_727 = arith.addi %mul3A_725, %add3A_726 : i32
      %add3A_728 = arith.constant 0 : i32
      %add3A_729 = arith.addi %add3A_727, %add3A_728 : i32
      %mul3A_730 = arith.constant 4 : i32
      %mul3A_731 = arith.muli %add3A_729, %mul3A_730 : i32
      %sub3A = arith.constant 4 : i32
      %sub3A_732 = arith.subi %mul3A_731, %sub3A : i32
      %add3A_733 = arith.constant 0 : i32
      %add3A_734 = arith.addi %sub3A_732, %add3A_733 : i32
      %dma_wait3A_735 = arith.constant 0 : i32
      %dma_wait3A_736 = arith.constant 0 : i32
      %dma_wait3A_737 = arith.constant 0 : i32
      %dma_wait3A_738 = arith.constant 0 : i32
      %dma_wait3A_739 = tpu.memref_slice %arg7[%dma_wait3A_735, %dma_wait3A_737, %dma_wait3A_738] : memref<8x128x16xf32, #tpu.memory_space<vmem>> -> memref<1x128x16xf32, #tpu.memory_space<vmem>>
      %dma_wait3A_740 = tpu.memref_squeeze %dma_wait3A_739 : memref<1x128x16xf32, #tpu.memory_space<vmem>> -> memref<128x16xf32, #tpu.memory_space<vmem>>
      %dma_wait3A_741 = arith.constant 0 : i32
      %dma_wait3A_742 = tpu.memref_slice %arg6[%add3A_734, %dma_wait3A_741] : memref<80x128xi32, #tpu.memory_space<vmem>> -> memref<1x128xi32, #tpu.memory_space<vmem>>
      %dma_wait3A_743 = tpu.memref_squeeze %dma_wait3A_742 : memref<1x128xi32, #tpu.memory_space<vmem>> -> memref<128xi32, #tpu.memory_space<vmem>>
      %dma_wait3A_744 = arith.constant 0 : i32
      %dma_wait3A_745 = arith.constant 0 : i32
      %dma_wait3A_746 = tpu.memref_slice %arg9[%dma_wait3A_744, %dma_wait3A_745] : memref<10240x16xf32, #tpu.memory_space<vmem_shared>> -> memref<10240x16xf32, #tpu.memory_space<vmem_shared>>
      %dma_wait3A_747 = tpu.memref_slice %arg15[%dma_wait3A_736] : memref<8x!tpu.dma_semaphore, #tpu.memory_space<semaphore_mem>> -> memref<1x!tpu.dma_semaphore, #tpu.memory_space<semaphore_mem>>
      %dma_wait3A_748 = tpu.memref_squeeze %dma_wait3A_747 : memref<1x!tpu.dma_semaphore, #tpu.memory_space<semaphore_mem>> -> memref<!tpu.dma_semaphore, #tpu.memory_space<semaphore_mem>>
      tpu.wait_indirect_dma semaphore(%dma_wait3A_748 : memref<!tpu.dma_semaphore, #tpu.memory_space<semaphore_mem>>) src(%dma_wait3A_740 : memref<128x16xf32, #tpu.memory_space<vmem>>) dst(%dma_wait3A_746 : memref<10240x16xf32, #tpu.memory_space<vmem_shared>>)
      %add3A_749 = arith.constant 0 : i32
      %add3A_750 = arith.addi %mul3A_731, %add3A_749 : i32
      %mul3A_751 = arith.constant 128 : i32
      %mul3A_752 = arith.muli %add3A_750, %mul3A_751 : i32
      %dma_wait3A_753 = arith.constant 4 : i32
      %dma_wait3A_754 = arith.constant 4 : i32
      %dma_wait3A_755 = arith.constant 0 : i32
      %dma_wait3A_756 = arith.constant 0 : i32
      %dma_wait3A_757 = tpu.memref_slice %arg7[%dma_wait3A_753, %dma_wait3A_755, %dma_wait3A_756] : memref<8x128x16xf32, #tpu.memory_space<vmem>> -> memref<1x128x16xf32, #tpu.memory_space<vmem>>
      %dma_wait3A_758 = tpu.memref_squeeze %dma_wait3A_757 : memref<1x128x16xf32, #tpu.memory_space<vmem>> -> memref<128x16xf32, #tpu.memory_space<vmem>>
      %dma_wait3A_759 = tpu.memref_slice %arg5[%mul3A_752] : memref<10240xi32, #tpu.memory_space<vmem>> -> memref<128xi32, #tpu.memory_space<vmem>>
      %dma_wait3A_760 = arith.constant 0 : i32
      %dma_wait3A_761 = arith.constant 0 : i32
      %dma_wait3A_762 = tpu.memref_slice %arg10[%dma_wait3A_760, %dma_wait3A_761] : memref<10000x16xf32, #tpu.memory_space<vmem_shared>> -> memref<10000x16xf32, #tpu.memory_space<vmem_shared>>
      %dma_wait3A_763 = tpu.memref_slice %arg14[%dma_wait3A_754] : memref<8x!tpu.dma_semaphore, #tpu.memory_space<semaphore_mem>> -> memref<1x!tpu.dma_semaphore, #tpu.memory_space<semaphore_mem>>
      %dma_wait3A_764 = tpu.memref_squeeze %dma_wait3A_763 : memref<1x!tpu.dma_semaphore, #tpu.memory_space<semaphore_mem>> -> memref<!tpu.dma_semaphore, #tpu.memory_space<semaphore_mem>>
      tpu.wait_indirect_dma semaphore(%dma_wait3A_764 : memref<!tpu.dma_semaphore, #tpu.memory_space<semaphore_mem>>) src(%dma_wait3A_762 : memref<10000x16xf32, #tpu.memory_space<vmem_shared>>) dst(%dma_wait3A_758 : memref<128x16xf32, #tpu.memory_space<vmem>>)
      %add3A_765 = arith.constant 0 : i32
      %add3A_766 = arith.addi %mul3A_731, %add3A_765 : i32
      %dma_start3A_767 = arith.constant 4 : i32
      %dma_start3A_768 = arith.constant 4 : i32
      %dma_start3A_769 = arith.constant 0 : i32
      %dma_start3A_770 = arith.constant 0 : i32
      %dma_start3A_771 = tpu.memref_slice %arg7[%dma_start3A_767, %dma_start3A_769, %dma_start3A_770] : memref<8x128x16xf32, #tpu.memory_space<vmem>> -> memref<1x128x16xf32, #tpu.memory_space<vmem>>
      %dma_start3A_772 = tpu.memref_squeeze %dma_start3A_771 : memref<1x128x16xf32, #tpu.memory_space<vmem>> -> memref<128x16xf32, #tpu.memory_space<vmem>>
      %dma_start3A_773 = arith.constant 0 : i32
      %dma_start3A_774 = tpu.memref_slice %arg6[%add3A_766, %dma_start3A_773] : memref<80x128xi32, #tpu.memory_space<vmem>> -> memref<1x128xi32, #tpu.memory_space<vmem>>
      %dma_start3A_775 = tpu.memref_squeeze %dma_start3A_774 : memref<1x128xi32, #tpu.memory_space<vmem>> -> memref<128xi32, #tpu.memory_space<vmem>>
      %dma_start3A_776 = arith.constant 0 : i32
      %dma_start3A_777 = arith.constant 0 : i32
      %dma_start3A_778 = tpu.memref_slice %arg9[%dma_start3A_776, %dma_start3A_777] : memref<10240x16xf32, #tpu.memory_space<vmem_shared>> -> memref<10240x16xf32, #tpu.memory_space<vmem_shared>>
      %dma_start3A_779 = tpu.memref_slice %arg15[%dma_start3A_768] : memref<8x!tpu.dma_semaphore, #tpu.memory_space<semaphore_mem>> -> memref<1x!tpu.dma_semaphore, #tpu.memory_space<semaphore_mem>>
      %dma_start3A_780 = tpu.memref_squeeze %dma_start3A_779 : memref<1x!tpu.dma_semaphore, #tpu.memory_space<semaphore_mem>> -> memref<!tpu.dma_semaphore, #tpu.memory_space<semaphore_mem>>
      tpu.enqueue_indirect_dma source(%dma_start3A_772 : memref<128x16xf32, #tpu.memory_space<vmem>>) target(%dma_start3A_778 : memref<10240x16xf32, #tpu.memory_space<vmem_shared>>) offsets(%dma_start3A_775 : memref<128xi32, #tpu.memory_space<vmem>>) semaphore(%dma_start3A_780 : memref<!tpu.dma_semaphore, #tpu.memory_space<semaphore_mem>>) {add = true}
      %add3A_781 = arith.constant 4 : i32
      %add3A_782 = arith.addi %mul3A_731, %add3A_781 : i32
      %add3A_783 = arith.constant 0 : i32
      %add3A_784 = arith.addi %add3A_782, %add3A_783 : i32
      %mul3A_785 = arith.constant 128 : i32
      %mul3A_786 = arith.muli %add3A_784, %mul3A_785 : i32
      %dma_start3A_787 = arith.constant 0 : i32
      %dma_start3A_788 = arith.constant 0 : i32
      %dma_start3A_789 = arith.constant 0 : i32
      %dma_start3A_790 = arith.constant 0 : i32
      %dma_start3A_791 = tpu.memref_slice %arg7[%dma_start3A_787, %dma_start3A_789, %dma_start3A_790] : memref<8x128x16xf32, #tpu.memory_space<vmem>> -> memref<1x128x16xf32, #tpu.memory_space<vmem>>
      %dma_start3A_792 = tpu.memref_squeeze %dma_start3A_791 : memref<1x128x16xf32, #tpu.memory_space<vmem>> -> memref<128x16xf32, #tpu.memory_space<vmem>>
      %dma_start3A_793 = tpu.memref_slice %arg5[%mul3A_786] : memref<10240xi32, #tpu.memory_space<vmem>> -> memref<128xi32, #tpu.memory_space<vmem>>
      %dma_start3A_794 = arith.constant 0 : i32
      %dma_start3A_795 = arith.constant 0 : i32
      %dma_start3A_796 = tpu.memref_slice %arg10[%dma_start3A_794, %dma_start3A_795] : memref<10000x16xf32, #tpu.memory_space<vmem_shared>> -> memref<10000x16xf32, #tpu.memory_space<vmem_shared>>
      %dma_start3A_797 = tpu.memref_slice %arg14[%dma_start3A_788] : memref<8x!tpu.dma_semaphore, #tpu.memory_space<semaphore_mem>> -> memref<1x!tpu.dma_semaphore, #tpu.memory_space<semaphore_mem>>
      %dma_start3A_798 = tpu.memref_squeeze %dma_start3A_797 : memref<1x!tpu.dma_semaphore, #tpu.memory_space<semaphore_mem>> -> memref<!tpu.dma_semaphore, #tpu.memory_space<semaphore_mem>>
      tpu.enqueue_indirect_dma source(%dma_start3A_796 : memref<10000x16xf32, #tpu.memory_space<vmem_shared>>) target(%dma_start3A_792 : memref<128x16xf32, #tpu.memory_space<vmem>>) offsets(%dma_start3A_793 : memref<128xi32, #tpu.memory_space<vmem>>) semaphore(%dma_start3A_798 : memref<!tpu.dma_semaphore, #tpu.memory_space<semaphore_mem>>)
      %sub3A_799 = arith.constant 4 : i32
      %sub3A_800 = arith.subi %mul3A_731, %sub3A_799 : i32
      %add3A_801 = arith.constant 1 : i32
      %add3A_802 = arith.addi %sub3A_800, %add3A_801 : i32
      %dma_wait3A_803 = arith.constant 1 : i32
      %dma_wait3A_804 = arith.constant 1 : i32
      %dma_wait3A_805 = arith.constant 0 : i32
      %dma_wait3A_806 = arith.constant 0 : i32
      %dma_wait3A_807 = tpu.memref_slice %arg7[%dma_wait3A_803, %dma_wait3A_805, %dma_wait3A_806] : memref<8x128x16xf32, #tpu.memory_space<vmem>> -> memref<1x128x16xf32, #tpu.memory_space<vmem>>
      %dma_wait3A_808 = tpu.memref_squeeze %dma_wait3A_807 : memref<1x128x16xf32, #tpu.memory_space<vmem>> -> memref<128x16xf32, #tpu.memory_space<vmem>>
      %dma_wait3A_809 = arith.constant 0 : i32
      %dma_wait3A_810 = tpu.memref_slice %arg6[%add3A_802, %dma_wait3A_809] : memref<80x128xi32, #tpu.memory_space<vmem>> -> memref<1x128xi32, #tpu.memory_space<vmem>>
      %dma_wait3A_811 = tpu.memref_squeeze %dma_wait3A_810 : memref<1x128xi32, #tpu.memory_space<vmem>> -> memref<128xi32, #tpu.memory_space<vmem>>
      %dma_wait3A_812 = arith.constant 0 : i32
      %dma_wait3A_813 = arith.constant 0 : i32
      %dma_wait3A_814 = tpu.memref_slice %arg9[%dma_wait3A_812, %dma_wait3A_813] : memref<10240x16xf32, #tpu.memory_space<vmem_shared>> -> memref<10240x16xf32, #tpu.memory_space<vmem_shared>>
      %dma_wait3A_815 = tpu.memref_slice %arg15[%dma_wait3A_804] : memref<8x!tpu.dma_semaphore, #tpu.memory_space<semaphore_mem>> -> memref<1x!tpu.dma_semaphore, #tpu.memory_space<semaphore_mem>>
      %dma_wait3A_816 = tpu.memref_squeeze %dma_wait3A_815 : memref<1x!tpu.dma_semaphore, #tpu.memory_space<semaphore_mem>> -> memref<!tpu.dma_semaphore, #tpu.memory_space<semaphore_mem>>
      tpu.wait_indirect_dma semaphore(%dma_wait3A_816 : memref<!tpu.dma_semaphore, #tpu.memory_space<semaphore_mem>>) src(%dma_wait3A_808 : memref<128x16xf32, #tpu.memory_space<vmem>>) dst(%dma_wait3A_814 : memref<10240x16xf32, #tpu.memory_space<vmem_shared>>)
      %add3A_817 = arith.constant 1 : i32
      %add3A_818 = arith.addi %mul3A_731, %add3A_817 : i32
      %mul3A_819 = arith.constant 128 : i32
      %mul3A_820 = arith.muli %add3A_818, %mul3A_819 : i32
      %dma_wait3A_821 = arith.constant 5 : i32
      %dma_wait3A_822 = arith.constant 5 : i32
      %dma_wait3A_823 = arith.constant 0 : i32
      %dma_wait3A_824 = arith.constant 0 : i32
      %dma_wait3A_825 = tpu.memref_slice %arg7[%dma_wait3A_821, %dma_wait3A_823, %dma_wait3A_824] : memref<8x128x16xf32, #tpu.memory_space<vmem>> -> memref<1x128x16xf32, #tpu.memory_space<vmem>>
      %dma_wait3A_826 = tpu.memref_squeeze %dma_wait3A_825 : memref<1x128x16xf32, #tpu.memory_space<vmem>> -> memref<128x16xf32, #tpu.memory_space<vmem>>
      %dma_wait3A_827 = tpu.memref_slice %arg5[%mul3A_820] : memref<10240xi32, #tpu.memory_space<vmem>> -> memref<128xi32, #tpu.memory_space<vmem>>
      %dma_wait3A_828 = arith.constant 0 : i32
      %dma_wait3A_829 = arith.constant 0 : i32
      %dma_wait3A_830 = tpu.memref_slice %arg10[%dma_wait3A_828, %dma_wait3A_829] : memref<10000x16xf32, #tpu.memory_space<vmem_shared>> -> memref<10000x16xf32, #tpu.memory_space<vmem_shared>>
      %dma_wait3A_831 = tpu.memref_slice %arg14[%dma_wait3A_822] : memref<8x!tpu.dma_semaphore, #tpu.memory_space<semaphore_mem>> -> memref<1x!tpu.dma_semaphore, #tpu.memory_space<semaphore_mem>>
      %dma_wait3A_832 = tpu.memref_squeeze %dma_wait3A_831 : memref<1x!tpu.dma_semaphore, #tpu.memory_space<semaphore_mem>> -> memref<!tpu.dma_semaphore, #tpu.memory_space<semaphore_mem>>
      tpu.wait_indirect_dma semaphore(%dma_wait3A_832 : memref<!tpu.dma_semaphore, #tpu.memory_space<semaphore_mem>>) src(%dma_wait3A_830 : memref<10000x16xf32, #tpu.memory_space<vmem_shared>>) dst(%dma_wait3A_826 : memref<128x16xf32, #tpu.memory_space<vmem>>)
      %add3A_833 = arith.constant 1 : i32
      %add3A_834 = arith.addi %mul3A_731, %add3A_833 : i32
      %dma_start3A_835 = arith.constant 5 : i32
      %dma_start3A_836 = arith.constant 5 : i32
      %dma_start3A_837 = arith.constant 0 : i32
      %dma_start3A_838 = arith.constant 0 : i32
      %dma_start3A_839 = tpu.memref_slice %arg7[%dma_start3A_835, %dma_start3A_837, %dma_start3A_838] : memref<8x128x16xf32, #tpu.memory_space<vmem>> -> memref<1x128x16xf32, #tpu.memory_space<vmem>>
      %dma_start3A_840 = tpu.memref_squeeze %dma_start3A_839 : memref<1x128x16xf32, #tpu.memory_space<vmem>> -> memref<128x16xf32, #tpu.memory_space<vmem>>
      %dma_start3A_841 = arith.constant 0 : i32
      %dma_start3A_842 = tpu.memref_slice %arg6[%add3A_834, %dma_start3A_841] : memref<80x128xi32, #tpu.memory_space<vmem>> -> memref<1x128xi32, #tpu.memory_space<vmem>>
      %dma_start3A_843 = tpu.memref_squeeze %dma_start3A_842 : memref<1x128xi32, #tpu.memory_space<vmem>> -> memref<128xi32, #tpu.memory_space<vmem>>
      %dma_start3A_844 = arith.constant 0 : i32
      %dma_start3A_845 = arith.constant 0 : i32
      %dma_start3A_846 = tpu.memref_slice %arg9[%dma_start3A_844, %dma_start3A_845] : memref<10240x16xf32, #tpu.memory_space<vmem_shared>> -> memref<10240x16xf32, #tpu.memory_space<vmem_shared>>
      %dma_start3A_847 = tpu.memref_slice %arg15[%dma_start3A_836] : memref<8x!tpu.dma_semaphore, #tpu.memory_space<semaphore_mem>> -> memref<1x!tpu.dma_semaphore, #tpu.memory_space<semaphore_mem>>
      %dma_start3A_848 = tpu.memref_squeeze %dma_start3A_847 : memref<1x!tpu.dma_semaphore, #tpu.memory_space<semaphore_mem>> -> memref<!tpu.dma_semaphore, #tpu.memory_space<semaphore_mem>>
      tpu.enqueue_indirect_dma source(%dma_start3A_840 : memref<128x16xf32, #tpu.memory_space<vmem>>) target(%dma_start3A_846 : memref<10240x16xf32, #tpu.memory_space<vmem_shared>>) offsets(%dma_start3A_843 : memref<128xi32, #tpu.memory_space<vmem>>) semaphore(%dma_start3A_848 : memref<!tpu.dma_semaphore, #tpu.memory_space<semaphore_mem>>) {add = true}
      %add3A_849 = arith.constant 4 : i32
      %add3A_850 = arith.addi %mul3A_731, %add3A_849 : i32
      %add3A_851 = arith.constant 1 : i32
      %add3A_852 = arith.addi %add3A_850, %add3A_851 : i32
      %mul3A_853 = arith.constant 128 : i32
      %mul3A_854 = arith.muli %add3A_852, %mul3A_853 : i32
      %dma_start3A_855 = arith.constant 1 : i32
      %dma_start3A_856 = arith.constant 1 : i32
      %dma_start3A_857 = arith.constant 0 : i32
      %dma_start3A_858 = arith.constant 0 : i32
      %dma_start3A_859 = tpu.memref_slice %arg7[%dma_start3A_855, %dma_start3A_857, %dma_start3A_858] : memref<8x128x16xf32, #tpu.memory_space<vmem>> -> memref<1x128x16xf32, #tpu.memory_space<vmem>>
      %dma_start3A_860 = tpu.memref_squeeze %dma_start3A_859 : memref<1x128x16xf32, #tpu.memory_space<vmem>> -> memref<128x16xf32, #tpu.memory_space<vmem>>
      %dma_start3A_861 = tpu.memref_slice %arg5[%mul3A_854] : memref<10240xi32, #tpu.memory_space<vmem>> -> memref<128xi32, #tpu.memory_space<vmem>>
      %dma_start3A_862 = arith.constant 0 : i32
      %dma_start3A_863 = arith.constant 0 : i32
      %dma_start3A_864 = tpu.memref_slice %arg10[%dma_start3A_862, %dma_start3A_863] : memref<10000x16xf32, #tpu.memory_space<vmem_shared>> -> memref<10000x16xf32, #tpu.memory_space<vmem_shared>>
      %dma_start3A_865 = tpu.memref_slice %arg14[%dma_start3A_856] : memref<8x!tpu.dma_semaphore, #tpu.memory_space<semaphore_mem>> -> memref<1x!tpu.dma_semaphore, #tpu.memory_space<semaphore_mem>>
      %dma_start3A_866 = tpu.memref_squeeze %dma_start3A_865 : memref<1x!tpu.dma_semaphore, #tpu.memory_space<semaphore_mem>> -> memref<!tpu.dma_semaphore, #tpu.memory_space<semaphore_mem>>
      tpu.enqueue_indirect_dma source(%dma_start3A_864 : memref<10000x16xf32, #tpu.memory_space<vmem_shared>>) target(%dma_start3A_860 : memref<128x16xf32, #tpu.memory_space<vmem>>) offsets(%dma_start3A_861 : memref<128xi32, #tpu.memory_space<vmem>>) semaphore(%dma_start3A_866 : memref<!tpu.dma_semaphore, #tpu.memory_space<semaphore_mem>>)
      %sub3A_867 = arith.constant 4 : i32
      %sub3A_868 = arith.subi %mul3A_731, %sub3A_867 : i32
      %add3A_869 = arith.constant 2 : i32
      %add3A_870 = arith.addi %sub3A_868, %add3A_869 : i32
      %dma_wait3A_871 = arith.constant 2 : i32
      %dma_wait3A_872 = arith.constant 2 : i32
      %dma_wait3A_873 = arith.constant 0 : i32
      %dma_wait3A_874 = arith.constant 0 : i32
      %dma_wait3A_875 = tpu.memref_slice %arg7[%dma_wait3A_871, %dma_wait3A_873, %dma_wait3A_874] : memref<8x128x16xf32, #tpu.memory_space<vmem>> -> memref<1x128x16xf32, #tpu.memory_space<vmem>>
      %dma_wait3A_876 = tpu.memref_squeeze %dma_wait3A_875 : memref<1x128x16xf32, #tpu.memory_space<vmem>> -> memref<128x16xf32, #tpu.memory_space<vmem>>
      %dma_wait3A_877 = arith.constant 0 : i32
      %dma_wait3A_878 = tpu.memref_slice %arg6[%add3A_870, %dma_wait3A_877] : memref<80x128xi32, #tpu.memory_space<vmem>> -> memref<1x128xi32, #tpu.memory_space<vmem>>
      %dma_wait3A_879 = tpu.memref_squeeze %dma_wait3A_878 : memref<1x128xi32, #tpu.memory_space<vmem>> -> memref<128xi32, #tpu.memory_space<vmem>>
      %dma_wait3A_880 = arith.constant 0 : i32
      %dma_wait3A_881 = arith.constant 0 : i32
      %dma_wait3A_882 = tpu.memref_slice %arg9[%dma_wait3A_880, %dma_wait3A_881] : memref<10240x16xf32, #tpu.memory_space<vmem_shared>> -> memref<10240x16xf32, #tpu.memory_space<vmem_shared>>
      %dma_wait3A_883 = tpu.memref_slice %arg15[%dma_wait3A_872] : memref<8x!tpu.dma_semaphore, #tpu.memory_space<semaphore_mem>> -> memref<1x!tpu.dma_semaphore, #tpu.memory_space<semaphore_mem>>
      %dma_wait3A_884 = tpu.memref_squeeze %dma_wait3A_883 : memref<1x!tpu.dma_semaphore, #tpu.memory_space<semaphore_mem>> -> memref<!tpu.dma_semaphore, #tpu.memory_space<semaphore_mem>>
      tpu.wait_indirect_dma semaphore(%dma_wait3A_884 : memref<!tpu.dma_semaphore, #tpu.memory_space<semaphore_mem>>) src(%dma_wait3A_876 : memref<128x16xf32, #tpu.memory_space<vmem>>) dst(%dma_wait3A_882 : memref<10240x16xf32, #tpu.memory_space<vmem_shared>>)
      %add3A_885 = arith.constant 2 : i32
      %add3A_886 = arith.addi %mul3A_731, %add3A_885 : i32
      %mul3A_887 = arith.constant 128 : i32
      %mul3A_888 = arith.muli %add3A_886, %mul3A_887 : i32
      %dma_wait3A_889 = arith.constant 6 : i32
      %dma_wait3A_890 = arith.constant 6 : i32
      %dma_wait3A_891 = arith.constant 0 : i32
      %dma_wait3A_892 = arith.constant 0 : i32
      %dma_wait3A_893 = tpu.memref_slice %arg7[%dma_wait3A_889, %dma_wait3A_891, %dma_wait3A_892] : memref<8x128x16xf32, #tpu.memory_space<vmem>> -> memref<1x128x16xf32, #tpu.memory_space<vmem>>
      %dma_wait3A_894 = tpu.memref_squeeze %dma_wait3A_893 : memref<1x128x16xf32, #tpu.memory_space<vmem>> -> memref<128x16xf32, #tpu.memory_space<vmem>>
      %dma_wait3A_895 = tpu.memref_slice %arg5[%mul3A_888] : memref<10240xi32, #tpu.memory_space<vmem>> -> memref<128xi32, #tpu.memory_space<vmem>>
      %dma_wait3A_896 = arith.constant 0 : i32
      %dma_wait3A_897 = arith.constant 0 : i32
      %dma_wait3A_898 = tpu.memref_slice %arg10[%dma_wait3A_896, %dma_wait3A_897] : memref<10000x16xf32, #tpu.memory_space<vmem_shared>> -> memref<10000x16xf32, #tpu.memory_space<vmem_shared>>
      %dma_wait3A_899 = tpu.memref_slice %arg14[%dma_wait3A_890] : memref<8x!tpu.dma_semaphore, #tpu.memory_space<semaphore_mem>> -> memref<1x!tpu.dma_semaphore, #tpu.memory_space<semaphore_mem>>
      %dma_wait3A_900 = tpu.memref_squeeze %dma_wait3A_899 : memref<1x!tpu.dma_semaphore, #tpu.memory_space<semaphore_mem>> -> memref<!tpu.dma_semaphore, #tpu.memory_space<semaphore_mem>>
      tpu.wait_indirect_dma semaphore(%dma_wait3A_900 : memref<!tpu.dma_semaphore, #tpu.memory_space<semaphore_mem>>) src(%dma_wait3A_898 : memref<10000x16xf32, #tpu.memory_space<vmem_shared>>) dst(%dma_wait3A_894 : memref<128x16xf32, #tpu.memory_space<vmem>>)
      %add3A_901 = arith.constant 2 : i32
      %add3A_902 = arith.addi %mul3A_731, %add3A_901 : i32
      %dma_start3A_903 = arith.constant 6 : i32
      %dma_start3A_904 = arith.constant 6 : i32
      %dma_start3A_905 = arith.constant 0 : i32
      %dma_start3A_906 = arith.constant 0 : i32
      %dma_start3A_907 = tpu.memref_slice %arg7[%dma_start3A_903, %dma_start3A_905, %dma_start3A_906] : memref<8x128x16xf32, #tpu.memory_space<vmem>> -> memref<1x128x16xf32, #tpu.memory_space<vmem>>
      %dma_start3A_908 = tpu.memref_squeeze %dma_start3A_907 : memref<1x128x16xf32, #tpu.memory_space<vmem>> -> memref<128x16xf32, #tpu.memory_space<vmem>>
      %dma_start3A_909 = arith.constant 0 : i32
      %dma_start3A_910 = tpu.memref_slice %arg6[%add3A_902, %dma_start3A_909] : memref<80x128xi32, #tpu.memory_space<vmem>> -> memref<1x128xi32, #tpu.memory_space<vmem>>
      %dma_start3A_911 = tpu.memref_squeeze %dma_start3A_910 : memref<1x128xi32, #tpu.memory_space<vmem>> -> memref<128xi32, #tpu.memory_space<vmem>>
      %dma_start3A_912 = arith.constant 0 : i32
      %dma_start3A_913 = arith.constant 0 : i32
      %dma_start3A_914 = tpu.memref_slice %arg9[%dma_start3A_912, %dma_start3A_913] : memref<10240x16xf32, #tpu.memory_space<vmem_shared>> -> memref<10240x16xf32, #tpu.memory_space<vmem_shared>>
      %dma_start3A_915 = tpu.memref_slice %arg15[%dma_start3A_904] : memref<8x!tpu.dma_semaphore, #tpu.memory_space<semaphore_mem>> -> memref<1x!tpu.dma_semaphore, #tpu.memory_space<semaphore_mem>>
      %dma_start3A_916 = tpu.memref_squeeze %dma_start3A_915 : memref<1x!tpu.dma_semaphore, #tpu.memory_space<semaphore_mem>> -> memref<!tpu.dma_semaphore, #tpu.memory_space<semaphore_mem>>
      tpu.enqueue_indirect_dma source(%dma_start3A_908 : memref<128x16xf32, #tpu.memory_space<vmem>>) target(%dma_start3A_914 : memref<10240x16xf32, #tpu.memory_space<vmem_shared>>) offsets(%dma_start3A_911 : memref<128xi32, #tpu.memory_space<vmem>>) semaphore(%dma_start3A_916 : memref<!tpu.dma_semaphore, #tpu.memory_space<semaphore_mem>>) {add = true}
      %add3A_917 = arith.constant 4 : i32
      %add3A_918 = arith.addi %mul3A_731, %add3A_917 : i32
      %add3A_919 = arith.constant 2 : i32
      %add3A_920 = arith.addi %add3A_918, %add3A_919 : i32
      %mul3A_921 = arith.constant 128 : i32
      %mul3A_922 = arith.muli %add3A_920, %mul3A_921 : i32
      %dma_start3A_923 = arith.constant 2 : i32
      %dma_start3A_924 = arith.constant 2 : i32
      %dma_start3A_925 = arith.constant 0 : i32
      %dma_start3A_926 = arith.constant 0 : i32
      %dma_start3A_927 = tpu.memref_slice %arg7[%dma_start3A_923, %dma_start3A_925, %dma_start3A_926] : memref<8x128x16xf32, #tpu.memory_space<vmem>> -> memref<1x128x16xf32, #tpu.memory_space<vmem>>
      %dma_start3A_928 = tpu.memref_squeeze %dma_start3A_927 : memref<1x128x16xf32, #tpu.memory_space<vmem>> -> memref<128x16xf32, #tpu.memory_space<vmem>>
      %dma_start3A_929 = tpu.memref_slice %arg5[%mul3A_922] : memref<10240xi32, #tpu.memory_space<vmem>> -> memref<128xi32, #tpu.memory_space<vmem>>
      %dma_start3A_930 = arith.constant 0 : i32
      %dma_start3A_931 = arith.constant 0 : i32
      %dma_start3A_932 = tpu.memref_slice %arg10[%dma_start3A_930, %dma_start3A_931] : memref<10000x16xf32, #tpu.memory_space<vmem_shared>> -> memref<10000x16xf32, #tpu.memory_space<vmem_shared>>
      %dma_start3A_933 = tpu.memref_slice %arg14[%dma_start3A_924] : memref<8x!tpu.dma_semaphore, #tpu.memory_space<semaphore_mem>> -> memref<1x!tpu.dma_semaphore, #tpu.memory_space<semaphore_mem>>
      %dma_start3A_934 = tpu.memref_squeeze %dma_start3A_933 : memref<1x!tpu.dma_semaphore, #tpu.memory_space<semaphore_mem>> -> memref<!tpu.dma_semaphore, #tpu.memory_space<semaphore_mem>>
      tpu.enqueue_indirect_dma source(%dma_start3A_932 : memref<10000x16xf32, #tpu.memory_space<vmem_shared>>) target(%dma_start3A_928 : memref<128x16xf32, #tpu.memory_space<vmem>>) offsets(%dma_start3A_929 : memref<128xi32, #tpu.memory_space<vmem>>) semaphore(%dma_start3A_934 : memref<!tpu.dma_semaphore, #tpu.memory_space<semaphore_mem>>)
      %sub3A_935 = arith.constant 4 : i32
      %sub3A_936 = arith.subi %mul3A_731, %sub3A_935 : i32
      %add3A_937 = arith.constant 3 : i32
      %add3A_938 = arith.addi %sub3A_936, %add3A_937 : i32
      %dma_wait3A_939 = arith.constant 3 : i32
      %dma_wait3A_940 = arith.constant 3 : i32
      %dma_wait3A_941 = arith.constant 0 : i32
      %dma_wait3A_942 = arith.constant 0 : i32
      %dma_wait3A_943 = tpu.memref_slice %arg7[%dma_wait3A_939, %dma_wait3A_941, %dma_wait3A_942] : memref<8x128x16xf32, #tpu.memory_space<vmem>> -> memref<1x128x16xf32, #tpu.memory_space<vmem>>
      %dma_wait3A_944 = tpu.memref_squeeze %dma_wait3A_943 : memref<1x128x16xf32, #tpu.memory_space<vmem>> -> memref<128x16xf32, #tpu.memory_space<vmem>>
      %dma_wait3A_945 = arith.constant 0 : i32
      %dma_wait3A_946 = tpu.memref_slice %arg6[%add3A_938, %dma_wait3A_945] : memref<80x128xi32, #tpu.memory_space<vmem>> -> memref<1x128xi32, #tpu.memory_space<vmem>>
      %dma_wait3A_947 = tpu.memref_squeeze %dma_wait3A_946 : memref<1x128xi32, #tpu.memory_space<vmem>> -> memref<128xi32, #tpu.memory_space<vmem>>
      %dma_wait3A_948 = arith.constant 0 : i32
      %dma_wait3A_949 = arith.constant 0 : i32
      %dma_wait3A_950 = tpu.memref_slice %arg9[%dma_wait3A_948, %dma_wait3A_949] : memref<10240x16xf32, #tpu.memory_space<vmem_shared>> -> memref<10240x16xf32, #tpu.memory_space<vmem_shared>>
      %dma_wait3A_951 = tpu.memref_slice %arg15[%dma_wait3A_940] : memref<8x!tpu.dma_semaphore, #tpu.memory_space<semaphore_mem>> -> memref<1x!tpu.dma_semaphore, #tpu.memory_space<semaphore_mem>>
      %dma_wait3A_952 = tpu.memref_squeeze %dma_wait3A_951 : memref<1x!tpu.dma_semaphore, #tpu.memory_space<semaphore_mem>> -> memref<!tpu.dma_semaphore, #tpu.memory_space<semaphore_mem>>
      tpu.wait_indirect_dma semaphore(%dma_wait3A_952 : memref<!tpu.dma_semaphore, #tpu.memory_space<semaphore_mem>>) src(%dma_wait3A_944 : memref<128x16xf32, #tpu.memory_space<vmem>>) dst(%dma_wait3A_950 : memref<10240x16xf32, #tpu.memory_space<vmem_shared>>)
      %add3A_953 = arith.constant 3 : i32
      %add3A_954 = arith.addi %mul3A_731, %add3A_953 : i32
      %mul3A_955 = arith.constant 128 : i32
      %mul3A_956 = arith.muli %add3A_954, %mul3A_955 : i32
      %dma_wait3A_957 = arith.constant 7 : i32
      %dma_wait3A_958 = arith.constant 7 : i32
      %dma_wait3A_959 = arith.constant 0 : i32
      %dma_wait3A_960 = arith.constant 0 : i32
      %dma_wait3A_961 = tpu.memref_slice %arg7[%dma_wait3A_957, %dma_wait3A_959, %dma_wait3A_960] : memref<8x128x16xf32, #tpu.memory_space<vmem>> -> memref<1x128x16xf32, #tpu.memory_space<vmem>>
      %dma_wait3A_962 = tpu.memref_squeeze %dma_wait3A_961 : memref<1x128x16xf32, #tpu.memory_space<vmem>> -> memref<128x16xf32, #tpu.memory_space<vmem>>
      %dma_wait3A_963 = tpu.memref_slice %arg5[%mul3A_956] : memref<10240xi32, #tpu.memory_space<vmem>> -> memref<128xi32, #tpu.memory_space<vmem>>
      %dma_wait3A_964 = arith.constant 0 : i32
      %dma_wait3A_965 = arith.constant 0 : i32
      %dma_wait3A_966 = tpu.memref_slice %arg10[%dma_wait3A_964, %dma_wait3A_965] : memref<10000x16xf32, #tpu.memory_space<vmem_shared>> -> memref<10000x16xf32, #tpu.memory_space<vmem_shared>>
      %dma_wait3A_967 = tpu.memref_slice %arg14[%dma_wait3A_958] : memref<8x!tpu.dma_semaphore, #tpu.memory_space<semaphore_mem>> -> memref<1x!tpu.dma_semaphore, #tpu.memory_space<semaphore_mem>>
      %dma_wait3A_968 = tpu.memref_squeeze %dma_wait3A_967 : memref<1x!tpu.dma_semaphore, #tpu.memory_space<semaphore_mem>> -> memref<!tpu.dma_semaphore, #tpu.memory_space<semaphore_mem>>
      tpu.wait_indirect_dma semaphore(%dma_wait3A_968 : memref<!tpu.dma_semaphore, #tpu.memory_space<semaphore_mem>>) src(%dma_wait3A_966 : memref<10000x16xf32, #tpu.memory_space<vmem_shared>>) dst(%dma_wait3A_962 : memref<128x16xf32, #tpu.memory_space<vmem>>)
      %add3A_969 = arith.constant 3 : i32
      %add3A_970 = arith.addi %mul3A_731, %add3A_969 : i32
      %dma_start3A_971 = arith.constant 7 : i32
      %dma_start3A_972 = arith.constant 7 : i32
      %dma_start3A_973 = arith.constant 0 : i32
      %dma_start3A_974 = arith.constant 0 : i32
      %dma_start3A_975 = tpu.memref_slice %arg7[%dma_start3A_971, %dma_start3A_973, %dma_start3A_974] : memref<8x128x16xf32, #tpu.memory_space<vmem>> -> memref<1x128x16xf32, #tpu.memory_space<vmem>>
      %dma_start3A_976 = tpu.memref_squeeze %dma_start3A_975 : memref<1x128x16xf32, #tpu.memory_space<vmem>> -> memref<128x16xf32, #tpu.memory_space<vmem>>
      %dma_start3A_977 = arith.constant 0 : i32
      %dma_start3A_978 = tpu.memref_slice %arg6[%add3A_970, %dma_start3A_977] : memref<80x128xi32, #tpu.memory_space<vmem>> -> memref<1x128xi32, #tpu.memory_space<vmem>>
      %dma_start3A_979 = tpu.memref_squeeze %dma_start3A_978 : memref<1x128xi32, #tpu.memory_space<vmem>> -> memref<128xi32, #tpu.memory_space<vmem>>
      %dma_start3A_980 = arith.constant 0 : i32
      %dma_start3A_981 = arith.constant 0 : i32
      %dma_start3A_982 = tpu.memref_slice %arg9[%dma_start3A_980, %dma_start3A_981] : memref<10240x16xf32, #tpu.memory_space<vmem_shared>> -> memref<10240x16xf32, #tpu.memory_space<vmem_shared>>
      %dma_start3A_983 = tpu.memref_slice %arg15[%dma_start3A_972] : memref<8x!tpu.dma_semaphore, #tpu.memory_space<semaphore_mem>> -> memref<1x!tpu.dma_semaphore, #tpu.memory_space<semaphore_mem>>
      %dma_start3A_984 = tpu.memref_squeeze %dma_start3A_983 : memref<1x!tpu.dma_semaphore, #tpu.memory_space<semaphore_mem>> -> memref<!tpu.dma_semaphore, #tpu.memory_space<semaphore_mem>>
      tpu.enqueue_indirect_dma source(%dma_start3A_976 : memref<128x16xf32, #tpu.memory_space<vmem>>) target(%dma_start3A_982 : memref<10240x16xf32, #tpu.memory_space<vmem_shared>>) offsets(%dma_start3A_979 : memref<128xi32, #tpu.memory_space<vmem>>) semaphore(%dma_start3A_984 : memref<!tpu.dma_semaphore, #tpu.memory_space<semaphore_mem>>) {add = true}
      %add3A_985 = arith.constant 4 : i32
      %add3A_986 = arith.addi %mul3A_731, %add3A_985 : i32
      %add3A_987 = arith.constant 3 : i32
      %add3A_988 = arith.addi %add3A_986, %add3A_987 : i32
      %mul3A_989 = arith.constant 128 : i32
      %mul3A_990 = arith.muli %add3A_988, %mul3A_989 : i32
      %dma_start3A_991 = arith.constant 3 : i32
      %dma_start3A_992 = arith.constant 3 : i32
      %dma_start3A_993 = arith.constant 0 : i32
      %dma_start3A_994 = arith.constant 0 : i32
      %dma_start3A_995 = tpu.memref_slice %arg7[%dma_start3A_991, %dma_start3A_993, %dma_start3A_994] : memref<8x128x16xf32, #tpu.memory_space<vmem>> -> memref<1x128x16xf32, #tpu.memory_space<vmem>>
      %dma_start3A_996 = tpu.memref_squeeze %dma_start3A_995 : memref<1x128x16xf32, #tpu.memory_space<vmem>> -> memref<128x16xf32, #tpu.memory_space<vmem>>
      %dma_start3A_997 = tpu.memref_slice %arg5[%mul3A_990] : memref<10240xi32, #tpu.memory_space<vmem>> -> memref<128xi32, #tpu.memory_space<vmem>>
      %dma_start3A_998 = arith.constant 0 : i32
      %dma_start3A_999 = arith.constant 0 : i32
      %dma_start3A_1000 = tpu.memref_slice %arg10[%dma_start3A_998, %dma_start3A_999] : memref<10000x16xf32, #tpu.memory_space<vmem_shared>> -> memref<10000x16xf32, #tpu.memory_space<vmem_shared>>
      %dma_start3A_1001 = tpu.memref_slice %arg14[%dma_start3A_992] : memref<8x!tpu.dma_semaphore, #tpu.memory_space<semaphore_mem>> -> memref<1x!tpu.dma_semaphore, #tpu.memory_space<semaphore_mem>>
      %dma_start3A_1002 = tpu.memref_squeeze %dma_start3A_1001 : memref<1x!tpu.dma_semaphore, #tpu.memory_space<semaphore_mem>> -> memref<!tpu.dma_semaphore, #tpu.memory_space<semaphore_mem>>
      tpu.enqueue_indirect_dma source(%dma_start3A_1000 : memref<10000x16xf32, #tpu.memory_space<vmem_shared>>) target(%dma_start3A_996 : memref<128x16xf32, #tpu.memory_space<vmem>>) offsets(%dma_start3A_997 : memref<128xi32, #tpu.memory_space<vmem>>) semaphore(%dma_start3A_1002 : memref<!tpu.dma_semaphore, #tpu.memory_space<semaphore_mem>>)
      %mul3A_1003 = arith.constant 2 : i32
      %mul3A_1004 = arith.muli %mul3A_1003, %add3A_723 : i32
      %add3A_1005 = arith.constant 1 : i32
      %add3A_1006 = arith.addi %mul3A_1004, %add3A_1005 : i32
      %add3A_1007 = arith.constant 1 : i32
      %add3A_1008 = arith.addi %add3A_1006, %add3A_1007 : i32
      %mul3A_1009 = arith.constant 4 : i32
      %mul3A_1010 = arith.muli %add3A_1008, %mul3A_1009 : i32
      %sub3A_1011 = arith.constant 4 : i32
      %sub3A_1012 = arith.subi %mul3A_1010, %sub3A_1011 : i32
      %add3A_1013 = arith.constant 0 : i32
      %add3A_1014 = arith.addi %sub3A_1012, %add3A_1013 : i32
      %dma_wait3A_1015 = arith.constant 4 : i32
      %dma_wait3A_1016 = arith.constant 4 : i32
      %dma_wait3A_1017 = arith.constant 0 : i32
      %dma_wait3A_1018 = arith.constant 0 : i32
      %dma_wait3A_1019 = tpu.memref_slice %arg7[%dma_wait3A_1015, %dma_wait3A_1017, %dma_wait3A_1018] : memref<8x128x16xf32, #tpu.memory_space<vmem>> -> memref<1x128x16xf32, #tpu.memory_space<vmem>>
      %dma_wait3A_1020 = tpu.memref_squeeze %dma_wait3A_1019 : memref<1x128x16xf32, #tpu.memory_space<vmem>> -> memref<128x16xf32, #tpu.memory_space<vmem>>
      %dma_wait3A_1021 = arith.constant 0 : i32
      %dma_wait3A_1022 = tpu.memref_slice %arg6[%add3A_1014, %dma_wait3A_1021] : memref<80x128xi32, #tpu.memory_space<vmem>> -> memref<1x128xi32, #tpu.memory_space<vmem>>
      %dma_wait3A_1023 = tpu.memref_squeeze %dma_wait3A_1022 : memref<1x128xi32, #tpu.memory_space<vmem>> -> memref<128xi32, #tpu.memory_space<vmem>>
      %dma_wait3A_1024 = arith.constant 0 : i32
      %dma_wait3A_1025 = arith.constant 0 : i32
      %dma_wait3A_1026 = tpu.memref_slice %arg9[%dma_wait3A_1024, %dma_wait3A_1025] : memref<10240x16xf32, #tpu.memory_space<vmem_shared>> -> memref<10240x16xf32, #tpu.memory_space<vmem_shared>>
      %dma_wait3A_1027 = tpu.memref_slice %arg15[%dma_wait3A_1016] : memref<8x!tpu.dma_semaphore, #tpu.memory_space<semaphore_mem>> -> memref<1x!tpu.dma_semaphore, #tpu.memory_space<semaphore_mem>>
      %dma_wait3A_1028 = tpu.memref_squeeze %dma_wait3A_1027 : memref<1x!tpu.dma_semaphore, #tpu.memory_space<semaphore_mem>> -> memref<!tpu.dma_semaphore, #tpu.memory_space<semaphore_mem>>
      tpu.wait_indirect_dma semaphore(%dma_wait3A_1028 : memref<!tpu.dma_semaphore, #tpu.memory_space<semaphore_mem>>) src(%dma_wait3A_1020 : memref<128x16xf32, #tpu.memory_space<vmem>>) dst(%dma_wait3A_1026 : memref<10240x16xf32, #tpu.memory_space<vmem_shared>>)
      %add3A_1029 = arith.constant 0 : i32
      %add3A_1030 = arith.addi %mul3A_1010, %add3A_1029 : i32
      %mul3A_1031 = arith.constant 128 : i32
      %mul3A_1032 = arith.muli %add3A_1030, %mul3A_1031 : i32
      %dma_wait3A_1033 = arith.constant 0 : i32
      %dma_wait3A_1034 = arith.constant 0 : i32
      %dma_wait3A_1035 = arith.constant 0 : i32
      %dma_wait3A_1036 = arith.constant 0 : i32
      %dma_wait3A_1037 = tpu.memref_slice %arg7[%dma_wait3A_1033, %dma_wait3A_1035, %dma_wait3A_1036] : memref<8x128x16xf32, #tpu.memory_space<vmem>> -> memref<1x128x16xf32, #tpu.memory_space<vmem>>
      %dma_wait3A_1038 = tpu.memref_squeeze %dma_wait3A_1037 : memref<1x128x16xf32, #tpu.memory_space<vmem>> -> memref<128x16xf32, #tpu.memory_space<vmem>>
      %dma_wait3A_1039 = tpu.memref_slice %arg5[%mul3A_1032] : memref<10240xi32, #tpu.memory_space<vmem>> -> memref<128xi32, #tpu.memory_space<vmem>>
      %dma_wait3A_1040 = arith.constant 0 : i32
      %dma_wait3A_1041 = arith.constant 0 : i32
      %dma_wait3A_1042 = tpu.memref_slice %arg10[%dma_wait3A_1040, %dma_wait3A_1041] : memref<10000x16xf32, #tpu.memory_space<vmem_shared>> -> memref<10000x16xf32, #tpu.memory_space<vmem_shared>>
      %dma_wait3A_1043 = tpu.memref_slice %arg14[%dma_wait3A_1034] : memref<8x!tpu.dma_semaphore, #tpu.memory_space<semaphore_mem>> -> memref<1x!tpu.dma_semaphore, #tpu.memory_space<semaphore_mem>>
      %dma_wait3A_1044 = tpu.memref_squeeze %dma_wait3A_1043 : memref<1x!tpu.dma_semaphore, #tpu.memory_space<semaphore_mem>> -> memref<!tpu.dma_semaphore, #tpu.memory_space<semaphore_mem>>
      tpu.wait_indirect_dma semaphore(%dma_wait3A_1044 : memref<!tpu.dma_semaphore, #tpu.memory_space<semaphore_mem>>) src(%dma_wait3A_1042 : memref<10000x16xf32, #tpu.memory_space<vmem_shared>>) dst(%dma_wait3A_1038 : memref<128x16xf32, #tpu.memory_space<vmem>>)
      %add3A_1045 = arith.constant 0 : i32
      %add3A_1046 = arith.addi %mul3A_1010, %add3A_1045 : i32
      %dma_start3A_1047 = arith.constant 0 : i32
      %dma_start3A_1048 = arith.constant 0 : i32
      %dma_start3A_1049 = arith.constant 0 : i32
      %dma_start3A_1050 = arith.constant 0 : i32
      %dma_start3A_1051 = tpu.memref_slice %arg7[%dma_start3A_1047, %dma_start3A_1049, %dma_start3A_1050] : memref<8x128x16xf32, #tpu.memory_space<vmem>> -> memref<1x128x16xf32, #tpu.memory_space<vmem>>
      %dma_start3A_1052 = tpu.memref_squeeze %dma_start3A_1051 : memref<1x128x16xf32, #tpu.memory_space<vmem>> -> memref<128x16xf32, #tpu.memory_space<vmem>>
      %dma_start3A_1053 = arith.constant 0 : i32
      %dma_start3A_1054 = tpu.memref_slice %arg6[%add3A_1046, %dma_start3A_1053] : memref<80x128xi32, #tpu.memory_space<vmem>> -> memref<1x128xi32, #tpu.memory_space<vmem>>
      %dma_start3A_1055 = tpu.memref_squeeze %dma_start3A_1054 : memref<1x128xi32, #tpu.memory_space<vmem>> -> memref<128xi32, #tpu.memory_space<vmem>>
      %dma_start3A_1056 = arith.constant 0 : i32
      %dma_start3A_1057 = arith.constant 0 : i32
      %dma_start3A_1058 = tpu.memref_slice %arg9[%dma_start3A_1056, %dma_start3A_1057] : memref<10240x16xf32, #tpu.memory_space<vmem_shared>> -> memref<10240x16xf32, #tpu.memory_space<vmem_shared>>
      %dma_start3A_1059 = tpu.memref_slice %arg15[%dma_start3A_1048] : memref<8x!tpu.dma_semaphore, #tpu.memory_space<semaphore_mem>> -> memref<1x!tpu.dma_semaphore, #tpu.memory_space<semaphore_mem>>
      %dma_start3A_1060 = tpu.memref_squeeze %dma_start3A_1059 : memref<1x!tpu.dma_semaphore, #tpu.memory_space<semaphore_mem>> -> memref<!tpu.dma_semaphore, #tpu.memory_space<semaphore_mem>>
      tpu.enqueue_indirect_dma source(%dma_start3A_1052 : memref<128x16xf32, #tpu.memory_space<vmem>>) target(%dma_start3A_1058 : memref<10240x16xf32, #tpu.memory_space<vmem_shared>>) offsets(%dma_start3A_1055 : memref<128xi32, #tpu.memory_space<vmem>>) semaphore(%dma_start3A_1060 : memref<!tpu.dma_semaphore, #tpu.memory_space<semaphore_mem>>) {add = true}
      %add3A_1061 = arith.constant 4 : i32
      %add3A_1062 = arith.addi %mul3A_1010, %add3A_1061 : i32
      %add3A_1063 = arith.constant 0 : i32
      %add3A_1064 = arith.addi %add3A_1062, %add3A_1063 : i32
      %mul3A_1065 = arith.constant 128 : i32
      %mul3A_1066 = arith.muli %add3A_1064, %mul3A_1065 : i32
      %dma_start3A_1067 = arith.constant 4 : i32
      %dma_start3A_1068 = arith.constant 4 : i32
      %dma_start3A_1069 = arith.constant 0 : i32
      %dma_start3A_1070 = arith.constant 0 : i32
      %dma_start3A_1071 = tpu.memref_slice %arg7[%dma_start3A_1067, %dma_start3A_1069, %dma_start3A_1070] : memref<8x128x16xf32, #tpu.memory_space<vmem>> -> memref<1x128x16xf32, #tpu.memory_space<vmem>>
      %dma_start3A_1072 = tpu.memref_squeeze %dma_start3A_1071 : memref<1x128x16xf32, #tpu.memory_space<vmem>> -> memref<128x16xf32, #tpu.memory_space<vmem>>
      %dma_start3A_1073 = tpu.memref_slice %arg5[%mul3A_1066] : memref<10240xi32, #tpu.memory_space<vmem>> -> memref<128xi32, #tpu.memory_space<vmem>>
      %dma_start3A_1074 = arith.constant 0 : i32
      %dma_start3A_1075 = arith.constant 0 : i32
      %dma_start3A_1076 = tpu.memref_slice %arg10[%dma_start3A_1074, %dma_start3A_1075] : memref<10000x16xf32, #tpu.memory_space<vmem_shared>> -> memref<10000x16xf32, #tpu.memory_space<vmem_shared>>
      %dma_start3A_1077 = tpu.memref_slice %arg14[%dma_start3A_1068] : memref<8x!tpu.dma_semaphore, #tpu.memory_space<semaphore_mem>> -> memref<1x!tpu.dma_semaphore, #tpu.memory_space<semaphore_mem>>
      %dma_start3A_1078 = tpu.memref_squeeze %dma_start3A_1077 : memref<1x!tpu.dma_semaphore, #tpu.memory_space<semaphore_mem>> -> memref<!tpu.dma_semaphore, #tpu.memory_space<semaphore_mem>>
      tpu.enqueue_indirect_dma source(%dma_start3A_1076 : memref<10000x16xf32, #tpu.memory_space<vmem_shared>>) target(%dma_start3A_1072 : memref<128x16xf32, #tpu.memory_space<vmem>>) offsets(%dma_start3A_1073 : memref<128xi32, #tpu.memory_space<vmem>>) semaphore(%dma_start3A_1078 : memref<!tpu.dma_semaphore, #tpu.memory_space<semaphore_mem>>)
      %sub3A_1079 = arith.constant 4 : i32
      %sub3A_1080 = arith.subi %mul3A_1010, %sub3A_1079 : i32
      %add3A_1081 = arith.constant 1 : i32
      %add3A_1082 = arith.addi %sub3A_1080, %add3A_1081 : i32
      %dma_wait3A_1083 = arith.constant 5 : i32
      %dma_wait3A_1084 = arith.constant 5 : i32
      %dma_wait3A_1085 = arith.constant 0 : i32
      %dma_wait3A_1086 = arith.constant 0 : i32
      %dma_wait3A_1087 = tpu.memref_slice %arg7[%dma_wait3A_1083, %dma_wait3A_1085, %dma_wait3A_1086] : memref<8x128x16xf32, #tpu.memory_space<vmem>> -> memref<1x128x16xf32, #tpu.memory_space<vmem>>
      %dma_wait3A_1088 = tpu.memref_squeeze %dma_wait3A_1087 : memref<1x128x16xf32, #tpu.memory_space<vmem>> -> memref<128x16xf32, #tpu.memory_space<vmem>>
      %dma_wait3A_1089 = arith.constant 0 : i32
      %dma_wait3A_1090 = tpu.memref_slice %arg6[%add3A_1082, %dma_wait3A_1089] : memref<80x128xi32, #tpu.memory_space<vmem>> -> memref<1x128xi32, #tpu.memory_space<vmem>>
      %dma_wait3A_1091 = tpu.memref_squeeze %dma_wait3A_1090 : memref<1x128xi32, #tpu.memory_space<vmem>> -> memref<128xi32, #tpu.memory_space<vmem>>
      %dma_wait3A_1092 = arith.constant 0 : i32
      %dma_wait3A_1093 = arith.constant 0 : i32
      %dma_wait3A_1094 = tpu.memref_slice %arg9[%dma_wait3A_1092, %dma_wait3A_1093] : memref<10240x16xf32, #tpu.memory_space<vmem_shared>> -> memref<10240x16xf32, #tpu.memory_space<vmem_shared>>
      %dma_wait3A_1095 = tpu.memref_slice %arg15[%dma_wait3A_1084] : memref<8x!tpu.dma_semaphore, #tpu.memory_space<semaphore_mem>> -> memref<1x!tpu.dma_semaphore, #tpu.memory_space<semaphore_mem>>
      %dma_wait3A_1096 = tpu.memref_squeeze %dma_wait3A_1095 : memref<1x!tpu.dma_semaphore, #tpu.memory_space<semaphore_mem>> -> memref<!tpu.dma_semaphore, #tpu.memory_space<semaphore_mem>>
      tpu.wait_indirect_dma semaphore(%dma_wait3A_1096 : memref<!tpu.dma_semaphore, #tpu.memory_space<semaphore_mem>>) src(%dma_wait3A_1088 : memref<128x16xf32, #tpu.memory_space<vmem>>) dst(%dma_wait3A_1094 : memref<10240x16xf32, #tpu.memory_space<vmem_shared>>)
      %add3A_1097 = arith.constant 1 : i32
      %add3A_1098 = arith.addi %mul3A_1010, %add3A_1097 : i32
      %mul3A_1099 = arith.constant 128 : i32
      %mul3A_1100 = arith.muli %add3A_1098, %mul3A_1099 : i32
      %dma_wait3A_1101 = arith.constant 1 : i32
      %dma_wait3A_1102 = arith.constant 1 : i32
      %dma_wait3A_1103 = arith.constant 0 : i32
      %dma_wait3A_1104 = arith.constant 0 : i32
      %dma_wait3A_1105 = tpu.memref_slice %arg7[%dma_wait3A_1101, %dma_wait3A_1103, %dma_wait3A_1104] : memref<8x128x16xf32, #tpu.memory_space<vmem>> -> memref<1x128x16xf32, #tpu.memory_space<vmem>>
      %dma_wait3A_1106 = tpu.memref_squeeze %dma_wait3A_1105 : memref<1x128x16xf32, #tpu.memory_space<vmem>> -> memref<128x16xf32, #tpu.memory_space<vmem>>
      %dma_wait3A_1107 = tpu.memref_slice %arg5[%mul3A_1100] : memref<10240xi32, #tpu.memory_space<vmem>> -> memref<128xi32, #tpu.memory_space<vmem>>
      %dma_wait3A_1108 = arith.constant 0 : i32
      %dma_wait3A_1109 = arith.constant 0 : i32
      %dma_wait3A_1110 = tpu.memref_slice %arg10[%dma_wait3A_1108, %dma_wait3A_1109] : memref<10000x16xf32, #tpu.memory_space<vmem_shared>> -> memref<10000x16xf32, #tpu.memory_space<vmem_shared>>
      %dma_wait3A_1111 = tpu.memref_slice %arg14[%dma_wait3A_1102] : memref<8x!tpu.dma_semaphore, #tpu.memory_space<semaphore_mem>> -> memref<1x!tpu.dma_semaphore, #tpu.memory_space<semaphore_mem>>
      %dma_wait3A_1112 = tpu.memref_squeeze %dma_wait3A_1111 : memref<1x!tpu.dma_semaphore, #tpu.memory_space<semaphore_mem>> -> memref<!tpu.dma_semaphore, #tpu.memory_space<semaphore_mem>>
      tpu.wait_indirect_dma semaphore(%dma_wait3A_1112 : memref<!tpu.dma_semaphore, #tpu.memory_space<semaphore_mem>>) src(%dma_wait3A_1110 : memref<10000x16xf32, #tpu.memory_space<vmem_shared>>) dst(%dma_wait3A_1106 : memref<128x16xf32, #tpu.memory_space<vmem>>)
      %add3A_1113 = arith.constant 1 : i32
      %add3A_1114 = arith.addi %mul3A_1010, %add3A_1113 : i32
      %dma_start3A_1115 = arith.constant 1 : i32
      %dma_start3A_1116 = arith.constant 1 : i32
      %dma_start3A_1117 = arith.constant 0 : i32
      %dma_start3A_1118 = arith.constant 0 : i32
      %dma_start3A_1119 = tpu.memref_slice %arg7[%dma_start3A_1115, %dma_start3A_1117, %dma_start3A_1118] : memref<8x128x16xf32, #tpu.memory_space<vmem>> -> memref<1x128x16xf32, #tpu.memory_space<vmem>>
      %dma_start3A_1120 = tpu.memref_squeeze %dma_start3A_1119 : memref<1x128x16xf32, #tpu.memory_space<vmem>> -> memref<128x16xf32, #tpu.memory_space<vmem>>
      %dma_start3A_1121 = arith.constant 0 : i32
      %dma_start3A_1122 = tpu.memref_slice %arg6[%add3A_1114, %dma_start3A_1121] : memref<80x128xi32, #tpu.memory_space<vmem>> -> memref<1x128xi32, #tpu.memory_space<vmem>>
      %dma_start3A_1123 = tpu.memref_squeeze %dma_start3A_1122 : memref<1x128xi32, #tpu.memory_space<vmem>> -> memref<128xi32, #tpu.memory_space<vmem>>
      %dma_start3A_1124 = arith.constant 0 : i32
      %dma_start3A_1125 = arith.constant 0 : i32
      %dma_start3A_1126 = tpu.memref_slice %arg9[%dma_start3A_1124, %dma_start3A_1125] : memref<10240x16xf32, #tpu.memory_space<vmem_shared>> -> memref<10240x16xf32, #tpu.memory_space<vmem_shared>>
      %dma_start3A_1127 = tpu.memref_slice %arg15[%dma_start3A_1116] : memref<8x!tpu.dma_semaphore, #tpu.memory_space<semaphore_mem>> -> memref<1x!tpu.dma_semaphore, #tpu.memory_space<semaphore_mem>>
      %dma_start3A_1128 = tpu.memref_squeeze %dma_start3A_1127 : memref<1x!tpu.dma_semaphore, #tpu.memory_space<semaphore_mem>> -> memref<!tpu.dma_semaphore, #tpu.memory_space<semaphore_mem>>
      tpu.enqueue_indirect_dma source(%dma_start3A_1120 : memref<128x16xf32, #tpu.memory_space<vmem>>) target(%dma_start3A_1126 : memref<10240x16xf32, #tpu.memory_space<vmem_shared>>) offsets(%dma_start3A_1123 : memref<128xi32, #tpu.memory_space<vmem>>) semaphore(%dma_start3A_1128 : memref<!tpu.dma_semaphore, #tpu.memory_space<semaphore_mem>>) {add = true}
      %add3A_1129 = arith.constant 4 : i32
      %add3A_1130 = arith.addi %mul3A_1010, %add3A_1129 : i32
      %add3A_1131 = arith.constant 1 : i32
      %add3A_1132 = arith.addi %add3A_1130, %add3A_1131 : i32
      %mul3A_1133 = arith.constant 128 : i32
      %mul3A_1134 = arith.muli %add3A_1132, %mul3A_1133 : i32
      %dma_start3A_1135 = arith.constant 5 : i32
      %dma_start3A_1136 = arith.constant 5 : i32
      %dma_start3A_1137 = arith.constant 0 : i32
      %dma_start3A_1138 = arith.constant 0 : i32
      %dma_start3A_1139 = tpu.memref_slice %arg7[%dma_start3A_1135, %dma_start3A_1137, %dma_start3A_1138] : memref<8x128x16xf32, #tpu.memory_space<vmem>> -> memref<1x128x16xf32, #tpu.memory_space<vmem>>
      %dma_start3A_1140 = tpu.memref_squeeze %dma_start3A_1139 : memref<1x128x16xf32, #tpu.memory_space<vmem>> -> memref<128x16xf32, #tpu.memory_space<vmem>>
      %dma_start3A_1141 = tpu.memref_slice %arg5[%mul3A_1134] : memref<10240xi32, #tpu.memory_space<vmem>> -> memref<128xi32, #tpu.memory_space<vmem>>
      %dma_start3A_1142 = arith.constant 0 : i32
      %dma_start3A_1143 = arith.constant 0 : i32
      %dma_start3A_1144 = tpu.memref_slice %arg10[%dma_start3A_1142, %dma_start3A_1143] : memref<10000x16xf32, #tpu.memory_space<vmem_shared>> -> memref<10000x16xf32, #tpu.memory_space<vmem_shared>>
      %dma_start3A_1145 = tpu.memref_slice %arg14[%dma_start3A_1136] : memref<8x!tpu.dma_semaphore, #tpu.memory_space<semaphore_mem>> -> memref<1x!tpu.dma_semaphore, #tpu.memory_space<semaphore_mem>>
      %dma_start3A_1146 = tpu.memref_squeeze %dma_start3A_1145 : memref<1x!tpu.dma_semaphore, #tpu.memory_space<semaphore_mem>> -> memref<!tpu.dma_semaphore, #tpu.memory_space<semaphore_mem>>
      tpu.enqueue_indirect_dma source(%dma_start3A_1144 : memref<10000x16xf32, #tpu.memory_space<vmem_shared>>) target(%dma_start3A_1140 : memref<128x16xf32, #tpu.memory_space<vmem>>) offsets(%dma_start3A_1141 : memref<128xi32, #tpu.memory_space<vmem>>) semaphore(%dma_start3A_1146 : memref<!tpu.dma_semaphore, #tpu.memory_space<semaphore_mem>>)
      %sub3A_1147 = arith.constant 4 : i32
      %sub3A_1148 = arith.subi %mul3A_1010, %sub3A_1147 : i32
      %add3A_1149 = arith.constant 2 : i32
      %add3A_1150 = arith.addi %sub3A_1148, %add3A_1149 : i32
      %dma_wait3A_1151 = arith.constant 6 : i32
      %dma_wait3A_1152 = arith.constant 6 : i32
      %dma_wait3A_1153 = arith.constant 0 : i32
      %dma_wait3A_1154 = arith.constant 0 : i32
      %dma_wait3A_1155 = tpu.memref_slice %arg7[%dma_wait3A_1151, %dma_wait3A_1153, %dma_wait3A_1154] : memref<8x128x16xf32, #tpu.memory_space<vmem>> -> memref<1x128x16xf32, #tpu.memory_space<vmem>>
      %dma_wait3A_1156 = tpu.memref_squeeze %dma_wait3A_1155 : memref<1x128x16xf32, #tpu.memory_space<vmem>> -> memref<128x16xf32, #tpu.memory_space<vmem>>
      %dma_wait3A_1157 = arith.constant 0 : i32
      %dma_wait3A_1158 = tpu.memref_slice %arg6[%add3A_1150, %dma_wait3A_1157] : memref<80x128xi32, #tpu.memory_space<vmem>> -> memref<1x128xi32, #tpu.memory_space<vmem>>
      %dma_wait3A_1159 = tpu.memref_squeeze %dma_wait3A_1158 : memref<1x128xi32, #tpu.memory_space<vmem>> -> memref<128xi32, #tpu.memory_space<vmem>>
      %dma_wait3A_1160 = arith.constant 0 : i32
      %dma_wait3A_1161 = arith.constant 0 : i32
      %dma_wait3A_1162 = tpu.memref_slice %arg9[%dma_wait3A_1160, %dma_wait3A_1161] : memref<10240x16xf32, #tpu.memory_space<vmem_shared>> -> memref<10240x16xf32, #tpu.memory_space<vmem_shared>>
      %dma_wait3A_1163 = tpu.memref_slice %arg15[%dma_wait3A_1152] : memref<8x!tpu.dma_semaphore, #tpu.memory_space<semaphore_mem>> -> memref<1x!tpu.dma_semaphore, #tpu.memory_space<semaphore_mem>>
      %dma_wait3A_1164 = tpu.memref_squeeze %dma_wait3A_1163 : memref<1x!tpu.dma_semaphore, #tpu.memory_space<semaphore_mem>> -> memref<!tpu.dma_semaphore, #tpu.memory_space<semaphore_mem>>
      tpu.wait_indirect_dma semaphore(%dma_wait3A_1164 : memref<!tpu.dma_semaphore, #tpu.memory_space<semaphore_mem>>) src(%dma_wait3A_1156 : memref<128x16xf32, #tpu.memory_space<vmem>>) dst(%dma_wait3A_1162 : memref<10240x16xf32, #tpu.memory_space<vmem_shared>>)
      %add3A_1165 = arith.constant 2 : i32
      %add3A_1166 = arith.addi %mul3A_1010, %add3A_1165 : i32
      %mul3A_1167 = arith.constant 128 : i32
      %mul3A_1168 = arith.muli %add3A_1166, %mul3A_1167 : i32
      %dma_wait3A_1169 = arith.constant 2 : i32
      %dma_wait3A_1170 = arith.constant 2 : i32
      %dma_wait3A_1171 = arith.constant 0 : i32
      %dma_wait3A_1172 = arith.constant 0 : i32
      %dma_wait3A_1173 = tpu.memref_slice %arg7[%dma_wait3A_1169, %dma_wait3A_1171, %dma_wait3A_1172] : memref<8x128x16xf32, #tpu.memory_space<vmem>> -> memref<1x128x16xf32, #tpu.memory_space<vmem>>
      %dma_wait3A_1174 = tpu.memref_squeeze %dma_wait3A_1173 : memref<1x128x16xf32, #tpu.memory_space<vmem>> -> memref<128x16xf32, #tpu.memory_space<vmem>>
      %dma_wait3A_1175 = tpu.memref_slice %arg5[%mul3A_1168] : memref<10240xi32, #tpu.memory_space<vmem>> -> memref<128xi32, #tpu.memory_space<vmem>>
      %dma_wait3A_1176 = arith.constant 0 : i32
      %dma_wait3A_1177 = arith.constant 0 : i32
      %dma_wait3A_1178 = tpu.memref_slice %arg10[%dma_wait3A_1176, %dma_wait3A_1177] : memref<10000x16xf32, #tpu.memory_space<vmem_shared>> -> memref<10000x16xf32, #tpu.memory_space<vmem_shared>>
      %dma_wait3A_1179 = tpu.memref_slice %arg14[%dma_wait3A_1170] : memref<8x!tpu.dma_semaphore, #tpu.memory_space<semaphore_mem>> -> memref<1x!tpu.dma_semaphore, #tpu.memory_space<semaphore_mem>>
      %dma_wait3A_1180 = tpu.memref_squeeze %dma_wait3A_1179 : memref<1x!tpu.dma_semaphore, #tpu.memory_space<semaphore_mem>> -> memref<!tpu.dma_semaphore, #tpu.memory_space<semaphore_mem>>
      tpu.wait_indirect_dma semaphore(%dma_wait3A_1180 : memref<!tpu.dma_semaphore, #tpu.memory_space<semaphore_mem>>) src(%dma_wait3A_1178 : memref<10000x16xf32, #tpu.memory_space<vmem_shared>>) dst(%dma_wait3A_1174 : memref<128x16xf32, #tpu.memory_space<vmem>>)
      %add3A_1181 = arith.constant 2 : i32
      %add3A_1182 = arith.addi %mul3A_1010, %add3A_1181 : i32
      %dma_start3A_1183 = arith.constant 2 : i32
      %dma_start3A_1184 = arith.constant 2 : i32
      %dma_start3A_1185 = arith.constant 0 : i32
      %dma_start3A_1186 = arith.constant 0 : i32
      %dma_start3A_1187 = tpu.memref_slice %arg7[%dma_start3A_1183, %dma_start3A_1185, %dma_start3A_1186] : memref<8x128x16xf32, #tpu.memory_space<vmem>> -> memref<1x128x16xf32, #tpu.memory_space<vmem>>
      %dma_start3A_1188 = tpu.memref_squeeze %dma_start3A_1187 : memref<1x128x16xf32, #tpu.memory_space<vmem>> -> memref<128x16xf32, #tpu.memory_space<vmem>>
      %dma_start3A_1189 = arith.constant 0 : i32
      %dma_start3A_1190 = tpu.memref_slice %arg6[%add3A_1182, %dma_start3A_1189] : memref<80x128xi32, #tpu.memory_space<vmem>> -> memref<1x128xi32, #tpu.memory_space<vmem>>
      %dma_start3A_1191 = tpu.memref_squeeze %dma_start3A_1190 : memref<1x128xi32, #tpu.memory_space<vmem>> -> memref<128xi32, #tpu.memory_space<vmem>>
      %dma_start3A_1192 = arith.constant 0 : i32
      %dma_start3A_1193 = arith.constant 0 : i32
      %dma_start3A_1194 = tpu.memref_slice %arg9[%dma_start3A_1192, %dma_start3A_1193] : memref<10240x16xf32, #tpu.memory_space<vmem_shared>> -> memref<10240x16xf32, #tpu.memory_space<vmem_shared>>
      %dma_start3A_1195 = tpu.memref_slice %arg15[%dma_start3A_1184] : memref<8x!tpu.dma_semaphore, #tpu.memory_space<semaphore_mem>> -> memref<1x!tpu.dma_semaphore, #tpu.memory_space<semaphore_mem>>
      %dma_start3A_1196 = tpu.memref_squeeze %dma_start3A_1195 : memref<1x!tpu.dma_semaphore, #tpu.memory_space<semaphore_mem>> -> memref<!tpu.dma_semaphore, #tpu.memory_space<semaphore_mem>>
      tpu.enqueue_indirect_dma source(%dma_start3A_1188 : memref<128x16xf32, #tpu.memory_space<vmem>>) target(%dma_start3A_1194 : memref<10240x16xf32, #tpu.memory_space<vmem_shared>>) offsets(%dma_start3A_1191 : memref<128xi32, #tpu.memory_space<vmem>>) semaphore(%dma_start3A_1196 : memref<!tpu.dma_semaphore, #tpu.memory_space<semaphore_mem>>) {add = true}
      %add3A_1197 = arith.constant 4 : i32
      %add3A_1198 = arith.addi %mul3A_1010, %add3A_1197 : i32
      %add3A_1199 = arith.constant 2 : i32
      %add3A_1200 = arith.addi %add3A_1198, %add3A_1199 : i32
      %mul3A_1201 = arith.constant 128 : i32
      %mul3A_1202 = arith.muli %add3A_1200, %mul3A_1201 : i32
      %dma_start3A_1203 = arith.constant 6 : i32
      %dma_start3A_1204 = arith.constant 6 : i32
      %dma_start3A_1205 = arith.constant 0 : i32
      %dma_start3A_1206 = arith.constant 0 : i32
      %dma_start3A_1207 = tpu.memref_slice %arg7[%dma_start3A_1203, %dma_start3A_1205, %dma_start3A_1206] : memref<8x128x16xf32, #tpu.memory_space<vmem>> -> memref<1x128x16xf32, #tpu.memory_space<vmem>>
      %dma_start3A_1208 = tpu.memref_squeeze %dma_start3A_1207 : memref<1x128x16xf32, #tpu.memory_space<vmem>> -> memref<128x16xf32, #tpu.memory_space<vmem>>
      %dma_start3A_1209 = tpu.memref_slice %arg5[%mul3A_1202] : memref<10240xi32, #tpu.memory_space<vmem>> -> memref<128xi32, #tpu.memory_space<vmem>>
      %dma_start3A_1210 = arith.constant 0 : i32
      %dma_start3A_1211 = arith.constant 0 : i32
      %dma_start3A_1212 = tpu.memref_slice %arg10[%dma_start3A_1210, %dma_start3A_1211] : memref<10000x16xf32, #tpu.memory_space<vmem_shared>> -> memref<10000x16xf32, #tpu.memory_space<vmem_shared>>
      %dma_start3A_1213 = tpu.memref_slice %arg14[%dma_start3A_1204] : memref<8x!tpu.dma_semaphore, #tpu.memory_space<semaphore_mem>> -> memref<1x!tpu.dma_semaphore, #tpu.memory_space<semaphore_mem>>
      %dma_start3A_1214 = tpu.memref_squeeze %dma_start3A_1213 : memref<1x!tpu.dma_semaphore, #tpu.memory_space<semaphore_mem>> -> memref<!tpu.dma_semaphore, #tpu.memory_space<semaphore_mem>>
      tpu.enqueue_indirect_dma source(%dma_start3A_1212 : memref<10000x16xf32, #tpu.memory_space<vmem_shared>>) target(%dma_start3A_1208 : memref<128x16xf32, #tpu.memory_space<vmem>>) offsets(%dma_start3A_1209 : memref<128xi32, #tpu.memory_space<vmem>>) semaphore(%dma_start3A_1214 : memref<!tpu.dma_semaphore, #tpu.memory_space<semaphore_mem>>)
      %sub3A_1215 = arith.constant 4 : i32
      %sub3A_1216 = arith.subi %mul3A_1010, %sub3A_1215 : i32
      %add3A_1217 = arith.constant 3 : i32
      %add3A_1218 = arith.addi %sub3A_1216, %add3A_1217 : i32
      %dma_wait3A_1219 = arith.constant 7 : i32
      %dma_wait3A_1220 = arith.constant 7 : i32
      %dma_wait3A_1221 = arith.constant 0 : i32
      %dma_wait3A_1222 = arith.constant 0 : i32
      %dma_wait3A_1223 = tpu.memref_slice %arg7[%dma_wait3A_1219, %dma_wait3A_1221, %dma_wait3A_1222] : memref<8x128x16xf32, #tpu.memory_space<vmem>> -> memref<1x128x16xf32, #tpu.memory_space<vmem>>
      %dma_wait3A_1224 = tpu.memref_squeeze %dma_wait3A_1223 : memref<1x128x16xf32, #tpu.memory_space<vmem>> -> memref<128x16xf32, #tpu.memory_space<vmem>>
      %dma_wait3A_1225 = arith.constant 0 : i32
      %dma_wait3A_1226 = tpu.memref_slice %arg6[%add3A_1218, %dma_wait3A_1225] : memref<80x128xi32, #tpu.memory_space<vmem>> -> memref<1x128xi32, #tpu.memory_space<vmem>>
      %dma_wait3A_1227 = tpu.memref_squeeze %dma_wait3A_1226 : memref<1x128xi32, #tpu.memory_space<vmem>> -> memref<128xi32, #tpu.memory_space<vmem>>
      %dma_wait3A_1228 = arith.constant 0 : i32
      %dma_wait3A_1229 = arith.constant 0 : i32
      %dma_wait3A_1230 = tpu.memref_slice %arg9[%dma_wait3A_1228, %dma_wait3A_1229] : memref<10240x16xf32, #tpu.memory_space<vmem_shared>> -> memref<10240x16xf32, #tpu.memory_space<vmem_shared>>
      %dma_wait3A_1231 = tpu.memref_slice %arg15[%dma_wait3A_1220] : memref<8x!tpu.dma_semaphore, #tpu.memory_space<semaphore_mem>> -> memref<1x!tpu.dma_semaphore, #tpu.memory_space<semaphore_mem>>
      %dma_wait3A_1232 = tpu.memref_squeeze %dma_wait3A_1231 : memref<1x!tpu.dma_semaphore, #tpu.memory_space<semaphore_mem>> -> memref<!tpu.dma_semaphore, #tpu.memory_space<semaphore_mem>>
      tpu.wait_indirect_dma semaphore(%dma_wait3A_1232 : memref<!tpu.dma_semaphore, #tpu.memory_space<semaphore_mem>>) src(%dma_wait3A_1224 : memref<128x16xf32, #tpu.memory_space<vmem>>) dst(%dma_wait3A_1230 : memref<10240x16xf32, #tpu.memory_space<vmem_shared>>)
      %add3A_1233 = arith.constant 3 : i32
      %add3A_1234 = arith.addi %mul3A_1010, %add3A_1233 : i32
      %mul3A_1235 = arith.constant 128 : i32
      %mul3A_1236 = arith.muli %add3A_1234, %mul3A_1235 : i32
      %dma_wait3A_1237 = arith.constant 3 : i32
      %dma_wait3A_1238 = arith.constant 3 : i32
      %dma_wait3A_1239 = arith.constant 0 : i32
      %dma_wait3A_1240 = arith.constant 0 : i32
      %dma_wait3A_1241 = tpu.memref_slice %arg7[%dma_wait3A_1237, %dma_wait3A_1239, %dma_wait3A_1240] : memref<8x128x16xf32, #tpu.memory_space<vmem>> -> memref<1x128x16xf32, #tpu.memory_space<vmem>>
      %dma_wait3A_1242 = tpu.memref_squeeze %dma_wait3A_1241 : memref<1x128x16xf32, #tpu.memory_space<vmem>> -> memref<128x16xf32, #tpu.memory_space<vmem>>
      %dma_wait3A_1243 = tpu.memref_slice %arg5[%mul3A_1236] : memref<10240xi32, #tpu.memory_space<vmem>> -> memref<128xi32, #tpu.memory_space<vmem>>
      %dma_wait3A_1244 = arith.constant 0 : i32
      %dma_wait3A_1245 = arith.constant 0 : i32
      %dma_wait3A_1246 = tpu.memref_slice %arg10[%dma_wait3A_1244, %dma_wait3A_1245] : memref<10000x16xf32, #tpu.memory_space<vmem_shared>> -> memref<10000x16xf32, #tpu.memory_space<vmem_shared>>
      %dma_wait3A_1247 = tpu.memref_slice %arg14[%dma_wait3A_1238] : memref<8x!tpu.dma_semaphore, #tpu.memory_space<semaphore_mem>> -> memref<1x!tpu.dma_semaphore, #tpu.memory_space<semaphore_mem>>
      %dma_wait3A_1248 = tpu.memref_squeeze %dma_wait3A_1247 : memref<1x!tpu.dma_semaphore, #tpu.memory_space<semaphore_mem>> -> memref<!tpu.dma_semaphore, #tpu.memory_space<semaphore_mem>>
      tpu.wait_indirect_dma semaphore(%dma_wait3A_1248 : memref<!tpu.dma_semaphore, #tpu.memory_space<semaphore_mem>>) src(%dma_wait3A_1246 : memref<10000x16xf32, #tpu.memory_space<vmem_shared>>) dst(%dma_wait3A_1242 : memref<128x16xf32, #tpu.memory_space<vmem>>)
      %add3A_1249 = arith.constant 3 : i32
      %add3A_1250 = arith.addi %mul3A_1010, %add3A_1249 : i32
      %dma_start3A_1251 = arith.constant 3 : i32
      %dma_start3A_1252 = arith.constant 3 : i32
      %dma_start3A_1253 = arith.constant 0 : i32
      %dma_start3A_1254 = arith.constant 0 : i32
      %dma_start3A_1255 = tpu.memref_slice %arg7[%dma_start3A_1251, %dma_start3A_1253, %dma_start3A_1254] : memref<8x128x16xf32, #tpu.memory_space<vmem>> -> memref<1x128x16xf32, #tpu.memory_space<vmem>>
      %dma_start3A_1256 = tpu.memref_squeeze %dma_start3A_1255 : memref<1x128x16xf32, #tpu.memory_space<vmem>> -> memref<128x16xf32, #tpu.memory_space<vmem>>
      %dma_start3A_1257 = arith.constant 0 : i32
      %dma_start3A_1258 = tpu.memref_slice %arg6[%add3A_1250, %dma_start3A_1257] : memref<80x128xi32, #tpu.memory_space<vmem>> -> memref<1x128xi32, #tpu.memory_space<vmem>>
      %dma_start3A_1259 = tpu.memref_squeeze %dma_start3A_1258 : memref<1x128xi32, #tpu.memory_space<vmem>> -> memref<128xi32, #tpu.memory_space<vmem>>
      %dma_start3A_1260 = arith.constant 0 : i32
      %dma_start3A_1261 = arith.constant 0 : i32
      %dma_start3A_1262 = tpu.memref_slice %arg9[%dma_start3A_1260, %dma_start3A_1261] : memref<10240x16xf32, #tpu.memory_space<vmem_shared>> -> memref<10240x16xf32, #tpu.memory_space<vmem_shared>>
      %dma_start3A_1263 = tpu.memref_slice %arg15[%dma_start3A_1252] : memref<8x!tpu.dma_semaphore, #tpu.memory_space<semaphore_mem>> -> memref<1x!tpu.dma_semaphore, #tpu.memory_space<semaphore_mem>>
      %dma_start3A_1264 = tpu.memref_squeeze %dma_start3A_1263 : memref<1x!tpu.dma_semaphore, #tpu.memory_space<semaphore_mem>> -> memref<!tpu.dma_semaphore, #tpu.memory_space<semaphore_mem>>
      tpu.enqueue_indirect_dma source(%dma_start3A_1256 : memref<128x16xf32, #tpu.memory_space<vmem>>) target(%dma_start3A_1262 : memref<10240x16xf32, #tpu.memory_space<vmem_shared>>) offsets(%dma_start3A_1259 : memref<128xi32, #tpu.memory_space<vmem>>) semaphore(%dma_start3A_1264 : memref<!tpu.dma_semaphore, #tpu.memory_space<semaphore_mem>>) {add = true}
      %add3A_1265 = arith.constant 4 : i32
      %add3A_1266 = arith.addi %mul3A_1010, %add3A_1265 : i32
      %add3A_1267 = arith.constant 3 : i32
      %add3A_1268 = arith.addi %add3A_1266, %add3A_1267 : i32
      %mul3A_1269 = arith.constant 128 : i32
      %mul3A_1270 = arith.muli %add3A_1268, %mul3A_1269 : i32
      %dma_start3A_1271 = arith.constant 7 : i32
      %dma_start3A_1272 = arith.constant 7 : i32
      %dma_start3A_1273 = arith.constant 0 : i32
      %dma_start3A_1274 = arith.constant 0 : i32
      %dma_start3A_1275 = tpu.memref_slice %arg7[%dma_start3A_1271, %dma_start3A_1273, %dma_start3A_1274] : memref<8x128x16xf32, #tpu.memory_space<vmem>> -> memref<1x128x16xf32, #tpu.memory_space<vmem>>
      %dma_start3A_1276 = tpu.memref_squeeze %dma_start3A_1275 : memref<1x128x16xf32, #tpu.memory_space<vmem>> -> memref<128x16xf32, #tpu.memory_space<vmem>>
      %dma_start3A_1277 = tpu.memref_slice %arg5[%mul3A_1270] : memref<10240xi32, #tpu.memory_space<vmem>> -> memref<128xi32, #tpu.memory_space<vmem>>
      %dma_start3A_1278 = arith.constant 0 : i32
      %dma_start3A_1279 = arith.constant 0 : i32
      %dma_start3A_1280 = tpu.memref_slice %arg10[%dma_start3A_1278, %dma_start3A_1279] : memref<10000x16xf32, #tpu.memory_space<vmem_shared>> -> memref<10000x16xf32, #tpu.memory_space<vmem_shared>>
      %dma_start3A_1281 = tpu.memref_slice %arg14[%dma_start3A_1272] : memref<8x!tpu.dma_semaphore, #tpu.memory_space<semaphore_mem>> -> memref<1x!tpu.dma_semaphore, #tpu.memory_space<semaphore_mem>>
      %dma_start3A_1282 = tpu.memref_squeeze %dma_start3A_1281 : memref<1x!tpu.dma_semaphore, #tpu.memory_space<semaphore_mem>> -> memref<!tpu.dma_semaphore, #tpu.memory_space<semaphore_mem>>
      tpu.enqueue_indirect_dma source(%dma_start3A_1280 : memref<10000x16xf32, #tpu.memory_space<vmem_shared>>) target(%dma_start3A_1276 : memref<128x16xf32, #tpu.memory_space<vmem>>) offsets(%dma_start3A_1277 : memref<128xi32, #tpu.memory_space<vmem>>) semaphore(%dma_start3A_1282 : memref<!tpu.dma_semaphore, #tpu.memory_space<semaphore_mem>>)
    }
    %scan3A_481 = arith.constant 9 : i32
    %dma_wait3A_482 = arith.constant 0 : i32
    %dma_wait3A_483 = arith.constant 72 : i32
    %dma_wait3A_484 = arith.constant 0 : i32
    %dma_wait3A_485 = arith.constant 0 : i32
    %dma_wait3A_486 = arith.constant 0 : i32
    %dma_wait3A_487 = tpu.memref_slice %arg7[%dma_wait3A_482, %dma_wait3A_485, %dma_wait3A_486] : memref<8x128x16xf32, #tpu.memory_space<vmem>> -> memref<1x128x16xf32, #tpu.memory_space<vmem>>
    %dma_wait3A_488 = tpu.memref_squeeze %dma_wait3A_487 : memref<1x128x16xf32, #tpu.memory_space<vmem>> -> memref<128x16xf32, #tpu.memory_space<vmem>>
    %dma_wait3A_489 = arith.constant 0 : i32
    %dma_wait3A_490 = tpu.memref_slice %arg6[%dma_wait3A_483, %dma_wait3A_489] : memref<80x128xi32, #tpu.memory_space<vmem>> -> memref<1x128xi32, #tpu.memory_space<vmem>>
    %dma_wait3A_491 = tpu.memref_squeeze %dma_wait3A_490 : memref<1x128xi32, #tpu.memory_space<vmem>> -> memref<128xi32, #tpu.memory_space<vmem>>
    %dma_wait3A_492 = arith.constant 0 : i32
    %dma_wait3A_493 = arith.constant 0 : i32
    %dma_wait3A_494 = tpu.memref_slice %arg9[%dma_wait3A_492, %dma_wait3A_493] : memref<10240x16xf32, #tpu.memory_space<vmem_shared>> -> memref<10240x16xf32, #tpu.memory_space<vmem_shared>>
    %dma_wait3A_495 = tpu.memref_slice %arg15[%dma_wait3A_484] : memref<8x!tpu.dma_semaphore, #tpu.memory_space<semaphore_mem>> -> memref<1x!tpu.dma_semaphore, #tpu.memory_space<semaphore_mem>>
    %dma_wait3A_496 = tpu.memref_squeeze %dma_wait3A_495 : memref<1x!tpu.dma_semaphore, #tpu.memory_space<semaphore_mem>> -> memref<!tpu.dma_semaphore, #tpu.memory_space<semaphore_mem>>
    tpu.wait_indirect_dma semaphore(%dma_wait3A_496 : memref<!tpu.dma_semaphore, #tpu.memory_space<semaphore_mem>>) src(%dma_wait3A_488 : memref<128x16xf32, #tpu.memory_space<vmem>>) dst(%dma_wait3A_494 : memref<10240x16xf32, #tpu.memory_space<vmem_shared>>)
    %dma_wait3A_497 = arith.constant 4 : i32
    %dma_wait3A_498 = arith.constant 4 : i32
    %dma_wait3A_499 = arith.constant 0 : i32
    %dma_wait3A_500 = arith.constant 0 : i32
    %dma_wait3A_501 = tpu.memref_slice %arg7[%dma_wait3A_497, %dma_wait3A_499, %dma_wait3A_500] : memref<8x128x16xf32, #tpu.memory_space<vmem>> -> memref<1x128x16xf32, #tpu.memory_space<vmem>>
    %dma_wait3A_502 = tpu.memref_squeeze %dma_wait3A_501 : memref<1x128x16xf32, #tpu.memory_space<vmem>> -> memref<128x16xf32, #tpu.memory_space<vmem>>
    %dma_wait3A_503 = arith.constant 9728 : i32
    %dma_wait3A_504 = tpu.memref_slice %arg5[%dma_wait3A_503] : memref<10240xi32, #tpu.memory_space<vmem>> -> memref<128xi32, #tpu.memory_space<vmem>>
    %dma_wait3A_505 = arith.constant 0 : i32
    %dma_wait3A_506 = arith.constant 0 : i32
    %dma_wait3A_507 = tpu.memref_slice %arg10[%dma_wait3A_505, %dma_wait3A_506] : memref<10000x16xf32, #tpu.memory_space<vmem_shared>> -> memref<10000x16xf32, #tpu.memory_space<vmem_shared>>
    %dma_wait3A_508 = tpu.memref_slice %arg14[%dma_wait3A_498] : memref<8x!tpu.dma_semaphore, #tpu.memory_space<semaphore_mem>> -> memref<1x!tpu.dma_semaphore, #tpu.memory_space<semaphore_mem>>
    %dma_wait3A_509 = tpu.memref_squeeze %dma_wait3A_508 : memref<1x!tpu.dma_semaphore, #tpu.memory_space<semaphore_mem>> -> memref<!tpu.dma_semaphore, #tpu.memory_space<semaphore_mem>>
    tpu.wait_indirect_dma semaphore(%dma_wait3A_509 : memref<!tpu.dma_semaphore, #tpu.memory_space<semaphore_mem>>) src(%dma_wait3A_507 : memref<10000x16xf32, #tpu.memory_space<vmem_shared>>) dst(%dma_wait3A_502 : memref<128x16xf32, #tpu.memory_space<vmem>>)
    %dma_start3A_510 = arith.constant 4 : i32
    %dma_start3A_511 = arith.constant 76 : i32
    %dma_start3A_512 = arith.constant 4 : i32
    %dma_start3A_513 = arith.constant 0 : i32
    %dma_start3A_514 = arith.constant 0 : i32
    %dma_start3A_515 = tpu.memref_slice %arg7[%dma_start3A_510, %dma_start3A_513, %dma_start3A_514] : memref<8x128x16xf32, #tpu.memory_space<vmem>> -> memref<1x128x16xf32, #tpu.memory_space<vmem>>
    %dma_start3A_516 = tpu.memref_squeeze %dma_start3A_515 : memref<1x128x16xf32, #tpu.memory_space<vmem>> -> memref<128x16xf32, #tpu.memory_space<vmem>>
    %dma_start3A_517 = arith.constant 0 : i32
    %dma_start3A_518 = tpu.memref_slice %arg6[%dma_start3A_511, %dma_start3A_517] : memref<80x128xi32, #tpu.memory_space<vmem>> -> memref<1x128xi32, #tpu.memory_space<vmem>>
    %dma_start3A_519 = tpu.memref_squeeze %dma_start3A_518 : memref<1x128xi32, #tpu.memory_space<vmem>> -> memref<128xi32, #tpu.memory_space<vmem>>
    %dma_start3A_520 = arith.constant 0 : i32
    %dma_start3A_521 = arith.constant 0 : i32
    %dma_start3A_522 = tpu.memref_slice %arg9[%dma_start3A_520, %dma_start3A_521] : memref<10240x16xf32, #tpu.memory_space<vmem_shared>> -> memref<10240x16xf32, #tpu.memory_space<vmem_shared>>
    %dma_start3A_523 = tpu.memref_slice %arg15[%dma_start3A_512] : memref<8x!tpu.dma_semaphore, #tpu.memory_space<semaphore_mem>> -> memref<1x!tpu.dma_semaphore, #tpu.memory_space<semaphore_mem>>
    %dma_start3A_524 = tpu.memref_squeeze %dma_start3A_523 : memref<1x!tpu.dma_semaphore, #tpu.memory_space<semaphore_mem>> -> memref<!tpu.dma_semaphore, #tpu.memory_space<semaphore_mem>>
    tpu.enqueue_indirect_dma source(%dma_start3A_516 : memref<128x16xf32, #tpu.memory_space<vmem>>) target(%dma_start3A_522 : memref<10240x16xf32, #tpu.memory_space<vmem_shared>>) offsets(%dma_start3A_519 : memref<128xi32, #tpu.memory_space<vmem>>) semaphore(%dma_start3A_524 : memref<!tpu.dma_semaphore, #tpu.memory_space<semaphore_mem>>) {add = true}
    %dma_wait3A_525 = arith.constant 1 : i32
    %dma_wait3A_526 = arith.constant 73 : i32
    %dma_wait3A_527 = arith.constant 1 : i32
    %dma_wait3A_528 = arith.constant 0 : i32
    %dma_wait3A_529 = arith.constant 0 : i32
    %dma_wait3A_530 = tpu.memref_slice %arg7[%dma_wait3A_525, %dma_wait3A_528, %dma_wait3A_529] : memref<8x128x16xf32, #tpu.memory_space<vmem>> -> memref<1x128x16xf32, #tpu.memory_space<vmem>>
    %dma_wait3A_531 = tpu.memref_squeeze %dma_wait3A_530 : memref<1x128x16xf32, #tpu.memory_space<vmem>> -> memref<128x16xf32, #tpu.memory_space<vmem>>
    %dma_wait3A_532 = arith.constant 0 : i32
    %dma_wait3A_533 = tpu.memref_slice %arg6[%dma_wait3A_526, %dma_wait3A_532] : memref<80x128xi32, #tpu.memory_space<vmem>> -> memref<1x128xi32, #tpu.memory_space<vmem>>
    %dma_wait3A_534 = tpu.memref_squeeze %dma_wait3A_533 : memref<1x128xi32, #tpu.memory_space<vmem>> -> memref<128xi32, #tpu.memory_space<vmem>>
    %dma_wait3A_535 = arith.constant 0 : i32
    %dma_wait3A_536 = arith.constant 0 : i32
    %dma_wait3A_537 = tpu.memref_slice %arg9[%dma_wait3A_535, %dma_wait3A_536] : memref<10240x16xf32, #tpu.memory_space<vmem_shared>> -> memref<10240x16xf32, #tpu.memory_space<vmem_shared>>
    %dma_wait3A_538 = tpu.memref_slice %arg15[%dma_wait3A_527] : memref<8x!tpu.dma_semaphore, #tpu.memory_space<semaphore_mem>> -> memref<1x!tpu.dma_semaphore, #tpu.memory_space<semaphore_mem>>
    %dma_wait3A_539 = tpu.memref_squeeze %dma_wait3A_538 : memref<1x!tpu.dma_semaphore, #tpu.memory_space<semaphore_mem>> -> memref<!tpu.dma_semaphore, #tpu.memory_space<semaphore_mem>>
    tpu.wait_indirect_dma semaphore(%dma_wait3A_539 : memref<!tpu.dma_semaphore, #tpu.memory_space<semaphore_mem>>) src(%dma_wait3A_531 : memref<128x16xf32, #tpu.memory_space<vmem>>) dst(%dma_wait3A_537 : memref<10240x16xf32, #tpu.memory_space<vmem_shared>>)
    %dma_wait3A_540 = arith.constant 5 : i32
    %dma_wait3A_541 = arith.constant 5 : i32
    %dma_wait3A_542 = arith.constant 0 : i32
    %dma_wait3A_543 = arith.constant 0 : i32
    %dma_wait3A_544 = tpu.memref_slice %arg7[%dma_wait3A_540, %dma_wait3A_542, %dma_wait3A_543] : memref<8x128x16xf32, #tpu.memory_space<vmem>> -> memref<1x128x16xf32, #tpu.memory_space<vmem>>
    %dma_wait3A_545 = tpu.memref_squeeze %dma_wait3A_544 : memref<1x128x16xf32, #tpu.memory_space<vmem>> -> memref<128x16xf32, #tpu.memory_space<vmem>>
    %dma_wait3A_546 = arith.constant 9856 : i32
    %dma_wait3A_547 = tpu.memref_slice %arg5[%dma_wait3A_546] : memref<10240xi32, #tpu.memory_space<vmem>> -> memref<128xi32, #tpu.memory_space<vmem>>
    %dma_wait3A_548 = arith.constant 0 : i32
    %dma_wait3A_549 = arith.constant 0 : i32
    %dma_wait3A_550 = tpu.memref_slice %arg10[%dma_wait3A_548, %dma_wait3A_549] : memref<10000x16xf32, #tpu.memory_space<vmem_shared>> -> memref<10000x16xf32, #tpu.memory_space<vmem_shared>>
    %dma_wait3A_551 = tpu.memref_slice %arg14[%dma_wait3A_541] : memref<8x!tpu.dma_semaphore, #tpu.memory_space<semaphore_mem>> -> memref<1x!tpu.dma_semaphore, #tpu.memory_space<semaphore_mem>>
    %dma_wait3A_552 = tpu.memref_squeeze %dma_wait3A_551 : memref<1x!tpu.dma_semaphore, #tpu.memory_space<semaphore_mem>> -> memref<!tpu.dma_semaphore, #tpu.memory_space<semaphore_mem>>
    tpu.wait_indirect_dma semaphore(%dma_wait3A_552 : memref<!tpu.dma_semaphore, #tpu.memory_space<semaphore_mem>>) src(%dma_wait3A_550 : memref<10000x16xf32, #tpu.memory_space<vmem_shared>>) dst(%dma_wait3A_545 : memref<128x16xf32, #tpu.memory_space<vmem>>)
    %dma_start3A_553 = arith.constant 5 : i32
    %dma_start3A_554 = arith.constant 77 : i32
    %dma_start3A_555 = arith.constant 5 : i32
    %dma_start3A_556 = arith.constant 0 : i32
    %dma_start3A_557 = arith.constant 0 : i32
    %dma_start3A_558 = tpu.memref_slice %arg7[%dma_start3A_553, %dma_start3A_556, %dma_start3A_557] : memref<8x128x16xf32, #tpu.memory_space<vmem>> -> memref<1x128x16xf32, #tpu.memory_space<vmem>>
    %dma_start3A_559 = tpu.memref_squeeze %dma_start3A_558 : memref<1x128x16xf32, #tpu.memory_space<vmem>> -> memref<128x16xf32, #tpu.memory_space<vmem>>
    %dma_start3A_560 = arith.constant 0 : i32
    %dma_start3A_561 = tpu.memref_slice %arg6[%dma_start3A_554, %dma_start3A_560] : memref<80x128xi32, #tpu.memory_space<vmem>> -> memref<1x128xi32, #tpu.memory_space<vmem>>
    %dma_start3A_562 = tpu.memref_squeeze %dma_start3A_561 : memref<1x128xi32, #tpu.memory_space<vmem>> -> memref<128xi32, #tpu.memory_space<vmem>>
    %dma_start3A_563 = arith.constant 0 : i32
    %dma_start3A_564 = arith.constant 0 : i32
    %dma_start3A_565 = tpu.memref_slice %arg9[%dma_start3A_563, %dma_start3A_564] : memref<10240x16xf32, #tpu.memory_space<vmem_shared>> -> memref<10240x16xf32, #tpu.memory_space<vmem_shared>>
    %dma_start3A_566 = tpu.memref_slice %arg15[%dma_start3A_555] : memref<8x!tpu.dma_semaphore, #tpu.memory_space<semaphore_mem>> -> memref<1x!tpu.dma_semaphore, #tpu.memory_space<semaphore_mem>>
    %dma_start3A_567 = tpu.memref_squeeze %dma_start3A_566 : memref<1x!tpu.dma_semaphore, #tpu.memory_space<semaphore_mem>> -> memref<!tpu.dma_semaphore, #tpu.memory_space<semaphore_mem>>
    tpu.enqueue_indirect_dma source(%dma_start3A_559 : memref<128x16xf32, #tpu.memory_space<vmem>>) target(%dma_start3A_565 : memref<10240x16xf32, #tpu.memory_space<vmem_shared>>) offsets(%dma_start3A_562 : memref<128xi32, #tpu.memory_space<vmem>>) semaphore(%dma_start3A_567 : memref<!tpu.dma_semaphore, #tpu.memory_space<semaphore_mem>>) {add = true}
    %dma_wait3A_568 = arith.constant 2 : i32
    %dma_wait3A_569 = arith.constant 74 : i32
    %dma_wait3A_570 = arith.constant 2 : i32
    %dma_wait3A_571 = arith.constant 0 : i32
    %dma_wait3A_572 = arith.constant 0 : i32
    %dma_wait3A_573 = tpu.memref_slice %arg7[%dma_wait3A_568, %dma_wait3A_571, %dma_wait3A_572] : memref<8x128x16xf32, #tpu.memory_space<vmem>> -> memref<1x128x16xf32, #tpu.memory_space<vmem>>
    %dma_wait3A_574 = tpu.memref_squeeze %dma_wait3A_573 : memref<1x128x16xf32, #tpu.memory_space<vmem>> -> memref<128x16xf32, #tpu.memory_space<vmem>>
    %dma_wait3A_575 = arith.constant 0 : i32
    %dma_wait3A_576 = tpu.memref_slice %arg6[%dma_wait3A_569, %dma_wait3A_575] : memref<80x128xi32, #tpu.memory_space<vmem>> -> memref<1x128xi32, #tpu.memory_space<vmem>>
    %dma_wait3A_577 = tpu.memref_squeeze %dma_wait3A_576 : memref<1x128xi32, #tpu.memory_space<vmem>> -> memref<128xi32, #tpu.memory_space<vmem>>
    %dma_wait3A_578 = arith.constant 0 : i32
    %dma_wait3A_579 = arith.constant 0 : i32
    %dma_wait3A_580 = tpu.memref_slice %arg9[%dma_wait3A_578, %dma_wait3A_579] : memref<10240x16xf32, #tpu.memory_space<vmem_shared>> -> memref<10240x16xf32, #tpu.memory_space<vmem_shared>>
    %dma_wait3A_581 = tpu.memref_slice %arg15[%dma_wait3A_570] : memref<8x!tpu.dma_semaphore, #tpu.memory_space<semaphore_mem>> -> memref<1x!tpu.dma_semaphore, #tpu.memory_space<semaphore_mem>>
    %dma_wait3A_582 = tpu.memref_squeeze %dma_wait3A_581 : memref<1x!tpu.dma_semaphore, #tpu.memory_space<semaphore_mem>> -> memref<!tpu.dma_semaphore, #tpu.memory_space<semaphore_mem>>
    tpu.wait_indirect_dma semaphore(%dma_wait3A_582 : memref<!tpu.dma_semaphore, #tpu.memory_space<semaphore_mem>>) src(%dma_wait3A_574 : memref<128x16xf32, #tpu.memory_space<vmem>>) dst(%dma_wait3A_580 : memref<10240x16xf32, #tpu.memory_space<vmem_shared>>)
    %dma_wait3A_583 = arith.constant 6 : i32
    %dma_wait3A_584 = arith.constant 6 : i32
    %dma_wait3A_585 = arith.constant 0 : i32
    %dma_wait3A_586 = arith.constant 0 : i32
    %dma_wait3A_587 = tpu.memref_slice %arg7[%dma_wait3A_583, %dma_wait3A_585, %dma_wait3A_586] : memref<8x128x16xf32, #tpu.memory_space<vmem>> -> memref<1x128x16xf32, #tpu.memory_space<vmem>>
    %dma_wait3A_588 = tpu.memref_squeeze %dma_wait3A_587 : memref<1x128x16xf32, #tpu.memory_space<vmem>> -> memref<128x16xf32, #tpu.memory_space<vmem>>
    %dma_wait3A_589 = arith.constant 9984 : i32
    %dma_wait3A_590 = tpu.memref_slice %arg5[%dma_wait3A_589] : memref<10240xi32, #tpu.memory_space<vmem>> -> memref<128xi32, #tpu.memory_space<vmem>>
    %dma_wait3A_591 = arith.constant 0 : i32
    %dma_wait3A_592 = arith.constant 0 : i32
    %dma_wait3A_593 = tpu.memref_slice %arg10[%dma_wait3A_591, %dma_wait3A_592] : memref<10000x16xf32, #tpu.memory_space<vmem_shared>> -> memref<10000x16xf32, #tpu.memory_space<vmem_shared>>
    %dma_wait3A_594 = tpu.memref_slice %arg14[%dma_wait3A_584] : memref<8x!tpu.dma_semaphore, #tpu.memory_space<semaphore_mem>> -> memref<1x!tpu.dma_semaphore, #tpu.memory_space<semaphore_mem>>
    %dma_wait3A_595 = tpu.memref_squeeze %dma_wait3A_594 : memref<1x!tpu.dma_semaphore, #tpu.memory_space<semaphore_mem>> -> memref<!tpu.dma_semaphore, #tpu.memory_space<semaphore_mem>>
    tpu.wait_indirect_dma semaphore(%dma_wait3A_595 : memref<!tpu.dma_semaphore, #tpu.memory_space<semaphore_mem>>) src(%dma_wait3A_593 : memref<10000x16xf32, #tpu.memory_space<vmem_shared>>) dst(%dma_wait3A_588 : memref<128x16xf32, #tpu.memory_space<vmem>>)
    %dma_start3A_596 = arith.constant 6 : i32
    %dma_start3A_597 = arith.constant 78 : i32
    %dma_start3A_598 = arith.constant 6 : i32
    %dma_start3A_599 = arith.constant 0 : i32
    %dma_start3A_600 = arith.constant 0 : i32
    %dma_start3A_601 = tpu.memref_slice %arg7[%dma_start3A_596, %dma_start3A_599, %dma_start3A_600] : memref<8x128x16xf32, #tpu.memory_space<vmem>> -> memref<1x128x16xf32, #tpu.memory_space<vmem>>
    %dma_start3A_602 = tpu.memref_squeeze %dma_start3A_601 : memref<1x128x16xf32, #tpu.memory_space<vmem>> -> memref<128x16xf32, #tpu.memory_space<vmem>>
    %dma_start3A_603 = arith.constant 0 : i32
    %dma_start3A_604 = tpu.memref_slice %arg6[%dma_start3A_597, %dma_start3A_603] : memref<80x128xi32, #tpu.memory_space<vmem>> -> memref<1x128xi32, #tpu.memory_space<vmem>>
    %dma_start3A_605 = tpu.memref_squeeze %dma_start3A_604 : memref<1x128xi32, #tpu.memory_space<vmem>> -> memref<128xi32, #tpu.memory_space<vmem>>
    %dma_start3A_606 = arith.constant 0 : i32
    %dma_start3A_607 = arith.constant 0 : i32
    %dma_start3A_608 = tpu.memref_slice %arg9[%dma_start3A_606, %dma_start3A_607] : memref<10240x16xf32, #tpu.memory_space<vmem_shared>> -> memref<10240x16xf32, #tpu.memory_space<vmem_shared>>
    %dma_start3A_609 = tpu.memref_slice %arg15[%dma_start3A_598] : memref<8x!tpu.dma_semaphore, #tpu.memory_space<semaphore_mem>> -> memref<1x!tpu.dma_semaphore, #tpu.memory_space<semaphore_mem>>
    %dma_start3A_610 = tpu.memref_squeeze %dma_start3A_609 : memref<1x!tpu.dma_semaphore, #tpu.memory_space<semaphore_mem>> -> memref<!tpu.dma_semaphore, #tpu.memory_space<semaphore_mem>>
    tpu.enqueue_indirect_dma source(%dma_start3A_602 : memref<128x16xf32, #tpu.memory_space<vmem>>) target(%dma_start3A_608 : memref<10240x16xf32, #tpu.memory_space<vmem_shared>>) offsets(%dma_start3A_605 : memref<128xi32, #tpu.memory_space<vmem>>) semaphore(%dma_start3A_610 : memref<!tpu.dma_semaphore, #tpu.memory_space<semaphore_mem>>) {add = true}
    %dma_wait3A_611 = arith.constant 3 : i32
    %dma_wait3A_612 = arith.constant 75 : i32
    %dma_wait3A_613 = arith.constant 3 : i32
    %dma_wait3A_614 = arith.constant 0 : i32
    %dma_wait3A_615 = arith.constant 0 : i32
    %dma_wait3A_616 = tpu.memref_slice %arg7[%dma_wait3A_611, %dma_wait3A_614, %dma_wait3A_615] : memref<8x128x16xf32, #tpu.memory_space<vmem>> -> memref<1x128x16xf32, #tpu.memory_space<vmem>>
    %dma_wait3A_617 = tpu.memref_squeeze %dma_wait3A_616 : memref<1x128x16xf32, #tpu.memory_space<vmem>> -> memref<128x16xf32, #tpu.memory_space<vmem>>
    %dma_wait3A_618 = arith.constant 0 : i32
    %dma_wait3A_619 = tpu.memref_slice %arg6[%dma_wait3A_612, %dma_wait3A_618] : memref<80x128xi32, #tpu.memory_space<vmem>> -> memref<1x128xi32, #tpu.memory_space<vmem>>
    %dma_wait3A_620 = tpu.memref_squeeze %dma_wait3A_619 : memref<1x128xi32, #tpu.memory_space<vmem>> -> memref<128xi32, #tpu.memory_space<vmem>>
    %dma_wait3A_621 = arith.constant 0 : i32
    %dma_wait3A_622 = arith.constant 0 : i32
    %dma_wait3A_623 = tpu.memref_slice %arg9[%dma_wait3A_621, %dma_wait3A_622] : memref<10240x16xf32, #tpu.memory_space<vmem_shared>> -> memref<10240x16xf32, #tpu.memory_space<vmem_shared>>
    %dma_wait3A_624 = tpu.memref_slice %arg15[%dma_wait3A_613] : memref<8x!tpu.dma_semaphore, #tpu.memory_space<semaphore_mem>> -> memref<1x!tpu.dma_semaphore, #tpu.memory_space<semaphore_mem>>
    %dma_wait3A_625 = tpu.memref_squeeze %dma_wait3A_624 : memref<1x!tpu.dma_semaphore, #tpu.memory_space<semaphore_mem>> -> memref<!tpu.dma_semaphore, #tpu.memory_space<semaphore_mem>>
    tpu.wait_indirect_dma semaphore(%dma_wait3A_625 : memref<!tpu.dma_semaphore, #tpu.memory_space<semaphore_mem>>) src(%dma_wait3A_617 : memref<128x16xf32, #tpu.memory_space<vmem>>) dst(%dma_wait3A_623 : memref<10240x16xf32, #tpu.memory_space<vmem_shared>>)
    %dma_wait3A_626 = arith.constant 7 : i32
    %dma_wait3A_627 = arith.constant 7 : i32
    %dma_wait3A_628 = arith.constant 0 : i32
    %dma_wait3A_629 = arith.constant 0 : i32
    %dma_wait3A_630 = tpu.memref_slice %arg7[%dma_wait3A_626, %dma_wait3A_628, %dma_wait3A_629] : memref<8x128x16xf32, #tpu.memory_space<vmem>> -> memref<1x128x16xf32, #tpu.memory_space<vmem>>
    %dma_wait3A_631 = tpu.memref_squeeze %dma_wait3A_630 : memref<1x128x16xf32, #tpu.memory_space<vmem>> -> memref<128x16xf32, #tpu.memory_space<vmem>>
    %dma_wait3A_632 = arith.constant 10112 : i32
    %dma_wait3A_633 = tpu.memref_slice %arg5[%dma_wait3A_632] : memref<10240xi32, #tpu.memory_space<vmem>> -> memref<128xi32, #tpu.memory_space<vmem>>
    %dma_wait3A_634 = arith.constant 0 : i32
    %dma_wait3A_635 = arith.constant 0 : i32
    %dma_wait3A_636 = tpu.memref_slice %arg10[%dma_wait3A_634, %dma_wait3A_635] : memref<10000x16xf32, #tpu.memory_space<vmem_shared>> -> memref<10000x16xf32, #tpu.memory_space<vmem_shared>>
    %dma_wait3A_637 = tpu.memref_slice %arg14[%dma_wait3A_627] : memref<8x!tpu.dma_semaphore, #tpu.memory_space<semaphore_mem>> -> memref<1x!tpu.dma_semaphore, #tpu.memory_space<semaphore_mem>>
    %dma_wait3A_638 = tpu.memref_squeeze %dma_wait3A_637 : memref<1x!tpu.dma_semaphore, #tpu.memory_space<semaphore_mem>> -> memref<!tpu.dma_semaphore, #tpu.memory_space<semaphore_mem>>
    tpu.wait_indirect_dma semaphore(%dma_wait3A_638 : memref<!tpu.dma_semaphore, #tpu.memory_space<semaphore_mem>>) src(%dma_wait3A_636 : memref<10000x16xf32, #tpu.memory_space<vmem_shared>>) dst(%dma_wait3A_631 : memref<128x16xf32, #tpu.memory_space<vmem>>)
    %dma_start3A_639 = arith.constant 7 : i32
    %dma_start3A_640 = arith.constant 79 : i32
    %dma_start3A_641 = arith.constant 7 : i32
    %dma_start3A_642 = arith.constant 0 : i32
    %dma_start3A_643 = arith.constant 0 : i32
    %dma_start3A_644 = tpu.memref_slice %arg7[%dma_start3A_639, %dma_start3A_642, %dma_start3A_643] : memref<8x128x16xf32, #tpu.memory_space<vmem>> -> memref<1x128x16xf32, #tpu.memory_space<vmem>>
    %dma_start3A_645 = tpu.memref_squeeze %dma_start3A_644 : memref<1x128x16xf32, #tpu.memory_space<vmem>> -> memref<128x16xf32, #tpu.memory_space<vmem>>
    %dma_start3A_646 = arith.constant 0 : i32
    %dma_start3A_647 = tpu.memref_slice %arg6[%dma_start3A_640, %dma_start3A_646] : memref<80x128xi32, #tpu.memory_space<vmem>> -> memref<1x128xi32, #tpu.memory_space<vmem>>
    %dma_start3A_648 = tpu.memref_squeeze %dma_start3A_647 : memref<1x128xi32, #tpu.memory_space<vmem>> -> memref<128xi32, #tpu.memory_space<vmem>>
    %dma_start3A_649 = arith.constant 0 : i32
    %dma_start3A_650 = arith.constant 0 : i32
    %dma_start3A_651 = tpu.memref_slice %arg9[%dma_start3A_649, %dma_start3A_650] : memref<10240x16xf32, #tpu.memory_space<vmem_shared>> -> memref<10240x16xf32, #tpu.memory_space<vmem_shared>>
    %dma_start3A_652 = tpu.memref_slice %arg15[%dma_start3A_641] : memref<8x!tpu.dma_semaphore, #tpu.memory_space<semaphore_mem>> -> memref<1x!tpu.dma_semaphore, #tpu.memory_space<semaphore_mem>>
    %dma_start3A_653 = tpu.memref_squeeze %dma_start3A_652 : memref<1x!tpu.dma_semaphore, #tpu.memory_space<semaphore_mem>> -> memref<!tpu.dma_semaphore, #tpu.memory_space<semaphore_mem>>
    tpu.enqueue_indirect_dma source(%dma_start3A_645 : memref<128x16xf32, #tpu.memory_space<vmem>>) target(%dma_start3A_651 : memref<10240x16xf32, #tpu.memory_space<vmem_shared>>) offsets(%dma_start3A_648 : memref<128xi32, #tpu.memory_space<vmem>>) semaphore(%dma_start3A_653 : memref<!tpu.dma_semaphore, #tpu.memory_space<semaphore_mem>>) {add = true}
    %dma_wait3A_654 = arith.constant 4 : i32
    %dma_wait3A_655 = arith.constant 76 : i32
    %dma_wait3A_656 = arith.constant 4 : i32
    %dma_wait3A_657 = arith.constant 0 : i32
    %dma_wait3A_658 = arith.constant 0 : i32
    %dma_wait3A_659 = tpu.memref_slice %arg7[%dma_wait3A_654, %dma_wait3A_657, %dma_wait3A_658] : memref<8x128x16xf32, #tpu.memory_space<vmem>> -> memref<1x128x16xf32, #tpu.memory_space<vmem>>
    %dma_wait3A_660 = tpu.memref_squeeze %dma_wait3A_659 : memref<1x128x16xf32, #tpu.memory_space<vmem>> -> memref<128x16xf32, #tpu.memory_space<vmem>>
    %dma_wait3A_661 = arith.constant 0 : i32
    %dma_wait3A_662 = tpu.memref_slice %arg6[%dma_wait3A_655, %dma_wait3A_661] : memref<80x128xi32, #tpu.memory_space<vmem>> -> memref<1x128xi32, #tpu.memory_space<vmem>>
    %dma_wait3A_663 = tpu.memref_squeeze %dma_wait3A_662 : memref<1x128xi32, #tpu.memory_space<vmem>> -> memref<128xi32, #tpu.memory_space<vmem>>
    %dma_wait3A_664 = arith.constant 0 : i32
    %dma_wait3A_665 = arith.constant 0 : i32
    %dma_wait3A_666 = tpu.memref_slice %arg9[%dma_wait3A_664, %dma_wait3A_665] : memref<10240x16xf32, #tpu.memory_space<vmem_shared>> -> memref<10240x16xf32, #tpu.memory_space<vmem_shared>>
    %dma_wait3A_667 = tpu.memref_slice %arg15[%dma_wait3A_656] : memref<8x!tpu.dma_semaphore, #tpu.memory_space<semaphore_mem>> -> memref<1x!tpu.dma_semaphore, #tpu.memory_space<semaphore_mem>>
    %dma_wait3A_668 = tpu.memref_squeeze %dma_wait3A_667 : memref<1x!tpu.dma_semaphore, #tpu.memory_space<semaphore_mem>> -> memref<!tpu.dma_semaphore, #tpu.memory_space<semaphore_mem>>
    tpu.wait_indirect_dma semaphore(%dma_wait3A_668 : memref<!tpu.dma_semaphore, #tpu.memory_space<semaphore_mem>>) src(%dma_wait3A_660 : memref<128x16xf32, #tpu.memory_space<vmem>>) dst(%dma_wait3A_666 : memref<10240x16xf32, #tpu.memory_space<vmem_shared>>)
    %dma_wait3A_669 = arith.constant 5 : i32
    %dma_wait3A_670 = arith.constant 77 : i32
    %dma_wait3A_671 = arith.constant 5 : i32
    %dma_wait3A_672 = arith.constant 0 : i32
    %dma_wait3A_673 = arith.constant 0 : i32
    %dma_wait3A_674 = tpu.memref_slice %arg7[%dma_wait3A_669, %dma_wait3A_672, %dma_wait3A_673] : memref<8x128x16xf32, #tpu.memory_space<vmem>> -> memref<1x128x16xf32, #tpu.memory_space<vmem>>
    %dma_wait3A_675 = tpu.memref_squeeze %dma_wait3A_674 : memref<1x128x16xf32, #tpu.memory_space<vmem>> -> memref<128x16xf32, #tpu.memory_space<vmem>>
    %dma_wait3A_676 = arith.constant 0 : i32
    %dma_wait3A_677 = tpu.memref_slice %arg6[%dma_wait3A_670, %dma_wait3A_676] : memref<80x128xi32, #tpu.memory_space<vmem>> -> memref<1x128xi32, #tpu.memory_space<vmem>>
    %dma_wait3A_678 = tpu.memref_squeeze %dma_wait3A_677 : memref<1x128xi32, #tpu.memory_space<vmem>> -> memref<128xi32, #tpu.memory_space<vmem>>
    %dma_wait3A_679 = arith.constant 0 : i32
    %dma_wait3A_680 = arith.constant 0 : i32
    %dma_wait3A_681 = tpu.memref_slice %arg9[%dma_wait3A_679, %dma_wait3A_680] : memref<10240x16xf32, #tpu.memory_space<vmem_shared>> -> memref<10240x16xf32, #tpu.memory_space<vmem_shared>>
    %dma_wait3A_682 = tpu.memref_slice %arg15[%dma_wait3A_671] : memref<8x!tpu.dma_semaphore, #tpu.memory_space<semaphore_mem>> -> memref<1x!tpu.dma_semaphore, #tpu.memory_space<semaphore_mem>>
    %dma_wait3A_683 = tpu.memref_squeeze %dma_wait3A_682 : memref<1x!tpu.dma_semaphore, #tpu.memory_space<semaphore_mem>> -> memref<!tpu.dma_semaphore, #tpu.memory_space<semaphore_mem>>
    tpu.wait_indirect_dma semaphore(%dma_wait3A_683 : memref<!tpu.dma_semaphore, #tpu.memory_space<semaphore_mem>>) src(%dma_wait3A_675 : memref<128x16xf32, #tpu.memory_space<vmem>>) dst(%dma_wait3A_681 : memref<10240x16xf32, #tpu.memory_space<vmem_shared>>)
    %dma_wait3A_684 = arith.constant 6 : i32
    %dma_wait3A_685 = arith.constant 78 : i32
    %dma_wait3A_686 = arith.constant 6 : i32
    %dma_wait3A_687 = arith.constant 0 : i32
    %dma_wait3A_688 = arith.constant 0 : i32
    %dma_wait3A_689 = tpu.memref_slice %arg7[%dma_wait3A_684, %dma_wait3A_687, %dma_wait3A_688] : memref<8x128x16xf32, #tpu.memory_space<vmem>> -> memref<1x128x16xf32, #tpu.memory_space<vmem>>
    %dma_wait3A_690 = tpu.memref_squeeze %dma_wait3A_689 : memref<1x128x16xf32, #tpu.memory_space<vmem>> -> memref<128x16xf32, #tpu.memory_space<vmem>>
    %dma_wait3A_691 = arith.constant 0 : i32
    %dma_wait3A_692 = tpu.memref_slice %arg6[%dma_wait3A_685, %dma_wait3A_691] : memref<80x128xi32, #tpu.memory_space<vmem>> -> memref<1x128xi32, #tpu.memory_space<vmem>>
    %dma_wait3A_693 = tpu.memref_squeeze %dma_wait3A_692 : memref<1x128xi32, #tpu.memory_space<vmem>> -> memref<128xi32, #tpu.memory_space<vmem>>
    %dma_wait3A_694 = arith.constant 0 : i32
    %dma_wait3A_695 = arith.constant 0 : i32
    %dma_wait3A_696 = tpu.memref_slice %arg9[%dma_wait3A_694, %dma_wait3A_695] : memref<10240x16xf32, #tpu.memory_space<vmem_shared>> -> memref<10240x16xf32, #tpu.memory_space<vmem_shared>>
    %dma_wait3A_697 = tpu.memref_slice %arg15[%dma_wait3A_686] : memref<8x!tpu.dma_semaphore, #tpu.memory_space<semaphore_mem>> -> memref<1x!tpu.dma_semaphore, #tpu.memory_space<semaphore_mem>>
    %dma_wait3A_698 = tpu.memref_squeeze %dma_wait3A_697 : memref<1x!tpu.dma_semaphore, #tpu.memory_space<semaphore_mem>> -> memref<!tpu.dma_semaphore, #tpu.memory_space<semaphore_mem>>
    tpu.wait_indirect_dma semaphore(%dma_wait3A_698 : memref<!tpu.dma_semaphore, #tpu.memory_space<semaphore_mem>>) src(%dma_wait3A_690 : memref<128x16xf32, #tpu.memory_space<vmem>>) dst(%dma_wait3A_696 : memref<10240x16xf32, #tpu.memory_space<vmem_shared>>)
    %dma_wait3A_699 = arith.constant 7 : i32
    %dma_wait3A_700 = arith.constant 79 : i32
    %dma_wait3A_701 = arith.constant 7 : i32
    %dma_wait3A_702 = arith.constant 0 : i32
    %dma_wait3A_703 = arith.constant 0 : i32
    %dma_wait3A_704 = tpu.memref_slice %arg7[%dma_wait3A_699, %dma_wait3A_702, %dma_wait3A_703] : memref<8x128x16xf32, #tpu.memory_space<vmem>> -> memref<1x128x16xf32, #tpu.memory_space<vmem>>
    %dma_wait3A_705 = tpu.memref_squeeze %dma_wait3A_704 : memref<1x128x16xf32, #tpu.memory_space<vmem>> -> memref<128x16xf32, #tpu.memory_space<vmem>>
    %dma_wait3A_706 = arith.constant 0 : i32
    %dma_wait3A_707 = tpu.memref_slice %arg6[%dma_wait3A_700, %dma_wait3A_706] : memref<80x128xi32, #tpu.memory_space<vmem>> -> memref<1x128xi32, #tpu.memory_space<vmem>>
    %dma_wait3A_708 = tpu.memref_squeeze %dma_wait3A_707 : memref<1x128xi32, #tpu.memory_space<vmem>> -> memref<128xi32, #tpu.memory_space<vmem>>
    %dma_wait3A_709 = arith.constant 0 : i32
    %dma_wait3A_710 = arith.constant 0 : i32
    %dma_wait3A_711 = tpu.memref_slice %arg9[%dma_wait3A_709, %dma_wait3A_710] : memref<10240x16xf32, #tpu.memory_space<vmem_shared>> -> memref<10240x16xf32, #tpu.memory_space<vmem_shared>>
    %dma_wait3A_712 = tpu.memref_slice %arg15[%dma_wait3A_701] : memref<8x!tpu.dma_semaphore, #tpu.memory_space<semaphore_mem>> -> memref<1x!tpu.dma_semaphore, #tpu.memory_space<semaphore_mem>>
    %dma_wait3A_713 = tpu.memref_squeeze %dma_wait3A_712 : memref<1x!tpu.dma_semaphore, #tpu.memory_space<semaphore_mem>> -> memref<!tpu.dma_semaphore, #tpu.memory_space<semaphore_mem>>
    tpu.wait_indirect_dma semaphore(%dma_wait3A_713 : memref<!tpu.dma_semaphore, #tpu.memory_space<semaphore_mem>>) src(%dma_wait3A_705 : memref<128x16xf32, #tpu.memory_space<vmem>>) dst(%dma_wait3A_711 : memref<10240x16xf32, #tpu.memory_space<vmem_shared>>)
    %barrier3A_714 = arith.constant 0 : index
    tpu.barrier barrier_id(%barrier3A_714)
    %mul3A_715 = arith.constant 640 : i32
    %mul3A_716 = arith.muli %arg1, %mul3A_715 : i32
    %mul3A_717 = arith.constant 640 : i32
    %mul3A_718 = arith.muli %arg1, %mul3A_717 : i32
    "tpu.region"() ({
      %run_scoped3A_719 = tpu.sem_alloc : memref<!tpu.dma_semaphore, #tpu.memory_space<semaphore_mem>>
      %dma_start3A_720 = arith.constant 0 : i32
      %dma_start3A_721 = tpu.memref_slice %arg4[%arg0, %mul3A_718, %dma_start3A_720] : memref<2x10240x16xf32, #tpu.memory_space<hbm>> -> memref<1x640x16xf32, #tpu.memory_space<hbm>>
      %dma_start3A_722 = tpu.memref_squeeze %dma_start3A_721 : memref<1x640x16xf32, #tpu.memory_space<hbm>> -> memref<640x16xf32, #tpu.memory_space<hbm>>
      %dma_start3A_723 = arith.constant 0 : i32
      %dma_start3A_724 = tpu.memref_slice %arg9[%mul3A_716, %dma_start3A_723] : memref<10240x16xf32, #tpu.memory_space<vmem_shared>> -> memref<640x16xf32, #tpu.memory_space<vmem_shared>>
      tpu.enqueue_dma source(%dma_start3A_724 : memref<640x16xf32, #tpu.memory_space<vmem_shared>>) target(%dma_start3A_722 : memref<640x16xf32, #tpu.memory_space<hbm>>) target_semaphore(%run_scoped3A_719 : memref<!tpu.dma_semaphore, #tpu.memory_space<semaphore_mem>>)
      %dma_wait3A_725 = arith.constant 0 : i32
      %dma_wait3A_726 = tpu.memref_slice %arg4[%arg0, %mul3A_718, %dma_wait3A_725] : memref<2x10240x16xf32, #tpu.memory_space<hbm>> -> memref<1x640x16xf32, #tpu.memory_space<hbm>>
      %dma_wait3A_727 = tpu.memref_squeeze %dma_wait3A_726 : memref<1x640x16xf32, #tpu.memory_space<hbm>> -> memref<640x16xf32, #tpu.memory_space<hbm>>
      %dma_wait3A_728 = arith.constant 0 : i32
      %dma_wait3A_729 = tpu.memref_slice %arg9[%mul3A_716, %dma_wait3A_728] : memref<10240x16xf32, #tpu.memory_space<vmem_shared>> -> memref<640x16xf32, #tpu.memory_space<vmem_shared>>
      tpu.wait_dma2 semaphore(%run_scoped3A_719 : memref<!tpu.dma_semaphore, #tpu.memory_space<semaphore_mem>>) src(%dma_wait3A_729 : memref<640x16xf32, #tpu.memory_space<vmem_shared>>) dst(%dma_wait3A_727 : memref<640x16xf32, #tpu.memory_space<hbm>>)
      tpu.yield
    }) : () -> ()
    return
  }
}

module attributes {stable_mosaic.version = 14 : i64} {
  func.func @_tc_scale_body(%arg0: memref<1250x128xf32, #tpu.memory_space<vmem>>, %arg1: memref<2x1280x128xf32, #tpu.memory_space<vmem>>, %arg2: memref<1250x128xf32, #tpu.memory_space<vmem>>, %arg3: memref<1250x128xf32, #tpu.memory_space<vmem>>) attributes {dimension_semantics = [], scalar_prefetch = 0 : i64, scratch_operands = 0 : i64, tpu.core_type = #tpu.core_type<tc>} {
    %get3A = arith.constant 0 : index
    %get3A_0 = arith.constant 0 : index
    %get3A_1 = arith.constant 0 : index
    %get3A_2 = vector.load %arg1[%get3A, %get3A_0, %get3A_1] : memref<2x1280x128xf32, #tpu.memory_space<vmem>>, vector<1x1250x128xf32>
    %get3A_3 = vector.shape_cast %get3A_2 : vector<1x1250x128xf32> to vector<1250x128xf32>
    %get3A_4 = arith.constant 1 : index
    %get3A_5 = arith.constant 0 : index
    %get3A_6 = arith.constant 0 : index
    %get3A_7 = vector.load %arg1[%get3A_4, %get3A_5, %get3A_6] : memref<2x1280x128xf32, #tpu.memory_space<vmem>>, vector<1x1250x128xf32>
    %get3A_8 = vector.shape_cast %get3A_7 : vector<1x1250x128xf32> to vector<1250x128xf32>
    %add3A = arith.addf %get3A_3, %get3A_8 : vector<1250x128xf32>
    %add3A_9 = arith.constant 1.000000e+00 : f32
    %add3A_10 = vector.broadcast %add3A_9 : f32 to vector<1250x128xf32>
    %add3A_11 = arith.addf %add3A, %add3A_10 : vector<1250x128xf32>
    %rsqrt3A = math.rsqrt %add3A_11 : vector<1250x128xf32>
    %get3A_12 = arith.constant 0 : index
    %get3A_13 = arith.constant 0 : index
    %get3A_14 = vector.load %arg0[%get3A_12, %get3A_13] : memref<1250x128xf32, #tpu.memory_space<vmem>>, vector<1250x128xf32>
    %mul3A = arith.mulf %get3A_14, %rsqrt3A : vector<1250x128xf32>
    %swap3A = arith.constant 0 : index
    %swap3A_15 = arith.constant 0 : index
    %swap3A_16 = vector.load %arg2[%swap3A, %swap3A_15] : memref<1250x128xf32, #tpu.memory_space<vmem>>, vector<1250x128xf32>
    tpu.vector_store %arg2[%swap3A, %swap3A_15], %mul3A {strides = array<i32>} : memref<1250x128xf32, #tpu.memory_space<vmem>>, vector<1250x128xf32>,
    %swap3A_17 = arith.constant 0 : index
    %swap3A_18 = arith.constant 0 : index
    %swap3A_19 = vector.load %arg3[%swap3A_17, %swap3A_18] : memref<1250x128xf32, #tpu.memory_space<vmem>>, vector<1250x128xf32>
    tpu.vector_store %arg3[%swap3A_17, %swap3A_18], %rsqrt3A {strides = array<i32>} : memref<1250x128xf32, #tpu.memory_space<vmem>>, vector<1250x128xf32>,
    return
  }
}

module attributes {stable_mosaic.version = 14 : i64} {
  func.func @_tc_mm1_body(%arg0: memref<1250x1024xf32, #tpu.memory_space<vmem>>, %arg1: memref<1024x128xf32, #tpu.memory_space<vmem>>, %arg2: memref<1250x128xf32, #tpu.memory_space<vmem>>) attributes {dimension_semantics = [], scalar_prefetch = 0 : i64, scratch_operands = 0 : i64, tpu.core_type = #tpu.core_type<tc>} {
    %get3A = arith.constant 0 : index
    %get3A_0 = arith.constant 0 : index
    %get3A_1 = vector.load %arg0[%get3A, %get3A_0] : memref<1250x1024xf32, #tpu.memory_space<vmem>>, vector<1250x1024xf32>
    %get3A_2 = arith.constant 0 : index
    %get3A_3 = arith.constant 0 : index
    %get3A_4 = vector.load %arg1[%get3A_2, %get3A_3] : memref<1024x128xf32, #tpu.memory_space<vmem>>, vector<1024x128xf32>
    %dot_general3A = arith.constant dense<0.000000e+00> : vector<1250x128xf32>
    %dot_general3A_5 = tpu.matmul %get3A_1, %get3A_4, %dot_general3A {dimension_numbers = #tpu.dot_dimension_numbers<[1], [0], [0], [1], [0, 0, 1, 1], [], []>, transpose_lhs_hint = false} : vector<1250x1024xf32>, vector<1024x128xf32>, vector<1250x128xf32> -> vector<1250x128xf32>
    %swap3A = arith.constant 0 : index
    %swap3A_6 = arith.constant 0 : index
    %swap3A_7 = vector.load %arg2[%swap3A, %swap3A_6] : memref<1250x128xf32, #tpu.memory_space<vmem>>, vector<1250x128xf32>
    tpu.vector_store %arg2[%swap3A, %swap3A_6], %dot_general3A_5 {strides = array<i32>} : memref<1250x128xf32, #tpu.memory_space<vmem>>, vector<1250x128xf32>,
    return
  }
}

module attributes {stable_mosaic.version = 14 : i64} {
  func.func @_tc2_body(%arg0: memref<2x1280x128xf32, #tpu.memory_space<vmem>>, %arg1: memref<1250x128xf32, #tpu.memory_space<vmem>>, %arg2: memref<1250x128xf32, #tpu.memory_space<vmem>>, %arg3: memref<128x128xf32, #tpu.memory_space<vmem>>, %arg4: memref<1x128xf32, #tpu.memory_space<vmem>>, %arg5: memref<1250x128xf32, #tpu.memory_space<vmem>>) attributes {dimension_semantics = [], scalar_prefetch = 0 : i64, scratch_operands = 0 : i64, tpu.core_type = #tpu.core_type<tc>} {
    %get3A = arith.constant 0 : index
    %get3A_0 = arith.constant 0 : index
    %get3A_1 = arith.constant 0 : index
    %get3A_2 = vector.load %arg0[%get3A, %get3A_0, %get3A_1] : memref<2x1280x128xf32, #tpu.memory_space<vmem>>, vector<1x1250x128xf32>
    %get3A_3 = vector.shape_cast %get3A_2 : vector<1x1250x128xf32> to vector<1250x128xf32>
    %get3A_4 = arith.constant 1 : index
    %get3A_5 = arith.constant 0 : index
    %get3A_6 = arith.constant 0 : index
    %get3A_7 = vector.load %arg0[%get3A_4, %get3A_5, %get3A_6] : memref<2x1280x128xf32, #tpu.memory_space<vmem>>, vector<1x1250x128xf32>
    %get3A_8 = vector.shape_cast %get3A_7 : vector<1x1250x128xf32> to vector<1250x128xf32>
    %add3A = arith.addf %get3A_3, %get3A_8 : vector<1250x128xf32>
    %get3A_9 = arith.constant 0 : index
    %get3A_10 = arith.constant 0 : index
    %get3A_11 = vector.load %arg1[%get3A_9, %get3A_10] : memref<1250x128xf32, #tpu.memory_space<vmem>>, vector<1250x128xf32>
    %add3A_12 = arith.addf %add3A, %get3A_11 : vector<1250x128xf32>
    %get3A_13 = arith.constant 0 : index
    %get3A_14 = arith.constant 0 : index
    %get3A_15 = vector.load %arg2[%get3A_13, %get3A_14] : memref<1250x128xf32, #tpu.memory_space<vmem>>, vector<1250x128xf32>
    %mul3A = arith.mulf %get3A_15, %add3A_12 : vector<1250x128xf32>
    %get3A_16 = arith.constant 0 : index
    %get3A_17 = arith.constant 0 : index
    %get3A_18 = vector.load %arg4[%get3A_16, %get3A_17] : memref<1x128xf32, #tpu.memory_space<vmem>>, vector<1x128xf32>
    %add3A_19 = vector.broadcast %get3A_18 : vector<1x128xf32> to vector<1250x128xf32>
    %add3A_20 = arith.addf %mul3A, %add3A_19 : vector<1250x128xf32>
    %max3A = arith.constant 0.000000e+00 : f32
    %max3A_21 = vector.broadcast %max3A : f32 to vector<1250x128xf32>
    %max3A_22 = arith.maximumf %add3A_20, %max3A_21 : vector<1250x128xf32>
    %get3A_23 = arith.constant 0 : index
    %get3A_24 = arith.constant 0 : index
    %get3A_25 = vector.load %arg3[%get3A_23, %get3A_24] : memref<128x128xf32, #tpu.memory_space<vmem>>, vector<128x128xf32>
    %dot_general3A = arith.constant dense<0.000000e+00> : vector<1250x128xf32>
    %dot_general3A_26 = tpu.matmul %max3A_22, %get3A_25, %dot_general3A {dimension_numbers = #tpu.dot_dimension_numbers<[1], [0], [0], [1], [0, 0, 1, 1], [], []>, transpose_lhs_hint = false} : vector<1250x128xf32>, vector<128x128xf32>, vector<1250x128xf32> -> vector<1250x128xf32>
    %get3A_27 = arith.constant 0 : index
    %get3A_28 = arith.constant 0 : index
    %get3A_29 = vector.load %arg2[%get3A_27, %get3A_28] : memref<1250x128xf32, #tpu.memory_space<vmem>>, vector<1250x128xf32>
    %mul3A_30 = arith.mulf %dot_general3A_26, %get3A_29 : vector<1250x128xf32>
    %swap3A = arith.constant 0 : index
    %swap3A_31 = arith.constant 0 : index
    %swap3A_32 = vector.load %arg5[%swap3A, %swap3A_31] : memref<1250x128xf32, #tpu.memory_space<vmem>>, vector<1250x128xf32>
    tpu.vector_store %arg5[%swap3A, %swap3A_31], %mul3A_30 {strides = array<i32>} : memref<1250x128xf32, #tpu.memory_space<vmem>>, vector<1250x128xf32>,
    return
  }
}

module attributes {stable_mosaic.version = 14 : i64} {
  func.func @_tc3_body(%arg0: memref<2x1280x128xf32, #tpu.memory_space<vmem>>, %arg1: memref<1250x128xf32, #tpu.memory_space<vmem>>, %arg2: memref<1250x128xf32, #tpu.memory_space<vmem>>, %arg3: memref<1x128xf32, #tpu.memory_space<vmem>>, %arg4: memref<128x128xf32, #tpu.memory_space<vmem>>, %arg5: memref<1250x128xf32, #tpu.memory_space<vmem>>) attributes {dimension_semantics = [], scalar_prefetch = 0 : i64, scratch_operands = 0 : i64, tpu.core_type = #tpu.core_type<tc>} {
    %get3A = arith.constant 0 : index
    %get3A_0 = arith.constant 0 : index
    %get3A_1 = arith.constant 0 : index
    %get3A_2 = vector.load %arg0[%get3A, %get3A_0, %get3A_1] : memref<2x1280x128xf32, #tpu.memory_space<vmem>>, vector<1x1250x128xf32>
    %get3A_3 = vector.shape_cast %get3A_2 : vector<1x1250x128xf32> to vector<1250x128xf32>
    %get3A_4 = arith.constant 1 : index
    %get3A_5 = arith.constant 0 : index
    %get3A_6 = arith.constant 0 : index
    %get3A_7 = vector.load %arg0[%get3A_4, %get3A_5, %get3A_6] : memref<2x1280x128xf32, #tpu.memory_space<vmem>>, vector<1x1250x128xf32>
    %get3A_8 = vector.shape_cast %get3A_7 : vector<1x1250x128xf32> to vector<1250x128xf32>
    %add3A = arith.addf %get3A_3, %get3A_8 : vector<1250x128xf32>
    %get3A_9 = arith.constant 0 : index
    %get3A_10 = arith.constant 0 : index
    %get3A_11 = vector.load %arg1[%get3A_9, %get3A_10] : memref<1250x128xf32, #tpu.memory_space<vmem>>, vector<1250x128xf32>
    %add3A_12 = arith.addf %add3A, %get3A_11 : vector<1250x128xf32>
    %get3A_13 = arith.constant 0 : index
    %get3A_14 = arith.constant 0 : index
    %get3A_15 = vector.load %arg2[%get3A_13, %get3A_14] : memref<1250x128xf32, #tpu.memory_space<vmem>>, vector<1250x128xf32>
    %mul3A = arith.mulf %get3A_15, %add3A_12 : vector<1250x128xf32>
    %get3A_16 = arith.constant 0 : index
    %get3A_17 = arith.constant 0 : index
    %get3A_18 = vector.load %arg3[%get3A_16, %get3A_17] : memref<1x128xf32, #tpu.memory_space<vmem>>, vector<1x128xf32>
    %add3A_19 = vector.broadcast %get3A_18 : vector<1x128xf32> to vector<1250x128xf32>
    %add3A_20 = arith.addf %mul3A, %add3A_19 : vector<1250x128xf32>
    %reduce_max3A = arith.constant dense<0xFF800000> : vector<1250xf32>
    %reduce_max3A_21 = vector.multi_reduction <maximumf>, %add3A_20, %reduce_max3A [1] : vector<1250x128xf32> to vector<1250xf32>
    %broadcast_in_dim3A = vector.shape_cast %reduce_max3A_21 : vector<1250xf32> to vector<1250x1xf32>
    %sub3A = vector.broadcast %broadcast_in_dim3A : vector<1250x1xf32> to vector<1250x128xf32>
    %sub3A_22 = arith.subf %add3A_20, %sub3A : vector<1250x128xf32>
    %exp3A = math.exp %sub3A_22 : vector<1250x128xf32>
    %get3A_23 = arith.constant 0 : index
    %get3A_24 = arith.constant 0 : index
    %get3A_25 = vector.load %arg4[%get3A_23, %get3A_24] : memref<128x128xf32, #tpu.memory_space<vmem>>, vector<128x128xf32>
    %dot_general3A = arith.constant dense<0.000000e+00> : vector<1250x128xf32>
    %dot_general3A_26 = tpu.matmul %exp3A, %get3A_25, %dot_general3A {dimension_numbers = #tpu.dot_dimension_numbers<[1], [0], [0], [1], [0, 0, 1, 1], [], []>, transpose_lhs_hint = false} : vector<1250x128xf32>, vector<128x128xf32>, vector<1250x128xf32> -> vector<1250x128xf32>
    %log3A = math.log %dot_general3A_26 : vector<1250x128xf32>
    %sub3A_27 = arith.subf %sub3A_22, %log3A : vector<1250x128xf32>
    %swap3A = arith.constant 0 : index
    %swap3A_28 = arith.constant 0 : index
    %swap3A_29 = vector.load %arg5[%swap3A, %swap3A_28] : memref<1250x128xf32, #tpu.memory_space<vmem>>, vector<1250x128xf32>
    tpu.vector_store %arg5[%swap3A, %swap3A_28], %sub3A_27 {strides = array<i32>} : memref<1250x128xf32, #tpu.memory_space<vmem>>, vector<1250x128xf32>,
    return
  }
}

</mosaic_0001>

<sc_bundles>
// kernel: kernel.12.cloned.1.call-start
scs
__scs_entry_jumppad:
0x0: {  	(pc) =	sbr.rel $0x88, $3  }
0x1: {  	(tag) =	ssettag $0x0;
	lr =	simm.s32 $0x1  }
0x2: {  	[smem:$0x3F9B] =	sst lr;
	_ =	strace $0xD0000000  }
0x3: {  	_ = 	snop  }
0x4: {  	_ = 	snop  }
0x5: {  	_ = 	snop  }
0x6: {  	_ = 	snop  }
0x7: {  	_ = 	snop  }
__scs_overlays_trampoline_lowered:
0x8: {  	[smem:$0x3FAA] =	sst s0  }
0x9: {  	[smem:$0x3FAB] =	sst s1  }
0xa: {  	[smem:$0x3FAC] =	sst s2  }
0xb: {  	[smem:$0x3FAD] =	sst s3  }
0xc: {  	[smem:$0x3FAE] =	sst s4  }
0xd: {  	[smem:$0x3FAF] =	sst s5  }
0xe: {  	[smem:$0x3FB0] =	sst s6  }
0xf: {  	[smem:$0x3FB1] =	sst s7  }
0x10: {  	[smem:$0x3FB2] =	sst s8  }
0x11: {  	[smem:$0x3FB3] =	sst s9;
	s0 =	simm.s32 @!p0 $0x0  }
0x12: {  	s1 =	sld [smem:$0x3F99];
	s0 =	simm.s32 @p0 $0x1  }
0x13: {  	[smem:$0x3FB4] =	sst s0;
	s0 =	simm.s32 @!p1 $0x0  }
0x14: {  	s2 =	sld [smem:$0x3F98];
	s0 =	simm.s32 @p1 $0x1  }
0x15: {  	[smem:$0x3FB5] =	sst s0;
	s0 =	simm.s32 @!p2 $0x0  }
0x16: {  	s3 =	sld [smem:$0x3FDB];
	s0 =	simm.s32 @p2 $0x1  }
0x17: {  	s4 =	simm.s32 $0x1BF5;
	[smem:$0x3FB7] =	sst s0  }
0x18: {  	s0 =	sld [smem:$0x3F9A];
	_ =	swait.ge [sflag:s4], $0x0  }
0x19: {  	s7 =	sld [smem:$0x3F9B]  }
0x1a: {  	s8 =	sadd.s32 $0xFFFFE003, lr  }
0x1b: {  	s9 =	sadd.s32 $0xFFFFFEF7, lr;
	s5 =	simm.s32 $0xFFFFFFFF;
	p2 =	slt.u32 s8, $0xFFFFF086  }
0x1c: {  	p1 =	slt.u32 s9, $0xF7A;
	s5 =	simm.s32 @!p2 $0x0  }
0x1d: {  	s5 =	simm.s32 @p1 $0x1;
	p0 =	seq.s32 s7, s2  }
0x1e: {  	s7 =	smul.u32 @!p0 $0xF7A, s2;
	p2 =	seq.s32 @!p0 s5, $0x0  }
0x1f: {  	s9 =	smul.u32 $0xF7A, s1;
	s8 =	simm.s32 @!p0 $0x1BF5;
	p2 =	por !p2, p0  }
0x20: {  	[sflag:s8] =	ssyncset.s32 @!p0 $0xFFFFF086;
	s6 =	sadd.s32 @!p0 s3, s7;
	s7 =	simm.s32 @!p0 $0x108  }
0x21: {  	s3 =	sadd.s32 s3, s9;
	s6 =	sadd.s32 @!p0 $0x88, s6;
	s7 =	simm.s32 @p2 $0x1082  }
0x22: {  	[simem:s7], [sflag:s8] =	dma.local @!p0 [hbm:s6], $0xF7A  }
0x23: {  	s9 =	sor.u32 $0xD0000000, s2;
	s6 =	simm.s32 $0x108;
	_ =	swait.ge @!p0 [sflag:s8], $0x0  }
0x24: {  	s3 =	sadd.s32 $0x88, s3;
	s6 =	simm.s32 @!p1 $0x1082;
	[sflag:s4] =	ssyncset.s32 $0xFFFFF086  }
0x25: {  	[simem:s6], [sflag:s4] =	dma.local [hbm:s3], $0xF7A  }
0x26: {  	[smem:$0x3F9B] =	sst s1;
	(tag) =	ssettag s2;
	_ =	strace s9  }
0x27: {  	s1 =	sld [smem:$0x3FAB]  }
0x28: {  	s2 =	sld [smem:$0x3FAC]  }
0x29: {  	s4 =	sld [smem:$0x3FAE]  }
0x2a: {  	p0 =	seq.s32 s5, $0x0;
	s5 =	sld [smem:$0x3FAF]  }
0x2b: {  	s6 =	sld [smem:$0x3FB0]  }
0x2c: {  	s7 =	sld [smem:$0x3FB1]  }
0x2d: {  	s3 =	simm.s32 $0x108;
	s8 =	sld [smem:$0x3FB2]  }
0x2e: {  	s3 =	simm.s32 @!p0 $0x1082;
	s9 =	sld [smem:$0x3FB3]  }
0x2f: {  	lr =	sadd.s32 s0, s3;
	s0 =	sld [smem:$0x3FAA]  }
0x30: {  	s3 =	sld [smem:$0x3FAD]  }
0x31: {  	[smem:$0x3FB6] =	sst s10  }
0x32: {  	s10 =	sld [smem:$0x3FB4];
	_ =	sdelay $0x3  }
0x33: {  	p0 =	seq.s32 s10, $0x1;
	s10 =	sld [smem:$0x3FB6];
	_ =	sdelay $0x3  }
0x34: {  	[smem:$0x3FB6] =	sst s10  }
0x35: {  	s10 =	sld [smem:$0x3FB5];
	_ =	sdelay $0x3  }
0x36: {  	p1 =	seq.s32 s10, $0x1;
	s10 =	sld [smem:$0x3FB6];
	_ =	sdelay $0x3  }
0x37: {  	[smem:$0x3FB6] =	sst s10  }
0x38: {  	s10 =	sld [smem:$0x3FB7]  }
0x39: {  	_ = 	snop;
	(pc) =	sbr.ind lr, $3  }
0x3a: {  	_ = 	snop  }
0x3b: {  	_ = 	snop  }
0x3c: {  	p2 =	seq.s32 s10, $0x1;
	s10 =	sld [smem:$0x3FB6]  }
0x3d: {  	_ =	shalt  }
0x3e: {  	_ =	shalt  }
0x3f: {  	_ =	shalt  }
0x40: {  	_ =	shalt  }
0x41: {  	_ =	shalt  }
0x42: {  	_ =	shalt  }
0x43: {  	_ =	shalt  }
0x44: {  	_ =	shalt  }
0x45: {  	_ =	shalt  }
0x46: {  	_ =	shalt  }
0x47: {  	_ =	shalt  }
0x48: {  	_ =	shalt  }
0x49: {  	_ =	shalt  }
0x4a: {  	_ =	shalt  }
0x4b: {  	_ =	shalt  }
0x4c: {  	_ =	shalt  }
0x4d: {  	_ =	shalt  }
0x4e: {  	_ =	shalt  }
0x4f: {  	_ =	shalt  }
0x50: {  	_ =	shalt  }
0x51: {  	_ =	shalt  }
0x52: {  	_ =	shalt  }
0x53: {  	_ =	shalt  }
0x54: {  	_ =	shalt  }
0x55: {  	_ =	shalt  }
0x56: {  	_ =	shalt  }
0x57: {  	_ =	shalt  }
0x58: {  	_ =	shalt  }
0x59: {  	_ =	shalt  }
0x5a: {  	_ =	shalt  }
0x5b: {  	_ =	shalt  }
0x5c: {  	_ =	shalt  }
0x5d: {  	_ =	shalt  }
0x5e: {  	_ =	shalt  }
0x5f: {  	_ =	shalt  }
0x60: {  	_ =	shalt  }
0x61: {  	_ =	shalt  }
0x62: {  	_ =	shalt  }
0x63: {  	_ =	shalt  }
0x64: {  	_ =	shalt  }
0x65: {  	_ =	shalt  }
0x66: {  	_ =	shalt  }
0x67: {  	_ =	shalt  }
0x68: {  	_ =	shalt  }
0x69: {  	_ =	shalt  }
0x6a: {  	_ =	shalt  }
0x6b: {  	_ =	shalt  }
0x6c: {  	_ =	shalt  }
0x6d: {  	_ =	shalt  }
0x6e: {  	_ =	shalt  }
0x6f: {  	_ =	shalt  }
0x70: {  	_ =	shalt  }
0x71: {  	_ =	shalt  }
0x72: {  	_ =	shalt  }
0x73: {  	_ =	shalt  }
0x74: {  	_ =	shalt  }
0x75: {  	_ =	shalt  }
0x76: {  	_ =	shalt  }
0x77: {  	_ =	shalt  }
0x78: {  	_ =	shalt  }
0x79: {  	_ =	shalt  }
0x7a: {  	_ =	shalt  }
0x7b: {  	_ =	shalt  }
0x7c: {  	_ =	shalt  }
0x7d: {  	_ =	shalt  }
0x7e: {  	_ =	shalt  }
0x7f: {  	_ =	shalt  }
0x80: {  	_ =	shalt  }
0x81: {  	_ =	shalt  }
0x82: {  	_ =	shalt  }
0x83: {  	_ =	shalt  }
0x84: {  	_ =	shalt  }
0x85: {  	_ =	shalt  }
0x86: {  	_ =	shalt  }
0x87: {  	_ =	shalt  }
.Lfunc_end0:
.L_simem_size_0:
called_computation.1_lowered:
.L_overlay_start_0:
0x88: {  	s2 =	sld [smem:$0x3FD9]  }
0x89: {  	s3 =	sld [smem:$0x3FFE];
	_ =	sdelay $0x1  }
0x8a: {  	s1 =	srdreg.scid  }
0x8b: {  	s0 =	sand.u32 $0x1, s1  }
0x8c: {  	s17 =	sshll.u32 s0, $0xA;
	s2 =	sadd.s32 s3, s2  }
0x8d: {  	s2 =	sadd.s32 s2, s17  }
0x8e: {  	[smem:$0x3FC2] =	sst s2  }
0x8f: {  	_ = 	snop  }
0x90: {  	s2 =	sld [smem:$0x3FD0];
	(tm) =	ssettm $0x1  }
0x91: {  	s18 =	sld [smem:$0x3FFB];
	_ =	sdelay $0x3  }
0x92: {  	_ =	strace s18  }
0x93: {  	s3 =	sld [smem:$0x3FFC];
	_ =	sdelay $0x3  }
0x94: {  	_ =	strace s3  }
0x95: {  	s3 =	sld [smem:$0x3FFD];
	_ =	sdelay $0x3  }
0x96: {  	_ =	strace s3  }
0x97: {  	_ =	strace $0x8FFFFFFF  }
0x98: {  	s19 =	sld [smem:$0x3FDB];
	_ =	sdelay $0x1  }
0x99: {  	s4 =	simm.s32 $_scs_section_size  }
0x9a: {  	s5 =	simm.s32 $_size__tile_overlayer_lowered;
	s6 =	simm.s32 $_tile_overlayer_lowered  }
0x9b: {  	s22 =	simm.s32 $0x1BFF;
	s21 =	sshll.u32 s6, $0x1;
	s3 =	sadd.s32 s4, s19  }
0x9c: {  	s7 =	simm.s32 $0x0;
	s20 =	sshll.u32 s5, $0x1;
	s5 =	sadd.s32 s21, s3  }
0x9d: {  	[timem:s7], [sflag:s22] =	dma.local [hbm:s5], s20  }
0x9e: {  	_ =	swait.ge [sflag:s22], s20  }
0x9f: {  	s4 =	ssub.s32 $0x0, s20;
	[sflag:s22] =	ssyncset.done $0x0  }
0xa0: {  	[sflag:s22] =	ssyncadd.s32 s4;
	_ =	sdelay $0x1  }
0xa1: {  	s23 =	simm.s32 $0x1B8B  }
0xa2: {  	_ =	swait.ge [sflag:s23], $0x1  }
0xa3: {  	[sflag:s23] =	ssyncset.done $0x0  }
0xa4: {  	s25 =	simm.s32 $0x1B8E;
	s24 =	sld [smem:$0x3FFE];
	[sflag:s23] =	ssyncadd.s32 $0xFFFFFFFF  }
0xa5: {  	s26 =	simm.s32 $execute0_lowered;
	[smem:$0x3FD2] =	sst s25  }
0xa6: {  	s5 =	sshll.u32 s26, $0x1;
	_ =	strace $0x80000049;
	[dreg:$0x1] =	wrdreg $0xFFFFFFFF  }
0xa7: {  	s28 =	simm.s32 $_size_execute0_lowered;
	s3 =	sadd.s32 s3, s5;
	[dreg:$0x0] =	wrdreg $0x0  }
0xa8: {  	s5 =	sshll.u32 s28, $0x1;
	[dreg:$0x2] =	wrdreg s3  }
0xa9: {  	[dreg:$0x3] =	wrdreg s5  }
0xaa: {  	[dreg:$0x4] =	wrdreg $0xC0  }
0xab: {  	_ =	task [dreg:s7], $0x5FFFF  }
0xac: {  	[dreg:$0x1] =	wrdreg $0xFFFFFFFF  }
0xad: {  	[dreg:$0x0] =	wrdreg $0x60  }
0xae: {  	[dreg:$0x2] =	wrdreg s2  }
0xaf: {  	[dreg:$0x3] =	wrdreg s24  }
0xb0: {  	[dreg:$0x4] =	wrdreg $0xBC000  }
0xb1: {  	[dreg:$0x5] =	wrdreg $0x94000  }
0xb2: {  	[dreg:$0x6] =	wrdreg $0x9  }
0xb3: {  	_ =	task.clear_ibuf [dreg:s7], $0x7FFFF;
	_ =	strace $0x90000049  }
0xb4: {  	s29 =	simm.s32 $0x9;
	_ =	strace $0x8000004B  }
0xb5: {  	_ =	swait.ge [sflag:s29], $0x1  }
0xb6: {  	[sflag:s29] =	ssyncadd.s32 $0xFFFFFFFF  }
0xb7: {  	_ =	strace $0x9000004B  }
0xb8: {  	_ =	sfence  }
0xb9: {  	s30 =	sld [smem:$0x0];
	_ =	sdelay $0x2  }
0xba: {  	s31 =	sshll.u32 s1, $0xD;
	s1 =	sshrl.u32 s1, $0x2  }
0xbb: {  	s3 =	sand.u32 $0x4000, s31;
	s1 =	sadd.s32 s1, s30  }
0xbc: {  	s0 =	sor.u32 s3, s0;
	s1 =	sshll.u32 s1, $0x11  }
0xbd: {  	s0 =	sor.u32 s1, s0  }
0xbe: {  	s0 =	sadd.s32 $0x8F2B, s0  }
0xbf: {  	[sflag:s0] =	ssyncadd.remote.s32 $0x1  }
0xc0: {  	_ =	sfence.sel $0xFFFF  }
0xc1: {  	[dreg:$0x0] =	wrdreg $0xFFFFFFFF;
	(pc) =	sbr.abs _section_cstart, $3  }
0xc2: {  	[dreg:$0x1] =	wrdreg $0xFFFFFFFF  }
0xc3: {  	_ =	task.clear_ibuf [dreg:s7], $0x2FFFF;
	_ =	strace $0x9FFFFFFF  }
0xc4: {  	(tm) =	ssettm $0x7FFFFFFF  }
0xc5: {  	_ =	shalt  }
tec
execute0_lowered:
.L_overlay_start_1:
0x0: {  	(tag) =	ssettag $0x1  }
0x1: {  	s0 =	rddreg [dreg:$0x0]  }
0x2: {  	s3 =	rddreg [dreg:$0x1]  }
0x3: {  	s1 =	rddreg [dreg:$0x2]  }
0x4: {  	s2 =	rddreg [dreg:$0x3];
	s4 =	srdreg.scid  }
0x5: {  	s22 =	simm.s32 $0x0;
	s12 =	stileid.u32;
	s28 =	simm.s32 $0x2  }
0x6: {  	s30 =	simm.s32 $0x11;
	s31 =	simm.s32 $0x12;
	s6 =	smul.u32 $0x2800, s12  }
0x7: {  	s4 =	sand.u32 $0x1, s4;
	[smem:$0x7FF] =	sst s22;
	s11 =	smul.u32 $0x2710, s12  }
0x8: {  	s7 =	sshll.u32 s12, $0x1;
	s8 =	sadd.s32 $0x2C00, s3;
	s24 =	smul.u32 $0xA000, s12  }
0x9: {  	s25 =	sshll.u32 s12, $0x6;
	s5 =	smul.u32 $0x28000, s4;
	_ =	strace $0x8000004A  }
0xa: {  	s7 =	sor.u32 s4, s7;
	s9 =	ssub.s32 $0x2, s4;
	[dreg:$0x7] =	wrdreg s25  }
0xb: {  	s7 =	smul.u32 $0x2710, s7;
	s10 =	sshrl.u32 s9, $0x1;
	s23 =	sshrl.u32 s11, $0x3  }
0xc: {  	s5 =	sadd.s32 s6, s5;
	s21 =	ssub.s32 s9, s10;
	s0 =	sadd.s32 s0, s23  }
0xd: {  	s10 =	sadd.s32 s11, s1;
	[dreg:$0x6] =	wrdreg s0;
	s0 =	sor.u32 $0x1C03, s25  }
0xe: {  	s7 =	sshrl.u32 s7, $0x3;
	s25 =	sshrl.u32 s10, $0x3;
	[dreg:$0x8] =	wrdreg s0  }
0xf: {  	s5 =	sshrl.u32 s5, $0x3;
	s13 =	sadd.s32 s8, s7;
	[dreg:$0x16] =	wrdreg s25  }
0x10: {  	s3 =	sadd.s32 s5, s3;
	s5 =	smax.u32 s21, $0x1;
	[dreg:$0x5] =	wrdreg s13  }
0x11: {  	s29 =	simm.s32 $0x13;
	s26 =	sadd.s32 $0xA120, s13;
	[dreg:$0xc] =	wrdreg s5  }
0x12: {  	s7 =	sshrl.u32 s24, $0x2;
	s11 =	sadd.s32 $0x16600, s3;
	[dreg:$0x9] =	wrdreg s26  }
0x13: {  	s4 =	smul.u32 $0x2710, s4;
	s9 =	sadd.s32 s7, s2;
	[dreg:$0xb] =	wrdreg s11  }
0x14: {  	s14 =	sadd.s32 s6, s2;
	s15 =	sadd.s32 $0x400, s9;
	[dreg:$0xa] =	wrdreg s9  }
0x15: {  	s6 =	simm.s32 $0x0;
	s16 =	sadd.s32 $0x800, s9;
	[dreg:$0xd] =	wrdreg s15  }
0x16: {  	s10 =	simm.s32 $0x10;
	s17 =	sadd.s32 $0xC00, s9;
	[dreg:$0xe] =	wrdreg s16  }
0x17: {  	s25 =	simm.s32 $0xB;
	s18 =	sadd.s32 $0x1000, s9;
	[dreg:$0xf] =	wrdreg s17  }
0x18: {  	s13 =	smul.u32 $0x4E20, s12;
	s19 =	sadd.s32 $0x1400, s9;
	[dreg:$0x10] =	wrdreg s18  }
0x19: {  	s12 =	simm.s32 $0x7000;
	s20 =	sadd.s32 $0x1800, s9;
	[dreg:$0x11] =	wrdreg s19  }
0x1a: {  	s5 =	simm.s32 $0x6;
	s21 =	sadd.s32 $0x1C00, s9;
	[dreg:$0x12] =	wrdreg s20  }
0x1b: {  	s7 =	simm.s32 $0xD;
	s23 =	sadd.s32 $0x2000, s9;
	[dreg:$0x13] =	wrdreg s21  }
0x1c: {  	s24 =	sadd.s32 $0x2400, s9;
	s26 =	sshrl.u32 s14, $0x3;
	[dreg:$0x14] =	wrdreg s23  }
0x1d: {  	s9 =	simm.s32 $0x6800;
	s11 =	simm.s32 $0x4;
	[dreg:$0x15] =	wrdreg s24  }
0x1e: {  	s14 =	simm.s32 $0x7800;
	s0 =	sadd.s32 s4, s13;
	[dreg:$0x17] =	wrdreg s26  }
0x1f: {  	s13 =	simm.s32 $0x5;
	s15 =	simm.s32 $0x8000;
	s16 =	simm.s32 $0x7  }
0x20: {  	s17 =	simm.s32 $0x8800;
	s24 =	simm.s32 $0xC;
	s0 =	sadd.s32 $0x4E200, s0  }
0x21: {  	s18 =	simm.s32 $0x8;
	s19 =	simm.s32 $0x9;
	s0 =	sshrl.u32 s0, $0x3  }
0x22: {  	s20 =	simm.s32 $0xE;
	s21 =	simm.s32 $0xA;
	s0 =	sadd.s32 s0, s8  }
0x23: {  	v0 =	vimm.s32 $0x2710;
	v1 =	vimm.s32 $0x0;
	v2 =	vimm.f32 $0.0e+00;
	s23 =	simm.s32 $0xF;
	[dreg:$0x19] =	wrdreg s0;
	s0 =	simm.s32 $0x80  }
.LBB2_1:
0x24: {  	[dreg:$0x18] =	wrdreg s6  }
0x25: {  	s3 =	rddreg [dreg:$0x5]  }
0x26: {  	s26 =	rddreg [dreg:$0x6]  }
0x27: {  	s4 =	rddreg [dreg:$0x8]  }
0x28: {  	s8 =	rddreg [dreg:$0x16]  }
0x29: {  	[tilespmem:s22], [sflag:$0x1] =	stream.linear.gather [hbm4b:s3+s22], $0x2710, $0x38;
	[tilespmem:$0xE310] =	vst v63  }
0x2a: {  	[spmem:s8], [sflag:s4] =	dma.local [hbm:s26], $0x4E2  }
0x2b: {  	s22 =	simm.s32 $0x2800;
	s4 =	simm.s32 $0x10;
	s6 =	rddreg [dreg:$0x19]  }
0x2c: {  	s26 =	simm.s32 $0x2880;
	s8 =	simm.s32 $0x0;
	s3 =	sadd.s32 $0x0, s6  }
.LBB2_2:
0x2d: {  	[tilespmem:s22], [sflag:$0x2] =	stream.linear.gather [hbm4b:s3+s8], $0x80, $0x38;
	[tilespmem:$0xE310] =	vst v63  }
0x2e: {  	s3 =	smov.u32 s4;
	s22 =	smov.u32 s26;
	p0 =	sne.s32 s4, $0x4D0  }
.Ltmp0:
0x2f: {  	s4 =	sadd.s32 $0x10, s4;
	(pc) =	sbr.rel @p0 .LBB2_2-.Ltmp0, $2  }
0x30: {  	_ =	sdelay $0x2  }
0x31: {  	s26 =	sadd.s32 $0x80, s26;
	s3 =	sadd.s32 s3, s6  }
0x32: {  	[tilespmem:s22], [sflag:$0x2] =	stream.linear.gather [hbm4b:s3+s8], $0x80, $0x38;
	[tilespmem:$0xE310] =	vst v63  }
0x33: {  	s22 =	rddreg [dreg:$0x9];
	s4 =	simm.s32 $0x4F00;
	s26 =	simm.s32 $0x14  }
0x34: {  	[tilespmem:s4], [sflag:$0x14] =	stream.linear.gather [hbm4b:s22+s8], $0x10, $0x38;
	[tilespmem:$0xE310] =	vst v63  }
0x35: {  	_ =	swait.ge [sflag:s26], $0x10  }
0x36: {  	[sflag:s26] =	ssyncset.done $0x0  }
0x37: {  	[sflag:s26] =	ssyncadd.s32 $0xFFFFFFF0  }
0x38: {  	[tilespmem:$0x4F10] =	vst v0  }
0x39: {  	[tilespmem:$0x4F20] =	vst v0  }
0x3a: {  	[tilespmem:$0x4F30] =	vst v0  }
0x3b: {  	[tilespmem:$0x4F40] =	vst v0  }
0x3c: {  	[tilespmem:$0x4F50] =	vst v0  }
0x3d: {  	[tilespmem:$0x4F60] =	vst v0  }
0x3e: {  	[tilespmem:$0x4F70] =	vst v0  }
0x3f: {  	[tilespmem:$0x4F80] =	vst v0  }
0x40: {  	[tilespmem:$0x4F90] =	vst v0  }
0x41: {  	[tilespmem:$0x4FA0] =	vst v0  }
0x42: {  	[tilespmem:$0x4FB0] =	vst v0  }
0x43: {  	[tilespmem:$0x4FC0] =	vst v0  }
0x44: {  	[tilespmem:$0x4FD0] =	vst v0  }
0x45: {  	[tilespmem:$0x4FE0] =	vst v0  }
0x46: {  	[tilespmem:$0x4FF0] =	vst v0  }
0x47: {  	_ =	swait.ge [sflag:s28], $0x80  }
0x48: {  	s4 =	simm.s32 $0x4D;
	[sflag:s28] =	ssyncset.done $0x0  }
.LBB2_4:
0x49: {  	p0 =	sne.s32 s4, $0x1;
	s4 =	sadd.s32 $0xFFFFFFFF, s4;
	[sflag:s28] =	ssyncadd.s32 $0xFFFFFF80  }
.Ltmp1:
0x4a: {  	(pc) =	sbr.rel @p0 .LBB2_4-.Ltmp1, $3  }
0x4b: {  	_ =	sdelay $0x1  }
0x4c: {  	_ =	swait.ge [sflag:s28], $0x80  }
0x4d: {  	[sflag:s28] =	ssyncset.done $0x0  }
0x4e: {  	[sflag:s28] =	ssyncadd.s32 $0xFFFFFF80  }
0x4f: {  	[tilespmem:$0x2710] =	vst v1  }
0x50: {  	[tilespmem:$0x2720] =	vst v1  }
0x51: {  	[tilespmem:$0x2730] =	vst v1  }
0x52: {  	[tilespmem:$0x2740] =	vst v1  }
0x53: {  	[tilespmem:$0x2750] =	vst v1  }
0x54: {  	[tilespmem:$0x2760] =	vst v1  }
0x55: {  	[tilespmem:$0x2770] =	vst v1  }
0x56: {  	[tilespmem:$0x2780] =	vst v1  }
0x57: {  	[tilespmem:$0x2790] =	vst v1  }
0x58: {  	[tilespmem:$0x27A0] =	vst v1  }
0x59: {  	[tilespmem:$0x27B0] =	vst v1  }
0x5a: {  	[tilespmem:$0x27C0] =	vst v1  }
0x5b: {  	[tilespmem:$0x27D0] =	vst v1  }
0x5c: {  	[tilespmem:$0x27E0] =	vst v1  }
0x5d: {  	s4 =	simm.s32 $0x40;
	s3 =	simm.s32 $0x0;
	[tilespmem:$0x27F0] =	vst v1  }
.LBB2_6:
0x5e: {  	p0 =	sne.s32 s4, $0xFC0;
	[tilespmem:s3+$0x9000] =	vst v2;
	s3 =	smov.u32 s4;
	s4 =	sadd.s32 $0x40, s4  }
.Ltmp2:
0x5f: {  	(pc) =	sbr.rel @p0 .LBB2_6-.Ltmp2, $2  }
0x60: {  	_ =	sdelay $0x2  }
0x61: {  	s3 =	sshra.s32 s3, $0x2  }
0x62: {  	[tilespmem:s3+$0x9000] =	vst v2;
	s4 =	rddreg [dreg:$0xa];
	s26 =	simm.s32 $0x9000  }
0x63: {  	[spmem:s4] =	stream.linear.scatter [tilespmem:s26], [sflag:$0x14], $0x400, $0x38;
	[tilespmem:$0xE310] =	vst v63  }
0x64: {  	s4 =	simm.s32 $0x14  }
0x65: {  	_ =	swait.ge [sflag:s4], $0x400  }
0x66: {  	[sflag:s4] =	ssyncset.done $0x0  }
0x67: {  	s6 =	rddreg [dreg:$0xd];
	[sflag:s4] =	ssyncadd.s32 $0xFFFFFC00  }
0x68: {  	[spmem:s6] =	stream.linear.scatter [tilespmem:s26], [sflag:$0x14], $0x400, $0x38;
	[tilespmem:$0xE310] =	vst v63  }
0x69: {  	_ =	swait.ge [sflag:s4], $0x400  }
0x6a: {  	[sflag:s4] =	ssyncset.done $0x0  }
0x6b: {  	s8 =	rddreg [dreg:$0xe];
	[sflag:s4] =	ssyncadd.s32 $0xFFFFFC00  }
0x6c: {  	[spmem:s8] =	stream.linear.scatter [tilespmem:s26], [sflag:$0x14], $0x400, $0x38;
	[tilespmem:$0xE310] =	vst v63  }
0x6d: {  	_ =	swait.ge [sflag:s4], $0x400  }
0x6e: {  	[sflag:s4] =	ssyncset.done $0x0  }
0x6f: {  	s22 =	rddreg [dreg:$0xf];
	[sflag:s4] =	ssyncadd.s32 $0xFFFFFC00  }
0x70: {  	[spmem:s22] =	stream.linear.scatter [tilespmem:s26], [sflag:$0x14], $0x400, $0x38;
	[tilespmem:$0xE310] =	vst v63  }
0x71: {  	_ =	swait.ge [sflag:s4], $0x400  }
0x72: {  	[sflag:s4] =	ssyncset.done $0x0  }
0x73: {  	s6 =	rddreg [dreg:$0x10];
	[sflag:s4] =	ssyncadd.s32 $0xFFFFFC00  }
0x74: {  	[spmem:s6] =	stream.linear.scatter [tilespmem:s26], [sflag:$0x14], $0x400, $0x38;
	[tilespmem:$0xE310] =	vst v63  }
0x75: {  	_ =	swait.ge [sflag:s4], $0x400  }
0x76: {  	[sflag:s4] =	ssyncset.done $0x0  }
0x77: {  	s8 =	rddreg [dreg:$0x11];
	[sflag:s4] =	ssyncadd.s32 $0xFFFFFC00  }
0x78: {  	[spmem:s8] =	stream.linear.scatter [tilespmem:s26], [sflag:$0x14], $0x400, $0x38;
	[tilespmem:$0xE310] =	vst v63  }
0x79: {  	_ =	swait.ge [sflag:s4], $0x400  }
0x7a: {  	[sflag:s4] =	ssyncset.done $0x0  }
0x7b: {  	s22 =	rddreg [dreg:$0x12];
	[sflag:s4] =	ssyncadd.s32 $0xFFFFFC00  }
0x7c: {  	[spmem:s22] =	stream.linear.scatter [tilespmem:s26], [sflag:$0x14], $0x400, $0x38;
	[tilespmem:$0xE310] =	vst v63  }
0x7d: {  	_ =	swait.ge [sflag:s4], $0x400  }
0x7e: {  	[sflag:s4] =	ssyncset.done $0x0  }
0x7f: {  	s6 =	rddreg [dreg:$0x13];
	[sflag:s4] =	ssyncadd.s32 $0xFFFFFC00  }
0x80: {  	[spmem:s6] =	stream.linear.scatter [tilespmem:s26], [sflag:$0x14], $0x400, $0x38;
	[tilespmem:$0xE310] =	vst v63  }
0x81: {  	_ =	swait.ge [sflag:s4], $0x400  }
0x82: {  	[sflag:s4] =	ssyncset.done $0x0  }
0x83: {  	s8 =	rddreg [dreg:$0x14];
	[sflag:s4] =	ssyncadd.s32 $0xFFFFFC00  }
0x84: {  	[spmem:s8] =	stream.linear.scatter [tilespmem:s26], [sflag:$0x14], $0x400, $0x38;
	[tilespmem:$0xE310] =	vst v63  }
0x85: {  	_ =	swait.ge [sflag:s4], $0x400  }
0x86: {  	[sflag:s4] =	ssyncset.done $0x0  }
0x87: {  	s22 =	rddreg [dreg:$0x15];
	[sflag:s4] =	ssyncadd.s32 $0xFFFFFC00  }
0x88: {  	[spmem:s22] =	stream.linear.scatter [tilespmem:s26], [sflag:$0x14], $0x400, $0x38;
	[tilespmem:$0xE310] =	vst v63  }
0x89: {  	_ =	swait.ge [sflag:s4], $0x400  }
0x8a: {  	[sflag:s4] =	ssyncset.done $0x0  }
0x8b: {  	s6 =	simm.s32 $0x1;
	[sflag:s4] =	ssyncadd.s32 $0xFFFFFC00  }
0x8c: {  	_ =	swait.ge [sflag:s6], $0x2710  }
0x8d: {  	[sflag:s6] =	ssyncset.done $0x0  }
0x8e: {  	s8 =	simm.s32 $0x3;
	[sflag:s6] =	ssyncadd.s32 $0xFFFFD8F0  }
0x8f: {  	_ =	swait.ge [sflag:s8], $0x4E2  }
0x90: {  	[sflag:s8] =	ssyncset.done $0x0  }
0x91: {  	[sflag:s8] =	ssyncadd.s32 $0xFFFFFB1E  }
0x92: {  	s22 =	simm.s32 $0x0;
	s8 =	simm.s32 $0x5000;
	[bflag:$0x0] =	sbarrier.arrive $0xFFFF  }
0x93: {  	[tilespmem:s8], [sflag:$0x4] =	stream.indirect.gather [spmem:s1], $0x10, s22, s0, $0xb8;
	[tilespmem:$0xE310] =	vst v63  }
0x94: {  	s22 =	simm.s32 $0x5800  }
0x95: {  	[tilespmem:s22], [sflag:$0x5] =	stream.indirect.gather [spmem:s1], $0x10, s0, s0, $0xb8;
	[tilespmem:$0xE310] =	vst v63  }
0x96: {  	s26 =	simm.s32 $0x100;
	s6 =	simm.s32 $0x6000  }
0x97: {  	[tilespmem:s6], [sflag:$0x6] =	stream.indirect.gather [spmem:s1], $0x10, s26, s0, $0xb8;
	[tilespmem:$0xE310] =	vst v63  }
0x98: {  	s4 =	simm.s32 $0x180  }
0x99: {  	[tilespmem:s9], [sflag:$0x7] =	stream.indirect.gather [spmem:s1], $0x10, s4, s0, $0xb8;
	[tilespmem:$0xE310] =	vst v63  }
0x9a: {  	_ =	swait.ge [sflag:s11], $0x800  }
0x9b: {  	[sflag:s11] =	ssyncset.done $0x0  }
0x9c: {  	s26 =	simm.s32 $0x2800;
	[sflag:s11] =	ssyncadd.s32 $0xFFFFF800  }
0x9d: {  	[spmem:s2] =	stream.indirect.scatter.add.f32 [tilespmem:s8], [sflag:$0xC], $0x10, s26, s0, $0xb8;
	[tilespmem:$0xE310] =	vst v63  }
0x9e: {  	s4 =	simm.s32 $0x200  }
0x9f: {  	[tilespmem:s12], [sflag:$0x8] =	stream.indirect.gather [spmem:s1], $0x10, s4, s0, $0xb8;
	[tilespmem:$0xE310] =	vst v63  }
0xa0: {  	_ =	swait.ge [sflag:s13], $0x800  }
0xa1: {  	[sflag:s13] =	ssyncset.done $0x0  }
0xa2: {  	s26 =	simm.s32 $0x2880;
	[sflag:s13] =	ssyncadd.s32 $0xFFFFF800  }
0xa3: {  	[spmem:s2] =	stream.indirect.scatter.add.f32 [tilespmem:s22], [sflag:$0xD], $0x10, s26, s0, $0xb8;
	[tilespmem:$0xE310] =	vst v63  }
0xa4: {  	s4 =	simm.s32 $0x280  }
0xa5: {  	[tilespmem:s14], [sflag:$0x9] =	stream.indirect.gather [spmem:s1], $0x10, s4, s0, $0xb8;
	[tilespmem:$0xE310] =	vst v63  }
0xa6: {  	_ =	swait.ge [sflag:s5], $0x800  }
0xa7: {  	[sflag:s5] =	ssyncset.done $0x0  }
0xa8: {  	s26 =	simm.s32 $0x2900;
	[sflag:s5] =	ssyncadd.s32 $0xFFFFF800  }
0xa9: {  	[spmem:s2] =	stream.indirect.scatter.add.f32 [tilespmem:s6], [sflag:$0xE], $0x10, s26, s0, $0xb8;
	[tilespmem:$0xE310] =	vst v63  }
0xaa: {  	s4 =	simm.s32 $0x300  }
0xab: {  	[tilespmem:s15], [sflag:$0xA] =	stream.indirect.gather [spmem:s1], $0x10, s4, s0, $0xb8;
	[tilespmem:$0xE310] =	vst v63  }
0xac: {  	_ =	swait.ge [sflag:s16], $0x800  }
0xad: {  	[sflag:s16] =	ssyncset.done $0x0  }
0xae: {  	s26 =	simm.s32 $0x2980;
	[sflag:s16] =	ssyncadd.s32 $0xFFFFF800  }
0xaf: {  	[spmem:s2] =	stream.indirect.scatter.add.f32 [tilespmem:s9], [sflag:$0xF], $0x10, s26, s0, $0xb8;
	[tilespmem:$0xE310] =	vst v63  }
0xb0: {  	s4 =	simm.s32 $0x380  }
0xb1: {  	[tilespmem:s17], [sflag:$0xB] =	stream.indirect.gather [spmem:s1], $0x10, s4, s0, $0xb8;
	[tilespmem:$0xE310] =	vst v63  }
0xb2: {  	_ =	swait.ge [sflag:s24], $0x800  }
0xb3: {  	[sflag:s24] =	ssyncset.done $0x0  }
0xb4: {  	[sflag:s24] =	ssyncadd.s32 $0xFFFFF800  }
0xb5: {  	_ =	swait.ge [sflag:s18], $0x800  }
0xb6: {  	[sflag:s18] =	ssyncset.done $0x0  }
0xb7: {  	s26 =	simm.s32 $0x2A00;
	[sflag:s18] =	ssyncadd.s32 $0xFFFFF800  }
0xb8: {  	[spmem:s2] =	stream.indirect.scatter.add.f32 [tilespmem:s12], [sflag:$0x10], $0x10, s26, s0, $0xb8;
	[tilespmem:$0xE310] =	vst v63  }
0xb9: {  	s4 =	simm.s32 $0x400  }
0xba: {  	[tilespmem:s8], [sflag:$0x4] =	stream.indirect.gather [spmem:s1], $0x10, s4, s0, $0xb8;
	[tilespmem:$0xE310] =	vst v63  }
0xbb: {  	_ =	swait.ge [sflag:s7], $0x800  }
0xbc: {  	[sflag:s7] =	ssyncset.done $0x0  }
0xbd: {  	[sflag:s7] =	ssyncadd.s32 $0xFFFFF800  }
0xbe: {  	_ =	swait.ge [sflag:s19], $0x800  }
0xbf: {  	[sflag:s19] =	ssyncset.done $0x0  }
0xc0: {  	s26 =	simm.s32 $0x2A80;
	[sflag:s19] =	ssyncadd.s32 $0xFFFFF800  }
0xc1: {  	[spmem:s2] =	stream.indirect.scatter.add.f32 [tilespmem:s14], [sflag:$0x11], $0x10, s26, s0, $0xb8;
	[tilespmem:$0xE310] =	vst v63  }
0xc2: {  	s4 =	simm.s32 $0x480  }
0xc3: {  	[tilespmem:s22], [sflag:$0x5] =	stream.indirect.gather [spmem:s1], $0x10, s4, s0, $0xb8;
	[tilespmem:$0xE310] =	vst v63  }
0xc4: {  	_ =	swait.ge [sflag:s20], $0x800  }
0xc5: {  	[sflag:s20] =	ssyncset.done $0x0  }
0xc6: {  	[sflag:s20] =	ssyncadd.s32 $0xFFFFF800  }
0xc7: {  	_ =	swait.ge [sflag:s21], $0x800  }
0xc8: {  	[sflag:s21] =	ssyncset.done $0x0  }
0xc9: {  	s26 =	simm.s32 $0x2B00;
	[sflag:s21] =	ssyncadd.s32 $0xFFFFF800  }
0xca: {  	[spmem:s2] =	stream.indirect.scatter.add.f32 [tilespmem:s15], [sflag:$0x12], $0x10, s26, s0, $0xb8;
	[tilespmem:$0xE310] =	vst v63  }
0xcb: {  	s4 =	simm.s32 $0x500  }
0xcc: {  	[tilespmem:s6], [sflag:$0x6] =	stream.indirect.gather [spmem:s1], $0x10, s4, s0, $0xb8;
	[tilespmem:$0xE310] =	vst v63  }
0xcd: {  	_ =	swait.ge [sflag:s23], $0x800  }
0xce: {  	[sflag:s23] =	ssyncset.done $0x0  }
0xcf: {  	[sflag:s23] =	ssyncadd.s32 $0xFFFFF800  }
0xd0: {  	_ =	swait.ge [sflag:s25], $0x800  }
0xd1: {  	[sflag:s25] =	ssyncset.done $0x0  }
0xd2: {  	s26 =	simm.s32 $0x2B80;
	[sflag:s25] =	ssyncadd.s32 $0xFFFFF800  }
0xd3: {  	[spmem:s2] =	stream.indirect.scatter.add.f32 [tilespmem:s17], [sflag:$0x13], $0x10, s26, s0, $0xb8;
	[tilespmem:$0xE310] =	vst v63  }
0xd4: {  	s4 =	simm.s32 $0x580  }
0xd5: {  	[tilespmem:s9], [sflag:$0x7] =	stream.indirect.gather [spmem:s1], $0x10, s4, s0, $0xb8;
	[tilespmem:$0xE310] =	vst v63  }
0xd6: {  	_ =	swait.ge [sflag:s10], $0x800  }
0xd7: {  	[sflag:s10] =	ssyncset.done $0x0  }
0xd8: {  	[sflag:s10] =	ssyncadd.s32 $0xFFFFF800  }
0xd9: {  	_ =	swait.ge [sflag:s11], $0x800  }
0xda: {  	[sflag:s11] =	ssyncset.done $0x0  }
0xdb: {  	s26 =	simm.s32 $0x2C00;
	[sflag:s11] =	ssyncadd.s32 $0xFFFFF800  }
0xdc: {  	[spmem:s2] =	stream.indirect.scatter.add.f32 [tilespmem:s8], [sflag:$0xC], $0x10, s26, s0, $0xb8;
	[tilespmem:$0xE310] =	vst v63  }
0xdd: {  	s4 =	simm.s32 $0x600  }
0xde: {  	[tilespmem:s12], [sflag:$0x8] =	stream.indirect.gather [spmem:s1], $0x10, s4, s0, $0xb8;
	[tilespmem:$0xE310] =	vst v63  }
0xdf: {  	_ =	swait.ge [sflag:s30], $0x800  }
0xe0: {  	[sflag:s30] =	ssyncset.done $0x0  }
0xe1: {  	[sflag:s30] =	ssyncadd.s32 $0xFFFFF800  }
0xe2: {  	_ =	swait.ge [sflag:s13], $0x800  }
0xe3: {  	[sflag:s13] =	ssyncset.done $0x0  }
0xe4: {  	s26 =	simm.s32 $0x2C80;
	[sflag:s13] =	ssyncadd.s32 $0xFFFFF800  }
0xe5: {  	[spmem:s2] =	stream.indirect.scatter.add.f32 [tilespmem:s22], [sflag:$0xD], $0x10, s26, s0, $0xb8;
	[tilespmem:$0xE310] =	vst v63  }
0xe6: {  	s4 =	simm.s32 $0x680  }
0xe7: {  	[tilespmem:s14], [sflag:$0x9] =	stream.indirect.gather [spmem:s1], $0x10, s4, s0, $0xb8;
	[tilespmem:$0xE310] =	vst v63  }
0xe8: {  	_ =	swait.ge [sflag:s31], $0x800  }
0xe9: {  	[sflag:s31] =	ssyncset.done $0x0  }
0xea: {  	[sflag:s31] =	ssyncadd.s32 $0xFFFFF800  }
0xeb: {  	_ =	swait.ge [sflag:s5], $0x800  }
0xec: {  	[sflag:s5] =	ssyncset.done $0x0  }
0xed: {  	s26 =	simm.s32 $0x2D00;
	[sflag:s5] =	ssyncadd.s32 $0xFFFFF800  }
0xee: {  	[spmem:s2] =	stream.indirect.scatter.add.f32 [tilespmem:s6], [sflag:$0xE], $0x10, s26, s0, $0xb8;
	[tilespmem:$0xE310] =	vst v63  }
0xef: {  	s4 =	simm.s32 $0x700  }
0xf0: {  	[tilespmem:s15], [sflag:$0xA] =	stream.indirect.gather [spmem:s1], $0x10, s4, s0, $0xb8;
	[tilespmem:$0xE310] =	vst v63  }
0xf1: {  	_ =	swait.ge [sflag:s29], $0x800  }
0xf2: {  	[sflag:s29] =	ssyncset.done $0x0  }
0xf3: {  	[sflag:s29] =	ssyncadd.s32 $0xFFFFF800  }
0xf4: {  	_ =	swait.ge [sflag:s16], $0x800  }
0xf5: {  	[sflag:s16] =	ssyncset.done $0x0  }
0xf6: {  	s26 =	simm.s32 $0x2D80;
	[sflag:s16] =	ssyncadd.s32 $0xFFFFF800  }
0xf7: {  	[spmem:s2] =	stream.indirect.scatter.add.f32 [tilespmem:s9], [sflag:$0xF], $0x10, s26, s0, $0xb8;
	[tilespmem:$0xE310] =	vst v63  }
0xf8: {  	s3 =	simm.s32 $0x780;
	s26 =	simm.s32 $0x1000  }
.LBB2_8:
0xf9: {  	[tilespmem:s17], [sflag:$0xB] =	stream.indirect.gather [spmem:s1], $0x10, s3, s0, $0xb8;
	[tilespmem:$0xE310] =	vst v63  }
0xfa: {  	s3 =	smov.u32 s26  }
0xfb: {  	p0 =	sne.s32 s26, $0x8000;
	s26 =	sadd.s32 $0x1000, s26;
	_ =	swait.ge [sflag:s24], $0x800  }
0xfc: {  	[sflag:s24] =	ssyncset.done $0x0  }
0xfd: {  	[sflag:s24] =	ssyncadd.s32 $0xFFFFF800  }
0xfe: {  	_ =	swait.ge [sflag:s18], $0x800  }
0xff: {  	s4 =	sshra.s32 s3, $0x2;
	[sflag:s18] =	ssyncset.done $0x0  }
0x100: {  	s3 =	sadd.s32 $0x2A00, s4;
	[sflag:s18] =	ssyncadd.s32 $0xFFFFF800  }
0x101: {  	[spmem:s2] =	stream.indirect.scatter.add.f32 [tilespmem:s12], [sflag:$0x10], $0x10, s3, s0, $0xb8;
	[tilespmem:$0xE310] =	vst v63  }
0x102: {  	s3 =	sadd.s32 $0x400, s4  }
0x103: {  	[tilespmem:s8], [sflag:$0x4] =	stream.indirect.gather [spmem:s1], $0x10, s3, s0, $0xb8;
	[tilespmem:$0xE310] =	vst v63  }
0x104: {  	_ =	swait.ge [sflag:s7], $0x800  }
0x105: {  	[sflag:s7] =	ssyncset.done $0x0  }
0x106: {  	[sflag:s7] =	ssyncadd.s32 $0xFFFFF800  }
0x107: {  	_ =	swait.ge [sflag:s19], $0x800  }
0x108: {  	[sflag:s19] =	ssyncset.done $0x0  }
0x109: {  	s3 =	sadd.s32 $0x2A80, s4;
	[sflag:s19] =	ssyncadd.s32 $0xFFFFF800  }
0x10a: {  	[spmem:s2] =	stream.indirect.scatter.add.f32 [tilespmem:s14], [sflag:$0x11], $0x10, s3, s0, $0xb8;
	[tilespmem:$0xE310] =	vst v63  }
0x10b: {  	s3 =	sadd.s32 $0x480, s4  }
0x10c: {  	[tilespmem:s22], [sflag:$0x5] =	stream.indirect.gather [spmem:s1], $0x10, s3, s0, $0xb8;
	[tilespmem:$0xE310] =	vst v63  }
0x10d: {  	_ =	swait.ge [sflag:s20], $0x800  }
0x10e: {  	[sflag:s20] =	ssyncset.done $0x0  }
0x10f: {  	[sflag:s20] =	ssyncadd.s32 $0xFFFFF800  }
0x110: {  	_ =	swait.ge [sflag:s21], $0x800  }
0x111: {  	[sflag:s21] =	ssyncset.done $0x0  }
0x112: {  	s3 =	sadd.s32 $0x2B00, s4;
	[sflag:s21] =	ssyncadd.s32 $0xFFFFF800  }
0x113: {  	[spmem:s2] =	stream.indirect.scatter.add.f32 [tilespmem:s15], [sflag:$0x12], $0x10, s3, s0, $0xb8;
	[tilespmem:$0xE310] =	vst v63  }
0x114: {  	s3 =	sadd.s32 $0x500, s4  }
0x115: {  	[tilespmem:s6], [sflag:$0x6] =	stream.indirect.gather [spmem:s1], $0x10, s3, s0, $0xb8;
	[tilespmem:$0xE310] =	vst v63  }
0x116: {  	_ =	swait.ge [sflag:s23], $0x800  }
0x117: {  	[sflag:s23] =	ssyncset.done $0x0  }
0x118: {  	[sflag:s23] =	ssyncadd.s32 $0xFFFFF800  }
0x119: {  	_ =	swait.ge [sflag:s25], $0x800  }
0x11a: {  	[sflag:s25] =	ssyncset.done $0x0  }
0x11b: {  	s3 =	sadd.s32 $0x2B80, s4;
	[sflag:s25] =	ssyncadd.s32 $0xFFFFF800  }
0x11c: {  	[spmem:s2] =	stream.indirect.scatter.add.f32 [tilespmem:s17], [sflag:$0x13], $0x10, s3, s0, $0xb8;
	[tilespmem:$0xE310] =	vst v63  }
0x11d: {  	s3 =	sadd.s32 $0x580, s4  }
0x11e: {  	[tilespmem:s9], [sflag:$0x7] =	stream.indirect.gather [spmem:s1], $0x10, s3, s0, $0xb8;
	[tilespmem:$0xE310] =	vst v63  }
0x11f: {  	_ =	swait.ge [sflag:s10], $0x800  }
0x120: {  	[sflag:s10] =	ssyncset.done $0x0  }
0x121: {  	[sflag:s10] =	ssyncadd.s32 $0xFFFFF800  }
0x122: {  	_ =	swait.ge [sflag:s11], $0x800  }
0x123: {  	[sflag:s11] =	ssyncset.done $0x0  }
0x124: {  	s3 =	sadd.s32 $0x2C00, s4;
	[sflag:s11] =	ssyncadd.s32 $0xFFFFF800  }
0x125: {  	[spmem:s2] =	stream.indirect.scatter.add.f32 [tilespmem:s8], [sflag:$0xC], $0x10, s3, s0, $0xb8;
	[tilespmem:$0xE310] =	vst v63  }
0x126: {  	s3 =	sadd.s32 $0x600, s4  }
0x127: {  	[tilespmem:s12], [sflag:$0x8] =	stream.indirect.gather [spmem:s1], $0x10, s3, s0, $0xb8;
	[tilespmem:$0xE310] =	vst v63  }
0x128: {  	_ =	swait.ge [sflag:s30], $0x800  }
0x129: {  	[sflag:s30] =	ssyncset.done $0x0  }
0x12a: {  	[sflag:s30] =	ssyncadd.s32 $0xFFFFF800  }
0x12b: {  	_ =	swait.ge [sflag:s13], $0x800  }
0x12c: {  	[sflag:s13] =	ssyncset.done $0x0  }
0x12d: {  	s3 =	sadd.s32 $0x2C80, s4;
	[sflag:s13] =	ssyncadd.s32 $0xFFFFF800  }
0x12e: {  	[spmem:s2] =	stream.indirect.scatter.add.f32 [tilespmem:s22], [sflag:$0xD], $0x10, s3, s0, $0xb8;
	[tilespmem:$0xE310] =	vst v63  }
0x12f: {  	s3 =	sadd.s32 $0x680, s4  }
0x130: {  	[tilespmem:s14], [sflag:$0x9] =	stream.indirect.gather [spmem:s1], $0x10, s3, s0, $0xb8;
	[tilespmem:$0xE310] =	vst v63  }
0x131: {  	_ =	swait.ge [sflag:s31], $0x800  }
0x132: {  	[sflag:s31] =	ssyncset.done $0x0  }
0x133: {  	[sflag:s31] =	ssyncadd.s32 $0xFFFFF800  }
0x134: {  	_ =	swait.ge [sflag:s5], $0x800  }
0x135: {  	[sflag:s5] =	ssyncset.done $0x0  }
0x136: {  	s3 =	sadd.s32 $0x2D00, s4;
	[sflag:s5] =	ssyncadd.s32 $0xFFFFF800  }
0x137: {  	[spmem:s2] =	stream.indirect.scatter.add.f32 [tilespmem:s6], [sflag:$0xE], $0x10, s3, s0, $0xb8;
	[tilespmem:$0xE310] =	vst v63  }
0x138: {  	s3 =	sadd.s32 $0x700, s4  }
0x139: {  	[tilespmem:s15], [sflag:$0xA] =	stream.indirect.gather [spmem:s1], $0x10, s3, s0, $0xb8;
	[tilespmem:$0xE310] =	vst v63  }
0x13a: {  	_ =	swait.ge [sflag:s29], $0x800  }
0x13b: {  	[sflag:s29] =	ssyncset.done $0x0  }
0x13c: {  	[sflag:s29] =	ssyncadd.s32 $0xFFFFF800  }
.Ltmp3:
0x13d: {  	_ =	swait.ge [sflag:s16], $0x800;
	(pc) =	sbr.rel @p0 .LBB2_8-.Ltmp3, $4  }
0x13e: {  	[sflag:s16] =	ssyncset.done $0x0  }
0x13f: {  	s3 =	sadd.s32 $0x2D80, s4;
	[sflag:s16] =	ssyncadd.s32 $0xFFFFF800  }
0x140: {  	[spmem:s2] =	stream.indirect.scatter.add.f32 [tilespmem:s9], [sflag:$0xF], $0x10, s3, s0, $0xb8;
	[tilespmem:$0xE310] =	vst v63  }
0x141: {  	s3 =	sadd.s32 $0x780, s4  }
0x142: {  	[tilespmem:s17], [sflag:$0xB] =	stream.indirect.gather [spmem:s1], $0x10, s3, s0, $0xb8;
	[tilespmem:$0xE310] =	vst v63  }
0x143: {  	_ =	swait.ge [sflag:s24], $0x800  }
0x144: {  	[sflag:s24] =	ssyncset.done $0x0  }
0x145: {  	[sflag:s24] =	ssyncadd.s32 $0xFFFFF800  }
0x146: {  	_ =	swait.ge [sflag:s18], $0x800  }
0x147: {  	[sflag:s18] =	ssyncset.done $0x0  }
0x148: {  	s22 =	simm.s32 $0x4E00;
	[sflag:s18] =	ssyncadd.s32 $0xFFFFF800  }
0x149: {  	[spmem:s2] =	stream.indirect.scatter.add.f32 [tilespmem:s12], [sflag:$0x10], $0x10, s22, s0, $0xb8;
	[tilespmem:$0xE310] =	vst v63  }
0x14a: {  	_ =	swait.ge [sflag:s7], $0x800  }
0x14b: {  	[sflag:s7] =	ssyncset.done $0x0  }
0x14c: {  	[sflag:s7] =	ssyncadd.s32 $0xFFFFF800  }
0x14d: {  	_ =	swait.ge [sflag:s19], $0x800  }
0x14e: {  	[sflag:s19] =	ssyncset.done $0x0  }
0x14f: {  	s26 =	simm.s32 $0x4E80;
	[sflag:s19] =	ssyncadd.s32 $0xFFFFF800  }
0x150: {  	[spmem:s2] =	stream.indirect.scatter.add.f32 [tilespmem:s14], [sflag:$0x11], $0x10, s26, s0, $0xb8;
	[tilespmem:$0xE310] =	vst v63  }
0x151: {  	_ =	swait.ge [sflag:s20], $0x800  }
0x152: {  	[sflag:s20] =	ssyncset.done $0x0  }
0x153: {  	[sflag:s20] =	ssyncadd.s32 $0xFFFFF800  }
0x154: {  	_ =	swait.ge [sflag:s21], $0x800  }
0x155: {  	[sflag:s21] =	ssyncset.done $0x0  }
0x156: {  	s4 =	simm.s32 $0x4F00;
	[sflag:s21] =	ssyncadd.s32 $0xFFFFF800  }
0x157: {  	[spmem:s2] =	stream.indirect.scatter.add.f32 [tilespmem:s15], [sflag:$0x12], $0x10, s4, s0, $0xb8;
	[tilespmem:$0xE310] =	vst v63  }
0x158: {  	_ =	swait.ge [sflag:s23], $0x800  }
0x159: {  	[sflag:s23] =	ssyncset.done $0x0  }
0x15a: {  	[sflag:s23] =	ssyncadd.s32 $0xFFFFF800  }
0x15b: {  	_ =	swait.ge [sflag:s25], $0x800  }
0x15c: {  	[sflag:s25] =	ssyncset.done $0x0  }
0x15d: {  	s6 =	simm.s32 $0x4F80;
	[sflag:s25] =	ssyncadd.s32 $0xFFFFF800  }
0x15e: {  	[spmem:s2] =	stream.indirect.scatter.add.f32 [tilespmem:s17], [sflag:$0x13], $0x10, s6, s0, $0xb8;
	[tilespmem:$0xE310] =	vst v63  }
0x15f: {  	_ =	swait.ge [sflag:s10], $0x800  }
0x160: {  	[sflag:s10] =	ssyncset.done $0x0  }
0x161: {  	[sflag:s10] =	ssyncadd.s32 $0xFFFFF800  }
0x162: {  	_ =	swait.ge [sflag:s30], $0x800  }
0x163: {  	[sflag:s30] =	ssyncset.done $0x0  }
0x164: {  	[sflag:s30] =	ssyncadd.s32 $0xFFFFF800  }
0x165: {  	_ =	swait.ge [sflag:s31], $0x800  }
0x166: {  	[sflag:s31] =	ssyncset.done $0x0  }
0x167: {  	[sflag:s31] =	ssyncadd.s32 $0xFFFFF800  }
0x168: {  	_ =	swait.ge [sflag:s29], $0x800  }
0x169: {  	[sflag:s29] =	ssyncset.done $0x0  }
0x16a: {  	[sflag:s29] =	ssyncadd.s32 $0xFFFFF800  }
0x16b: {  	[bflag:$0x0] =	sbarrier.arrive $0xFFFF  }
0x16c: {  	s8 =	rddreg [dreg:$0x7]  }
0x16d: {  	s4 =	rddreg [dreg:$0xb]  }
0x16e: {  	s22 =	simm.s32 $0x14;
	s3 =	sor.u32 $0x1C14, s8;
	s8 =	rddreg [dreg:$0x17]  }
0x16f: {  	[hbm:s4], [sflag:s3] =	dma.local [spmem:s8], $0x500  }
0x170: {  	_ =	swait.ge [sflag:s22], $0x500  }
0x171: {  	s6 =	rddreg [dreg:$0x18]  }
0x172: {  	s26 =	rddreg [dreg:$0xc];
	s6 =	sadd.s32 $0x1, s6  }
0x173: {  	p0 =	sne.s32 s6, s26  }
.Ltmp4:
0x174: {  	_ = 	snop;
	(pc) =	sbr.rel @p0 .LBB2_1-.Ltmp4, $3  }
0x175: {  	_ =	sdelay $0x1  }
0x176: {  	[sflag:s22] =	ssyncset.done $0x0  }
0x177: {  	[sflag:s22] =	ssyncadd.s32 $0xFFFFFB00;
	s22 =	simm.s32 $0x0  }
0x178: {  	_ =	sfence.sel $0x180000  }
0x179: {  	[bflag:$0x0] =	sbarrier.arrive $0xFFFF  }
0x17a: {  	_ =	strace $0x9000004A  }
0x17b: {  	s0 =	stileid.u32;
	[bflag:$0x2] =	sbarrier.arrive $0xFFFF  }
0x17c: {  	p0 =	sne.s32 s0, $0x0;
	s0 =	rddreg [dreg:$0x4]  }
0x17d: {  	s0 =	sadd.s32 @!p0 $0x100000, s0  }
0x17e: {  	[sflag:s0] =	ssyncadd.tile.s32 @!p0 $0x1;
	_ =	shalt  }
.Lfunc_end2:
_tile_overlayer_lowered:
.L_overlay_start_2:
0x17f: {  	(tag) =	ssettag $0x2  }
0x180: {  	s0 =	rddreg [dreg:$0x0];
	s2 =	stileid.u32  }
0x181: {  	s1 =	rddreg [dreg:$0x1];
	p0 =	sne.s32 s2, $0x0  }
0x182: {  	s3 =	rddreg [dreg:$0x2];
	[bflag:$0x3] =	sbarrier.arrive $0xFFFF;
	s2 =	simm.s32 @!p0 $0x1C14  }
0x183: {  	[timem:s3], [sflag:s2] =	dma.local @!p0 [hbm:s0], s1  }
0x184: {  	s0 =	simm.s32 @!p0 $0x14  }
0x185: {  	_ =	swait.ge @!p0 [sflag:s0], s1  }
0x186: {  	s1 =	ssub.s32 @!p0 $0x0, s1;
	[sflag:s0] =	ssyncset.done @!p0 $0x0  }
0x187: {  	[sflag:s0] =	ssyncadd.s32 @!p0 s1  }
0x188: {  	[bflag:$0x3] =	sbarrier.arrive $0xFFFF  }
0x189: {  	_ =	shalt  }

// kernel: kernel.15.cloned.1.call-start
scs
__scs_entry_jumppad:
0x0: {  	(pc) =	sbr.rel $0x88, $3  }
0x1: {  	(tag) =	ssettag $0x0;
	lr =	simm.s32 $0x1  }
0x2: {  	[smem:$0x3F9B] =	sst lr;
	_ =	strace $0xD0000000  }
0x3: {  	_ = 	snop  }
0x4: {  	_ = 	snop  }
0x5: {  	_ = 	snop  }
0x6: {  	_ = 	snop  }
0x7: {  	_ = 	snop  }
__scs_overlays_trampoline_lowered:
0x8: {  	[smem:$0x3FAA] =	sst s0  }
0x9: {  	[smem:$0x3FAB] =	sst s1  }
0xa: {  	[smem:$0x3FAC] =	sst s2  }
0xb: {  	[smem:$0x3FAD] =	sst s3  }
0xc: {  	[smem:$0x3FAE] =	sst s4  }
0xd: {  	[smem:$0x3FAF] =	sst s5  }
0xe: {  	[smem:$0x3FB0] =	sst s6  }
0xf: {  	[smem:$0x3FB1] =	sst s7  }
0x10: {  	[smem:$0x3FB2] =	sst s8  }
0x11: {  	[smem:$0x3FB3] =	sst s9;
	s0 =	simm.s32 @!p0 $0x0  }
0x12: {  	s1 =	sld [smem:$0x3F99];
	s0 =	simm.s32 @p0 $0x1  }
0x13: {  	[smem:$0x3FB4] =	sst s0;
	s0 =	simm.s32 @!p1 $0x0  }
0x14: {  	s2 =	sld [smem:$0x3F98];
	s0 =	simm.s32 @p1 $0x1  }
0x15: {  	[smem:$0x3FB5] =	sst s0;
	s0 =	simm.s32 @!p2 $0x0  }
0x16: {  	s3 =	sld [smem:$0x3FDB];
	s0 =	simm.s32 @p2 $0x1  }
0x17: {  	s4 =	simm.s32 $0x1BF5;
	[smem:$0x3FB7] =	sst s0  }
0x18: {  	s0 =	sld [smem:$0x3F9A];
	_ =	swait.ge [sflag:s4], $0x0  }
0x19: {  	s7 =	sld [smem:$0x3F9B]  }
0x1a: {  	s8 =	sadd.s32 $0xFFFFE003, lr  }
0x1b: {  	s9 =	sadd.s32 $0xFFFFFEF7, lr;
	s5 =	simm.s32 $0xFFFFFFFF;
	p2 =	slt.u32 s8, $0xFFFFF086  }
0x1c: {  	p1 =	slt.u32 s9, $0xF7A;
	s5 =	simm.s32 @!p2 $0x0  }
0x1d: {  	s5 =	simm.s32 @p1 $0x1;
	p0 =	seq.s32 s7, s2  }
0x1e: {  	s7 =	smul.u32 @!p0 $0xF7A, s2;
	p2 =	seq.s32 @!p0 s5, $0x0  }
0x1f: {  	s9 =	smul.u32 $0xF7A, s1;
	s8 =	simm.s32 @!p0 $0x1BF5;
	p2 =	por !p2, p0  }
0x20: {  	[sflag:s8] =	ssyncset.s32 @!p0 $0xFFFFF086;
	s6 =	sadd.s32 @!p0 s3, s7;
	s7 =	simm.s32 @!p0 $0x108  }
0x21: {  	s3 =	sadd.s32 s3, s9;
	s6 =	sadd.s32 @!p0 $0x88, s6;
	s7 =	simm.s32 @p2 $0x1082  }
0x22: {  	[simem:s7], [sflag:s8] =	dma.local @!p0 [hbm:s6], $0xF7A  }
0x23: {  	s9 =	sor.u32 $0xD0000000, s2;
	s6 =	simm.s32 $0x108;
	_ =	swait.ge @!p0 [sflag:s8], $0x0  }
0x24: {  	s3 =	sadd.s32 $0x88, s3;
	s6 =	simm.s32 @!p1 $0x1082;
	[sflag:s4] =	ssyncset.s32 $0xFFFFF086  }
0x25: {  	[simem:s6], [sflag:s4] =	dma.local [hbm:s3], $0xF7A  }
0x26: {  	[smem:$0x3F9B] =	sst s1;
	(tag) =	ssettag s2;
	_ =	strace s9  }
0x27: {  	s1 =	sld [smem:$0x3FAB]  }
0x28: {  	s2 =	sld [smem:$0x3FAC]  }
0x29: {  	s4 =	sld [smem:$0x3FAE]  }
0x2a: {  	p0 =	seq.s32 s5, $0x0;
	s5 =	sld [smem:$0x3FAF]  }
0x2b: {  	s6 =	sld [smem:$0x3FB0]  }
0x2c: {  	s7 =	sld [smem:$0x3FB1]  }
0x2d: {  	s3 =	simm.s32 $0x108;
	s8 =	sld [smem:$0x3FB2]  }
0x2e: {  	s3 =	simm.s32 @!p0 $0x1082;
	s9 =	sld [smem:$0x3FB3]  }
0x2f: {  	lr =	sadd.s32 s0, s3;
	s0 =	sld [smem:$0x3FAA]  }
0x30: {  	s3 =	sld [smem:$0x3FAD]  }
0x31: {  	[smem:$0x3FB6] =	sst s10  }
0x32: {  	s10 =	sld [smem:$0x3FB4];
	_ =	sdelay $0x3  }
0x33: {  	p0 =	seq.s32 s10, $0x1;
	s10 =	sld [smem:$0x3FB6];
	_ =	sdelay $0x3  }
0x34: {  	[smem:$0x3FB6] =	sst s10  }
0x35: {  	s10 =	sld [smem:$0x3FB5];
	_ =	sdelay $0x3  }
0x36: {  	p1 =	seq.s32 s10, $0x1;
	s10 =	sld [smem:$0x3FB6];
	_ =	sdelay $0x3  }
0x37: {  	[smem:$0x3FB6] =	sst s10  }
0x38: {  	s10 =	sld [smem:$0x3FB7]  }
0x39: {  	_ = 	snop;
	(pc) =	sbr.ind lr, $3  }
0x3a: {  	_ = 	snop  }
0x3b: {  	_ = 	snop  }
0x3c: {  	p2 =	seq.s32 s10, $0x1;
	s10 =	sld [smem:$0x3FB6]  }
0x3d: {  	_ =	shalt  }
0x3e: {  	_ =	shalt  }
0x3f: {  	_ =	shalt  }
0x40: {  	_ =	shalt  }
0x41: {  	_ =	shalt  }
0x42: {  	_ =	shalt  }
0x43: {  	_ =	shalt  }
0x44: {  	_ =	shalt  }
0x45: {  	_ =	shalt  }
0x46: {  	_ =	shalt  }
0x47: {  	_ =	shalt  }
0x48: {  	_ =	shalt  }
0x49: {  	_ =	shalt  }
0x4a: {  	_ =	shalt  }
0x4b: {  	_ =	shalt  }
0x4c: {  	_ =	shalt  }
0x4d: {  	_ =	shalt  }
0x4e: {  	_ =	shalt  }
0x4f: {  	_ =	shalt  }
0x50: {  	_ =	shalt  }
0x51: {  	_ =	shalt  }
0x52: {  	_ =	shalt  }
0x53: {  	_ =	shalt  }
0x54: {  	_ =	shalt  }
0x55: {  	_ =	shalt  }
0x56: {  	_ =	shalt  }
0x57: {  	_ =	shalt  }
0x58: {  	_ =	shalt  }
0x59: {  	_ =	shalt  }
0x5a: {  	_ =	shalt  }
0x5b: {  	_ =	shalt  }
0x5c: {  	_ =	shalt  }
0x5d: {  	_ =	shalt  }
0x5e: {  	_ =	shalt  }
0x5f: {  	_ =	shalt  }
0x60: {  	_ =	shalt  }
0x61: {  	_ =	shalt  }
0x62: {  	_ =	shalt  }
0x63: {  	_ =	shalt  }
0x64: {  	_ =	shalt  }
0x65: {  	_ =	shalt  }
0x66: {  	_ =	shalt  }
0x67: {  	_ =	shalt  }
0x68: {  	_ =	shalt  }
0x69: {  	_ =	shalt  }
0x6a: {  	_ =	shalt  }
0x6b: {  	_ =	shalt  }
0x6c: {  	_ =	shalt  }
0x6d: {  	_ =	shalt  }
0x6e: {  	_ =	shalt  }
0x6f: {  	_ =	shalt  }
0x70: {  	_ =	shalt  }
0x71: {  	_ =	shalt  }
0x72: {  	_ =	shalt  }
0x73: {  	_ =	shalt  }
0x74: {  	_ =	shalt  }
0x75: {  	_ =	shalt  }
0x76: {  	_ =	shalt  }
0x77: {  	_ =	shalt  }
0x78: {  	_ =	shalt  }
0x79: {  	_ =	shalt  }
0x7a: {  	_ =	shalt  }
0x7b: {  	_ =	shalt  }
0x7c: {  	_ =	shalt  }
0x7d: {  	_ =	shalt  }
0x7e: {  	_ =	shalt  }
0x7f: {  	_ =	shalt  }
0x80: {  	_ =	shalt  }
0x81: {  	_ =	shalt  }
0x82: {  	_ =	shalt  }
0x83: {  	_ =	shalt  }
0x84: {  	_ =	shalt  }
0x85: {  	_ =	shalt  }
0x86: {  	_ =	shalt  }
0x87: {  	_ =	shalt  }
.Lfunc_end0:
.L_simem_size_0:
called_computation.2_lowered:
.L_overlay_start_0:
0x88: {  	s2 =	sld [smem:$0x3FD9]  }
0x89: {  	s3 =	sld [smem:$0x3FFE];
	_ =	sdelay $0x1  }
0x8a: {  	s1 =	srdreg.scid  }
0x8b: {  	s0 =	sand.u32 $0x1, s1  }
0x8c: {  	s17 =	sshll.u32 s0, $0xA;
	s2 =	sadd.s32 s3, s2  }
0x8d: {  	s2 =	sadd.s32 s2, s17  }
0x8e: {  	[smem:$0x3FC2] =	sst s2  }
0x8f: {  	_ = 	snop  }
0x90: {  	s2 =	sld [smem:$0x3FD0];
	(tm) =	ssettm $0x1  }
0x91: {  	s18 =	sld [smem:$0x3FFB];
	_ =	sdelay $0x3  }
0x92: {  	_ =	strace s18  }
0x93: {  	s3 =	sld [smem:$0x3FFC];
	_ =	sdelay $0x3  }
0x94: {  	_ =	strace s3  }
0x95: {  	s3 =	sld [smem:$0x3FFD];
	_ =	sdelay $0x3  }
0x96: {  	_ =	strace s3  }
0x97: {  	_ =	strace $0x8FFFFFFF  }
0x98: {  	s19 =	sld [smem:$0x3FDB];
	_ =	sdelay $0x1  }
0x99: {  	s4 =	simm.s32 $_scs_section_size  }
0x9a: {  	s5 =	simm.s32 $_size__tile_overlayer_lowered;
	s6 =	simm.s32 $_tile_overlayer_lowered  }
0x9b: {  	s22 =	simm.s32 $0x1BFF;
	s21 =	sshll.u32 s6, $0x1;
	s3 =	sadd.s32 s4, s19  }
0x9c: {  	s7 =	simm.s32 $0x0;
	s20 =	sshll.u32 s5, $0x1;
	s5 =	sadd.s32 s21, s3  }
0x9d: {  	[timem:s7], [sflag:s22] =	dma.local [hbm:s5], s20  }
0x9e: {  	_ =	swait.ge [sflag:s22], s20  }
0x9f: {  	s4 =	ssub.s32 $0x0, s20;
	[sflag:s22] =	ssyncset.done $0x0  }
0xa0: {  	[sflag:s22] =	ssyncadd.s32 s4;
	_ =	sdelay $0x1  }
0xa1: {  	s23 =	simm.s32 $0x1B8B  }
0xa2: {  	_ =	swait.ge [sflag:s23], $0x1  }
0xa3: {  	[sflag:s23] =	ssyncset.done $0x0  }
0xa4: {  	s25 =	simm.s32 $0x1B8E;
	s24 =	sld [smem:$0x3FFE];
	[sflag:s23] =	ssyncadd.s32 $0xFFFFFFFF  }
0xa5: {  	s26 =	simm.s32 $execute0_lowered;
	[smem:$0x3FD2] =	sst s25  }
0xa6: {  	s5 =	sshll.u32 s26, $0x1;
	_ =	strace $0x8000004C;
	[dreg:$0x1] =	wrdreg $0xFFFFFFFF  }
0xa7: {  	s28 =	simm.s32 $_size_execute0_lowered;
	s3 =	sadd.s32 s3, s5;
	[dreg:$0x0] =	wrdreg $0x0  }
0xa8: {  	s5 =	sshll.u32 s28, $0x1;
	[dreg:$0x2] =	wrdreg s3  }
0xa9: {  	[dreg:$0x3] =	wrdreg s5  }
0xaa: {  	[dreg:$0x4] =	wrdreg $0xC0  }
0xab: {  	_ =	task [dreg:s7], $0x5FFFF  }
0xac: {  	[dreg:$0x1] =	wrdreg $0xFFFFFFFF  }
0xad: {  	[dreg:$0x0] =	wrdreg $0x60  }
0xae: {  	[dreg:$0x2] =	wrdreg s2  }
0xaf: {  	[dreg:$0x3] =	wrdreg s24  }
0xb0: {  	[dreg:$0x4] =	wrdreg $0xBC000  }
0xb1: {  	[dreg:$0x5] =	wrdreg $0x94000  }
0xb2: {  	[dreg:$0x6] =	wrdreg $0x9  }
0xb3: {  	_ =	task.clear_ibuf [dreg:s7], $0x7FFFF;
	_ =	strace $0x9000004C  }
0xb4: {  	s29 =	simm.s32 $0x9;
	_ =	strace $0x8000004E  }
0xb5: {  	_ =	swait.ge [sflag:s29], $0x1  }
0xb6: {  	[sflag:s29] =	ssyncadd.s32 $0xFFFFFFFF  }
0xb7: {  	_ =	strace $0x9000004E  }
0xb8: {  	_ =	sfence  }
0xb9: {  	s30 =	sld [smem:$0x0];
	_ =	sdelay $0x2  }
0xba: {  	s31 =	sshll.u32 s1, $0xD;
	s1 =	sshrl.u32 s1, $0x2  }
0xbb: {  	s3 =	sand.u32 $0x4000, s31;
	s1 =	sadd.s32 s1, s30  }
0xbc: {  	s0 =	sor.u32 s3, s0;
	s1 =	sshll.u32 s1, $0x11  }
0xbd: {  	s0 =	sor.u32 s1, s0  }
0xbe: {  	s0 =	sadd.s32 $0x8F2B, s0  }
0xbf: {  	[sflag:s0] =	ssyncadd.remote.s32 $0x1  }
0xc0: {  	_ =	sfence.sel $0xFFFF  }
0xc1: {  	[dreg:$0x0] =	wrdreg $0xFFFFFFFF;
	(pc) =	sbr.abs _section_cstart, $3  }
0xc2: {  	[dreg:$0x1] =	wrdreg $0xFFFFFFFF  }
0xc3: {  	_ =	task.clear_ibuf [dreg:s7], $0x2FFFF;
	_ =	strace $0x9FFFFFFF  }
0xc4: {  	(tm) =	ssettm $0x7FFFFFFF  }
0xc5: {  	_ =	shalt  }
tec
execute0_lowered:
.L_overlay_start_1:
0x0: {  	(tag) =	ssettag $0x1  }
0x1: {  	s0 =	rddreg [dreg:$0x0]  }
0x2: {  	s3 =	rddreg [dreg:$0x1]  }
0x3: {  	s1 =	rddreg [dreg:$0x2]  }
0x4: {  	s2 =	rddreg [dreg:$0x3];
	s4 =	srdreg.scid  }
0x5: {  	s22 =	simm.s32 $0x0;
	s12 =	stileid.u32;
	s28 =	simm.s32 $0x2  }
0x6: {  	s30 =	simm.s32 $0x11;
	s31 =	simm.s32 $0x12;
	s6 =	smul.u32 $0x2800, s12  }
0x7: {  	s4 =	sand.u32 $0x1, s4;
	[smem:$0x7FF] =	sst s22;
	s11 =	smul.u32 $0x2710, s12  }
0x8: {  	s7 =	sshll.u32 s12, $0x1;
	s8 =	sadd.s32 $0x2C00, s3;
	s24 =	smul.u32 $0xA000, s12  }
0x9: {  	s25 =	sshll.u32 s12, $0x6;
	s5 =	smul.u32 $0x28000, s4;
	_ =	strace $0x8000004D  }
0xa: {  	s7 =	sor.u32 s4, s7;
	s9 =	ssub.s32 $0x2, s4;
	[dreg:$0x7] =	wrdreg s25  }
0xb: {  	s7 =	smul.u32 $0x2710, s7;
	s10 =	sshrl.u32 s9, $0x1;
	s23 =	sshrl.u32 s11, $0x3  }
0xc: {  	s5 =	sadd.s32 s6, s5;
	s21 =	ssub.s32 s9, s10;
	s0 =	sadd.s32 s0, s23  }
0xd: {  	s10 =	sadd.s32 s11, s1;
	[dreg:$0x6] =	wrdreg s0;
	s0 =	sor.u32 $0x1C03, s25  }
0xe: {  	s7 =	sshrl.u32 s7, $0x3;
	s25 =	sshrl.u32 s10, $0x3;
	[dreg:$0x8] =	wrdreg s0  }
0xf: {  	s5 =	sshrl.u32 s5, $0x3;
	s13 =	sadd.s32 s8, s7;
	[dreg:$0x16] =	wrdreg s25  }
0x10: {  	s3 =	sadd.s32 s5, s3;
	s5 =	smax.u32 s21, $0x1;
	[dreg:$0x5] =	wrdreg s13  }
0x11: {  	s29 =	simm.s32 $0x13;
	s26 =	sadd.s32 $0xA120, s13;
	[dreg:$0xc] =	wrdreg s5  }
0x12: {  	s7 =	sshrl.u32 s24, $0x2;
	s11 =	sadd.s32 $0x16600, s3;
	[dreg:$0x9] =	wrdreg s26  }
0x13: {  	s4 =	smul.u32 $0x2710, s4;
	s9 =	sadd.s32 s7, s2;
	[dreg:$0xb] =	wrdreg s11  }
0x14: {  	s14 =	sadd.s32 s6, s2;
	s15 =	sadd.s32 $0x400, s9;
	[dreg:$0xa] =	wrdreg s9  }
0x15: {  	s6 =	simm.s32 $0x0;
	s16 =	sadd.s32 $0x800, s9;
	[dreg:$0xd] =	wrdreg s15  }
0x16: {  	s10 =	simm.s32 $0x10;
	s17 =	sadd.s32 $0xC00, s9;
	[dreg:$0xe] =	wrdreg s16  }
0x17: {  	s25 =	simm.s32 $0xB;
	s18 =	sadd.s32 $0x1000, s9;
	[dreg:$0xf] =	wrdreg s17  }
0x18: {  	s13 =	smul.u32 $0x4E20, s12;
	s19 =	sadd.s32 $0x1400, s9;
	[dreg:$0x10] =	wrdreg s18  }
0x19: {  	s12 =	simm.s32 $0x7000;
	s20 =	sadd.s32 $0x1800, s9;
	[dreg:$0x11] =	wrdreg s19  }
0x1a: {  	s5 =	simm.s32 $0x6;
	s21 =	sadd.s32 $0x1C00, s9;
	[dreg:$0x12] =	wrdreg s20  }
0x1b: {  	s7 =	simm.s32 $0xD;
	s23 =	sadd.s32 $0x2000, s9;
	[dreg:$0x13] =	wrdreg s21  }
0x1c: {  	s24 =	sadd.s32 $0x2400, s9;
	s26 =	sshrl.u32 s14, $0x3;
	[dreg:$0x14] =	wrdreg s23  }
0x1d: {  	s9 =	simm.s32 $0x6800;
	s11 =	simm.s32 $0x4;
	[dreg:$0x15] =	wrdreg s24  }
0x1e: {  	s14 =	simm.s32 $0x7800;
	s0 =	sadd.s32 s4, s13;
	[dreg:$0x17] =	wrdreg s26  }
0x1f: {  	s13 =	simm.s32 $0x5;
	s15 =	simm.s32 $0x8000;
	s16 =	simm.s32 $0x7  }
0x20: {  	s17 =	simm.s32 $0x8800;
	s24 =	simm.s32 $0xC;
	s0 =	sadd.s32 $0x4E200, s0  }
0x21: {  	s18 =	simm.s32 $0x8;
	s19 =	simm.s32 $0x9;
	s0 =	sshrl.u32 s0, $0x3  }
0x22: {  	s20 =	simm.s32 $0xE;
	s21 =	simm.s32 $0xA;
	s0 =	sadd.s32 s0, s8  }
0x23: {  	v0 =	vimm.s32 $0x2710;
	v1 =	vimm.s32 $0x0;
	v2 =	vimm.f32 $0.0e+00;
	s23 =	simm.s32 $0xF;
	[dreg:$0x19] =	wrdreg s0;
	s0 =	simm.s32 $0x80  }
.LBB2_1:
0x24: {  	[dreg:$0x18] =	wrdreg s6  }
0x25: {  	s3 =	rddreg [dreg:$0x5]  }
0x26: {  	s26 =	rddreg [dreg:$0x6]  }
0x27: {  	s4 =	rddreg [dreg:$0x8]  }
0x28: {  	s8 =	rddreg [dreg:$0x16]  }
0x29: {  	[tilespmem:s22], [sflag:$0x1] =	stream.linear.gather [hbm4b:s3+s22], $0x2710, $0x38;
	[tilespmem:$0xE310] =	vst v63  }
0x2a: {  	[spmem:s8], [sflag:s4] =	dma.local [hbm:s26], $0x4E2  }
0x2b: {  	s22 =	simm.s32 $0x2800;
	s4 =	simm.s32 $0x10;
	s6 =	rddreg [dreg:$0x19]  }
0x2c: {  	s26 =	simm.s32 $0x2880;
	s8 =	simm.s32 $0x0;
	s3 =	sadd.s32 $0x0, s6  }
.LBB2_2:
0x2d: {  	[tilespmem:s22], [sflag:$0x2] =	stream.linear.gather [hbm4b:s3+s8], $0x80, $0x38;
	[tilespmem:$0xE310] =	vst v63  }
0x2e: {  	s3 =	smov.u32 s4;
	s22 =	smov.u32 s26;
	p0 =	sne.s32 s4, $0x4D0  }
.Ltmp0:
0x2f: {  	s4 =	sadd.s32 $0x10, s4;
	(pc) =	sbr.rel @p0 .LBB2_2-.Ltmp0, $2  }
0x30: {  	_ =	sdelay $0x2  }
0x31: {  	s26 =	sadd.s32 $0x80, s26;
	s3 =	sadd.s32 s3, s6  }
0x32: {  	[tilespmem:s22], [sflag:$0x2] =	stream.linear.gather [hbm4b:s3+s8], $0x80, $0x38;
	[tilespmem:$0xE310] =	vst v63  }
0x33: {  	s22 =	rddreg [dreg:$0x9];
	s4 =	simm.s32 $0x4F00;
	s26 =	simm.s32 $0x14  }
0x34: {  	[tilespmem:s4], [sflag:$0x14] =	stream.linear.gather [hbm4b:s22+s8], $0x10, $0x38;
	[tilespmem:$0xE310] =	vst v63  }
0x35: {  	_ =	swait.ge [sflag:s26], $0x10  }
0x36: {  	[sflag:s26] =	ssyncset.done $0x0  }
0x37: {  	[sflag:s26] =	ssyncadd.s32 $0xFFFFFFF0  }
0x38: {  	[tilespmem:$0x4F10] =	vst v0  }
0x39: {  	[tilespmem:$0x4F20] =	vst v0  }
0x3a: {  	[tilespmem:$0x4F30] =	vst v0  }
0x3b: {  	[tilespmem:$0x4F40] =	vst v0  }
0x3c: {  	[tilespmem:$0x4F50] =	vst v0  }
0x3d: {  	[tilespmem:$0x4F60] =	vst v0  }
0x3e: {  	[tilespmem:$0x4F70] =	vst v0  }
0x3f: {  	[tilespmem:$0x4F80] =	vst v0  }
0x40: {  	[tilespmem:$0x4F90] =	vst v0  }
0x41: {  	[tilespmem:$0x4FA0] =	vst v0  }
0x42: {  	[tilespmem:$0x4FB0] =	vst v0  }
0x43: {  	[tilespmem:$0x4FC0] =	vst v0  }
0x44: {  	[tilespmem:$0x4FD0] =	vst v0  }
0x45: {  	[tilespmem:$0x4FE0] =	vst v0  }
0x46: {  	[tilespmem:$0x4FF0] =	vst v0  }
0x47: {  	_ =	swait.ge [sflag:s28], $0x80  }
0x48: {  	s4 =	simm.s32 $0x4D;
	[sflag:s28] =	ssyncset.done $0x0  }
.LBB2_4:
0x49: {  	p0 =	sne.s32 s4, $0x1;
	s4 =	sadd.s32 $0xFFFFFFFF, s4;
	[sflag:s28] =	ssyncadd.s32 $0xFFFFFF80  }
.Ltmp1:
0x4a: {  	(pc) =	sbr.rel @p0 .LBB2_4-.Ltmp1, $3  }
0x4b: {  	_ =	sdelay $0x1  }
0x4c: {  	_ =	swait.ge [sflag:s28], $0x80  }
0x4d: {  	[sflag:s28] =	ssyncset.done $0x0  }
0x4e: {  	[sflag:s28] =	ssyncadd.s32 $0xFFFFFF80  }
0x4f: {  	[tilespmem:$0x2710] =	vst v1  }
0x50: {  	[tilespmem:$0x2720] =	vst v1  }
0x51: {  	[tilespmem:$0x2730] =	vst v1  }
0x52: {  	[tilespmem:$0x2740] =	vst v1  }
0x53: {  	[tilespmem:$0x2750] =	vst v1  }
0x54: {  	[tilespmem:$0x2760] =	vst v1  }
0x55: {  	[tilespmem:$0x2770] =	vst v1  }
0x56: {  	[tilespmem:$0x2780] =	vst v1  }
0x57: {  	[tilespmem:$0x2790] =	vst v1  }
0x58: {  	[tilespmem:$0x27A0] =	vst v1  }
0x59: {  	[tilespmem:$0x27B0] =	vst v1  }
0x5a: {  	[tilespmem:$0x27C0] =	vst v1  }
0x5b: {  	[tilespmem:$0x27D0] =	vst v1  }
0x5c: {  	[tilespmem:$0x27E0] =	vst v1  }
0x5d: {  	s4 =	simm.s32 $0x40;
	s3 =	simm.s32 $0x0;
	[tilespmem:$0x27F0] =	vst v1  }
.LBB2_6:
0x5e: {  	p0 =	sne.s32 s4, $0xFC0;
	[tilespmem:s3+$0x9000] =	vst v2;
	s3 =	smov.u32 s4;
	s4 =	sadd.s32 $0x40, s4  }
.Ltmp2:
0x5f: {  	(pc) =	sbr.rel @p0 .LBB2_6-.Ltmp2, $2  }
0x60: {  	_ =	sdelay $0x2  }
0x61: {  	s3 =	sshra.s32 s3, $0x2  }
0x62: {  	[tilespmem:s3+$0x9000] =	vst v2;
	s4 =	rddreg [dreg:$0xa];
	s26 =	simm.s32 $0x9000  }
0x63: {  	[spmem:s4] =	stream.linear.scatter [tilespmem:s26], [sflag:$0x14], $0x400, $0x38;
	[tilespmem:$0xE310] =	vst v63  }
0x64: {  	s4 =	simm.s32 $0x14  }
0x65: {  	_ =	swait.ge [sflag:s4], $0x400  }
0x66: {  	[sflag:s4] =	ssyncset.done $0x0  }
0x67: {  	s6 =	rddreg [dreg:$0xd];
	[sflag:s4] =	ssyncadd.s32 $0xFFFFFC00  }
0x68: {  	[spmem:s6] =	stream.linear.scatter [tilespmem:s26], [sflag:$0x14], $0x400, $0x38;
	[tilespmem:$0xE310] =	vst v63  }
0x69: {  	_ =	swait.ge [sflag:s4], $0x400  }
0x6a: {  	[sflag:s4] =	ssyncset.done $0x0  }
0x6b: {  	s8 =	rddreg [dreg:$0xe];
	[sflag:s4] =	ssyncadd.s32 $0xFFFFFC00  }
0x6c: {  	[spmem:s8] =	stream.linear.scatter [tilespmem:s26], [sflag:$0x14], $0x400, $0x38;
	[tilespmem:$0xE310] =	vst v63  }
0x6d: {  	_ =	swait.ge [sflag:s4], $0x400  }
0x6e: {  	[sflag:s4] =	ssyncset.done $0x0  }
0x6f: {  	s22 =	rddreg [dreg:$0xf];
	[sflag:s4] =	ssyncadd.s32 $0xFFFFFC00  }
0x70: {  	[spmem:s22] =	stream.linear.scatter [tilespmem:s26], [sflag:$0x14], $0x400, $0x38;
	[tilespmem:$0xE310] =	vst v63  }
0x71: {  	_ =	swait.ge [sflag:s4], $0x400  }
0x72: {  	[sflag:s4] =	ssyncset.done $0x0  }
0x73: {  	s6 =	rddreg [dreg:$0x10];
	[sflag:s4] =	ssyncadd.s32 $0xFFFFFC00  }
0x74: {  	[spmem:s6] =	stream.linear.scatter [tilespmem:s26], [sflag:$0x14], $0x400, $0x38;
	[tilespmem:$0xE310] =	vst v63  }
0x75: {  	_ =	swait.ge [sflag:s4], $0x400  }
0x76: {  	[sflag:s4] =	ssyncset.done $0x0  }
0x77: {  	s8 =	rddreg [dreg:$0x11];
	[sflag:s4] =	ssyncadd.s32 $0xFFFFFC00  }
0x78: {  	[spmem:s8] =	stream.linear.scatter [tilespmem:s26], [sflag:$0x14], $0x400, $0x38;
	[tilespmem:$0xE310] =	vst v63  }
0x79: {  	_ =	swait.ge [sflag:s4], $0x400  }
0x7a: {  	[sflag:s4] =	ssyncset.done $0x0  }
0x7b: {  	s22 =	rddreg [dreg:$0x12];
	[sflag:s4] =	ssyncadd.s32 $0xFFFFFC00  }
0x7c: {  	[spmem:s22] =	stream.linear.scatter [tilespmem:s26], [sflag:$0x14], $0x400, $0x38;
	[tilespmem:$0xE310] =	vst v63  }
0x7d: {  	_ =	swait.ge [sflag:s4], $0x400  }
0x7e: {  	[sflag:s4] =	ssyncset.done $0x0  }
0x7f: {  	s6 =	rddreg [dreg:$0x13];
	[sflag:s4] =	ssyncadd.s32 $0xFFFFFC00  }
0x80: {  	[spmem:s6] =	stream.linear.scatter [tilespmem:s26], [sflag:$0x14], $0x400, $0x38;
	[tilespmem:$0xE310] =	vst v63  }
0x81: {  	_ =	swait.ge [sflag:s4], $0x400  }
0x82: {  	[sflag:s4] =	ssyncset.done $0x0  }
0x83: {  	s8 =	rddreg [dreg:$0x14];
	[sflag:s4] =	ssyncadd.s32 $0xFFFFFC00  }
0x84: {  	[spmem:s8] =	stream.linear.scatter [tilespmem:s26], [sflag:$0x14], $0x400, $0x38;
	[tilespmem:$0xE310] =	vst v63  }
0x85: {  	_ =	swait.ge [sflag:s4], $0x400  }
0x86: {  	[sflag:s4] =	ssyncset.done $0x0  }
0x87: {  	s22 =	rddreg [dreg:$0x15];
	[sflag:s4] =	ssyncadd.s32 $0xFFFFFC00  }
0x88: {  	[spmem:s22] =	stream.linear.scatter [tilespmem:s26], [sflag:$0x14], $0x400, $0x38;
	[tilespmem:$0xE310] =	vst v63  }
0x89: {  	_ =	swait.ge [sflag:s4], $0x400  }
0x8a: {  	[sflag:s4] =	ssyncset.done $0x0  }
0x8b: {  	s6 =	simm.s32 $0x1;
	[sflag:s4] =	ssyncadd.s32 $0xFFFFFC00  }
0x8c: {  	_ =	swait.ge [sflag:s6], $0x2710  }
0x8d: {  	[sflag:s6] =	ssyncset.done $0x0  }
0x8e: {  	s8 =	simm.s32 $0x3;
	[sflag:s6] =	ssyncadd.s32 $0xFFFFD8F0  }
0x8f: {  	_ =	swait.ge [sflag:s8], $0x4E2  }
0x90: {  	[sflag:s8] =	ssyncset.done $0x0  }
0x91: {  	[sflag:s8] =	ssyncadd.s32 $0xFFFFFB1E  }
0x92: {  	s22 =	simm.s32 $0x0;
	s8 =	simm.s32 $0x5000;
	[bflag:$0x0] =	sbarrier.arrive $0xFFFF  }
0x93: {  	[tilespmem:s8], [sflag:$0x4] =	stream.indirect.gather [spmem:s1], $0x10, s22, s0, $0xb8;
	[tilespmem:$0xE310] =	vst v63  }
0x94: {  	s22 =	simm.s32 $0x5800  }
0x95: {  	[tilespmem:s22], [sflag:$0x5] =	stream.indirect.gather [spmem:s1], $0x10, s0, s0, $0xb8;
	[tilespmem:$0xE310] =	vst v63  }
0x96: {  	s26 =	simm.s32 $0x100;
	s6 =	simm.s32 $0x6000  }
0x97: {  	[tilespmem:s6], [sflag:$0x6] =	stream.indirect.gather [spmem:s1], $0x10, s26, s0, $0xb8;
	[tilespmem:$0xE310] =	vst v63  }
0x98: {  	s4 =	simm.s32 $0x180  }
0x99: {  	[tilespmem:s9], [sflag:$0x7] =	stream.indirect.gather [spmem:s1], $0x10, s4, s0, $0xb8;
	[tilespmem:$0xE310] =	vst v63  }
0x9a: {  	_ =	swait.ge [sflag:s11], $0x800  }
0x9b: {  	[sflag:s11] =	ssyncset.done $0x0  }
0x9c: {  	s26 =	simm.s32 $0x2800;
	[sflag:s11] =	ssyncadd.s32 $0xFFFFF800  }
0x9d: {  	[spmem:s2] =	stream.indirect.scatter.add.f32 [tilespmem:s8], [sflag:$0xC], $0x10, s26, s0, $0xb8;
	[tilespmem:$0xE310] =	vst v63  }
0x9e: {  	s4 =	simm.s32 $0x200  }
0x9f: {  	[tilespmem:s12], [sflag:$0x8] =	stream.indirect.gather [spmem:s1], $0x10, s4, s0, $0xb8;
	[tilespmem:$0xE310] =	vst v63  }
0xa0: {  	_ =	swait.ge [sflag:s13], $0x800  }
0xa1: {  	[sflag:s13] =	ssyncset.done $0x0  }
0xa2: {  	s26 =	simm.s32 $0x2880;
	[sflag:s13] =	ssyncadd.s32 $0xFFFFF800  }
0xa3: {  	[spmem:s2] =	stream.indirect.scatter.add.f32 [tilespmem:s22], [sflag:$0xD], $0x10, s26, s0, $0xb8;
	[tilespmem:$0xE310] =	vst v63  }
0xa4: {  	s4 =	simm.s32 $0x280  }
0xa5: {  	[tilespmem:s14], [sflag:$0x9] =	stream.indirect.gather [spmem:s1], $0x10, s4, s0, $0xb8;
	[tilespmem:$0xE310] =	vst v63  }
0xa6: {  	_ =	swait.ge [sflag:s5], $0x800  }
0xa7: {  	[sflag:s5] =	ssyncset.done $0x0  }
0xa8: {  	s26 =	simm.s32 $0x2900;
	[sflag:s5] =	ssyncadd.s32 $0xFFFFF800  }
0xa9: {  	[spmem:s2] =	stream.indirect.scatter.add.f32 [tilespmem:s6], [sflag:$0xE], $0x10, s26, s0, $0xb8;
	[tilespmem:$0xE310] =	vst v63  }
0xaa: {  	s4 =	simm.s32 $0x300  }
0xab: {  	[tilespmem:s15], [sflag:$0xA] =	stream.indirect.gather [spmem:s1], $0x10, s4, s0, $0xb8;
	[tilespmem:$0xE310] =	vst v63  }
0xac: {  	_ =	swait.ge [sflag:s16], $0x800  }
0xad: {  	[sflag:s16] =	ssyncset.done $0x0  }
0xae: {  	s26 =	simm.s32 $0x2980;
	[sflag:s16] =	ssyncadd.s32 $0xFFFFF800  }
0xaf: {  	[spmem:s2] =	stream.indirect.scatter.add.f32 [tilespmem:s9], [sflag:$0xF], $0x10, s26, s0, $0xb8;
	[tilespmem:$0xE310] =	vst v63  }
0xb0: {  	s4 =	simm.s32 $0x380  }
0xb1: {  	[tilespmem:s17], [sflag:$0xB] =	stream.indirect.gather [spmem:s1], $0x10, s4, s0, $0xb8;
	[tilespmem:$0xE310] =	vst v63  }
0xb2: {  	_ =	swait.ge [sflag:s24], $0x800  }
0xb3: {  	[sflag:s24] =	ssyncset.done $0x0  }
0xb4: {  	[sflag:s24] =	ssyncadd.s32 $0xFFFFF800  }
0xb5: {  	_ =	swait.ge [sflag:s18], $0x800  }
0xb6: {  	[sflag:s18] =	ssyncset.done $0x0  }
0xb7: {  	s26 =	simm.s32 $0x2A00;
	[sflag:s18] =	ssyncadd.s32 $0xFFFFF800  }
0xb8: {  	[spmem:s2] =	stream.indirect.scatter.add.f32 [tilespmem:s12], [sflag:$0x10], $0x10, s26, s0, $0xb8;
	[tilespmem:$0xE310] =	vst v63  }
0xb9: {  	s4 =	simm.s32 $0x400  }
0xba: {  	[tilespmem:s8], [sflag:$0x4] =	stream.indirect.gather [spmem:s1], $0x10, s4, s0, $0xb8;
	[tilespmem:$0xE310] =	vst v63  }
0xbb: {  	_ =	swait.ge [sflag:s7], $0x800  }
0xbc: {  	[sflag:s7] =	ssyncset.done $0x0  }
0xbd: {  	[sflag:s7] =	ssyncadd.s32 $0xFFFFF800  }
0xbe: {  	_ =	swait.ge [sflag:s19], $0x800  }
0xbf: {  	[sflag:s19] =	ssyncset.done $0x0  }
0xc0: {  	s26 =	simm.s32 $0x2A80;
	[sflag:s19] =	ssyncadd.s32 $0xFFFFF800  }
0xc1: {  	[spmem:s2] =	stream.indirect.scatter.add.f32 [tilespmem:s14], [sflag:$0x11], $0x10, s26, s0, $0xb8;
	[tilespmem:$0xE310] =	vst v63  }
0xc2: {  	s4 =	simm.s32 $0x480  }
0xc3: {  	[tilespmem:s22], [sflag:$0x5] =	stream.indirect.gather [spmem:s1], $0x10, s4, s0, $0xb8;
	[tilespmem:$0xE310] =	vst v63  }
0xc4: {  	_ =	swait.ge [sflag:s20], $0x800  }
0xc5: {  	[sflag:s20] =	ssyncset.done $0x0  }
0xc6: {  	[sflag:s20] =	ssyncadd.s32 $0xFFFFF800  }
0xc7: {  	_ =	swait.ge [sflag:s21], $0x800  }
0xc8: {  	[sflag:s21] =	ssyncset.done $0x0  }
0xc9: {  	s26 =	simm.s32 $0x2B00;
	[sflag:s21] =	ssyncadd.s32 $0xFFFFF800  }
0xca: {  	[spmem:s2] =	stream.indirect.scatter.add.f32 [tilespmem:s15], [sflag:$0x12], $0x10, s26, s0, $0xb8;
	[tilespmem:$0xE310] =	vst v63  }
0xcb: {  	s4 =	simm.s32 $0x500  }
0xcc: {  	[tilespmem:s6], [sflag:$0x6] =	stream.indirect.gather [spmem:s1], $0x10, s4, s0, $0xb8;
	[tilespmem:$0xE310] =	vst v63  }
0xcd: {  	_ =	swait.ge [sflag:s23], $0x800  }
0xce: {  	[sflag:s23] =	ssyncset.done $0x0  }
0xcf: {  	[sflag:s23] =	ssyncadd.s32 $0xFFFFF800  }
0xd0: {  	_ =	swait.ge [sflag:s25], $0x800  }
0xd1: {  	[sflag:s25] =	ssyncset.done $0x0  }
0xd2: {  	s26 =	simm.s32 $0x2B80;
	[sflag:s25] =	ssyncadd.s32 $0xFFFFF800  }
0xd3: {  	[spmem:s2] =	stream.indirect.scatter.add.f32 [tilespmem:s17], [sflag:$0x13], $0x10, s26, s0, $0xb8;
	[tilespmem:$0xE310] =	vst v63  }
0xd4: {  	s4 =	simm.s32 $0x580  }
0xd5: {  	[tilespmem:s9], [sflag:$0x7] =	stream.indirect.gather [spmem:s1], $0x10, s4, s0, $0xb8;
	[tilespmem:$0xE310] =	vst v63  }
0xd6: {  	_ =	swait.ge [sflag:s10], $0x800  }
0xd7: {  	[sflag:s10] =	ssyncset.done $0x0  }
0xd8: {  	[sflag:s10] =	ssyncadd.s32 $0xFFFFF800  }
0xd9: {  	_ =	swait.ge [sflag:s11], $0x800  }
0xda: {  	[sflag:s11] =	ssyncset.done $0x0  }
0xdb: {  	s26 =	simm.s32 $0x2C00;
	[sflag:s11] =	ssyncadd.s32 $0xFFFFF800  }
0xdc: {  	[spmem:s2] =	stream.indirect.scatter.add.f32 [tilespmem:s8], [sflag:$0xC], $0x10, s26, s0, $0xb8;
	[tilespmem:$0xE310] =	vst v63  }
0xdd: {  	s4 =	simm.s32 $0x600  }
0xde: {  	[tilespmem:s12], [sflag:$0x8] =	stream.indirect.gather [spmem:s1], $0x10, s4, s0, $0xb8;
	[tilespmem:$0xE310] =	vst v63  }
0xdf: {  	_ =	swait.ge [sflag:s30], $0x800  }
0xe0: {  	[sflag:s30] =	ssyncset.done $0x0  }
0xe1: {  	[sflag:s30] =	ssyncadd.s32 $0xFFFFF800  }
0xe2: {  	_ =	swait.ge [sflag:s13], $0x800  }
0xe3: {  	[sflag:s13] =	ssyncset.done $0x0  }
0xe4: {  	s26 =	simm.s32 $0x2C80;
	[sflag:s13] =	ssyncadd.s32 $0xFFFFF800  }
0xe5: {  	[spmem:s2] =	stream.indirect.scatter.add.f32 [tilespmem:s22], [sflag:$0xD], $0x10, s26, s0, $0xb8;
	[tilespmem:$0xE310] =	vst v63  }
0xe6: {  	s4 =	simm.s32 $0x680  }
0xe7: {  	[tilespmem:s14], [sflag:$0x9] =	stream.indirect.gather [spmem:s1], $0x10, s4, s0, $0xb8;
	[tilespmem:$0xE310] =	vst v63  }
0xe8: {  	_ =	swait.ge [sflag:s31], $0x800  }
0xe9: {  	[sflag:s31] =	ssyncset.done $0x0  }
0xea: {  	[sflag:s31] =	ssyncadd.s32 $0xFFFFF800  }
0xeb: {  	_ =	swait.ge [sflag:s5], $0x800  }
0xec: {  	[sflag:s5] =	ssyncset.done $0x0  }
0xed: {  	s26 =	simm.s32 $0x2D00;
	[sflag:s5] =	ssyncadd.s32 $0xFFFFF800  }
0xee: {  	[spmem:s2] =	stream.indirect.scatter.add.f32 [tilespmem:s6], [sflag:$0xE], $0x10, s26, s0, $0xb8;
	[tilespmem:$0xE310] =	vst v63  }
0xef: {  	s4 =	simm.s32 $0x700  }
0xf0: {  	[tilespmem:s15], [sflag:$0xA] =	stream.indirect.gather [spmem:s1], $0x10, s4, s0, $0xb8;
	[tilespmem:$0xE310] =	vst v63  }
0xf1: {  	_ =	swait.ge [sflag:s29], $0x800  }
0xf2: {  	[sflag:s29] =	ssyncset.done $0x0  }
0xf3: {  	[sflag:s29] =	ssyncadd.s32 $0xFFFFF800  }
0xf4: {  	_ =	swait.ge [sflag:s16], $0x800  }
0xf5: {  	[sflag:s16] =	ssyncset.done $0x0  }
0xf6: {  	s26 =	simm.s32 $0x2D80;
	[sflag:s16] =	ssyncadd.s32 $0xFFFFF800  }
0xf7: {  	[spmem:s2] =	stream.indirect.scatter.add.f32 [tilespmem:s9], [sflag:$0xF], $0x10, s26, s0, $0xb8;
	[tilespmem:$0xE310] =	vst v63  }
0xf8: {  	s3 =	simm.s32 $0x780;
	s26 =	simm.s32 $0x1000  }
.LBB2_8:
0xf9: {  	[tilespmem:s17], [sflag:$0xB] =	stream.indirect.gather [spmem:s1], $0x10, s3, s0, $0xb8;
	[tilespmem:$0xE310] =	vst v63  }
0xfa: {  	s3 =	smov.u32 s26  }
0xfb: {  	p0 =	sne.s32 s26, $0x8000;
	s26 =	sadd.s32 $0x1000, s26;
	_ =	swait.ge [sflag:s24], $0x800  }
0xfc: {  	[sflag:s24] =	ssyncset.done $0x0  }
0xfd: {  	[sflag:s24] =	ssyncadd.s32 $0xFFFFF800  }
0xfe: {  	_ =	swait.ge [sflag:s18], $0x800  }
0xff: {  	s4 =	sshra.s32 s3, $0x2;
	[sflag:s18] =	ssyncset.done $0x0  }
0x100: {  	s3 =	sadd.s32 $0x2A00, s4;
	[sflag:s18] =	ssyncadd.s32 $0xFFFFF800  }
0x101: {  	[spmem:s2] =	stream.indirect.scatter.add.f32 [tilespmem:s12], [sflag:$0x10], $0x10, s3, s0, $0xb8;
	[tilespmem:$0xE310] =	vst v63  }
0x102: {  	s3 =	sadd.s32 $0x400, s4  }
0x103: {  	[tilespmem:s8], [sflag:$0x4] =	stream.indirect.gather [spmem:s1], $0x10, s3, s0, $0xb8;
	[tilespmem:$0xE310] =	vst v63  }
0x104: {  	_ =	swait.ge [sflag:s7], $0x800  }
0x105: {  	[sflag:s7] =	ssyncset.done $0x0  }
0x106: {  	[sflag:s7] =	ssyncadd.s32 $0xFFFFF800  }
0x107: {  	_ =	swait.ge [sflag:s19], $0x800  }
0x108: {  	[sflag:s19] =	ssyncset.done $0x0  }
0x109: {  	s3 =	sadd.s32 $0x2A80, s4;
	[sflag:s19] =	ssyncadd.s32 $0xFFFFF800  }
0x10a: {  	[spmem:s2] =	stream.indirect.scatter.add.f32 [tilespmem:s14], [sflag:$0x11], $0x10, s3, s0, $0xb8;
	[tilespmem:$0xE310] =	vst v63  }
0x10b: {  	s3 =	sadd.s32 $0x480, s4  }
0x10c: {  	[tilespmem:s22], [sflag:$0x5] =	stream.indirect.gather [spmem:s1], $0x10, s3, s0, $0xb8;
	[tilespmem:$0xE310] =	vst v63  }
0x10d: {  	_ =	swait.ge [sflag:s20], $0x800  }
0x10e: {  	[sflag:s20] =	ssyncset.done $0x0  }
0x10f: {  	[sflag:s20] =	ssyncadd.s32 $0xFFFFF800  }
0x110: {  	_ =	swait.ge [sflag:s21], $0x800  }
0x111: {  	[sflag:s21] =	ssyncset.done $0x0  }
0x112: {  	s3 =	sadd.s32 $0x2B00, s4;
	[sflag:s21] =	ssyncadd.s32 $0xFFFFF800  }
0x113: {  	[spmem:s2] =	stream.indirect.scatter.add.f32 [tilespmem:s15], [sflag:$0x12], $0x10, s3, s0, $0xb8;
	[tilespmem:$0xE310] =	vst v63  }
0x114: {  	s3 =	sadd.s32 $0x500, s4  }
0x115: {  	[tilespmem:s6], [sflag:$0x6] =	stream.indirect.gather [spmem:s1], $0x10, s3, s0, $0xb8;
	[tilespmem:$0xE310] =	vst v63  }
0x116: {  	_ =	swait.ge [sflag:s23], $0x800  }
0x117: {  	[sflag:s23] =	ssyncset.done $0x0  }
0x118: {  	[sflag:s23] =	ssyncadd.s32 $0xFFFFF800  }
0x119: {  	_ =	swait.ge [sflag:s25], $0x800  }
0x11a: {  	[sflag:s25] =	ssyncset.done $0x0  }
0x11b: {  	s3 =	sadd.s32 $0x2B80, s4;
	[sflag:s25] =	ssyncadd.s32 $0xFFFFF800  }
0x11c: {  	[spmem:s2] =	stream.indirect.scatter.add.f32 [tilespmem:s17], [sflag:$0x13], $0x10, s3, s0, $0xb8;
	[tilespmem:$0xE310] =	vst v63  }
0x11d: {  	s3 =	sadd.s32 $0x580, s4  }
0x11e: {  	[tilespmem:s9], [sflag:$0x7] =	stream.indirect.gather [spmem:s1], $0x10, s3, s0, $0xb8;
	[tilespmem:$0xE310] =	vst v63  }
0x11f: {  	_ =	swait.ge [sflag:s10], $0x800  }
0x120: {  	[sflag:s10] =	ssyncset.done $0x0  }
0x121: {  	[sflag:s10] =	ssyncadd.s32 $0xFFFFF800  }
0x122: {  	_ =	swait.ge [sflag:s11], $0x800  }
0x123: {  	[sflag:s11] =	ssyncset.done $0x0  }
0x124: {  	s3 =	sadd.s32 $0x2C00, s4;
	[sflag:s11] =	ssyncadd.s32 $0xFFFFF800  }
0x125: {  	[spmem:s2] =	stream.indirect.scatter.add.f32 [tilespmem:s8], [sflag:$0xC], $0x10, s3, s0, $0xb8;
	[tilespmem:$0xE310] =	vst v63  }
0x126: {  	s3 =	sadd.s32 $0x600, s4  }
0x127: {  	[tilespmem:s12], [sflag:$0x8] =	stream.indirect.gather [spmem:s1], $0x10, s3, s0, $0xb8;
	[tilespmem:$0xE310] =	vst v63  }
0x128: {  	_ =	swait.ge [sflag:s30], $0x800  }
0x129: {  	[sflag:s30] =	ssyncset.done $0x0  }
0x12a: {  	[sflag:s30] =	ssyncadd.s32 $0xFFFFF800  }
0x12b: {  	_ =	swait.ge [sflag:s13], $0x800  }
0x12c: {  	[sflag:s13] =	ssyncset.done $0x0  }
0x12d: {  	s3 =	sadd.s32 $0x2C80, s4;
	[sflag:s13] =	ssyncadd.s32 $0xFFFFF800  }
0x12e: {  	[spmem:s2] =	stream.indirect.scatter.add.f32 [tilespmem:s22], [sflag:$0xD], $0x10, s3, s0, $0xb8;
	[tilespmem:$0xE310] =	vst v63  }
0x12f: {  	s3 =	sadd.s32 $0x680, s4  }
0x130: {  	[tilespmem:s14], [sflag:$0x9] =	stream.indirect.gather [spmem:s1], $0x10, s3, s0, $0xb8;
	[tilespmem:$0xE310] =	vst v63  }
0x131: {  	_ =	swait.ge [sflag:s31], $0x800  }
0x132: {  	[sflag:s31] =	ssyncset.done $0x0  }
0x133: {  	[sflag:s31] =	ssyncadd.s32 $0xFFFFF800  }
0x134: {  	_ =	swait.ge [sflag:s5], $0x800  }
0x135: {  	[sflag:s5] =	ssyncset.done $0x0  }
0x136: {  	s3 =	sadd.s32 $0x2D00, s4;
	[sflag:s5] =	ssyncadd.s32 $0xFFFFF800  }
0x137: {  	[spmem:s2] =	stream.indirect.scatter.add.f32 [tilespmem:s6], [sflag:$0xE], $0x10, s3, s0, $0xb8;
	[tilespmem:$0xE310] =	vst v63  }
0x138: {  	s3 =	sadd.s32 $0x700, s4  }
0x139: {  	[tilespmem:s15], [sflag:$0xA] =	stream.indirect.gather [spmem:s1], $0x10, s3, s0, $0xb8;
	[tilespmem:$0xE310] =	vst v63  }
0x13a: {  	_ =	swait.ge [sflag:s29], $0x800  }
0x13b: {  	[sflag:s29] =	ssyncset.done $0x0  }
0x13c: {  	[sflag:s29] =	ssyncadd.s32 $0xFFFFF800  }
.Ltmp3:
0x13d: {  	_ =	swait.ge [sflag:s16], $0x800;
	(pc) =	sbr.rel @p0 .LBB2_8-.Ltmp3, $4  }
0x13e: {  	[sflag:s16] =	ssyncset.done $0x0  }
0x13f: {  	s3 =	sadd.s32 $0x2D80, s4;
	[sflag:s16] =	ssyncadd.s32 $0xFFFFF800  }
0x140: {  	[spmem:s2] =	stream.indirect.scatter.add.f32 [tilespmem:s9], [sflag:$0xF], $0x10, s3, s0, $0xb8;
	[tilespmem:$0xE310] =	vst v63  }
0x141: {  	s3 =	sadd.s32 $0x780, s4  }
0x142: {  	[tilespmem:s17], [sflag:$0xB] =	stream.indirect.gather [spmem:s1], $0x10, s3, s0, $0xb8;
	[tilespmem:$0xE310] =	vst v63  }
0x143: {  	_ =	swait.ge [sflag:s24], $0x800  }
0x144: {  	[sflag:s24] =	ssyncset.done $0x0  }
0x145: {  	[sflag:s24] =	ssyncadd.s32 $0xFFFFF800  }
0x146: {  	_ =	swait.ge [sflag:s18], $0x800  }
0x147: {  	[sflag:s18] =	ssyncset.done $0x0  }
0x148: {  	s22 =	simm.s32 $0x4E00;
	[sflag:s18] =	ssyncadd.s32 $0xFFFFF800  }
0x149: {  	[spmem:s2] =	stream.indirect.scatter.add.f32 [tilespmem:s12], [sflag:$0x10], $0x10, s22, s0, $0xb8;
	[tilespmem:$0xE310] =	vst v63  }
0x14a: {  	_ =	swait.ge [sflag:s7], $0x800  }
0x14b: {  	[sflag:s7] =	ssyncset.done $0x0  }
0x14c: {  	[sflag:s7] =	ssyncadd.s32 $0xFFFFF800  }
0x14d: {  	_ =	swait.ge [sflag:s19], $0x800  }
0x14e: {  	[sflag:s19] =	ssyncset.done $0x0  }
0x14f: {  	s26 =	simm.s32 $0x4E80;
	[sflag:s19] =	ssyncadd.s32 $0xFFFFF800  }
0x150: {  	[spmem:s2] =	stream.indirect.scatter.add.f32 [tilespmem:s14], [sflag:$0x11], $0x10, s26, s0, $0xb8;
	[tilespmem:$0xE310] =	vst v63  }
0x151: {  	_ =	swait.ge [sflag:s20], $0x800  }
0x152: {  	[sflag:s20] =	ssyncset.done $0x0  }
0x153: {  	[sflag:s20] =	ssyncadd.s32 $0xFFFFF800  }
0x154: {  	_ =	swait.ge [sflag:s21], $0x800  }
0x155: {  	[sflag:s21] =	ssyncset.done $0x0  }
0x156: {  	s4 =	simm.s32 $0x4F00;
	[sflag:s21] =	ssyncadd.s32 $0xFFFFF800  }
0x157: {  	[spmem:s2] =	stream.indirect.scatter.add.f32 [tilespmem:s15], [sflag:$0x12], $0x10, s4, s0, $0xb8;
	[tilespmem:$0xE310] =	vst v63  }
0x158: {  	_ =	swait.ge [sflag:s23], $0x800  }
0x159: {  	[sflag:s23] =	ssyncset.done $0x0  }
0x15a: {  	[sflag:s23] =	ssyncadd.s32 $0xFFFFF800  }
0x15b: {  	_ =	swait.ge [sflag:s25], $0x800  }
0x15c: {  	[sflag:s25] =	ssyncset.done $0x0  }
0x15d: {  	s6 =	simm.s32 $0x4F80;
	[sflag:s25] =	ssyncadd.s32 $0xFFFFF800  }
0x15e: {  	[spmem:s2] =	stream.indirect.scatter.add.f32 [tilespmem:s17], [sflag:$0x13], $0x10, s6, s0, $0xb8;
	[tilespmem:$0xE310] =	vst v63  }
0x15f: {  	_ =	swait.ge [sflag:s10], $0x800  }
0x160: {  	[sflag:s10] =	ssyncset.done $0x0  }
0x161: {  	[sflag:s10] =	ssyncadd.s32 $0xFFFFF800  }
0x162: {  	_ =	swait.ge [sflag:s30], $0x800  }
0x163: {  	[sflag:s30] =	ssyncset.done $0x0  }
0x164: {  	[sflag:s30] =	ssyncadd.s32 $0xFFFFF800  }
0x165: {  	_ =	swait.ge [sflag:s31], $0x800  }
0x166: {  	[sflag:s31] =	ssyncset.done $0x0  }
0x167: {  	[sflag:s31] =	ssyncadd.s32 $0xFFFFF800  }
0x168: {  	_ =	swait.ge [sflag:s29], $0x800  }
0x169: {  	[sflag:s29] =	ssyncset.done $0x0  }
0x16a: {  	[sflag:s29] =	ssyncadd.s32 $0xFFFFF800  }
0x16b: {  	[bflag:$0x0] =	sbarrier.arrive $0xFFFF  }
0x16c: {  	s8 =	rddreg [dreg:$0x7]  }
0x16d: {  	s4 =	rddreg [dreg:$0xb]  }
0x16e: {  	s22 =	simm.s32 $0x14;
	s3 =	sor.u32 $0x1C14, s8;
	s8 =	rddreg [dreg:$0x17]  }
0x16f: {  	[hbm:s4], [sflag:s3] =	dma.local [spmem:s8], $0x500  }
0x170: {  	_ =	swait.ge [sflag:s22], $0x500  }
0x171: {  	s6 =	rddreg [dreg:$0x18]  }
0x172: {  	s26 =	rddreg [dreg:$0xc];
	s6 =	sadd.s32 $0x1, s6  }
0x173: {  	p0 =	sne.s32 s6, s26  }
.Ltmp4:
0x174: {  	_ = 	snop;
	(pc) =	sbr.rel @p0 .LBB2_1-.Ltmp4, $3  }
0x175: {  	_ =	sdelay $0x1  }
0x176: {  	[sflag:s22] =	ssyncset.done $0x0  }
0x177: {  	[sflag:s22] =	ssyncadd.s32 $0xFFFFFB00;
	s22 =	simm.s32 $0x0  }
0x178: {  	_ =	sfence.sel $0x180000  }
0x179: {  	[bflag:$0x0] =	sbarrier.arrive $0xFFFF  }
0x17a: {  	_ =	strace $0x9000004D  }
0x17b: {  	s0 =	stileid.u32;
	[bflag:$0x2] =	sbarrier.arrive $0xFFFF  }
0x17c: {  	p0 =	sne.s32 s0, $0x0;
	s0 =	rddreg [dreg:$0x4]  }
0x17d: {  	s0 =	sadd.s32 @!p0 $0x100000, s0  }
0x17e: {  	[sflag:s0] =	ssyncadd.tile.s32 @!p0 $0x1;
	_ =	shalt  }
.Lfunc_end2:
_tile_overlayer_lowered:
.L_overlay_start_2:
0x17f: {  	(tag) =	ssettag $0x2  }
0x180: {  	s0 =	rddreg [dreg:$0x0];
	s2 =	stileid.u32  }
0x181: {  	s1 =	rddreg [dreg:$0x1];
	p0 =	sne.s32 s2, $0x0  }
0x182: {  	s3 =	rddreg [dreg:$0x2];
	[bflag:$0x3] =	sbarrier.arrive $0xFFFF;
	s2 =	simm.s32 @!p0 $0x1C14  }
0x183: {  	[timem:s3], [sflag:s2] =	dma.local @!p0 [hbm:s0], s1  }
0x184: {  	s0 =	simm.s32 @!p0 $0x14  }
0x185: {  	_ =	swait.ge @!p0 [sflag:s0], s1  }
0x186: {  	s1 =	ssub.s32 @!p0 $0x0, s1;
	[sflag:s0] =	ssyncset.done @!p0 $0x0  }
0x187: {  	[sflag:s0] =	ssyncadd.s32 @!p0 s1  }
0x188: {  	[bflag:$0x3] =	sbarrier.arrive $0xFFFF  }
0x189: {  	_ =	shalt  }

// kernel: kernel.9.cloned.1.call-start
scs
__scs_entry_jumppad:
0x0: {  	(pc) =	sbr.rel $0x88, $3  }
0x1: {  	(tag) =	ssettag $0x0;
	lr =	simm.s32 $0x1  }
0x2: {  	[smem:$0x3F9B] =	sst lr;
	_ =	strace $0xD0000000  }
0x3: {  	_ = 	snop  }
0x4: {  	_ = 	snop  }
0x5: {  	_ = 	snop  }
0x6: {  	_ = 	snop  }
0x7: {  	_ = 	snop  }
__scs_overlays_trampoline_lowered:
0x8: {  	[smem:$0x3FAA] =	sst s0  }
0x9: {  	[smem:$0x3FAB] =	sst s1  }
0xa: {  	[smem:$0x3FAC] =	sst s2  }
0xb: {  	[smem:$0x3FAD] =	sst s3  }
0xc: {  	[smem:$0x3FAE] =	sst s4  }
0xd: {  	[smem:$0x3FAF] =	sst s5  }
0xe: {  	[smem:$0x3FB0] =	sst s6  }
0xf: {  	[smem:$0x3FB1] =	sst s7  }
0x10: {  	[smem:$0x3FB2] =	sst s8  }
0x11: {  	[smem:$0x3FB3] =	sst s9;
	s0 =	simm.s32 @!p0 $0x0  }
0x12: {  	s1 =	sld [smem:$0x3F99];
	s0 =	simm.s32 @p0 $0x1  }
0x13: {  	[smem:$0x3FB4] =	sst s0;
	s0 =	simm.s32 @!p1 $0x0  }
0x14: {  	s2 =	sld [smem:$0x3F98];
	s0 =	simm.s32 @p1 $0x1  }
0x15: {  	[smem:$0x3FB5] =	sst s0;
	s0 =	simm.s32 @!p2 $0x0  }
0x16: {  	s3 =	sld [smem:$0x3FDB];
	s0 =	simm.s32 @p2 $0x1  }
0x17: {  	s4 =	simm.s32 $0x1BF5;
	[smem:$0x3FB7] =	sst s0  }
0x18: {  	s0 =	sld [smem:$0x3F9A];
	_ =	swait.ge [sflag:s4], $0x0  }
0x19: {  	s7 =	sld [smem:$0x3F9B]  }
0x1a: {  	s8 =	sadd.s32 $0xFFFFE003, lr  }
0x1b: {  	s9 =	sadd.s32 $0xFFFFFEF7, lr;
	s5 =	simm.s32 $0xFFFFFFFF;
	p2 =	slt.u32 s8, $0xFFFFF086  }
0x1c: {  	p1 =	slt.u32 s9, $0xF7A;
	s5 =	simm.s32 @!p2 $0x0  }
0x1d: {  	s5 =	simm.s32 @p1 $0x1;
	p0 =	seq.s32 s7, s2  }
0x1e: {  	s7 =	smul.u32 @!p0 $0xF7A, s2;
	p2 =	seq.s32 @!p0 s5, $0x0  }
0x1f: {  	s9 =	smul.u32 $0xF7A, s1;
	s8 =	simm.s32 @!p0 $0x1BF5;
	p2 =	por !p2, p0  }
0x20: {  	[sflag:s8] =	ssyncset.s32 @!p0 $0xFFFFF086;
	s6 =	sadd.s32 @!p0 s3, s7;
	s7 =	simm.s32 @!p0 $0x108  }
0x21: {  	s3 =	sadd.s32 s3, s9;
	s6 =	sadd.s32 @!p0 $0x88, s6;
	s7 =	simm.s32 @p2 $0x1082  }
0x22: {  	[simem:s7], [sflag:s8] =	dma.local @!p0 [hbm:s6], $0xF7A  }
0x23: {  	s9 =	sor.u32 $0xD0000000, s2;
	s6 =	simm.s32 $0x108;
	_ =	swait.ge @!p0 [sflag:s8], $0x0  }
0x24: {  	s3 =	sadd.s32 $0x88, s3;
	s6 =	simm.s32 @!p1 $0x1082;
	[sflag:s4] =	ssyncset.s32 $0xFFFFF086  }
0x25: {  	[simem:s6], [sflag:s4] =	dma.local [hbm:s3], $0xF7A  }
0x26: {  	[smem:$0x3F9B] =	sst s1;
	(tag) =	ssettag s2;
	_ =	strace s9  }
0x27: {  	s1 =	sld [smem:$0x3FAB]  }
0x28: {  	s2 =	sld [smem:$0x3FAC]  }
0x29: {  	s4 =	sld [smem:$0x3FAE]  }
0x2a: {  	p0 =	seq.s32 s5, $0x0;
	s5 =	sld [smem:$0x3FAF]  }
0x2b: {  	s6 =	sld [smem:$0x3FB0]  }
0x2c: {  	s7 =	sld [smem:$0x3FB1]  }
0x2d: {  	s3 =	simm.s32 $0x108;
	s8 =	sld [smem:$0x3FB2]  }
0x2e: {  	s3 =	simm.s32 @!p0 $0x1082;
	s9 =	sld [smem:$0x3FB3]  }
0x2f: {  	lr =	sadd.s32 s0, s3;
	s0 =	sld [smem:$0x3FAA]  }
0x30: {  	s3 =	sld [smem:$0x3FAD]  }
0x31: {  	[smem:$0x3FB6] =	sst s10  }
0x32: {  	s10 =	sld [smem:$0x3FB4];
	_ =	sdelay $0x3  }
0x33: {  	p0 =	seq.s32 s10, $0x1;
	s10 =	sld [smem:$0x3FB6];
	_ =	sdelay $0x3  }
0x34: {  	[smem:$0x3FB6] =	sst s10  }
0x35: {  	s10 =	sld [smem:$0x3FB5];
	_ =	sdelay $0x3  }
0x36: {  	p1 =	seq.s32 s10, $0x1;
	s10 =	sld [smem:$0x3FB6];
	_ =	sdelay $0x3  }
0x37: {  	[smem:$0x3FB6] =	sst s10  }
0x38: {  	s10 =	sld [smem:$0x3FB7]  }
0x39: {  	_ = 	snop;
	(pc) =	sbr.ind lr, $3  }
0x3a: {  	_ = 	snop  }
0x3b: {  	_ = 	snop  }
0x3c: {  	p2 =	seq.s32 s10, $0x1;
	s10 =	sld [smem:$0x3FB6]  }
0x3d: {  	_ =	shalt  }
0x3e: {  	_ =	shalt  }
0x3f: {  	_ =	shalt  }
0x40: {  	_ =	shalt  }
0x41: {  	_ =	shalt  }
0x42: {  	_ =	shalt  }
0x43: {  	_ =	shalt  }
0x44: {  	_ =	shalt  }
0x45: {  	_ =	shalt  }
0x46: {  	_ =	shalt  }
0x47: {  	_ =	shalt  }
0x48: {  	_ =	shalt  }
0x49: {  	_ =	shalt  }
0x4a: {  	_ =	shalt  }
0x4b: {  	_ =	shalt  }
0x4c: {  	_ =	shalt  }
0x4d: {  	_ =	shalt  }
0x4e: {  	_ =	shalt  }
0x4f: {  	_ =	shalt  }
0x50: {  	_ =	shalt  }
0x51: {  	_ =	shalt  }
0x52: {  	_ =	shalt  }
0x53: {  	_ =	shalt  }
0x54: {  	_ =	shalt  }
0x55: {  	_ =	shalt  }
0x56: {  	_ =	shalt  }
0x57: {  	_ =	shalt  }
0x58: {  	_ =	shalt  }
0x59: {  	_ =	shalt  }
0x5a: {  	_ =	shalt  }
0x5b: {  	_ =	shalt  }
0x5c: {  	_ =	shalt  }
0x5d: {  	_ =	shalt  }
0x5e: {  	_ =	shalt  }
0x5f: {  	_ =	shalt  }
0x60: {  	_ =	shalt  }
0x61: {  	_ =	shalt  }
0x62: {  	_ =	shalt  }
0x63: {  	_ =	shalt  }
0x64: {  	_ =	shalt  }
0x65: {  	_ =	shalt  }
0x66: {  	_ =	shalt  }
0x67: {  	_ =	shalt  }
0x68: {  	_ =	shalt  }
0x69: {  	_ =	shalt  }
0x6a: {  	_ =	shalt  }
0x6b: {  	_ =	shalt  }
0x6c: {  	_ =	shalt  }
0x6d: {  	_ =	shalt  }
0x6e: {  	_ =	shalt  }
0x6f: {  	_ =	shalt  }
0x70: {  	_ =	shalt  }
0x71: {  	_ =	shalt  }
0x72: {  	_ =	shalt  }
0x73: {  	_ =	shalt  }
0x74: {  	_ =	shalt  }
0x75: {  	_ =	shalt  }
0x76: {  	_ =	shalt  }
0x77: {  	_ =	shalt  }
0x78: {  	_ =	shalt  }
0x79: {  	_ =	shalt  }
0x7a: {  	_ =	shalt  }
0x7b: {  	_ =	shalt  }
0x7c: {  	_ =	shalt  }
0x7d: {  	_ =	shalt  }
0x7e: {  	_ =	shalt  }
0x7f: {  	_ =	shalt  }
0x80: {  	_ =	shalt  }
0x81: {  	_ =	shalt  }
0x82: {  	_ =	shalt  }
0x83: {  	_ =	shalt  }
0x84: {  	_ =	shalt  }
0x85: {  	_ =	shalt  }
0x86: {  	_ =	shalt  }
0x87: {  	_ =	shalt  }
.Lfunc_end0:
.L_simem_size_0:
called_computation_lowered:
.L_overlay_start_0:
0x88: {  	s2 =	sld [smem:$0x3FD9]  }
0x89: {  	s3 =	sld [smem:$0x3FFE];
	_ =	sdelay $0x1  }
0x8a: {  	s1 =	srdreg.scid  }
0x8b: {  	s0 =	sand.u32 $0x1, s1  }
0x8c: {  	s16 =	sshll.u32 s0, $0xA;
	s2 =	sadd.s32 s3, s2  }
0x8d: {  	s2 =	sadd.s32 s2, s16  }
0x8e: {  	[smem:$0x3FC2] =	sst s2  }
0x8f: {  	_ = 	snop  }
0x90: {  	(tm) =	ssettm $0x1  }
0x91: {  	s17 =	sld [smem:$0x3FFB];
	_ =	sdelay $0x3  }
0x92: {  	_ =	strace s17  }
0x93: {  	s2 =	sld [smem:$0x3FFC];
	_ =	sdelay $0x3  }
0x94: {  	_ =	strace s2  }
0x95: {  	s2 =	sld [smem:$0x3FFD];
	_ =	sdelay $0x3  }
0x96: {  	_ =	strace s2  }
0x97: {  	_ =	strace $0x8FFFFFFF  }
0x98: {  	s18 =	sld [smem:$0x3FDB];
	_ =	sdelay $0x1  }
0x99: {  	s19 =	simm.s32 $_scs_section_size  }
0x9a: {  	s4 =	simm.s32 $_size__tile_overlayer_lowered;
	s5 =	simm.s32 $_tile_overlayer_lowered  }
0x9b: {  	s22 =	simm.s32 $0x1BFF;
	s21 =	sshll.u32 s5, $0x1;
	s2 =	sadd.s32 s19, s18  }
0x9c: {  	s6 =	simm.s32 $0x0;
	s20 =	sshll.u32 s4, $0x1;
	s4 =	sadd.s32 s21, s2  }
0x9d: {  	[timem:s6], [sflag:s22] =	dma.local [hbm:s4], s20  }
0x9e: {  	_ =	swait.ge [sflag:s22], s20  }
0x9f: {  	s3 =	ssub.s32 $0x0, s20;
	[sflag:s22] =	ssyncset.done $0x0  }
0xa0: {  	[sflag:s22] =	ssyncadd.s32 s3;
	_ =	sdelay $0x1  }
0xa1: {  	s23 =	simm.s32 $0x1B8B  }
0xa2: {  	_ =	swait.ge [sflag:s23], $0x1  }
0xa3: {  	[sflag:s23] =	ssyncset.done $0x0  }
0xa4: {  	s25 =	simm.s32 $0x1B8E;
	s24 =	sld [smem:$0x3FFE];
	[sflag:s23] =	ssyncadd.s32 $0xFFFFFFFF  }
0xa5: {  	s26 =	simm.s32 $execute0_lowered;
	[smem:$0x3FD2] =	sst s25  }
0xa6: {  	s4 =	sshll.u32 s26, $0x1;
	_ =	strace $0x80000046;
	[dreg:$0x1] =	wrdreg $0xFFFFFFFF  }
0xa7: {  	s28 =	simm.s32 $_size_execute0_lowered;
	s2 =	sadd.s32 s2, s4;
	[dreg:$0x0] =	wrdreg $0x0  }
0xa8: {  	s4 =	sshll.u32 s28, $0x1;
	[dreg:$0x2] =	wrdreg s2  }
0xa9: {  	[dreg:$0x3] =	wrdreg s4  }
0xaa: {  	[dreg:$0x4] =	wrdreg $0xC0  }
0xab: {  	_ =	task [dreg:s6], $0x5FFFF  }
0xac: {  	[dreg:$0x1] =	wrdreg $0xFFFFFFFF  }
0xad: {  	[dreg:$0x0] =	wrdreg $0x60  }
0xae: {  	[dreg:$0x2] =	wrdreg s24  }
0xaf: {  	[dreg:$0x3] =	wrdreg $0x34000  }
0xb0: {  	[dreg:$0x4] =	wrdreg $0x9  }
0xb1: {  	_ =	task.clear_ibuf [dreg:s6], $0x5FFFF;
	_ =	strace $0x90000046  }
0xb2: {  	s29 =	simm.s32 $0x9;
	_ =	strace $0x80000048  }
0xb3: {  	_ =	swait.ge [sflag:s29], $0x1  }
0xb4: {  	[sflag:s29] =	ssyncadd.s32 $0xFFFFFFFF  }
0xb5: {  	_ =	strace $0x90000048  }
0xb6: {  	_ =	sfence  }
0xb7: {  	s30 =	sld [smem:$0x0];
	_ =	sdelay $0x2  }
0xb8: {  	s31 =	sshll.u32 s1, $0xD;
	s1 =	sshrl.u32 s1, $0x2  }
0xb9: {  	s3 =	sand.u32 $0x4000, s31;
	s1 =	sadd.s32 s1, s30  }
0xba: {  	s0 =	sor.u32 s3, s0;
	s1 =	sshll.u32 s1, $0x11  }
0xbb: {  	s0 =	sor.u32 s1, s0  }
0xbc: {  	s0 =	sadd.s32 $0x8F2B, s0  }
0xbd: {  	[sflag:s0] =	ssyncadd.remote.s32 $0x1  }
0xbe: {  	_ =	sfence.sel $0xFFFF  }
0xbf: {  	[dreg:$0x0] =	wrdreg $0xFFFFFFFF;
	(pc) =	sbr.abs _section_cstart, $3  }
0xc0: {  	[dreg:$0x1] =	wrdreg $0xFFFFFFFF  }
0xc1: {  	_ =	task.clear_ibuf [dreg:s6], $0x2FFFF;
	_ =	strace $0x9FFFFFFF  }
0xc2: {  	(tm) =	ssettm $0x7FFFFFFF  }
0xc3: {  	_ =	shalt  }
tec
execute0_lowered:
.L_overlay_start_1:
0x0: {  	(tag) =	ssettag $0x1  }
0x1: {  	s4 =	rddreg [dreg:$0x0]  }
0x2: {  	s2 =	rddreg [dreg:$0x1];
	s1 =	srdreg.scid  }
0x3: {  	s0 =	rddreg [dreg:$0x2];
	s3 =	simm.s32 $0x0;
	s19 =	simm.s32 $0x3  }
0x4: {  	s20 =	simm.s32 $0x1;
	s21 =	simm.s32 $0x3000;
	s7 =	sand.u32 $0x1, s1  }
0x5: {  	s22 =	simm.s32 $0x80;
	s1 =	stileid.u32;
	s5 =	smul.u32 $0x28000, s7  }
0x6: {  	s23 =	simm.s32 $0x2800;
	s24 =	simm.s32 $0x2;
	s8 =	smul.u32 $0x2800, s1  }
0x7: {  	s26 =	simm.s32 $0x0;
	[smem:$0x7FF] =	sst s3;
	s11 =	smul.u32 $0xA000, s1  }
0x8: {  	s17 =	sadd.s32 $0x2C00, s4;
	s6 =	sshll.u32 s1, $0x1;
	s30 =	smul.u32 $0x4E20, s1  }
0x9: {  	_ =	strace $0x80000047;
	s9 =	ssub.s32 $0x2, s7;
	s31 =	smul.u32 $0x2710, s7  }
0xa: {  	s6 =	sor.u32 s7, s6;
	s10 =	sshrl.u32 s9, $0x1;
	s5 =	sadd.s32 s8, s5  }
0xb: {  	s6 =	smul.u32 $0x2710, s6;
	s9 =	ssub.s32 s9, s10;
	s29 =	sshrl.u32 s11, $0x2  }
0xc: {  	s25 =	sadd.s32 s8, s2;
	s13 =	sadd.s32 s31, s30;
	s5 =	sshrl.u32 s5, $0x3  }
0xd: {  	s7 =	smax.u32 s9, $0x1;
	s15 =	sadd.s32 $0x4E200, s13;
	s25 =	sshrl.u32 s25, $0x3  }
0xe: {  	s6 =	sshrl.u32 s6, $0x3;
	s12 =	sadd.s32 s5, s4;
	s5 =	sadd.s32 s29, s2  }
0xf: {  	s18 =	sshrl.u32 s15, $0x3;
	s28 =	sadd.s32 s17, s6;
	s6 =	sadd.s32 $0x16600, s12  }
0x10: {  	s8 =	sadd.s32 $0x400, s5;
	s9 =	sadd.s32 $0x800, s5;
	s10 =	sadd.s32 $0xC00, s5  }
0x11: {  	s11 =	sadd.s32 $0x1000, s5;
	s12 =	sadd.s32 $0x1400, s5;
	s13 =	sadd.s32 $0x1800, s5  }
0x12: {  	s14 =	sadd.s32 $0x1C00, s5;
	s15 =	sadd.s32 $0x2000, s5;
	s16 =	sadd.s32 $0x2400, s5  }
0x13: {  	v0 =	vimm.s32 $0x2710;
	v1 =	vimm.f32 $1.000000000e+00;
	v2 =	vimm.f32 $0.0e+00;
	s17 =	sadd.s32 s18, s17;
	s18 =	simm.s32 $0x2700;
	s4 =	sadd.s32 $0xA120, s28  }
.LBB2_1:
0x14: {  	s28 =	simm.s32 $0x10  }
0x15: {  	s31 =	sadd.s32 $0x0, s17;
	s29 =	simm.s32 $0x80;
	s30 =	simm.s32 $0x0  }
.LBB2_2:
0x16: {  	[tilespmem:s30], [sflag:$0x1] =	stream.linear.gather [hbm4b:s31+s3], $0x80, $0x38;
	[tilespmem:$0x5C00] =	vst v63  }
0x17: {  	s31 =	smov.u32 s28;
	s30 =	smov.u32 s29;
	p0 =	sne.s32 s28, $0x4D0  }
.Ltmp0:
0x18: {  	s28 =	sadd.s32 $0x10, s28;
	(pc) =	sbr.rel @p0 .LBB2_2-.Ltmp0, $2  }
0x19: {  	_ =	sdelay $0x2  }
0x1a: {  	s29 =	sadd.s32 $0x80, s29;
	s31 =	sadd.s32 s31, s17  }
0x1b: {  	[tilespmem:s30], [sflag:$0x1] =	stream.linear.gather [hbm4b:s31+s3], $0x80, $0x38;
	[tilespmem:$0x5C00] =	vst v63  }
0x1c: {  	_ = 	snop  }
0x1d: {  	[tilespmem:s18], [sflag:$0x3] =	stream.linear.gather [hbm4b:s4+s3], $0x10, $0x38;
	[tilespmem:$0x5C00] =	vst v63  }
0x1e: {  	_ =	swait.ge [sflag:s19], $0x10  }
0x1f: {  	[sflag:s19] =	ssyncset.done $0x0  }
0x20: {  	[sflag:s19] =	ssyncadd.s32 $0xFFFFFFF0  }
0x21: {  	[tilespmem:$0x2710] =	vst v0  }
0x22: {  	[tilespmem:$0x2720] =	vst v0  }
0x23: {  	[tilespmem:$0x2730] =	vst v0  }
0x24: {  	[tilespmem:$0x2740] =	vst v0  }
0x25: {  	[tilespmem:$0x2750] =	vst v0  }
0x26: {  	[tilespmem:$0x2760] =	vst v0  }
0x27: {  	[tilespmem:$0x2770] =	vst v0  }
0x28: {  	[tilespmem:$0x2780] =	vst v0  }
0x29: {  	[tilespmem:$0x2790] =	vst v0  }
0x2a: {  	[tilespmem:$0x27A0] =	vst v0  }
0x2b: {  	[tilespmem:$0x27B0] =	vst v0  }
0x2c: {  	[tilespmem:$0x27C0] =	vst v0  }
0x2d: {  	[tilespmem:$0x27D0] =	vst v0  }
0x2e: {  	[tilespmem:$0x27E0] =	vst v0  }
0x2f: {  	[tilespmem:$0x27F0] =	vst v0  }
0x30: {  	_ =	swait.ge [sflag:s20], $0x80  }
0x31: {  	s28 =	simm.s32 $0x4D;
	[sflag:s20] =	ssyncset.done $0x0  }
.LBB2_4:
0x32: {  	p0 =	sne.s32 s28, $0x1;
	s28 =	sadd.s32 $0xFFFFFFFF, s28;
	[sflag:s20] =	ssyncadd.s32 $0xFFFFFF80  }
.Ltmp1:
0x33: {  	(pc) =	sbr.rel @p0 .LBB2_4-.Ltmp1, $3  }
0x34: {  	_ =	sdelay $0x1  }
0x35: {  	_ =	swait.ge [sflag:s20], $0x80  }
0x36: {  	[sflag:s20] =	ssyncset.done $0x0  }
0x37: {  	[sflag:s20] =	ssyncadd.s32 $0xFFFFFF80;
	s28 =	simm.s32 $0x40;
	s29 =	simm.s32 $0x0  }
.LBB2_6:
0x38: {  	p0 =	sne.s32 s28, $0x1FC0;
	[tilespmem:s29+$0x2800] =	vst v1;
	s29 =	smov.u32 s28;
	s28 =	sadd.s32 $0x40, s28  }
.Ltmp2:
0x39: {  	(pc) =	sbr.rel @p0 .LBB2_6-.Ltmp2, $2  }
0x3a: {  	_ =	sdelay $0x2  }
0x3b: {  	s29 =	sshra.s32 s29, $0x2  }
0x3c: {  	[tilespmem:s29+$0x2800] =	vst v1;
	s28 =	simm.s32 $0x40;
	s29 =	simm.s32 $0x0  }
.LBB2_8:
0x3d: {  	p0 =	sne.s32 s28, $0xFC0;
	[tilespmem:s29+$0x3000] =	vst v2;
	s29 =	smov.u32 s28;
	s28 =	sadd.s32 $0x40, s28  }
.Ltmp3:
0x3e: {  	(pc) =	sbr.rel @p0 .LBB2_8-.Ltmp3, $2  }
0x3f: {  	_ =	sdelay $0x2  }
0x40: {  	s29 =	sshra.s32 s29, $0x2  }
0x41: {  	[tilespmem:s29+$0x3000] =	vst v2  }
0x42: {  	[spmem:s5] =	stream.linear.scatter [tilespmem:s21], [sflag:$0x3], $0x400, $0x38;
	[tilespmem:$0x5C00] =	vst v63  }
0x43: {  	_ =	swait.ge [sflag:s19], $0x400  }
0x44: {  	[sflag:s19] =	ssyncset.done $0x0  }
0x45: {  	[sflag:s19] =	ssyncadd.s32 $0xFFFFFC00  }
0x46: {  	[spmem:s8] =	stream.linear.scatter [tilespmem:s21], [sflag:$0x3], $0x400, $0x38;
	[tilespmem:$0x5C00] =	vst v63  }
0x47: {  	_ =	swait.ge [sflag:s19], $0x400  }
0x48: {  	[sflag:s19] =	ssyncset.done $0x0  }
0x49: {  	[sflag:s19] =	ssyncadd.s32 $0xFFFFFC00  }
0x4a: {  	[spmem:s9] =	stream.linear.scatter [tilespmem:s21], [sflag:$0x3], $0x400, $0x38;
	[tilespmem:$0x5C00] =	vst v63  }
0x4b: {  	_ =	swait.ge [sflag:s19], $0x400  }
0x4c: {  	[sflag:s19] =	ssyncset.done $0x0  }
0x4d: {  	[sflag:s19] =	ssyncadd.s32 $0xFFFFFC00  }
0x4e: {  	[spmem:s10] =	stream.linear.scatter [tilespmem:s21], [sflag:$0x3], $0x400, $0x38;
	[tilespmem:$0x5C00] =	vst v63  }
0x4f: {  	_ =	swait.ge [sflag:s19], $0x400  }
0x50: {  	[sflag:s19] =	ssyncset.done $0x0  }
0x51: {  	[sflag:s19] =	ssyncadd.s32 $0xFFFFFC00  }
0x52: {  	[spmem:s11] =	stream.linear.scatter [tilespmem:s21], [sflag:$0x3], $0x400, $0x38;
	[tilespmem:$0x5C00] =	vst v63  }
0x53: {  	_ =	swait.ge [sflag:s19], $0x400  }
0x54: {  	[sflag:s19] =	ssyncset.done $0x0  }
0x55: {  	[sflag:s19] =	ssyncadd.s32 $0xFFFFFC00  }
0x56: {  	[spmem:s12] =	stream.linear.scatter [tilespmem:s21], [sflag:$0x3], $0x400, $0x38;
	[tilespmem:$0x5C00] =	vst v63  }
0x57: {  	_ =	swait.ge [sflag:s19], $0x400  }
0x58: {  	[sflag:s19] =	ssyncset.done $0x0  }
0x59: {  	[sflag:s19] =	ssyncadd.s32 $0xFFFFFC00  }
0x5a: {  	[spmem:s13] =	stream.linear.scatter [tilespmem:s21], [sflag:$0x3], $0x400, $0x38;
	[tilespmem:$0x5C00] =	vst v63  }
0x5b: {  	_ =	swait.ge [sflag:s19], $0x400  }
0x5c: {  	[sflag:s19] =	ssyncset.done $0x0  }
0x5d: {  	[sflag:s19] =	ssyncadd.s32 $0xFFFFFC00  }
0x5e: {  	[spmem:s14] =	stream.linear.scatter [tilespmem:s21], [sflag:$0x3], $0x400, $0x38;
	[tilespmem:$0x5C00] =	vst v63  }
0x5f: {  	_ =	swait.ge [sflag:s19], $0x400  }
0x60: {  	[sflag:s19] =	ssyncset.done $0x0  }
0x61: {  	[sflag:s19] =	ssyncadd.s32 $0xFFFFFC00  }
0x62: {  	[spmem:s15] =	stream.linear.scatter [tilespmem:s21], [sflag:$0x3], $0x400, $0x38;
	[tilespmem:$0x5C00] =	vst v63  }
0x63: {  	_ =	swait.ge [sflag:s19], $0x400  }
0x64: {  	[sflag:s19] =	ssyncset.done $0x0  }
0x65: {  	[sflag:s19] =	ssyncadd.s32 $0xFFFFFC00  }
0x66: {  	[spmem:s16] =	stream.linear.scatter [tilespmem:s21], [sflag:$0x3], $0x400, $0x38;
	[tilespmem:$0x5C00] =	vst v63  }
0x67: {  	_ =	swait.ge [sflag:s19], $0x400  }
0x68: {  	[sflag:s19] =	ssyncset.done $0x0  }
0x69: {  	[sflag:s19] =	ssyncadd.s32 $0xFFFFFC00  }
0x6a: {  	s28 =	simm.s32 $0x0;
	[bflag:$0x0] =	sbarrier.arrive $0xFFFF  }
0x6b: {  	[spmem:s2] =	stream.indirect.scatter.add.f32 [tilespmem:s23], [sflag:$0x2], $0x10, s28, s22, $0xb8;
	[tilespmem:$0x5C00] =	vst v63  }
0x6c: {  	s28 =	simm.s32 $0x80  }
0x6d: {  	[spmem:s2] =	stream.indirect.scatter.add.f32 [tilespmem:s23], [sflag:$0x2], $0x10, s28, s22, $0xb8;
	[tilespmem:$0x5C00] =	vst v63  }
0x6e: {  	s28 =	simm.s32 $0x100  }
0x6f: {  	[spmem:s2] =	stream.indirect.scatter.add.f32 [tilespmem:s23], [sflag:$0x2], $0x10, s28, s22, $0xb8;
	[tilespmem:$0x5C00] =	vst v63  }
0x70: {  	s28 =	simm.s32 $0x180  }
0x71: {  	[spmem:s2] =	stream.indirect.scatter.add.f32 [tilespmem:s23], [sflag:$0x2], $0x10, s28, s22, $0xb8;
	[tilespmem:$0x5C00] =	vst v63  }
0x72: {  	s28 =	simm.s32 $0x200  }
0x73: {  	[spmem:s2] =	stream.indirect.scatter.add.f32 [tilespmem:s23], [sflag:$0x2], $0x10, s28, s22, $0xb8;
	[tilespmem:$0x5C00] =	vst v63  }
0x74: {  	s28 =	simm.s32 $0x280  }
0x75: {  	[spmem:s2] =	stream.indirect.scatter.add.f32 [tilespmem:s23], [sflag:$0x2], $0x10, s28, s22, $0xb8;
	[tilespmem:$0x5C00] =	vst v63  }
0x76: {  	s28 =	simm.s32 $0x300  }
0x77: {  	[spmem:s2] =	stream.indirect.scatter.add.f32 [tilespmem:s23], [sflag:$0x2], $0x10, s28, s22, $0xb8;
	[tilespmem:$0x5C00] =	vst v63  }
0x78: {  	s28 =	simm.s32 $0x380  }
0x79: {  	[spmem:s2] =	stream.indirect.scatter.add.f32 [tilespmem:s23], [sflag:$0x2], $0x10, s28, s22, $0xb8;
	[tilespmem:$0x5C00] =	vst v63  }
0x7a: {  	_ =	swait.ge [sflag:s24], $0x800  }
0x7b: {  	[sflag:s24] =	ssyncset.done $0x0  }
0x7c: {  	[sflag:s24] =	ssyncadd.s32 $0xFFFFF800  }
0x7d: {  	_ =	swait.ge [sflag:s24], $0x800  }
0x7e: {  	[sflag:s24] =	ssyncset.done $0x0  }
0x7f: {  	[sflag:s24] =	ssyncadd.s32 $0xFFFFF800  }
0x80: {  	_ =	swait.ge [sflag:s24], $0x800  }
0x81: {  	[sflag:s24] =	ssyncset.done $0x0  }
0x82: {  	[sflag:s24] =	ssyncadd.s32 $0xFFFFF800  }
0x83: {  	_ =	swait.ge [sflag:s24], $0x800  }
0x84: {  	[sflag:s24] =	ssyncset.done $0x0  }
0x85: {  	[sflag:s24] =	ssyncadd.s32 $0xFFFFF800  }
0x86: {  	_ =	swait.ge [sflag:s24], $0x800  }
0x87: {  	[sflag:s24] =	ssyncset.done $0x0  }
0x88: {  	[sflag:s24] =	ssyncadd.s32 $0xFFFFF800  }
0x89: {  	_ =	swait.ge [sflag:s24], $0x800  }
0x8a: {  	[sflag:s24] =	ssyncset.done $0x0  }
0x8b: {  	[sflag:s24] =	ssyncadd.s32 $0xFFFFF800  }
0x8c: {  	_ =	swait.ge [sflag:s24], $0x800  }
0x8d: {  	[sflag:s24] =	ssyncset.done $0x0  }
0x8e: {  	[sflag:s24] =	ssyncadd.s32 $0xFFFFF800  }
0x8f: {  	_ =	swait.ge [sflag:s24], $0x800  }
0x90: {  	s30 =	simm.s32 $0x2000;
	s28 =	simm.s32 $0x1000;
	[sflag:s24] =	ssyncset.done $0x0  }
.LBB2_10:
0x91: {  	s31 =	sshra.s32 s28, $0x2  }
0x92: {  	[sflag:s24] =	ssyncadd.s32 $0xFFFFF800;
	s28 =	smov.u32 s30;
	s29 =	sadd.s32 $0x1000, s30  }
0x93: {  	[spmem:s2] =	stream.indirect.scatter.add.f32 [tilespmem:s23], [sflag:$0x2], $0x10, s31, s22, $0xb8;
	[tilespmem:$0x5C00] =	vst v63  }
0x94: {  	p0 =	sne.s32 s30, $0x9000;
	s30 =	sadd.s32 $0x80, s31  }
0x95: {  	[spmem:s2] =	stream.indirect.scatter.add.f32 [tilespmem:s23], [sflag:$0x2], $0x10, s30, s22, $0xb8;
	[tilespmem:$0x5C00] =	vst v63  }
0x96: {  	s30 =	sadd.s32 $0x100, s31  }
0x97: {  	[spmem:s2] =	stream.indirect.scatter.add.f32 [tilespmem:s23], [sflag:$0x2], $0x10, s30, s22, $0xb8;
	[tilespmem:$0x5C00] =	vst v63  }
0x98: {  	s30 =	sadd.s32 $0x180, s31  }
0x99: {  	[spmem:s2] =	stream.indirect.scatter.add.f32 [tilespmem:s23], [sflag:$0x2], $0x10, s30, s22, $0xb8;
	[tilespmem:$0x5C00] =	vst v63  }
0x9a: {  	s30 =	sadd.s32 $0x200, s31  }
0x9b: {  	[spmem:s2] =	stream.indirect.scatter.add.f32 [tilespmem:s23], [sflag:$0x2], $0x10, s30, s22, $0xb8;
	[tilespmem:$0x5C00] =	vst v63  }
0x9c: {  	s30 =	sadd.s32 $0x280, s31  }
0x9d: {  	[spmem:s2] =	stream.indirect.scatter.add.f32 [tilespmem:s23], [sflag:$0x2], $0x10, s30, s22, $0xb8;
	[tilespmem:$0x5C00] =	vst v63  }
0x9e: {  	s30 =	sadd.s32 $0x300, s31  }
0x9f: {  	[spmem:s2] =	stream.indirect.scatter.add.f32 [tilespmem:s23], [sflag:$0x2], $0x10, s30, s22, $0xb8;
	[tilespmem:$0x5C00] =	vst v63  }
0xa0: {  	s30 =	sadd.s32 $0x380, s31  }
0xa1: {  	[spmem:s2] =	stream.indirect.scatter.add.f32 [tilespmem:s23], [sflag:$0x2], $0x10, s30, s22, $0xb8;
	[tilespmem:$0x5C00] =	vst v63  }
0xa2: {  	_ =	swait.ge [sflag:s24], $0x800  }
0xa3: {  	[sflag:s24] =	ssyncset.done $0x0  }
0xa4: {  	[sflag:s24] =	ssyncadd.s32 $0xFFFFF800  }
0xa5: {  	_ =	swait.ge [sflag:s24], $0x800  }
0xa6: {  	[sflag:s24] =	ssyncset.done $0x0  }
0xa7: {  	[sflag:s24] =	ssyncadd.s32 $0xFFFFF800  }
0xa8: {  	_ =	swait.ge [sflag:s24], $0x800  }
0xa9: {  	[sflag:s24] =	ssyncset.done $0x0  }
0xaa: {  	[sflag:s24] =	ssyncadd.s32 $0xFFFFF800  }
0xab: {  	_ =	swait.ge [sflag:s24], $0x800  }
0xac: {  	[sflag:s24] =	ssyncset.done $0x0  }
0xad: {  	[sflag:s24] =	ssyncadd.s32 $0xFFFFF800  }
0xae: {  	_ =	swait.ge [sflag:s24], $0x800  }
0xaf: {  	[sflag:s24] =	ssyncset.done $0x0  }
0xb0: {  	[sflag:s24] =	ssyncadd.s32 $0xFFFFF800  }
0xb1: {  	_ =	swait.ge [sflag:s24], $0x800  }
0xb2: {  	[sflag:s24] =	ssyncset.done $0x0  }
0xb3: {  	[sflag:s24] =	ssyncadd.s32 $0xFFFFF800  }
.Ltmp4:
0xb4: {  	_ =	swait.ge [sflag:s24], $0x800;
	(pc) =	sbr.rel @p0 .LBB2_10-.Ltmp4, $4  }
0xb5: {  	[sflag:s24] =	ssyncset.done $0x0  }
0xb6: {  	[sflag:s24] =	ssyncadd.s32 $0xFFFFF800  }
0xb7: {  	_ =	swait.ge [sflag:s24], $0x800  }
0xb8: {  	s30 =	smov.u32 s29;
	[sflag:s24] =	ssyncset.done $0x0  }
0xb9: {  	s28 =	sshra.s32 s28, $0x2;
	[sflag:s24] =	ssyncadd.s32 $0xFFFFF800  }
0xba: {  	[spmem:s2] =	stream.indirect.scatter.add.f32 [tilespmem:s23], [sflag:$0x2], $0x10, s28, s22, $0xb8;
	[tilespmem:$0x5C00] =	vst v63  }
0xbb: {  	s29 =	sadd.s32 $0x80, s28  }
0xbc: {  	[spmem:s2] =	stream.indirect.scatter.add.f32 [tilespmem:s23], [sflag:$0x2], $0x10, s29, s22, $0xb8;
	[tilespmem:$0x5C00] =	vst v63  }
0xbd: {  	s30 =	sadd.s32 $0x100, s28  }
0xbe: {  	[spmem:s2] =	stream.indirect.scatter.add.f32 [tilespmem:s23], [sflag:$0x2], $0x10, s30, s22, $0xb8;
	[tilespmem:$0x5C00] =	vst v63  }
0xbf: {  	s31 =	sadd.s32 $0x180, s28  }
0xc0: {  	[spmem:s2] =	stream.indirect.scatter.add.f32 [tilespmem:s23], [sflag:$0x2], $0x10, s31, s22, $0xb8;
	[tilespmem:$0x5C00] =	vst v63  }
0xc1: {  	s30 =	sadd.s32 $0x200, s28  }
0xc2: {  	[spmem:s2] =	stream.indirect.scatter.add.f32 [tilespmem:s23], [sflag:$0x2], $0x10, s30, s22, $0xb8;
	[tilespmem:$0x5C00] =	vst v63  }
0xc3: {  	s31 =	sadd.s32 $0x280, s28  }
0xc4: {  	[spmem:s2] =	stream.indirect.scatter.add.f32 [tilespmem:s23], [sflag:$0x2], $0x10, s31, s22, $0xb8;
	[tilespmem:$0x5C00] =	vst v63  }
0xc5: {  	s30 =	sadd.s32 $0x300, s28  }
0xc6: {  	[spmem:s2] =	stream.indirect.scatter.add.f32 [tilespmem:s23], [sflag:$0x2], $0x10, s30, s22, $0xb8;
	[tilespmem:$0x5C00] =	vst v63  }
0xc7: {  	s28 =	sadd.s32 $0x380, s28  }
0xc8: {  	[spmem:s2] =	stream.indirect.scatter.add.f32 [tilespmem:s23], [sflag:$0x2], $0x10, s28, s22, $0xb8;
	[tilespmem:$0x5C00] =	vst v63  }
0xc9: {  	_ =	swait.ge [sflag:s24], $0x800  }
0xca: {  	[sflag:s24] =	ssyncset.done $0x0  }
0xcb: {  	[sflag:s24] =	ssyncadd.s32 $0xFFFFF800  }
0xcc: {  	_ =	swait.ge [sflag:s24], $0x800  }
0xcd: {  	[sflag:s24] =	ssyncset.done $0x0  }
0xce: {  	[sflag:s24] =	ssyncadd.s32 $0xFFFFF800  }
0xcf: {  	_ =	swait.ge [sflag:s24], $0x800  }
0xd0: {  	[sflag:s24] =	ssyncset.done $0x0  }
0xd1: {  	[sflag:s24] =	ssyncadd.s32 $0xFFFFF800  }
0xd2: {  	_ =	swait.ge [sflag:s24], $0x800  }
0xd3: {  	[sflag:s24] =	ssyncset.done $0x0  }
0xd4: {  	[sflag:s24] =	ssyncadd.s32 $0xFFFFF800  }
0xd5: {  	_ =	swait.ge [sflag:s24], $0x800  }
0xd6: {  	[sflag:s24] =	ssyncset.done $0x0  }
0xd7: {  	[sflag:s24] =	ssyncadd.s32 $0xFFFFF800  }
0xd8: {  	_ =	swait.ge [sflag:s24], $0x800  }
0xd9: {  	[sflag:s24] =	ssyncset.done $0x0  }
0xda: {  	[sflag:s24] =	ssyncadd.s32 $0xFFFFF800  }
0xdb: {  	_ =	swait.ge [sflag:s24], $0x800  }
0xdc: {  	[sflag:s24] =	ssyncset.done $0x0  }
0xdd: {  	[sflag:s24] =	ssyncadd.s32 $0xFFFFF800  }
0xde: {  	_ =	swait.ge [sflag:s24], $0x800  }
0xdf: {  	s26 =	sadd.s32 $0x1, s26;
	[sflag:s24] =	ssyncset.done $0x0  }
0xe0: {  	p0 =	sne.s32 s26, s7;
	s31 =	sshll.u32 s1, $0x6;
	[sflag:s24] =	ssyncadd.s32 $0xFFFFF800  }
.Ltmp5:
0xe1: {  	s28 =	sor.u32 $0x1C03, s31;
	[bflag:$0x0] =	sbarrier.arrive $0xFFFF;
	(pc) =	sbr.rel @p0 .LBB2_1-.Ltmp5, $4  }
0xe2: {  	[hbm:s6], [sflag:s28] =	dma.local [spmem:s25], $0x500  }
0xe3: {  	_ =	swait.ge [sflag:s19], $0x500  }
0xe4: {  	[sflag:s19] =	ssyncset.done $0x0  }
0xe5: {  	[sflag:s19] =	ssyncadd.s32 $0xFFFFFB00  }
0xe6: {  	_ =	sfence.sel $0x180000  }
0xe7: {  	[bflag:$0x0] =	sbarrier.arrive $0xFFFF  }
0xe8: {  	p0 =	sne.s32 s1, $0x0;
	_ =	strace $0x90000047  }
0xe9: {  	s0 =	sadd.s32 @!p0 $0x100000, s0;
	[bflag:$0x2] =	sbarrier.arrive $0xFFFF  }
0xea: {  	[sflag:s0] =	ssyncadd.tile.s32 @!p0 $0x1;
	_ =	shalt  }
.Lfunc_end2:
_tile_overlayer_lowered:
.L_overlay_start_2:
0xeb: {  	(tag) =	ssettag $0x2  }
0xec: {  	s0 =	rddreg [dreg:$0x0];
	s2 =	stileid.u32  }
0xed: {  	s1 =	rddreg [dreg:$0x1];
	p0 =	sne.s32 s2, $0x0  }
0xee: {  	s3 =	rddreg [dreg:$0x2];
	[bflag:$0x3] =	sbarrier.arrive $0xFFFF;
	s2 =	simm.s32 @!p0 $0x1C03  }
0xef: {  	[timem:s3], [sflag:s2] =	dma.local @!p0 [hbm:s0], s1  }
0xf0: {  	s0 =	simm.s32 @!p0 $0x3  }
0xf1: {  	_ =	swait.ge @!p0 [sflag:s0], s1  }
0xf2: {  	s1 =	ssub.s32 @!p0 $0x0, s1;
	[sflag:s0] =	ssyncset.done @!p0 $0x0  }
0xf3: {  	[sflag:s0] =	ssyncadd.s32 @!p0 s1  }
0xf4: {  	[bflag:$0x3] =	sbarrier.arrive $0xFFFF  }
0xf5: {  	_ =	shalt  }

</sc_bundles>
